<compile_context>
chip_gen: v7x
topology: tpu7x:2x2x1
jax: 0.10.2.dev20260603
libtpu: 0.0.44.dev20260713+nightly
codegen_flags: <defaults>
</compile_context>

<pallas_src>
import functools

import jax
import jax.numpy as jnp
from jax import lax
from jax.experimental import pallas as pl
from jax.experimental.pallas import tpu as pltpu
from jax.experimental.pallas import tpu_sc as plsc

K = 2
BT = 1024
NEG = -3e38
DIMS_T = (((0,), (0,)), ((), ()))
DIMS_TT = (((0,), (1,)), ((), ()))


def _moe_body(xt_ref, wgt_ref, w1_ref, b1_ref, g1_ref, be1_ref, w2_ref,
              b2_ref, logits_ref, o_ref, w1bf_ref):
    i = pl.program_id(0)
    num_e = w1_ref.shape[0]

    @pl.when(i == 0)
    def _():
        w1bf_ref[...] = w1_ref[...].astype(jnp.bfloat16)

    xt = xt_ref[...]
    xh = xt.astype(jnp.bfloat16)
    xl = (xt - xh.astype(jnp.float32)).astype(jnp.bfloat16)

    wg = wgt_ref[...]
    wh = wg.astype(jnp.bfloat16)
    wl = (wg - wh.astype(jnp.float32)).astype(jnp.bfloat16)
    acc = lax.dot_general(xh, wh, DIMS_TT, preferred_element_type=jnp.float32)
    acc = acc + lax.dot_general(xl, wh, DIMS_TT,
                                preferred_element_type=jnp.float32)
    acc = acc + lax.dot_general(xh, wl, DIMS_TT,
                                preferred_element_type=jnp.float32)
    logits_ref[...] = acc

    cols = []
    for e in range(num_e):
        h = lax.dot_general(
            xh, w1bf_ref[e], DIMS_T,
            preferred_element_type=jnp.float32)
        h = h + b1_ref[e:e + 1, :]
        mu = jnp.mean(h, axis=1, keepdims=True)
        d = h - mu
        var = jnp.mean(d * d, axis=1, keepdims=True)
        hn = d * lax.rsqrt(var + 1e-5) * g1_ref[e:e + 1, :] + be1_ref[e:e + 1, :]
        hr = jnp.maximum(hn, 0.0)
        z = jnp.sum(hr * w2_ref[e:e + 1, :], axis=1, keepdims=True)
        cols.append(jax.nn.sigmoid(z + b2_ref[0:1, e:e + 1]))
    o_ref[...] = jnp.concatenate(cols, axis=1)


def _combine_body(gt_ref, o_ref, y_ref):
    ot = jnp.transpose(o_ref[...])
    y_ref[...] = jnp.sum(gt_ref[...] * ot, axis=0, keepdims=True)


def _make_gate_sc(bsz, num_e):
    info = plsc.get_sparse_core_info()
    nc, ns, nl = info.num_cores, info.num_subcores, info.num_lanes
    nw = nc * ns
    chunk = bsz // nw
    mesh = plsc.VectorSubcoreMesh(core_axis_name="c", subcore_axis_name="s")

    @functools.partial(
        pl.kernel, mesh=mesh,
        out_type=jax.ShapeDtypeStruct((num_e * bsz,), jnp.float32),
        scratch_types=[pltpu.VMEM((num_e * chunk,), jnp.float32),
                       pltpu.VMEM((num_e * chunk,), jnp.float32)],
    )
    def gate_sc(logits_hbm, gates_hbm, lg_v, out_v):
        wid = lax.axis_index("s") * nc + lax.axis_index("c")
        base = wid * chunk
        for e in range(num_e):
            pltpu.sync_copy(logits_hbm.at[pl.ds(e * bsz + base, chunk)],
                            lg_v.at[pl.ds(e * chunk, chunk)])
        for g in range(chunk // nl):
            l = [lg_v[pl.ds(e * chunk + g * nl, nl)] for e in range(num_e)]
            m1 = l[0]
            for e in range(1, num_e):
                m1 = jnp.maximum(m1, l[e])
            idx1 = jnp.full((nl,), num_e - 1, jnp.int32)
            for e in range(num_e - 2, -1, -1):
                idx1 = jnp.where(l[e] == m1, e, idx1)
            lm = [jnp.where(idx1 == e, NEG, l[e]) for e in range(num_e)]
            m2 = lm[0]
            for e in range(1, num_e):
                m2 = jnp.maximum(m2, lm[e])
            idx2 = jnp.full((nl,), num_e - 1, jnp.int32)
            for e in range(num_e - 2, -1, -1):
                idx2 = jnp.where(lm[e] == m2, e, idx2)
            s = jnp.exp(l[0] - m1)
            for e in range(1, num_e):
                s = s + jnp.exp(l[e] - m1)
            p1 = 1.0 / s
            p2 = jnp.exp(m2 - m1) / s
            denom = p1 + p2 + 1e-6
            g1 = p1 / denom
            g2 = p2 / denom
            zero = jnp.zeros((nl,), jnp.float32)
            for e in range(num_e):
                ge = jnp.where(idx1 == e, g1, jnp.where(idx2 == e, g2, zero))
                out_v[pl.ds(e * chunk + g * nl, nl)] = ge
        for e in range(num_e):
            pltpu.sync_copy(out_v.at[pl.ds(e * chunk, chunk)],
                            gates_hbm.at[pl.ds(e * bsz + base, chunk)])

    return gate_sc


def kernel(x, w_gate, W1, b1, gamma1, beta1, W2, b2):
    bsz, d = x.shape
    num_e = w_gate.shape[1]
    hdim = W1.shape[2]
    grid = bsz // BT
    xt = x.T

    logits, o = pl.pallas_call(
        _moe_body,
        grid=(grid,),
        in_specs=[
            pl.BlockSpec((d, BT), lambda i: (0, i)),
            pl.BlockSpec((num_e, d), lambda i: (0, 0)),
            pl.BlockSpec((num_e, d, hdim), lambda i: (0, 0, 0)),
            pl.BlockSpec((num_e, hdim), lambda i: (0, 0)),
            pl.BlockSpec((num_e, hdim), lambda i: (0, 0)),
            pl.BlockSpec((num_e, hdim), lambda i: (0, 0)),
            pl.BlockSpec((num_e, hdim), lambda i: (0, 0)),
            pl.BlockSpec((1, num_e), lambda i: (0, 0)),
        ],
        out_specs=[
            pl.BlockSpec((BT, num_e), lambda i: (i, 0)),
            pl.BlockSpec((BT, num_e), lambda i: (i, 0)),
        ],
        out_shape=[
            jax.ShapeDtypeStruct((bsz, num_e), jnp.float32),
            jax.ShapeDtypeStruct((bsz, num_e), jnp.float32),
        ],
        scratch_shapes=[pltpu.VMEM((num_e, d, hdim), jnp.bfloat16)],
        compiler_params=pltpu.CompilerParams(
            dimension_semantics=("arbitrary",)),
    )(xt, w_gate.T, W1, b1, gamma1, beta1, W2[:, :, 0], b2.reshape(1, num_e))

    gates_t = _make_gate_sc(bsz, num_e)(
        logits.T.reshape(num_e * bsz)).reshape(num_e, bsz)

    y_row = pl.pallas_call(
        _combine_body,
        in_specs=[
            pl.BlockSpec((num_e, bsz), lambda: (0, 0)),
            pl.BlockSpec((bsz, num_e), lambda: (0, 0)),
        ],
        out_specs=pl.BlockSpec((1, bsz), lambda: (0, 0)),
        out_shape=jax.ShapeDtypeStruct((1, bsz), jnp.float32),
    )(gates_t, o)

    return y_row.reshape(bsz, 1)

# --- scband reference (transcript-rebuilt; emitter-appended) ---
"""Pipeline reference for scband-mo-e-regression-33148557590596 (READ-ONLY COPY).

The authoritative reference and input builder live on the scoring server;
editing this copy changes nothing except your own understanding.
"""

import jax, jax.numpy as jnp
import numpy as np

B = 4096   # tokens (batch 2 * seq 2048)
D = 1200   # input_size = 4 transformer kinds * 300
E = 8      # num_experts
K = 2      # top-k
H = 256    # hidden_size


def setup_inputs(seed: int = 0) -> dict:
    key = jax.random.key(seed)
    ks = jax.random.split(key, 6)
    x = jax.random.normal(ks[0], (B, D), dtype=jnp.float32)
    w_gate = jax.random.normal(ks[1], (D, E), dtype=jnp.float32) * 0.05
    W1 = jax.random.normal(ks[2], (E, D, H), dtype=jnp.float32) * (1.0 / np.sqrt(D))
    b1 = jnp.zeros((E, H), dtype=jnp.float32)
    gamma1 = jnp.ones((E, H), dtype=jnp.float32)
    beta1 = jnp.zeros((E, H), dtype=jnp.float32)
    W2 = jax.random.normal(ks[3], (E, H, 1), dtype=jnp.float32) * (1.0 / np.sqrt(H))
    b2 = jnp.zeros((E, 1), dtype=jnp.float32)
    return {"x": x, "w_gate": w_gate, "W1": W1, "b1": b1,
            "gamma1": gamma1, "beta1": beta1, "W2": W2, "b2": b2}


def reference(x, w_gate, W1, b1, gamma1, beta1, W2, b2):
    # noisy_top_k_gating in eval mode (train=False): clean logits only, no noise
    logits = jax.nn.softmax(x @ w_gate, axis=1)
    top_vals, top_idx = jax.lax.top_k(logits, K)
    top_k_gates = top_vals / (jnp.sum(top_vals, axis=1, keepdims=True) + 1e-6)
    rows = jnp.arange(x.shape[0])[:, None]
    gates = jnp.zeros((x.shape[0], E), dtype=x.dtype).at[rows, top_idx].set(top_k_gates)

    # Expert MLPs: fc1 -> LayerNorm -> ReLU -> (dropout off in eval) -> fc2 -> sigmoid.
    # Dense formulation is mathematically identical to SparseDispatcher dispatch/combine
    # because gates are exactly zero for non-selected experts.
    h = jnp.einsum('bd,edh->ebh', x, W1) + b1[:, None, :]
    mu = jnp.mean(h, axis=-1, keepdims=True)
    var = jnp.var(h, axis=-1, keepdims=True)
    h = (h - mu) / jnp.sqrt(var + 1e-5) * gamma1[:, None, :] + beta1[:, None, :]
    h = jax.nn.relu(h)
    o = jax.nn.sigmoid(jnp.einsum('ebh,eho->ebo', h, W2) + b2[:, None, :])
    y = jnp.einsum('be,ebo->bo', gates, o)
    return y

if __name__ == "__main__":
    import jax
    _d = setup_inputs()
    print(jax.jit(kernel)(*tuple(_d.values())))

</pallas_src>

<mosaic_0001>
#map = affine_map<(d0, d1) -> (0)>
module attributes {stable_mosaic.version = 14 : i64} {
  func.func @gate_sc(%arg0: i32, %arg1: i32, %arg2: memref<32768xf32, #tpu.memory_space<hbm>>, %arg3: memref<32768xf32, #tpu.memory_space<hbm>>, %arg4: memref<1024xf32, #tpu.memory_space<vmem>>, %arg5: memref<1024xf32, #tpu.memory_space<vmem>>) attributes {dimension_semantics = [#tpu.dimension_semantics<core_parallel>, #tpu.dimension_semantics<subcore_parallel>], iteration_bounds = array<i64: 2, 16>, scalar_prefetch = 0 : i64, scratch_operands = 2 : i64, tpu.core_type = #tpu.core_type<sc_vector_subcore>, window_params = [{transform_indices = #map}, {transform_indices = #map}]} {
    %mul3A = arith.constant 2 : i32
    %mul3A_0 = arith.muli %arg1, %mul3A : i32
    %add3A = arith.addi %mul3A_0, %arg0 : i32
    %mul3A_1 = arith.constant 128 : i32
    %mul3A_2 = arith.muli %add3A, %mul3A_1 : i32
    %add3A_3 = arith.constant 0 : i32
    %add3A_4 = arith.addi %add3A_3, %mul3A_2 : i32
    "tpu.region"() ({
      %run_scoped3A = tpu.sem_alloc : memref<!tpu.dma_semaphore, #tpu.memory_space<semaphore_mem>>
      %dma_start3A = arith.constant 0 : i32
      %dma_start3A_2257 = tpu.memref_slice %arg4[%dma_start3A] : memref<1024xf32, #tpu.memory_space<vmem>> -> memref<128xf32, #tpu.memory_space<vmem>>
      %dma_start3A_2258 = tpu.memref_slice %arg2[%add3A_4] : memref<32768xf32, #tpu.memory_space<hbm>> -> memref<128xf32, #tpu.memory_space<hbm>>
      %dma_start3A_2259 = arith.constant 0 : i32
      %dma_start3A_2260 = tpu.memref_slice %arg4[%dma_start3A_2259] : memref<1024xf32, #tpu.memory_space<vmem>> -> memref<128xf32, #tpu.memory_space<vmem>>
      %dma_start3A_2261 = tpu.memref_slice %arg2[%add3A_4] : memref<32768xf32, #tpu.memory_space<hbm>> -> memref<128xf32, #tpu.memory_space<hbm>>
      tpu.enqueue_dma source(%dma_start3A_2261 : memref<128xf32, #tpu.memory_space<hbm>>) target(%dma_start3A_2260 : memref<128xf32, #tpu.memory_space<vmem>>) target_semaphore(%run_scoped3A : memref<!tpu.dma_semaphore, #tpu.memory_space<semaphore_mem>>)
      %dma_wait3A = arith.constant 0 : i32
      %dma_wait3A_2262 = tpu.memref_slice %arg4[%dma_wait3A] : memref<1024xf32, #tpu.memory_space<vmem>> -> memref<128xf32, #tpu.memory_space<vmem>>
      %dma_wait3A_2263 = tpu.memref_slice %arg2[%add3A_4] : memref<32768xf32, #tpu.memory_space<hbm>> -> memref<128xf32, #tpu.memory_space<hbm>>
      %dma_wait3A_2264 = arith.constant 0 : i32
      %dma_wait3A_2265 = tpu.memref_slice %arg4[%dma_wait3A_2264] : memref<1024xf32, #tpu.memory_space<vmem>> -> memref<128xf32, #tpu.memory_space<vmem>>
      %dma_wait3A_2266 = tpu.memref_slice %arg2[%add3A_4] : memref<32768xf32, #tpu.memory_space<hbm>> -> memref<128xf32, #tpu.memory_space<hbm>>
      tpu.wait_dma2 semaphore(%run_scoped3A : memref<!tpu.dma_semaphore, #tpu.memory_space<semaphore_mem>>) src(%dma_wait3A_2266 : memref<128xf32, #tpu.memory_space<hbm>>) dst(%dma_wait3A_2265 : memref<128xf32, #tpu.memory_space<vmem>>)
      tpu.yield
    }) : () -> ()
    %add3A_5 = arith.constant 4096 : i32
    %add3A_6 = arith.addi %add3A_5, %mul3A_2 : i32
    "tpu.region"() ({
      %run_scoped3A = tpu.sem_alloc : memref<!tpu.dma_semaphore, #tpu.memory_space<semaphore_mem>>
      %dma_start3A = arith.constant 128 : i32
      %dma_start3A_2257 = tpu.memref_slice %arg4[%dma_start3A] : memref<1024xf32, #tpu.memory_space<vmem>> -> memref<128xf32, #tpu.memory_space<vmem>>
      %dma_start3A_2258 = tpu.memref_slice %arg2[%add3A_6] : memref<32768xf32, #tpu.memory_space<hbm>> -> memref<128xf32, #tpu.memory_space<hbm>>
      %dma_start3A_2259 = arith.constant 128 : i32
      %dma_start3A_2260 = tpu.memref_slice %arg4[%dma_start3A_2259] : memref<1024xf32, #tpu.memory_space<vmem>> -> memref<128xf32, #tpu.memory_space<vmem>>
      %dma_start3A_2261 = tpu.memref_slice %arg2[%add3A_6] : memref<32768xf32, #tpu.memory_space<hbm>> -> memref<128xf32, #tpu.memory_space<hbm>>
      tpu.enqueue_dma source(%dma_start3A_2261 : memref<128xf32, #tpu.memory_space<hbm>>) target(%dma_start3A_2260 : memref<128xf32, #tpu.memory_space<vmem>>) target_semaphore(%run_scoped3A : memref<!tpu.dma_semaphore, #tpu.memory_space<semaphore_mem>>)
      %dma_wait3A = arith.constant 128 : i32
      %dma_wait3A_2262 = tpu.memref_slice %arg4[%dma_wait3A] : memref<1024xf32, #tpu.memory_space<vmem>> -> memref<128xf32, #tpu.memory_space<vmem>>
      %dma_wait3A_2263 = tpu.memref_slice %arg2[%add3A_6] : memref<32768xf32, #tpu.memory_space<hbm>> -> memref<128xf32, #tpu.memory_space<hbm>>
      %dma_wait3A_2264 = arith.constant 128 : i32
      %dma_wait3A_2265 = tpu.memref_slice %arg4[%dma_wait3A_2264] : memref<1024xf32, #tpu.memory_space<vmem>> -> memref<128xf32, #tpu.memory_space<vmem>>
      %dma_wait3A_2266 = tpu.memref_slice %arg2[%add3A_6] : memref<32768xf32, #tpu.memory_space<hbm>> -> memref<128xf32, #tpu.memory_space<hbm>>
      tpu.wait_dma2 semaphore(%run_scoped3A : memref<!tpu.dma_semaphore, #tpu.memory_space<semaphore_mem>>) src(%dma_wait3A_2266 : memref<128xf32, #tpu.memory_space<hbm>>) dst(%dma_wait3A_2265 : memref<128xf32, #tpu.memory_space<vmem>>)
      tpu.yield
    }) : () -> ()
    %add3A_7 = arith.constant 8192 : i32
    %add3A_8 = arith.addi %add3A_7, %mul3A_2 : i32
    "tpu.region"() ({
      %run_scoped3A = tpu.sem_alloc : memref<!tpu.dma_semaphore, #tpu.memory_space<semaphore_mem>>
      %dma_start3A = arith.constant 256 : i32
      %dma_start3A_2257 = tpu.memref_slice %arg4[%dma_start3A] : memref<1024xf32, #tpu.memory_space<vmem>> -> memref<128xf32, #tpu.memory_space<vmem>>
      %dma_start3A_2258 = tpu.memref_slice %arg2[%add3A_8] : memref<32768xf32, #tpu.memory_space<hbm>> -> memref<128xf32, #tpu.memory_space<hbm>>
      %dma_start3A_2259 = arith.constant 256 : i32
      %dma_start3A_2260 = tpu.memref_slice %arg4[%dma_start3A_2259] : memref<1024xf32, #tpu.memory_space<vmem>> -> memref<128xf32, #tpu.memory_space<vmem>>
      %dma_start3A_2261 = tpu.memref_slice %arg2[%add3A_8] : memref<32768xf32, #tpu.memory_space<hbm>> -> memref<128xf32, #tpu.memory_space<hbm>>
      tpu.enqueue_dma source(%dma_start3A_2261 : memref<128xf32, #tpu.memory_space<hbm>>) target(%dma_start3A_2260 : memref<128xf32, #tpu.memory_space<vmem>>) target_semaphore(%run_scoped3A : memref<!tpu.dma_semaphore, #tpu.memory_space<semaphore_mem>>)
      %dma_wait3A = arith.constant 256 : i32
      %dma_wait3A_2262 = tpu.memref_slice %arg4[%dma_wait3A] : memref<1024xf32, #tpu.memory_space<vmem>> -> memref<128xf32, #tpu.memory_space<vmem>>
      %dma_wait3A_2263 = tpu.memref_slice %arg2[%add3A_8] : memref<32768xf32, #tpu.memory_space<hbm>> -> memref<128xf32, #tpu.memory_space<hbm>>
      %dma_wait3A_2264 = arith.constant 256 : i32
      %dma_wait3A_2265 = tpu.memref_slice %arg4[%dma_wait3A_2264] : memref<1024xf32, #tpu.memory_space<vmem>> -> memref<128xf32, #tpu.memory_space<vmem>>
      %dma_wait3A_2266 = tpu.memref_slice %arg2[%add3A_8] : memref<32768xf32, #tpu.memory_space<hbm>> -> memref<128xf32, #tpu.memory_space<hbm>>
      tpu.wait_dma2 semaphore(%run_scoped3A : memref<!tpu.dma_semaphore, #tpu.memory_space<semaphore_mem>>) src(%dma_wait3A_2266 : memref<128xf32, #tpu.memory_space<hbm>>) dst(%dma_wait3A_2265 : memref<128xf32, #tpu.memory_space<vmem>>)
      tpu.yield
    }) : () -> ()
    %add3A_9 = arith.constant 12288 : i32
    %add3A_10 = arith.addi %add3A_9, %mul3A_2 : i32
    "tpu.region"() ({
      %run_scoped3A = tpu.sem_alloc : memref<!tpu.dma_semaphore, #tpu.memory_space<semaphore_mem>>
      %dma_start3A = arith.constant 384 : i32
      %dma_start3A_2257 = tpu.memref_slice %arg4[%dma_start3A] : memref<1024xf32, #tpu.memory_space<vmem>> -> memref<128xf32, #tpu.memory_space<vmem>>
      %dma_start3A_2258 = tpu.memref_slice %arg2[%add3A_10] : memref<32768xf32, #tpu.memory_space<hbm>> -> memref<128xf32, #tpu.memory_space<hbm>>
      %dma_start3A_2259 = arith.constant 384 : i32
      %dma_start3A_2260 = tpu.memref_slice %arg4[%dma_start3A_2259] : memref<1024xf32, #tpu.memory_space<vmem>> -> memref<128xf32, #tpu.memory_space<vmem>>
      %dma_start3A_2261 = tpu.memref_slice %arg2[%add3A_10] : memref<32768xf32, #tpu.memory_space<hbm>> -> memref<128xf32, #tpu.memory_space<hbm>>
      tpu.enqueue_dma source(%dma_start3A_2261 : memref<128xf32, #tpu.memory_space<hbm>>) target(%dma_start3A_2260 : memref<128xf32, #tpu.memory_space<vmem>>) target_semaphore(%run_scoped3A : memref<!tpu.dma_semaphore, #tpu.memory_space<semaphore_mem>>)
      %dma_wait3A = arith.constant 384 : i32
      %dma_wait3A_2262 = tpu.memref_slice %arg4[%dma_wait3A] : memref<1024xf32, #tpu.memory_space<vmem>> -> memref<128xf32, #tpu.memory_space<vmem>>
      %dma_wait3A_2263 = tpu.memref_slice %arg2[%add3A_10] : memref<32768xf32, #tpu.memory_space<hbm>> -> memref<128xf32, #tpu.memory_space<hbm>>
      %dma_wait3A_2264 = arith.constant 384 : i32
      %dma_wait3A_2265 = tpu.memref_slice %arg4[%dma_wait3A_2264] : memref<1024xf32, #tpu.memory_space<vmem>> -> memref<128xf32, #tpu.memory_space<vmem>>
      %dma_wait3A_2266 = tpu.memref_slice %arg2[%add3A_10] : memref<32768xf32, #tpu.memory_space<hbm>> -> memref<128xf32, #tpu.memory_space<hbm>>
      tpu.wait_dma2 semaphore(%run_scoped3A : memref<!tpu.dma_semaphore, #tpu.memory_space<semaphore_mem>>) src(%dma_wait3A_2266 : memref<128xf32, #tpu.memory_space<hbm>>) dst(%dma_wait3A_2265 : memref<128xf32, #tpu.memory_space<vmem>>)
      tpu.yield
    }) : () -> ()
    %add3A_11 = arith.constant 16384 : i32
    %add3A_12 = arith.addi %add3A_11, %mul3A_2 : i32
    "tpu.region"() ({
      %run_scoped3A = tpu.sem_alloc : memref<!tpu.dma_semaphore, #tpu.memory_space<semaphore_mem>>
      %dma_start3A = arith.constant 512 : i32
      %dma_start3A_2257 = tpu.memref_slice %arg4[%dma_start3A] : memref<1024xf32, #tpu.memory_space<vmem>> -> memref<128xf32, #tpu.memory_space<vmem>>
      %dma_start3A_2258 = tpu.memref_slice %arg2[%add3A_12] : memref<32768xf32, #tpu.memory_space<hbm>> -> memref<128xf32, #tpu.memory_space<hbm>>
      %dma_start3A_2259 = arith.constant 512 : i32
      %dma_start3A_2260 = tpu.memref_slice %arg4[%dma_start3A_2259] : memref<1024xf32, #tpu.memory_space<vmem>> -> memref<128xf32, #tpu.memory_space<vmem>>
      %dma_start3A_2261 = tpu.memref_slice %arg2[%add3A_12] : memref<32768xf32, #tpu.memory_space<hbm>> -> memref<128xf32, #tpu.memory_space<hbm>>
      tpu.enqueue_dma source(%dma_start3A_2261 : memref<128xf32, #tpu.memory_space<hbm>>) target(%dma_start3A_2260 : memref<128xf32, #tpu.memory_space<vmem>>) target_semaphore(%run_scoped3A : memref<!tpu.dma_semaphore, #tpu.memory_space<semaphore_mem>>)
      %dma_wait3A = arith.constant 512 : i32
      %dma_wait3A_2262 = tpu.memref_slice %arg4[%dma_wait3A] : memref<1024xf32, #tpu.memory_space<vmem>> -> memref<128xf32, #tpu.memory_space<vmem>>
      %dma_wait3A_2263 = tpu.memref_slice %arg2[%add3A_12] : memref<32768xf32, #tpu.memory_space<hbm>> -> memref<128xf32, #tpu.memory_space<hbm>>
      %dma_wait3A_2264 = arith.constant 512 : i32
      %dma_wait3A_2265 = tpu.memref_slice %arg4[%dma_wait3A_2264] : memref<1024xf32, #tpu.memory_space<vmem>> -> memref<128xf32, #tpu.memory_space<vmem>>
      %dma_wait3A_2266 = tpu.memref_slice %arg2[%add3A_12] : memref<32768xf32, #tpu.memory_space<hbm>> -> memref<128xf32, #tpu.memory_space<hbm>>
      tpu.wait_dma2 semaphore(%run_scoped3A : memref<!tpu.dma_semaphore, #tpu.memory_space<semaphore_mem>>) src(%dma_wait3A_2266 : memref<128xf32, #tpu.memory_space<hbm>>) dst(%dma_wait3A_2265 : memref<128xf32, #tpu.memory_space<vmem>>)
      tpu.yield
    }) : () -> ()
    %add3A_13 = arith.constant 20480 : i32
    %add3A_14 = arith.addi %add3A_13, %mul3A_2 : i32
    "tpu.region"() ({
      %run_scoped3A = tpu.sem_alloc : memref<!tpu.dma_semaphore, #tpu.memory_space<semaphore_mem>>
      %dma_start3A = arith.constant 640 : i32
      %dma_start3A_2257 = tpu.memref_slice %arg4[%dma_start3A] : memref<1024xf32, #tpu.memory_space<vmem>> -> memref<128xf32, #tpu.memory_space<vmem>>
      %dma_start3A_2258 = tpu.memref_slice %arg2[%add3A_14] : memref<32768xf32, #tpu.memory_space<hbm>> -> memref<128xf32, #tpu.memory_space<hbm>>
      %dma_start3A_2259 = arith.constant 640 : i32
      %dma_start3A_2260 = tpu.memref_slice %arg4[%dma_start3A_2259] : memref<1024xf32, #tpu.memory_space<vmem>> -> memref<128xf32, #tpu.memory_space<vmem>>
      %dma_start3A_2261 = tpu.memref_slice %arg2[%add3A_14] : memref<32768xf32, #tpu.memory_space<hbm>> -> memref<128xf32, #tpu.memory_space<hbm>>
      tpu.enqueue_dma source(%dma_start3A_2261 : memref<128xf32, #tpu.memory_space<hbm>>) target(%dma_start3A_2260 : memref<128xf32, #tpu.memory_space<vmem>>) target_semaphore(%run_scoped3A : memref<!tpu.dma_semaphore, #tpu.memory_space<semaphore_mem>>)
      %dma_wait3A = arith.constant 640 : i32
      %dma_wait3A_2262 = tpu.memref_slice %arg4[%dma_wait3A] : memref<1024xf32, #tpu.memory_space<vmem>> -> memref<128xf32, #tpu.memory_space<vmem>>
      %dma_wait3A_2263 = tpu.memref_slice %arg2[%add3A_14] : memref<32768xf32, #tpu.memory_space<hbm>> -> memref<128xf32, #tpu.memory_space<hbm>>
      %dma_wait3A_2264 = arith.constant 640 : i32
      %dma_wait3A_2265 = tpu.memref_slice %arg4[%dma_wait3A_2264] : memref<1024xf32, #tpu.memory_space<vmem>> -> memref<128xf32, #tpu.memory_space<vmem>>
      %dma_wait3A_2266 = tpu.memref_slice %arg2[%add3A_14] : memref<32768xf32, #tpu.memory_space<hbm>> -> memref<128xf32, #tpu.memory_space<hbm>>
      tpu.wait_dma2 semaphore(%run_scoped3A : memref<!tpu.dma_semaphore, #tpu.memory_space<semaphore_mem>>) src(%dma_wait3A_2266 : memref<128xf32, #tpu.memory_space<hbm>>) dst(%dma_wait3A_2265 : memref<128xf32, #tpu.memory_space<vmem>>)
      tpu.yield
    }) : () -> ()
    %add3A_15 = arith.constant 24576 : i32
    %add3A_16 = arith.addi %add3A_15, %mul3A_2 : i32
    "tpu.region"() ({
      %run_scoped3A = tpu.sem_alloc : memref<!tpu.dma_semaphore, #tpu.memory_space<semaphore_mem>>
      %dma_start3A = arith.constant 768 : i32
      %dma_start3A_2257 = tpu.memref_slice %arg4[%dma_start3A] : memref<1024xf32, #tpu.memory_space<vmem>> -> memref<128xf32, #tpu.memory_space<vmem>>
      %dma_start3A_2258 = tpu.memref_slice %arg2[%add3A_16] : memref<32768xf32, #tpu.memory_space<hbm>> -> memref<128xf32, #tpu.memory_space<hbm>>
      %dma_start3A_2259 = arith.constant 768 : i32
      %dma_start3A_2260 = tpu.memref_slice %arg4[%dma_start3A_2259] : memref<1024xf32, #tpu.memory_space<vmem>> -> memref<128xf32, #tpu.memory_space<vmem>>
      %dma_start3A_2261 = tpu.memref_slice %arg2[%add3A_16] : memref<32768xf32, #tpu.memory_space<hbm>> -> memref<128xf32, #tpu.memory_space<hbm>>
      tpu.enqueue_dma source(%dma_start3A_2261 : memref<128xf32, #tpu.memory_space<hbm>>) target(%dma_start3A_2260 : memref<128xf32, #tpu.memory_space<vmem>>) target_semaphore(%run_scoped3A : memref<!tpu.dma_semaphore, #tpu.memory_space<semaphore_mem>>)
      %dma_wait3A = arith.constant 768 : i32
      %dma_wait3A_2262 = tpu.memref_slice %arg4[%dma_wait3A] : memref<1024xf32, #tpu.memory_space<vmem>> -> memref<128xf32, #tpu.memory_space<vmem>>
      %dma_wait3A_2263 = tpu.memref_slice %arg2[%add3A_16] : memref<32768xf32, #tpu.memory_space<hbm>> -> memref<128xf32, #tpu.memory_space<hbm>>
      %dma_wait3A_2264 = arith.constant 768 : i32
      %dma_wait3A_2265 = tpu.memref_slice %arg4[%dma_wait3A_2264] : memref<1024xf32, #tpu.memory_space<vmem>> -> memref<128xf32, #tpu.memory_space<vmem>>
      %dma_wait3A_2266 = tpu.memref_slice %arg2[%add3A_16] : memref<32768xf32, #tpu.memory_space<hbm>> -> memref<128xf32, #tpu.memory_space<hbm>>
      tpu.wait_dma2 semaphore(%run_scoped3A : memref<!tpu.dma_semaphore, #tpu.memory_space<semaphore_mem>>) src(%dma_wait3A_2266 : memref<128xf32, #tpu.memory_space<hbm>>) dst(%dma_wait3A_2265 : memref<128xf32, #tpu.memory_space<vmem>>)
      tpu.yield
    }) : () -> ()
    %add3A_17 = arith.constant 28672 : i32
    %add3A_18 = arith.addi %add3A_17, %mul3A_2 : i32
    "tpu.region"() ({
      %run_scoped3A = tpu.sem_alloc : memref<!tpu.dma_semaphore, #tpu.memory_space<semaphore_mem>>
      %dma_start3A = arith.constant 896 : i32
      %dma_start3A_2257 = tpu.memref_slice %arg4[%dma_start3A] : memref<1024xf32, #tpu.memory_space<vmem>> -> memref<128xf32, #tpu.memory_space<vmem>>
      %dma_start3A_2258 = tpu.memref_slice %arg2[%add3A_18] : memref<32768xf32, #tpu.memory_space<hbm>> -> memref<128xf32, #tpu.memory_space<hbm>>
      %dma_start3A_2259 = arith.constant 896 : i32
      %dma_start3A_2260 = tpu.memref_slice %arg4[%dma_start3A_2259] : memref<1024xf32, #tpu.memory_space<vmem>> -> memref<128xf32, #tpu.memory_space<vmem>>
      %dma_start3A_2261 = tpu.memref_slice %arg2[%add3A_18] : memref<32768xf32, #tpu.memory_space<hbm>> -> memref<128xf32, #tpu.memory_space<hbm>>
      tpu.enqueue_dma source(%dma_start3A_2261 : memref<128xf32, #tpu.memory_space<hbm>>) target(%dma_start3A_2260 : memref<128xf32, #tpu.memory_space<vmem>>) target_semaphore(%run_scoped3A : memref<!tpu.dma_semaphore, #tpu.memory_space<semaphore_mem>>)
      %dma_wait3A = arith.constant 896 : i32
      %dma_wait3A_2262 = tpu.memref_slice %arg4[%dma_wait3A] : memref<1024xf32, #tpu.memory_space<vmem>> -> memref<128xf32, #tpu.memory_space<vmem>>
      %dma_wait3A_2263 = tpu.memref_slice %arg2[%add3A_18] : memref<32768xf32, #tpu.memory_space<hbm>> -> memref<128xf32, #tpu.memory_space<hbm>>
      %dma_wait3A_2264 = arith.constant 896 : i32
      %dma_wait3A_2265 = tpu.memref_slice %arg4[%dma_wait3A_2264] : memref<1024xf32, #tpu.memory_space<vmem>> -> memref<128xf32, #tpu.memory_space<vmem>>
      %dma_wait3A_2266 = tpu.memref_slice %arg2[%add3A_18] : memref<32768xf32, #tpu.memory_space<hbm>> -> memref<128xf32, #tpu.memory_space<hbm>>
      tpu.wait_dma2 semaphore(%run_scoped3A : memref<!tpu.dma_semaphore, #tpu.memory_space<semaphore_mem>>) src(%dma_wait3A_2266 : memref<128xf32, #tpu.memory_space<hbm>>) dst(%dma_wait3A_2265 : memref<128xf32, #tpu.memory_space<vmem>>)
      tpu.yield
    }) : () -> ()
    %get3A = arith.constant 0 : index
    %get3A_19 = tpu.vector_load %arg4[%get3A] {strides = array<i32>} : memref<1024xf32, #tpu.memory_space<vmem>>, vector<16xf32>,
    %get3A_20 = vector.shape_cast %get3A_19 : vector<16xf32> to vector<16xf32>
    %get3A_21 = arith.constant 128 : index
    %get3A_22 = tpu.vector_load %arg4[%get3A_21] {strides = array<i32>} : memref<1024xf32, #tpu.memory_space<vmem>>, vector<16xf32>,
    %get3A_23 = vector.shape_cast %get3A_22 : vector<16xf32> to vector<16xf32>
    %get3A_24 = arith.constant 256 : index
    %get3A_25 = tpu.vector_load %arg4[%get3A_24] {strides = array<i32>} : memref<1024xf32, #tpu.memory_space<vmem>>, vector<16xf32>,
    %get3A_26 = vector.shape_cast %get3A_25 : vector<16xf32> to vector<16xf32>
    %get3A_27 = arith.constant 384 : index
    %get3A_28 = tpu.vector_load %arg4[%get3A_27] {strides = array<i32>} : memref<1024xf32, #tpu.memory_space<vmem>>, vector<16xf32>,
    %get3A_29 = vector.shape_cast %get3A_28 : vector<16xf32> to vector<16xf32>
    %get3A_30 = arith.constant 512 : index
    %get3A_31 = tpu.vector_load %arg4[%get3A_30] {strides = array<i32>} : memref<1024xf32, #tpu.memory_space<vmem>>, vector<16xf32>,
    %get3A_32 = vector.shape_cast %get3A_31 : vector<16xf32> to vector<16xf32>
    %get3A_33 = arith.constant 640 : index
    %get3A_34 = tpu.vector_load %arg4[%get3A_33] {strides = array<i32>} : memref<1024xf32, #tpu.memory_space<vmem>>, vector<16xf32>,
    %get3A_35 = vector.shape_cast %get3A_34 : vector<16xf32> to vector<16xf32>
    %get3A_36 = arith.constant 768 : index
    %get3A_37 = tpu.vector_load %arg4[%get3A_36] {strides = array<i32>} : memref<1024xf32, #tpu.memory_space<vmem>>, vector<16xf32>,
    %get3A_38 = vector.shape_cast %get3A_37 : vector<16xf32> to vector<16xf32>
    %get3A_39 = arith.constant 896 : index
    %get3A_40 = tpu.vector_load %arg4[%get3A_39] {strides = array<i32>} : memref<1024xf32, #tpu.memory_space<vmem>>, vector<16xf32>,
    %get3A_41 = vector.shape_cast %get3A_40 : vector<16xf32> to vector<16xf32>
    %max3A = arith.maximumf %get3A_20, %get3A_23 : vector<16xf32>
    %max3A_42 = arith.maximumf %max3A, %get3A_26 : vector<16xf32>
    %max3A_43 = arith.maximumf %max3A_42, %get3A_29 : vector<16xf32>
    %max3A_44 = arith.maximumf %max3A_43, %get3A_32 : vector<16xf32>
    %max3A_45 = arith.maximumf %max3A_44, %get3A_35 : vector<16xf32>
    %max3A_46 = arith.maximumf %max3A_45, %get3A_38 : vector<16xf32>
    %max3A_47 = arith.maximumf %max3A_46, %get3A_41 : vector<16xf32>
    %broadcast_in_dim3A = arith.constant 7 : i32
    %broadcast_in_dim3A_48 = vector.broadcast %broadcast_in_dim3A : i32 to vector<16xi32>
    %eq3A = arith.cmpf oeq, %get3A_38, %max3A_47 : vector<16xf32>
    %jit3A = arith.constant 6 : i32
    %broadcast_in_dim3A_49 = vector.broadcast %jit3A : i32 to vector<16xi32>
    %select_n3A = arith.select %eq3A, %broadcast_in_dim3A_49, %broadcast_in_dim3A_48 : vector<16xi1>, vector<16xi32>
    %eq3A_50 = arith.cmpf oeq, %get3A_35, %max3A_47 : vector<16xf32>
    %jit3A_51 = arith.constant 5 : i32
    %broadcast_in_dim3A_52 = vector.broadcast %jit3A_51 : i32 to vector<16xi32>
    %select_n3A_53 = arith.select %eq3A_50, %broadcast_in_dim3A_52, %select_n3A : vector<16xi1>, vector<16xi32>
    %eq3A_54 = arith.cmpf oeq, %get3A_32, %max3A_47 : vector<16xf32>
    %jit3A_55 = arith.constant 4 : i32
    %broadcast_in_dim3A_56 = vector.broadcast %jit3A_55 : i32 to vector<16xi32>
    %select_n3A_57 = arith.select %eq3A_54, %broadcast_in_dim3A_56, %select_n3A_53 : vector<16xi1>, vector<16xi32>
    %eq3A_58 = arith.cmpf oeq, %get3A_29, %max3A_47 : vector<16xf32>
    %jit3A_59 = arith.constant 3 : i32
    %broadcast_in_dim3A_60 = vector.broadcast %jit3A_59 : i32 to vector<16xi32>
    %select_n3A_61 = arith.select %eq3A_58, %broadcast_in_dim3A_60, %select_n3A_57 : vector<16xi1>, vector<16xi32>
    %eq3A_62 = arith.cmpf oeq, %get3A_26, %max3A_47 : vector<16xf32>
    %jit3A_63 = arith.constant 2 : i32
    %broadcast_in_dim3A_64 = vector.broadcast %jit3A_63 : i32 to vector<16xi32>
    %select_n3A_65 = arith.select %eq3A_62, %broadcast_in_dim3A_64, %select_n3A_61 : vector<16xi1>, vector<16xi32>
    %eq3A_66 = arith.cmpf oeq, %get3A_23, %max3A_47 : vector<16xf32>
    %jit3A_67 = arith.constant 1 : i32
    %broadcast_in_dim3A_68 = vector.broadcast %jit3A_67 : i32 to vector<16xi32>
    %select_n3A_69 = arith.select %eq3A_66, %broadcast_in_dim3A_68, %select_n3A_65 : vector<16xi1>, vector<16xi32>
    %eq3A_70 = arith.cmpf oeq, %get3A_20, %max3A_47 : vector<16xf32>
    %jit3A_71 = arith.constant 0 : i32
    %broadcast_in_dim3A_72 = vector.broadcast %jit3A_71 : i32 to vector<16xi32>
    %select_n3A_73 = arith.select %eq3A_70, %broadcast_in_dim3A_72, %select_n3A_69 : vector<16xi1>, vector<16xi32>
    %eq3A_74 = arith.constant 0 : i32
    %eq3A_75 = vector.broadcast %eq3A_74 : i32 to vector<16xi32>
    %eq3A_76 = arith.cmpi eq, %select_n3A_73, %eq3A_75 : vector<16xi32>
    %jit3A_77 = arith.constant -3.000000e+38 : f32
    %broadcast_in_dim3A_78 = vector.broadcast %jit3A_77 : f32 to vector<16xf32>
    %select_n3A_79 = arith.select %eq3A_76, %broadcast_in_dim3A_78, %get3A_20 : vector<16xi1>, vector<16xf32>
    %eq3A_80 = arith.constant 1 : i32
    %eq3A_81 = vector.broadcast %eq3A_80 : i32 to vector<16xi32>
    %eq3A_82 = arith.cmpi eq, %select_n3A_73, %eq3A_81 : vector<16xi32>
    %jit3A_83 = arith.constant -3.000000e+38 : f32
    %broadcast_in_dim3A_84 = vector.broadcast %jit3A_83 : f32 to vector<16xf32>
    %select_n3A_85 = arith.select %eq3A_82, %broadcast_in_dim3A_84, %get3A_23 : vector<16xi1>, vector<16xf32>
    %eq3A_86 = arith.constant 2 : i32
    %eq3A_87 = vector.broadcast %eq3A_86 : i32 to vector<16xi32>
    %eq3A_88 = arith.cmpi eq, %select_n3A_73, %eq3A_87 : vector<16xi32>
    %jit3A_89 = arith.constant -3.000000e+38 : f32
    %broadcast_in_dim3A_90 = vector.broadcast %jit3A_89 : f32 to vector<16xf32>
    %select_n3A_91 = arith.select %eq3A_88, %broadcast_in_dim3A_90, %get3A_26 : vector<16xi1>, vector<16xf32>
    %eq3A_92 = arith.constant 3 : i32
    %eq3A_93 = vector.broadcast %eq3A_92 : i32 to vector<16xi32>
    %eq3A_94 = arith.cmpi eq, %select_n3A_73, %eq3A_93 : vector<16xi32>
    %jit3A_95 = arith.constant -3.000000e+38 : f32
    %broadcast_in_dim3A_96 = vector.broadcast %jit3A_95 : f32 to vector<16xf32>
    %select_n3A_97 = arith.select %eq3A_94, %broadcast_in_dim3A_96, %get3A_29 : vector<16xi1>, vector<16xf32>
    %eq3A_98 = arith.constant 4 : i32
    %eq3A_99 = vector.broadcast %eq3A_98 : i32 to vector<16xi32>
    %eq3A_100 = arith.cmpi eq, %select_n3A_73, %eq3A_99 : vector<16xi32>
    %jit3A_101 = arith.constant -3.000000e+38 : f32
    %broadcast_in_dim3A_102 = vector.broadcast %jit3A_101 : f32 to vector<16xf32>
    %select_n3A_103 = arith.select %eq3A_100, %broadcast_in_dim3A_102, %get3A_32 : vector<16xi1>, vector<16xf32>
    %eq3A_104 = arith.constant 5 : i32
    %eq3A_105 = vector.broadcast %eq3A_104 : i32 to vector<16xi32>
    %eq3A_106 = arith.cmpi eq, %select_n3A_73, %eq3A_105 : vector<16xi32>
    %jit3A_107 = arith.constant -3.000000e+38 : f32
    %broadcast_in_dim3A_108 = vector.broadcast %jit3A_107 : f32 to vector<16xf32>
    %select_n3A_109 = arith.select %eq3A_106, %broadcast_in_dim3A_108, %get3A_35 : vector<16xi1>, vector<16xf32>
    %eq3A_110 = arith.constant 6 : i32
    %eq3A_111 = vector.broadcast %eq3A_110 : i32 to vector<16xi32>
    %eq3A_112 = arith.cmpi eq, %select_n3A_73, %eq3A_111 : vector<16xi32>
    %jit3A_113 = arith.constant -3.000000e+38 : f32
    %broadcast_in_dim3A_114 = vector.broadcast %jit3A_113 : f32 to vector<16xf32>
    %select_n3A_115 = arith.select %eq3A_112, %broadcast_in_dim3A_114, %get3A_38 : vector<16xi1>, vector<16xf32>
    %eq3A_116 = arith.constant 7 : i32
    %eq3A_117 = vector.broadcast %eq3A_116 : i32 to vector<16xi32>
    %eq3A_118 = arith.cmpi eq, %select_n3A_73, %eq3A_117 : vector<16xi32>
    %jit3A_119 = arith.constant -3.000000e+38 : f32
    %broadcast_in_dim3A_120 = vector.broadcast %jit3A_119 : f32 to vector<16xf32>
    %select_n3A_121 = arith.select %eq3A_118, %broadcast_in_dim3A_120, %get3A_41 : vector<16xi1>, vector<16xf32>
    %max3A_122 = arith.maximumf %select_n3A_79, %select_n3A_85 : vector<16xf32>
    %max3A_123 = arith.maximumf %max3A_122, %select_n3A_91 : vector<16xf32>
    %max3A_124 = arith.maximumf %max3A_123, %select_n3A_97 : vector<16xf32>
    %max3A_125 = arith.maximumf %max3A_124, %select_n3A_103 : vector<16xf32>
    %max3A_126 = arith.maximumf %max3A_125, %select_n3A_109 : vector<16xf32>
    %max3A_127 = arith.maximumf %max3A_126, %select_n3A_115 : vector<16xf32>
    %max3A_128 = arith.maximumf %max3A_127, %select_n3A_121 : vector<16xf32>
    %broadcast_in_dim3A_129 = arith.constant 7 : i32
    %broadcast_in_dim3A_130 = vector.broadcast %broadcast_in_dim3A_129 : i32 to vector<16xi32>
    %eq3A_131 = arith.cmpf oeq, %select_n3A_115, %max3A_128 : vector<16xf32>
    %jit3A_132 = arith.constant 6 : i32
    %broadcast_in_dim3A_133 = vector.broadcast %jit3A_132 : i32 to vector<16xi32>
    %select_n3A_134 = arith.select %eq3A_131, %broadcast_in_dim3A_133, %broadcast_in_dim3A_130 : vector<16xi1>, vector<16xi32>
    %eq3A_135 = arith.cmpf oeq, %select_n3A_109, %max3A_128 : vector<16xf32>
    %jit3A_136 = arith.constant 5 : i32
    %broadcast_in_dim3A_137 = vector.broadcast %jit3A_136 : i32 to vector<16xi32>
    %select_n3A_138 = arith.select %eq3A_135, %broadcast_in_dim3A_137, %select_n3A_134 : vector<16xi1>, vector<16xi32>
    %eq3A_139 = arith.cmpf oeq, %select_n3A_103, %max3A_128 : vector<16xf32>
    %jit3A_140 = arith.constant 4 : i32
    %broadcast_in_dim3A_141 = vector.broadcast %jit3A_140 : i32 to vector<16xi32>
    %select_n3A_142 = arith.select %eq3A_139, %broadcast_in_dim3A_141, %select_n3A_138 : vector<16xi1>, vector<16xi32>
    %eq3A_143 = arith.cmpf oeq, %select_n3A_97, %max3A_128 : vector<16xf32>
    %jit3A_144 = arith.constant 3 : i32
    %broadcast_in_dim3A_145 = vector.broadcast %jit3A_144 : i32 to vector<16xi32>
    %select_n3A_146 = arith.select %eq3A_143, %broadcast_in_dim3A_145, %select_n3A_142 : vector<16xi1>, vector<16xi32>
    %eq3A_147 = arith.cmpf oeq, %select_n3A_91, %max3A_128 : vector<16xf32>
    %jit3A_148 = arith.constant 2 : i32
    %broadcast_in_dim3A_149 = vector.broadcast %jit3A_148 : i32 to vector<16xi32>
    %select_n3A_150 = arith.select %eq3A_147, %broadcast_in_dim3A_149, %select_n3A_146 : vector<16xi1>, vector<16xi32>
    %eq3A_151 = arith.cmpf oeq, %select_n3A_85, %max3A_128 : vector<16xf32>
    %jit3A_152 = arith.constant 1 : i32
    %broadcast_in_dim3A_153 = vector.broadcast %jit3A_152 : i32 to vector<16xi32>
    %select_n3A_154 = arith.select %eq3A_151, %broadcast_in_dim3A_153, %select_n3A_150 : vector<16xi1>, vector<16xi32>
    %eq3A_155 = arith.cmpf oeq, %select_n3A_79, %max3A_128 : vector<16xf32>
    %jit3A_156 = arith.constant 0 : i32
    %broadcast_in_dim3A_157 = vector.broadcast %jit3A_156 : i32 to vector<16xi32>
    %select_n3A_158 = arith.select %eq3A_155, %broadcast_in_dim3A_157, %select_n3A_154 : vector<16xi1>, vector<16xi32>
    %sub3A = arith.subf %get3A_20, %max3A_47 : vector<16xf32>
    %exp3A = math.exp %sub3A : vector<16xf32>
    %sub3A_159 = arith.subf %get3A_23, %max3A_47 : vector<16xf32>
    %exp3A_160 = math.exp %sub3A_159 : vector<16xf32>
    %add3A_161 = arith.addf %exp3A, %exp3A_160 : vector<16xf32>
    %sub3A_162 = arith.subf %get3A_26, %max3A_47 : vector<16xf32>
    %exp3A_163 = math.exp %sub3A_162 : vector<16xf32>
    %add3A_164 = arith.addf %add3A_161, %exp3A_163 : vector<16xf32>
    %sub3A_165 = arith.subf %get3A_29, %max3A_47 : vector<16xf32>
    %exp3A_166 = math.exp %sub3A_165 : vector<16xf32>
    %add3A_167 = arith.addf %add3A_164, %exp3A_166 : vector<16xf32>
    %sub3A_168 = arith.subf %get3A_32, %max3A_47 : vector<16xf32>
    %exp3A_169 = math.exp %sub3A_168 : vector<16xf32>
    %add3A_170 = arith.addf %add3A_167, %exp3A_169 : vector<16xf32>
    %sub3A_171 = arith.subf %get3A_35, %max3A_47 : vector<16xf32>
    %exp3A_172 = math.exp %sub3A_171 : vector<16xf32>
    %add3A_173 = arith.addf %add3A_170, %exp3A_172 : vector<16xf32>
    %sub3A_174 = arith.subf %get3A_38, %max3A_47 : vector<16xf32>
    %exp3A_175 = math.exp %sub3A_174 : vector<16xf32>
    %add3A_176 = arith.addf %add3A_173, %exp3A_175 : vector<16xf32>
    %sub3A_177 = arith.subf %get3A_41, %max3A_47 : vector<16xf32>
    %exp3A_178 = math.exp %sub3A_177 : vector<16xf32>
    %add3A_179 = arith.addf %add3A_176, %exp3A_178 : vector<16xf32>
    %div3A = arith.constant 1.000000e+00 : f32
    %div3A_180 = vector.broadcast %div3A : f32 to vector<16xf32>
    %div3A_181 = arith.divf %div3A_180, %add3A_179 : vector<16xf32>
    %sub3A_182 = arith.subf %max3A_128, %max3A_47 : vector<16xf32>
    %exp3A_183 = math.exp %sub3A_182 : vector<16xf32>
    %div3A_184 = arith.divf %exp3A_183, %add3A_179 : vector<16xf32>
    %add3A_185 = arith.addf %div3A_181, %div3A_184 : vector<16xf32>
    %add3A_186 = arith.constant 9.99999997E-7 : f32
    %add3A_187 = vector.broadcast %add3A_186 : f32 to vector<16xf32>
    %add3A_188 = arith.addf %add3A_185, %add3A_187 : vector<16xf32>
    %div3A_189 = arith.divf %div3A_181, %add3A_188 : vector<16xf32>
    %div3A_190 = arith.divf %div3A_184, %add3A_188 : vector<16xf32>
    %broadcast_in_dim3A_191 = arith.constant 0.000000e+00 : f32
    %broadcast_in_dim3A_192 = vector.broadcast %broadcast_in_dim3A_191 : f32 to vector<16xf32>
    %eq3A_193 = arith.constant 0 : i32
    %eq3A_194 = vector.broadcast %eq3A_193 : i32 to vector<16xi32>
    %eq3A_195 = arith.cmpi eq, %select_n3A_73, %eq3A_194 : vector<16xi32>
    %eq3A_196 = arith.constant 0 : i32
    %eq3A_197 = vector.broadcast %eq3A_196 : i32 to vector<16xi32>
    %eq3A_198 = arith.cmpi eq, %select_n3A_158, %eq3A_197 : vector<16xi32>
    %select_n3A_199 = arith.select %eq3A_198, %div3A_190, %broadcast_in_dim3A_192 : vector<16xi1>, vector<16xf32>
    %select_n3A_200 = arith.select %eq3A_195, %div3A_189, %select_n3A_199 : vector<16xi1>, vector<16xf32>
    %swap3A = arith.constant 0 : index
    %swap3A_201 = tpu.vector_load %arg5[%swap3A] {strides = array<i32>} : memref<1024xf32, #tpu.memory_space<vmem>>, vector<16xf32>,
    %swap3A_202 = vector.shape_cast %swap3A_201 : vector<16xf32> to vector<16xf32>
    %swap3A_203 = vector.shape_cast %select_n3A_200 : vector<16xf32> to vector<16xf32>
    tpu.vector_store %arg5[%swap3A], %swap3A_203 {strides = array<i32>} : memref<1024xf32, #tpu.memory_space<vmem>>, vector<16xf32>,
    %eq3A_204 = arith.constant 1 : i32
    %eq3A_205 = vector.broadcast %eq3A_204 : i32 to vector<16xi32>
    %eq3A_206 = arith.cmpi eq, %select_n3A_73, %eq3A_205 : vector<16xi32>
    %eq3A_207 = arith.constant 1 : i32
    %eq3A_208 = vector.broadcast %eq3A_207 : i32 to vector<16xi32>
    %eq3A_209 = arith.cmpi eq, %select_n3A_158, %eq3A_208 : vector<16xi32>
    %select_n3A_210 = arith.select %eq3A_209, %div3A_190, %broadcast_in_dim3A_192 : vector<16xi1>, vector<16xf32>
    %select_n3A_211 = arith.select %eq3A_206, %div3A_189, %select_n3A_210 : vector<16xi1>, vector<16xf32>
    %swap3A_212 = arith.constant 128 : index
    %swap3A_213 = tpu.vector_load %arg5[%swap3A_212] {strides = array<i32>} : memref<1024xf32, #tpu.memory_space<vmem>>, vector<16xf32>,
    %swap3A_214 = vector.shape_cast %swap3A_213 : vector<16xf32> to vector<16xf32>
    %swap3A_215 = vector.shape_cast %select_n3A_211 : vector<16xf32> to vector<16xf32>
    tpu.vector_store %arg5[%swap3A_212], %swap3A_215 {strides = array<i32>} : memref<1024xf32, #tpu.memory_space<vmem>>, vector<16xf32>,
    %eq3A_216 = arith.constant 2 : i32
    %eq3A_217 = vector.broadcast %eq3A_216 : i32 to vector<16xi32>
    %eq3A_218 = arith.cmpi eq, %select_n3A_73, %eq3A_217 : vector<16xi32>
    %eq3A_219 = arith.constant 2 : i32
    %eq3A_220 = vector.broadcast %eq3A_219 : i32 to vector<16xi32>
    %eq3A_221 = arith.cmpi eq, %select_n3A_158, %eq3A_220 : vector<16xi32>
    %select_n3A_222 = arith.select %eq3A_221, %div3A_190, %broadcast_in_dim3A_192 : vector<16xi1>, vector<16xf32>
    %select_n3A_223 = arith.select %eq3A_218, %div3A_189, %select_n3A_222 : vector<16xi1>, vector<16xf32>
    %swap3A_224 = arith.constant 256 : index
    %swap3A_225 = tpu.vector_load %arg5[%swap3A_224] {strides = array<i32>} : memref<1024xf32, #tpu.memory_space<vmem>>, vector<16xf32>,
    %swap3A_226 = vector.shape_cast %swap3A_225 : vector<16xf32> to vector<16xf32>
    %swap3A_227 = vector.shape_cast %select_n3A_223 : vector<16xf32> to vector<16xf32>
    tpu.vector_store %arg5[%swap3A_224], %swap3A_227 {strides = array<i32>} : memref<1024xf32, #tpu.memory_space<vmem>>, vector<16xf32>,
    %eq3A_228 = arith.constant 3 : i32
    %eq3A_229 = vector.broadcast %eq3A_228 : i32 to vector<16xi32>
    %eq3A_230 = arith.cmpi eq, %select_n3A_73, %eq3A_229 : vector<16xi32>
    %eq3A_231 = arith.constant 3 : i32
    %eq3A_232 = vector.broadcast %eq3A_231 : i32 to vector<16xi32>
    %eq3A_233 = arith.cmpi eq, %select_n3A_158, %eq3A_232 : vector<16xi32>
    %select_n3A_234 = arith.select %eq3A_233, %div3A_190, %broadcast_in_dim3A_192 : vector<16xi1>, vector<16xf32>
    %select_n3A_235 = arith.select %eq3A_230, %div3A_189, %select_n3A_234 : vector<16xi1>, vector<16xf32>
    %swap3A_236 = arith.constant 384 : index
    %swap3A_237 = tpu.vector_load %arg5[%swap3A_236] {strides = array<i32>} : memref<1024xf32, #tpu.memory_space<vmem>>, vector<16xf32>,
    %swap3A_238 = vector.shape_cast %swap3A_237 : vector<16xf32> to vector<16xf32>
    %swap3A_239 = vector.shape_cast %select_n3A_235 : vector<16xf32> to vector<16xf32>
    tpu.vector_store %arg5[%swap3A_236], %swap3A_239 {strides = array<i32>} : memref<1024xf32, #tpu.memory_space<vmem>>, vector<16xf32>,
    %eq3A_240 = arith.constant 4 : i32
    %eq3A_241 = vector.broadcast %eq3A_240 : i32 to vector<16xi32>
    %eq3A_242 = arith.cmpi eq, %select_n3A_73, %eq3A_241 : vector<16xi32>
    %eq3A_243 = arith.constant 4 : i32
    %eq3A_244 = vector.broadcast %eq3A_243 : i32 to vector<16xi32>
    %eq3A_245 = arith.cmpi eq, %select_n3A_158, %eq3A_244 : vector<16xi32>
    %select_n3A_246 = arith.select %eq3A_245, %div3A_190, %broadcast_in_dim3A_192 : vector<16xi1>, vector<16xf32>
    %select_n3A_247 = arith.select %eq3A_242, %div3A_189, %select_n3A_246 : vector<16xi1>, vector<16xf32>
    %swap3A_248 = arith.constant 512 : index
    %swap3A_249 = tpu.vector_load %arg5[%swap3A_248] {strides = array<i32>} : memref<1024xf32, #tpu.memory_space<vmem>>, vector<16xf32>,
    %swap3A_250 = vector.shape_cast %swap3A_249 : vector<16xf32> to vector<16xf32>
    %swap3A_251 = vector.shape_cast %select_n3A_247 : vector<16xf32> to vector<16xf32>
    tpu.vector_store %arg5[%swap3A_248], %swap3A_251 {strides = array<i32>} : memref<1024xf32, #tpu.memory_space<vmem>>, vector<16xf32>,
    %eq3A_252 = arith.constant 5 : i32
    %eq3A_253 = vector.broadcast %eq3A_252 : i32 to vector<16xi32>
    %eq3A_254 = arith.cmpi eq, %select_n3A_73, %eq3A_253 : vector<16xi32>
    %eq3A_255 = arith.constant 5 : i32
    %eq3A_256 = vector.broadcast %eq3A_255 : i32 to vector<16xi32>
    %eq3A_257 = arith.cmpi eq, %select_n3A_158, %eq3A_256 : vector<16xi32>
    %select_n3A_258 = arith.select %eq3A_257, %div3A_190, %broadcast_in_dim3A_192 : vector<16xi1>, vector<16xf32>
    %select_n3A_259 = arith.select %eq3A_254, %div3A_189, %select_n3A_258 : vector<16xi1>, vector<16xf32>
    %swap3A_260 = arith.constant 640 : index
    %swap3A_261 = tpu.vector_load %arg5[%swap3A_260] {strides = array<i32>} : memref<1024xf32, #tpu.memory_space<vmem>>, vector<16xf32>,
    %swap3A_262 = vector.shape_cast %swap3A_261 : vector<16xf32> to vector<16xf32>
    %swap3A_263 = vector.shape_cast %select_n3A_259 : vector<16xf32> to vector<16xf32>
    tpu.vector_store %arg5[%swap3A_260], %swap3A_263 {strides = array<i32>} : memref<1024xf32, #tpu.memory_space<vmem>>, vector<16xf32>,
    %eq3A_264 = arith.constant 6 : i32
    %eq3A_265 = vector.broadcast %eq3A_264 : i32 to vector<16xi32>
    %eq3A_266 = arith.cmpi eq, %select_n3A_73, %eq3A_265 : vector<16xi32>
    %eq3A_267 = arith.constant 6 : i32
    %eq3A_268 = vector.broadcast %eq3A_267 : i32 to vector<16xi32>
    %eq3A_269 = arith.cmpi eq, %select_n3A_158, %eq3A_268 : vector<16xi32>
    %select_n3A_270 = arith.select %eq3A_269, %div3A_190, %broadcast_in_dim3A_192 : vector<16xi1>, vector<16xf32>
    %select_n3A_271 = arith.select %eq3A_266, %div3A_189, %select_n3A_270 : vector<16xi1>, vector<16xf32>
    %swap3A_272 = arith.constant 768 : index
    %swap3A_273 = tpu.vector_load %arg5[%swap3A_272] {strides = array<i32>} : memref<1024xf32, #tpu.memory_space<vmem>>, vector<16xf32>,
    %swap3A_274 = vector.shape_cast %swap3A_273 : vector<16xf32> to vector<16xf32>
    %swap3A_275 = vector.shape_cast %select_n3A_271 : vector<16xf32> to vector<16xf32>
    tpu.vector_store %arg5[%swap3A_272], %swap3A_275 {strides = array<i32>} : memref<1024xf32, #tpu.memory_space<vmem>>, vector<16xf32>,
    %eq3A_276 = arith.constant 7 : i32
    %eq3A_277 = vector.broadcast %eq3A_276 : i32 to vector<16xi32>
    %eq3A_278 = arith.cmpi eq, %select_n3A_73, %eq3A_277 : vector<16xi32>
    %eq3A_279 = arith.constant 7 : i32
    %eq3A_280 = vector.broadcast %eq3A_279 : i32 to vector<16xi32>
    %eq3A_281 = arith.cmpi eq, %select_n3A_158, %eq3A_280 : vector<16xi32>
    %select_n3A_282 = arith.select %eq3A_281, %div3A_190, %broadcast_in_dim3A_192 : vector<16xi1>, vector<16xf32>
    %select_n3A_283 = arith.select %eq3A_278, %div3A_189, %select_n3A_282 : vector<16xi1>, vector<16xf32>
    %swap3A_284 = arith.constant 896 : index
    %swap3A_285 = tpu.vector_load %arg5[%swap3A_284] {strides = array<i32>} : memref<1024xf32, #tpu.memory_space<vmem>>, vector<16xf32>,
    %swap3A_286 = vector.shape_cast %swap3A_285 : vector<16xf32> to vector<16xf32>
    %swap3A_287 = vector.shape_cast %select_n3A_283 : vector<16xf32> to vector<16xf32>
    tpu.vector_store %arg5[%swap3A_284], %swap3A_287 {strides = array<i32>} : memref<1024xf32, #tpu.memory_space<vmem>>, vector<16xf32>,
    %get3A_288 = arith.constant 16 : index
    %get3A_289 = tpu.vector_load %arg4[%get3A_288] {strides = array<i32>} : memref<1024xf32, #tpu.memory_space<vmem>>, vector<16xf32>,
    %get3A_290 = vector.shape_cast %get3A_289 : vector<16xf32> to vector<16xf32>
    %get3A_291 = arith.constant 144 : index
    %get3A_292 = tpu.vector_load %arg4[%get3A_291] {strides = array<i32>} : memref<1024xf32, #tpu.memory_space<vmem>>, vector<16xf32>,
    %get3A_293 = vector.shape_cast %get3A_292 : vector<16xf32> to vector<16xf32>
    %get3A_294 = arith.constant 272 : index
    %get3A_295 = tpu.vector_load %arg4[%get3A_294] {strides = array<i32>} : memref<1024xf32, #tpu.memory_space<vmem>>, vector<16xf32>,
    %get3A_296 = vector.shape_cast %get3A_295 : vector<16xf32> to vector<16xf32>
    %get3A_297 = arith.constant 400 : index
    %get3A_298 = tpu.vector_load %arg4[%get3A_297] {strides = array<i32>} : memref<1024xf32, #tpu.memory_space<vmem>>, vector<16xf32>,
    %get3A_299 = vector.shape_cast %get3A_298 : vector<16xf32> to vector<16xf32>
    %get3A_300 = arith.constant 528 : index
    %get3A_301 = tpu.vector_load %arg4[%get3A_300] {strides = array<i32>} : memref<1024xf32, #tpu.memory_space<vmem>>, vector<16xf32>,
    %get3A_302 = vector.shape_cast %get3A_301 : vector<16xf32> to vector<16xf32>
    %get3A_303 = arith.constant 656 : index
    %get3A_304 = tpu.vector_load %arg4[%get3A_303] {strides = array<i32>} : memref<1024xf32, #tpu.memory_space<vmem>>, vector<16xf32>,
    %get3A_305 = vector.shape_cast %get3A_304 : vector<16xf32> to vector<16xf32>
    %get3A_306 = arith.constant 784 : index
    %get3A_307 = tpu.vector_load %arg4[%get3A_306] {strides = array<i32>} : memref<1024xf32, #tpu.memory_space<vmem>>, vector<16xf32>,
    %get3A_308 = vector.shape_cast %get3A_307 : vector<16xf32> to vector<16xf32>
    %get3A_309 = arith.constant 912 : index
    %get3A_310 = tpu.vector_load %arg4[%get3A_309] {strides = array<i32>} : memref<1024xf32, #tpu.memory_space<vmem>>, vector<16xf32>,
    %get3A_311 = vector.shape_cast %get3A_310 : vector<16xf32> to vector<16xf32>
    %max3A_312 = arith.maximumf %get3A_290, %get3A_293 : vector<16xf32>
    %max3A_313 = arith.maximumf %max3A_312, %get3A_296 : vector<16xf32>
    %max3A_314 = arith.maximumf %max3A_313, %get3A_299 : vector<16xf32>
    %max3A_315 = arith.maximumf %max3A_314, %get3A_302 : vector<16xf32>
    %max3A_316 = arith.maximumf %max3A_315, %get3A_305 : vector<16xf32>
    %max3A_317 = arith.maximumf %max3A_316, %get3A_308 : vector<16xf32>
    %max3A_318 = arith.maximumf %max3A_317, %get3A_311 : vector<16xf32>
    %broadcast_in_dim3A_319 = arith.constant 7 : i32
    %broadcast_in_dim3A_320 = vector.broadcast %broadcast_in_dim3A_319 : i32 to vector<16xi32>
    %eq3A_321 = arith.cmpf oeq, %get3A_308, %max3A_318 : vector<16xf32>
    %jit3A_322 = arith.constant 6 : i32
    %broadcast_in_dim3A_323 = vector.broadcast %jit3A_322 : i32 to vector<16xi32>
    %select_n3A_324 = arith.select %eq3A_321, %broadcast_in_dim3A_323, %broadcast_in_dim3A_320 : vector<16xi1>, vector<16xi32>
    %eq3A_325 = arith.cmpf oeq, %get3A_305, %max3A_318 : vector<16xf32>
    %jit3A_326 = arith.constant 5 : i32
    %broadcast_in_dim3A_327 = vector.broadcast %jit3A_326 : i32 to vector<16xi32>
    %select_n3A_328 = arith.select %eq3A_325, %broadcast_in_dim3A_327, %select_n3A_324 : vector<16xi1>, vector<16xi32>
    %eq3A_329 = arith.cmpf oeq, %get3A_302, %max3A_318 : vector<16xf32>
    %jit3A_330 = arith.constant 4 : i32
    %broadcast_in_dim3A_331 = vector.broadcast %jit3A_330 : i32 to vector<16xi32>
    %select_n3A_332 = arith.select %eq3A_329, %broadcast_in_dim3A_331, %select_n3A_328 : vector<16xi1>, vector<16xi32>
    %eq3A_333 = arith.cmpf oeq, %get3A_299, %max3A_318 : vector<16xf32>
    %jit3A_334 = arith.constant 3 : i32
    %broadcast_in_dim3A_335 = vector.broadcast %jit3A_334 : i32 to vector<16xi32>
    %select_n3A_336 = arith.select %eq3A_333, %broadcast_in_dim3A_335, %select_n3A_332 : vector<16xi1>, vector<16xi32>
    %eq3A_337 = arith.cmpf oeq, %get3A_296, %max3A_318 : vector<16xf32>
    %jit3A_338 = arith.constant 2 : i32
    %broadcast_in_dim3A_339 = vector.broadcast %jit3A_338 : i32 to vector<16xi32>
    %select_n3A_340 = arith.select %eq3A_337, %broadcast_in_dim3A_339, %select_n3A_336 : vector<16xi1>, vector<16xi32>
    %eq3A_341 = arith.cmpf oeq, %get3A_293, %max3A_318 : vector<16xf32>
    %jit3A_342 = arith.constant 1 : i32
    %broadcast_in_dim3A_343 = vector.broadcast %jit3A_342 : i32 to vector<16xi32>
    %select_n3A_344 = arith.select %eq3A_341, %broadcast_in_dim3A_343, %select_n3A_340 : vector<16xi1>, vector<16xi32>
    %eq3A_345 = arith.cmpf oeq, %get3A_290, %max3A_318 : vector<16xf32>
    %jit3A_346 = arith.constant 0 : i32
    %broadcast_in_dim3A_347 = vector.broadcast %jit3A_346 : i32 to vector<16xi32>
    %select_n3A_348 = arith.select %eq3A_345, %broadcast_in_dim3A_347, %select_n3A_344 : vector<16xi1>, vector<16xi32>
    %eq3A_349 = arith.constant 0 : i32
    %eq3A_350 = vector.broadcast %eq3A_349 : i32 to vector<16xi32>
    %eq3A_351 = arith.cmpi eq, %select_n3A_348, %eq3A_350 : vector<16xi32>
    %jit3A_352 = arith.constant -3.000000e+38 : f32
    %broadcast_in_dim3A_353 = vector.broadcast %jit3A_352 : f32 to vector<16xf32>
    %select_n3A_354 = arith.select %eq3A_351, %broadcast_in_dim3A_353, %get3A_290 : vector<16xi1>, vector<16xf32>
    %eq3A_355 = arith.constant 1 : i32
    %eq3A_356 = vector.broadcast %eq3A_355 : i32 to vector<16xi32>
    %eq3A_357 = arith.cmpi eq, %select_n3A_348, %eq3A_356 : vector<16xi32>
    %jit3A_358 = arith.constant -3.000000e+38 : f32
    %broadcast_in_dim3A_359 = vector.broadcast %jit3A_358 : f32 to vector<16xf32>
    %select_n3A_360 = arith.select %eq3A_357, %broadcast_in_dim3A_359, %get3A_293 : vector<16xi1>, vector<16xf32>
    %eq3A_361 = arith.constant 2 : i32
    %eq3A_362 = vector.broadcast %eq3A_361 : i32 to vector<16xi32>
    %eq3A_363 = arith.cmpi eq, %select_n3A_348, %eq3A_362 : vector<16xi32>
    %jit3A_364 = arith.constant -3.000000e+38 : f32
    %broadcast_in_dim3A_365 = vector.broadcast %jit3A_364 : f32 to vector<16xf32>
    %select_n3A_366 = arith.select %eq3A_363, %broadcast_in_dim3A_365, %get3A_296 : vector<16xi1>, vector<16xf32>
    %eq3A_367 = arith.constant 3 : i32
    %eq3A_368 = vector.broadcast %eq3A_367 : i32 to vector<16xi32>
    %eq3A_369 = arith.cmpi eq, %select_n3A_348, %eq3A_368 : vector<16xi32>
    %jit3A_370 = arith.constant -3.000000e+38 : f32
    %broadcast_in_dim3A_371 = vector.broadcast %jit3A_370 : f32 to vector<16xf32>
    %select_n3A_372 = arith.select %eq3A_369, %broadcast_in_dim3A_371, %get3A_299 : vector<16xi1>, vector<16xf32>
    %eq3A_373 = arith.constant 4 : i32
    %eq3A_374 = vector.broadcast %eq3A_373 : i32 to vector<16xi32>
    %eq3A_375 = arith.cmpi eq, %select_n3A_348, %eq3A_374 : vector<16xi32>
    %jit3A_376 = arith.constant -3.000000e+38 : f32
    %broadcast_in_dim3A_377 = vector.broadcast %jit3A_376 : f32 to vector<16xf32>
    %select_n3A_378 = arith.select %eq3A_375, %broadcast_in_dim3A_377, %get3A_302 : vector<16xi1>, vector<16xf32>
    %eq3A_379 = arith.constant 5 : i32
    %eq3A_380 = vector.broadcast %eq3A_379 : i32 to vector<16xi32>
    %eq3A_381 = arith.cmpi eq, %select_n3A_348, %eq3A_380 : vector<16xi32>
    %jit3A_382 = arith.constant -3.000000e+38 : f32
    %broadcast_in_dim3A_383 = vector.broadcast %jit3A_382 : f32 to vector<16xf32>
    %select_n3A_384 = arith.select %eq3A_381, %broadcast_in_dim3A_383, %get3A_305 : vector<16xi1>, vector<16xf32>
    %eq3A_385 = arith.constant 6 : i32
    %eq3A_386 = vector.broadcast %eq3A_385 : i32 to vector<16xi32>
    %eq3A_387 = arith.cmpi eq, %select_n3A_348, %eq3A_386 : vector<16xi32>
    %jit3A_388 = arith.constant -3.000000e+38 : f32
    %broadcast_in_dim3A_389 = vector.broadcast %jit3A_388 : f32 to vector<16xf32>
    %select_n3A_390 = arith.select %eq3A_387, %broadcast_in_dim3A_389, %get3A_308 : vector<16xi1>, vector<16xf32>
    %eq3A_391 = arith.constant 7 : i32
    %eq3A_392 = vector.broadcast %eq3A_391 : i32 to vector<16xi32>
    %eq3A_393 = arith.cmpi eq, %select_n3A_348, %eq3A_392 : vector<16xi32>
    %jit3A_394 = arith.constant -3.000000e+38 : f32
    %broadcast_in_dim3A_395 = vector.broadcast %jit3A_394 : f32 to vector<16xf32>
    %select_n3A_396 = arith.select %eq3A_393, %broadcast_in_dim3A_395, %get3A_311 : vector<16xi1>, vector<16xf32>
    %max3A_397 = arith.maximumf %select_n3A_354, %select_n3A_360 : vector<16xf32>
    %max3A_398 = arith.maximumf %max3A_397, %select_n3A_366 : vector<16xf32>
    %max3A_399 = arith.maximumf %max3A_398, %select_n3A_372 : vector<16xf32>
    %max3A_400 = arith.maximumf %max3A_399, %select_n3A_378 : vector<16xf32>
    %max3A_401 = arith.maximumf %max3A_400, %select_n3A_384 : vector<16xf32>
    %max3A_402 = arith.maximumf %max3A_401, %select_n3A_390 : vector<16xf32>
    %max3A_403 = arith.maximumf %max3A_402, %select_n3A_396 : vector<16xf32>
    %broadcast_in_dim3A_404 = arith.constant 7 : i32
    %broadcast_in_dim3A_405 = vector.broadcast %broadcast_in_dim3A_404 : i32 to vector<16xi32>
    %eq3A_406 = arith.cmpf oeq, %select_n3A_390, %max3A_403 : vector<16xf32>
    %jit3A_407 = arith.constant 6 : i32
    %broadcast_in_dim3A_408 = vector.broadcast %jit3A_407 : i32 to vector<16xi32>
    %select_n3A_409 = arith.select %eq3A_406, %broadcast_in_dim3A_408, %broadcast_in_dim3A_405 : vector<16xi1>, vector<16xi32>
    %eq3A_410 = arith.cmpf oeq, %select_n3A_384, %max3A_403 : vector<16xf32>
    %jit3A_411 = arith.constant 5 : i32
    %broadcast_in_dim3A_412 = vector.broadcast %jit3A_411 : i32 to vector<16xi32>
    %select_n3A_413 = arith.select %eq3A_410, %broadcast_in_dim3A_412, %select_n3A_409 : vector<16xi1>, vector<16xi32>
    %eq3A_414 = arith.cmpf oeq, %select_n3A_378, %max3A_403 : vector<16xf32>
    %jit3A_415 = arith.constant 4 : i32
    %broadcast_in_dim3A_416 = vector.broadcast %jit3A_415 : i32 to vector<16xi32>
    %select_n3A_417 = arith.select %eq3A_414, %broadcast_in_dim3A_416, %select_n3A_413 : vector<16xi1>, vector<16xi32>
    %eq3A_418 = arith.cmpf oeq, %select_n3A_372, %max3A_403 : vector<16xf32>
    %jit3A_419 = arith.constant 3 : i32
    %broadcast_in_dim3A_420 = vector.broadcast %jit3A_419 : i32 to vector<16xi32>
    %select_n3A_421 = arith.select %eq3A_418, %broadcast_in_dim3A_420, %select_n3A_417 : vector<16xi1>, vector<16xi32>
    %eq3A_422 = arith.cmpf oeq, %select_n3A_366, %max3A_403 : vector<16xf32>
    %jit3A_423 = arith.constant 2 : i32
    %broadcast_in_dim3A_424 = vector.broadcast %jit3A_423 : i32 to vector<16xi32>
    %select_n3A_425 = arith.select %eq3A_422, %broadcast_in_dim3A_424, %select_n3A_421 : vector<16xi1>, vector<16xi32>
    %eq3A_426 = arith.cmpf oeq, %select_n3A_360, %max3A_403 : vector<16xf32>
    %jit3A_427 = arith.constant 1 : i32
    %broadcast_in_dim3A_428 = vector.broadcast %jit3A_427 : i32 to vector<16xi32>
    %select_n3A_429 = arith.select %eq3A_426, %broadcast_in_dim3A_428, %select_n3A_425 : vector<16xi1>, vector<16xi32>
    %eq3A_430 = arith.cmpf oeq, %select_n3A_354, %max3A_403 : vector<16xf32>
    %jit3A_431 = arith.constant 0 : i32
    %broadcast_in_dim3A_432 = vector.broadcast %jit3A_431 : i32 to vector<16xi32>
    %select_n3A_433 = arith.select %eq3A_430, %broadcast_in_dim3A_432, %select_n3A_429 : vector<16xi1>, vector<16xi32>
    %sub3A_434 = arith.subf %get3A_290, %max3A_318 : vector<16xf32>
    %exp3A_435 = math.exp %sub3A_434 : vector<16xf32>
    %sub3A_436 = arith.subf %get3A_293, %max3A_318 : vector<16xf32>
    %exp3A_437 = math.exp %sub3A_436 : vector<16xf32>
    %add3A_438 = arith.addf %exp3A_435, %exp3A_437 : vector<16xf32>
    %sub3A_439 = arith.subf %get3A_296, %max3A_318 : vector<16xf32>
    %exp3A_440 = math.exp %sub3A_439 : vector<16xf32>
    %add3A_441 = arith.addf %add3A_438, %exp3A_440 : vector<16xf32>
    %sub3A_442 = arith.subf %get3A_299, %max3A_318 : vector<16xf32>
    %exp3A_443 = math.exp %sub3A_442 : vector<16xf32>
    %add3A_444 = arith.addf %add3A_441, %exp3A_443 : vector<16xf32>
    %sub3A_445 = arith.subf %get3A_302, %max3A_318 : vector<16xf32>
    %exp3A_446 = math.exp %sub3A_445 : vector<16xf32>
    %add3A_447 = arith.addf %add3A_444, %exp3A_446 : vector<16xf32>
    %sub3A_448 = arith.subf %get3A_305, %max3A_318 : vector<16xf32>
    %exp3A_449 = math.exp %sub3A_448 : vector<16xf32>
    %add3A_450 = arith.addf %add3A_447, %exp3A_449 : vector<16xf32>
    %sub3A_451 = arith.subf %get3A_308, %max3A_318 : vector<16xf32>
    %exp3A_452 = math.exp %sub3A_451 : vector<16xf32>
    %add3A_453 = arith.addf %add3A_450, %exp3A_452 : vector<16xf32>
    %sub3A_454 = arith.subf %get3A_311, %max3A_318 : vector<16xf32>
    %exp3A_455 = math.exp %sub3A_454 : vector<16xf32>
    %add3A_456 = arith.addf %add3A_453, %exp3A_455 : vector<16xf32>
    %div3A_457 = arith.constant 1.000000e+00 : f32
    %div3A_458 = vector.broadcast %div3A_457 : f32 to vector<16xf32>
    %div3A_459 = arith.divf %div3A_458, %add3A_456 : vector<16xf32>
    %sub3A_460 = arith.subf %max3A_403, %max3A_318 : vector<16xf32>
    %exp3A_461 = math.exp %sub3A_460 : vector<16xf32>
    %div3A_462 = arith.divf %exp3A_461, %add3A_456 : vector<16xf32>
    %add3A_463 = arith.addf %div3A_459, %div3A_462 : vector<16xf32>
    %add3A_464 = arith.constant 9.99999997E-7 : f32
    %add3A_465 = vector.broadcast %add3A_464 : f32 to vector<16xf32>
    %add3A_466 = arith.addf %add3A_463, %add3A_465 : vector<16xf32>
    %div3A_467 = arith.divf %div3A_459, %add3A_466 : vector<16xf32>
    %div3A_468 = arith.divf %div3A_462, %add3A_466 : vector<16xf32>
    %broadcast_in_dim3A_469 = arith.constant 0.000000e+00 : f32
    %broadcast_in_dim3A_470 = vector.broadcast %broadcast_in_dim3A_469 : f32 to vector<16xf32>
    %eq3A_471 = arith.constant 0 : i32
    %eq3A_472 = vector.broadcast %eq3A_471 : i32 to vector<16xi32>
    %eq3A_473 = arith.cmpi eq, %select_n3A_348, %eq3A_472 : vector<16xi32>
    %eq3A_474 = arith.constant 0 : i32
    %eq3A_475 = vector.broadcast %eq3A_474 : i32 to vector<16xi32>
    %eq3A_476 = arith.cmpi eq, %select_n3A_433, %eq3A_475 : vector<16xi32>
    %select_n3A_477 = arith.select %eq3A_476, %div3A_468, %broadcast_in_dim3A_470 : vector<16xi1>, vector<16xf32>
    %select_n3A_478 = arith.select %eq3A_473, %div3A_467, %select_n3A_477 : vector<16xi1>, vector<16xf32>
    %swap3A_479 = arith.constant 16 : index
    %swap3A_480 = tpu.vector_load %arg5[%swap3A_479] {strides = array<i32>} : memref<1024xf32, #tpu.memory_space<vmem>>, vector<16xf32>,
    %swap3A_481 = vector.shape_cast %swap3A_480 : vector<16xf32> to vector<16xf32>
    %swap3A_482 = vector.shape_cast %select_n3A_478 : vector<16xf32> to vector<16xf32>
    tpu.vector_store %arg5[%swap3A_479], %swap3A_482 {strides = array<i32>} : memref<1024xf32, #tpu.memory_space<vmem>>, vector<16xf32>,
    %eq3A_483 = arith.constant 1 : i32
    %eq3A_484 = vector.broadcast %eq3A_483 : i32 to vector<16xi32>
    %eq3A_485 = arith.cmpi eq, %select_n3A_348, %eq3A_484 : vector<16xi32>
    %eq3A_486 = arith.constant 1 : i32
    %eq3A_487 = vector.broadcast %eq3A_486 : i32 to vector<16xi32>
    %eq3A_488 = arith.cmpi eq, %select_n3A_433, %eq3A_487 : vector<16xi32>
    %select_n3A_489 = arith.select %eq3A_488, %div3A_468, %broadcast_in_dim3A_470 : vector<16xi1>, vector<16xf32>
    %select_n3A_490 = arith.select %eq3A_485, %div3A_467, %select_n3A_489 : vector<16xi1>, vector<16xf32>
    %swap3A_491 = arith.constant 144 : index
    %swap3A_492 = tpu.vector_load %arg5[%swap3A_491] {strides = array<i32>} : memref<1024xf32, #tpu.memory_space<vmem>>, vector<16xf32>,
    %swap3A_493 = vector.shape_cast %swap3A_492 : vector<16xf32> to vector<16xf32>
    %swap3A_494 = vector.shape_cast %select_n3A_490 : vector<16xf32> to vector<16xf32>
    tpu.vector_store %arg5[%swap3A_491], %swap3A_494 {strides = array<i32>} : memref<1024xf32, #tpu.memory_space<vmem>>, vector<16xf32>,
    %eq3A_495 = arith.constant 2 : i32
    %eq3A_496 = vector.broadcast %eq3A_495 : i32 to vector<16xi32>
    %eq3A_497 = arith.cmpi eq, %select_n3A_348, %eq3A_496 : vector<16xi32>
    %eq3A_498 = arith.constant 2 : i32
    %eq3A_499 = vector.broadcast %eq3A_498 : i32 to vector<16xi32>
    %eq3A_500 = arith.cmpi eq, %select_n3A_433, %eq3A_499 : vector<16xi32>
    %select_n3A_501 = arith.select %eq3A_500, %div3A_468, %broadcast_in_dim3A_470 : vector<16xi1>, vector<16xf32>
    %select_n3A_502 = arith.select %eq3A_497, %div3A_467, %select_n3A_501 : vector<16xi1>, vector<16xf32>
    %swap3A_503 = arith.constant 272 : index
    %swap3A_504 = tpu.vector_load %arg5[%swap3A_503] {strides = array<i32>} : memref<1024xf32, #tpu.memory_space<vmem>>, vector<16xf32>,
    %swap3A_505 = vector.shape_cast %swap3A_504 : vector<16xf32> to vector<16xf32>
    %swap3A_506 = vector.shape_cast %select_n3A_502 : vector<16xf32> to vector<16xf32>
    tpu.vector_store %arg5[%swap3A_503], %swap3A_506 {strides = array<i32>} : memref<1024xf32, #tpu.memory_space<vmem>>, vector<16xf32>,
    %eq3A_507 = arith.constant 3 : i32
    %eq3A_508 = vector.broadcast %eq3A_507 : i32 to vector<16xi32>
    %eq3A_509 = arith.cmpi eq, %select_n3A_348, %eq3A_508 : vector<16xi32>
    %eq3A_510 = arith.constant 3 : i32
    %eq3A_511 = vector.broadcast %eq3A_510 : i32 to vector<16xi32>
    %eq3A_512 = arith.cmpi eq, %select_n3A_433, %eq3A_511 : vector<16xi32>
    %select_n3A_513 = arith.select %eq3A_512, %div3A_468, %broadcast_in_dim3A_470 : vector<16xi1>, vector<16xf32>
    %select_n3A_514 = arith.select %eq3A_509, %div3A_467, %select_n3A_513 : vector<16xi1>, vector<16xf32>
    %swap3A_515 = arith.constant 400 : index
    %swap3A_516 = tpu.vector_load %arg5[%swap3A_515] {strides = array<i32>} : memref<1024xf32, #tpu.memory_space<vmem>>, vector<16xf32>,
    %swap3A_517 = vector.shape_cast %swap3A_516 : vector<16xf32> to vector<16xf32>
    %swap3A_518 = vector.shape_cast %select_n3A_514 : vector<16xf32> to vector<16xf32>
    tpu.vector_store %arg5[%swap3A_515], %swap3A_518 {strides = array<i32>} : memref<1024xf32, #tpu.memory_space<vmem>>, vector<16xf32>,
    %eq3A_519 = arith.constant 4 : i32
    %eq3A_520 = vector.broadcast %eq3A_519 : i32 to vector<16xi32>
    %eq3A_521 = arith.cmpi eq, %select_n3A_348, %eq3A_520 : vector<16xi32>
    %eq3A_522 = arith.constant 4 : i32
    %eq3A_523 = vector.broadcast %eq3A_522 : i32 to vector<16xi32>
    %eq3A_524 = arith.cmpi eq, %select_n3A_433, %eq3A_523 : vector<16xi32>
    %select_n3A_525 = arith.select %eq3A_524, %div3A_468, %broadcast_in_dim3A_470 : vector<16xi1>, vector<16xf32>
    %select_n3A_526 = arith.select %eq3A_521, %div3A_467, %select_n3A_525 : vector<16xi1>, vector<16xf32>
    %swap3A_527 = arith.constant 528 : index
    %swap3A_528 = tpu.vector_load %arg5[%swap3A_527] {strides = array<i32>} : memref<1024xf32, #tpu.memory_space<vmem>>, vector<16xf32>,
    %swap3A_529 = vector.shape_cast %swap3A_528 : vector<16xf32> to vector<16xf32>
    %swap3A_530 = vector.shape_cast %select_n3A_526 : vector<16xf32> to vector<16xf32>
    tpu.vector_store %arg5[%swap3A_527], %swap3A_530 {strides = array<i32>} : memref<1024xf32, #tpu.memory_space<vmem>>, vector<16xf32>,
    %eq3A_531 = arith.constant 5 : i32
    %eq3A_532 = vector.broadcast %eq3A_531 : i32 to vector<16xi32>
    %eq3A_533 = arith.cmpi eq, %select_n3A_348, %eq3A_532 : vector<16xi32>
    %eq3A_534 = arith.constant 5 : i32
    %eq3A_535 = vector.broadcast %eq3A_534 : i32 to vector<16xi32>
    %eq3A_536 = arith.cmpi eq, %select_n3A_433, %eq3A_535 : vector<16xi32>
    %select_n3A_537 = arith.select %eq3A_536, %div3A_468, %broadcast_in_dim3A_470 : vector<16xi1>, vector<16xf32>
    %select_n3A_538 = arith.select %eq3A_533, %div3A_467, %select_n3A_537 : vector<16xi1>, vector<16xf32>
    %swap3A_539 = arith.constant 656 : index
    %swap3A_540 = tpu.vector_load %arg5[%swap3A_539] {strides = array<i32>} : memref<1024xf32, #tpu.memory_space<vmem>>, vector<16xf32>,
    %swap3A_541 = vector.shape_cast %swap3A_540 : vector<16xf32> to vector<16xf32>
    %swap3A_542 = vector.shape_cast %select_n3A_538 : vector<16xf32> to vector<16xf32>
    tpu.vector_store %arg5[%swap3A_539], %swap3A_542 {strides = array<i32>} : memref<1024xf32, #tpu.memory_space<vmem>>, vector<16xf32>,
    %eq3A_543 = arith.constant 6 : i32
    %eq3A_544 = vector.broadcast %eq3A_543 : i32 to vector<16xi32>
    %eq3A_545 = arith.cmpi eq, %select_n3A_348, %eq3A_544 : vector<16xi32>
    %eq3A_546 = arith.constant 6 : i32
    %eq3A_547 = vector.broadcast %eq3A_546 : i32 to vector<16xi32>
    %eq3A_548 = arith.cmpi eq, %select_n3A_433, %eq3A_547 : vector<16xi32>
    %select_n3A_549 = arith.select %eq3A_548, %div3A_468, %broadcast_in_dim3A_470 : vector<16xi1>, vector<16xf32>
    %select_n3A_550 = arith.select %eq3A_545, %div3A_467, %select_n3A_549 : vector<16xi1>, vector<16xf32>
    %swap3A_551 = arith.constant 784 : index
    %swap3A_552 = tpu.vector_load %arg5[%swap3A_551] {strides = array<i32>} : memref<1024xf32, #tpu.memory_space<vmem>>, vector<16xf32>,
    %swap3A_553 = vector.shape_cast %swap3A_552 : vector<16xf32> to vector<16xf32>
    %swap3A_554 = vector.shape_cast %select_n3A_550 : vector<16xf32> to vector<16xf32>
    tpu.vector_store %arg5[%swap3A_551], %swap3A_554 {strides = array<i32>} : memref<1024xf32, #tpu.memory_space<vmem>>, vector<16xf32>,
    %eq3A_555 = arith.constant 7 : i32
    %eq3A_556 = vector.broadcast %eq3A_555 : i32 to vector<16xi32>
    %eq3A_557 = arith.cmpi eq, %select_n3A_348, %eq3A_556 : vector<16xi32>
    %eq3A_558 = arith.constant 7 : i32
    %eq3A_559 = vector.broadcast %eq3A_558 : i32 to vector<16xi32>
    %eq3A_560 = arith.cmpi eq, %select_n3A_433, %eq3A_559 : vector<16xi32>
    %select_n3A_561 = arith.select %eq3A_560, %div3A_468, %broadcast_in_dim3A_470 : vector<16xi1>, vector<16xf32>
    %select_n3A_562 = arith.select %eq3A_557, %div3A_467, %select_n3A_561 : vector<16xi1>, vector<16xf32>
    %swap3A_563 = arith.constant 912 : index
    %swap3A_564 = tpu.vector_load %arg5[%swap3A_563] {strides = array<i32>} : memref<1024xf32, #tpu.memory_space<vmem>>, vector<16xf32>,
    %swap3A_565 = vector.shape_cast %swap3A_564 : vector<16xf32> to vector<16xf32>
    %swap3A_566 = vector.shape_cast %select_n3A_562 : vector<16xf32> to vector<16xf32>
    tpu.vector_store %arg5[%swap3A_563], %swap3A_566 {strides = array<i32>} : memref<1024xf32, #tpu.memory_space<vmem>>, vector<16xf32>,
    %get3A_567 = arith.constant 32 : index
    %get3A_568 = tpu.vector_load %arg4[%get3A_567] {strides = array<i32>} : memref<1024xf32, #tpu.memory_space<vmem>>, vector<16xf32>,
    %get3A_569 = vector.shape_cast %get3A_568 : vector<16xf32> to vector<16xf32>
    %get3A_570 = arith.constant 160 : index
    %get3A_571 = tpu.vector_load %arg4[%get3A_570] {strides = array<i32>} : memref<1024xf32, #tpu.memory_space<vmem>>, vector<16xf32>,
    %get3A_572 = vector.shape_cast %get3A_571 : vector<16xf32> to vector<16xf32>
    %get3A_573 = arith.constant 288 : index
    %get3A_574 = tpu.vector_load %arg4[%get3A_573] {strides = array<i32>} : memref<1024xf32, #tpu.memory_space<vmem>>, vector<16xf32>,
    %get3A_575 = vector.shape_cast %get3A_574 : vector<16xf32> to vector<16xf32>
    %get3A_576 = arith.constant 416 : index
    %get3A_577 = tpu.vector_load %arg4[%get3A_576] {strides = array<i32>} : memref<1024xf32, #tpu.memory_space<vmem>>, vector<16xf32>,
    %get3A_578 = vector.shape_cast %get3A_577 : vector<16xf32> to vector<16xf32>
    %get3A_579 = arith.constant 544 : index
    %get3A_580 = tpu.vector_load %arg4[%get3A_579] {strides = array<i32>} : memref<1024xf32, #tpu.memory_space<vmem>>, vector<16xf32>,
    %get3A_581 = vector.shape_cast %get3A_580 : vector<16xf32> to vector<16xf32>
    %get3A_582 = arith.constant 672 : index
    %get3A_583 = tpu.vector_load %arg4[%get3A_582] {strides = array<i32>} : memref<1024xf32, #tpu.memory_space<vmem>>, vector<16xf32>,
    %get3A_584 = vector.shape_cast %get3A_583 : vector<16xf32> to vector<16xf32>
    %get3A_585 = arith.constant 800 : index
    %get3A_586 = tpu.vector_load %arg4[%get3A_585] {strides = array<i32>} : memref<1024xf32, #tpu.memory_space<vmem>>, vector<16xf32>,
    %get3A_587 = vector.shape_cast %get3A_586 : vector<16xf32> to vector<16xf32>
    %get3A_588 = arith.constant 928 : index
    %get3A_589 = tpu.vector_load %arg4[%get3A_588] {strides = array<i32>} : memref<1024xf32, #tpu.memory_space<vmem>>, vector<16xf32>,
    %get3A_590 = vector.shape_cast %get3A_589 : vector<16xf32> to vector<16xf32>
    %max3A_591 = arith.maximumf %get3A_569, %get3A_572 : vector<16xf32>
    %max3A_592 = arith.maximumf %max3A_591, %get3A_575 : vector<16xf32>
    %max3A_593 = arith.maximumf %max3A_592, %get3A_578 : vector<16xf32>
    %max3A_594 = arith.maximumf %max3A_593, %get3A_581 : vector<16xf32>
    %max3A_595 = arith.maximumf %max3A_594, %get3A_584 : vector<16xf32>
    %max3A_596 = arith.maximumf %max3A_595, %get3A_587 : vector<16xf32>
    %max3A_597 = arith.maximumf %max3A_596, %get3A_590 : vector<16xf32>
    %broadcast_in_dim3A_598 = arith.constant 7 : i32
    %broadcast_in_dim3A_599 = vector.broadcast %broadcast_in_dim3A_598 : i32 to vector<16xi32>
    %eq3A_600 = arith.cmpf oeq, %get3A_587, %max3A_597 : vector<16xf32>
    %jit3A_601 = arith.constant 6 : i32
    %broadcast_in_dim3A_602 = vector.broadcast %jit3A_601 : i32 to vector<16xi32>
    %select_n3A_603 = arith.select %eq3A_600, %broadcast_in_dim3A_602, %broadcast_in_dim3A_599 : vector<16xi1>, vector<16xi32>
    %eq3A_604 = arith.cmpf oeq, %get3A_584, %max3A_597 : vector<16xf32>
    %jit3A_605 = arith.constant 5 : i32
    %broadcast_in_dim3A_606 = vector.broadcast %jit3A_605 : i32 to vector<16xi32>
    %select_n3A_607 = arith.select %eq3A_604, %broadcast_in_dim3A_606, %select_n3A_603 : vector<16xi1>, vector<16xi32>
    %eq3A_608 = arith.cmpf oeq, %get3A_581, %max3A_597 : vector<16xf32>
    %jit3A_609 = arith.constant 4 : i32
    %broadcast_in_dim3A_610 = vector.broadcast %jit3A_609 : i32 to vector<16xi32>
    %select_n3A_611 = arith.select %eq3A_608, %broadcast_in_dim3A_610, %select_n3A_607 : vector<16xi1>, vector<16xi32>
    %eq3A_612 = arith.cmpf oeq, %get3A_578, %max3A_597 : vector<16xf32>
    %jit3A_613 = arith.constant 3 : i32
    %broadcast_in_dim3A_614 = vector.broadcast %jit3A_613 : i32 to vector<16xi32>
    %select_n3A_615 = arith.select %eq3A_612, %broadcast_in_dim3A_614, %select_n3A_611 : vector<16xi1>, vector<16xi32>
    %eq3A_616 = arith.cmpf oeq, %get3A_575, %max3A_597 : vector<16xf32>
    %jit3A_617 = arith.constant 2 : i32
    %broadcast_in_dim3A_618 = vector.broadcast %jit3A_617 : i32 to vector<16xi32>
    %select_n3A_619 = arith.select %eq3A_616, %broadcast_in_dim3A_618, %select_n3A_615 : vector<16xi1>, vector<16xi32>
    %eq3A_620 = arith.cmpf oeq, %get3A_572, %max3A_597 : vector<16xf32>
    %jit3A_621 = arith.constant 1 : i32
    %broadcast_in_dim3A_622 = vector.broadcast %jit3A_621 : i32 to vector<16xi32>
    %select_n3A_623 = arith.select %eq3A_620, %broadcast_in_dim3A_622, %select_n3A_619 : vector<16xi1>, vector<16xi32>
    %eq3A_624 = arith.cmpf oeq, %get3A_569, %max3A_597 : vector<16xf32>
    %jit3A_625 = arith.constant 0 : i32
    %broadcast_in_dim3A_626 = vector.broadcast %jit3A_625 : i32 to vector<16xi32>
    %select_n3A_627 = arith.select %eq3A_624, %broadcast_in_dim3A_626, %select_n3A_623 : vector<16xi1>, vector<16xi32>
    %eq3A_628 = arith.constant 0 : i32
    %eq3A_629 = vector.broadcast %eq3A_628 : i32 to vector<16xi32>
    %eq3A_630 = arith.cmpi eq, %select_n3A_627, %eq3A_629 : vector<16xi32>
    %jit3A_631 = arith.constant -3.000000e+38 : f32
    %broadcast_in_dim3A_632 = vector.broadcast %jit3A_631 : f32 to vector<16xf32>
    %select_n3A_633 = arith.select %eq3A_630, %broadcast_in_dim3A_632, %get3A_569 : vector<16xi1>, vector<16xf32>
    %eq3A_634 = arith.constant 1 : i32
    %eq3A_635 = vector.broadcast %eq3A_634 : i32 to vector<16xi32>
    %eq3A_636 = arith.cmpi eq, %select_n3A_627, %eq3A_635 : vector<16xi32>
    %jit3A_637 = arith.constant -3.000000e+38 : f32
    %broadcast_in_dim3A_638 = vector.broadcast %jit3A_637 : f32 to vector<16xf32>
    %select_n3A_639 = arith.select %eq3A_636, %broadcast_in_dim3A_638, %get3A_572 : vector<16xi1>, vector<16xf32>
    %eq3A_640 = arith.constant 2 : i32
    %eq3A_641 = vector.broadcast %eq3A_640 : i32 to vector<16xi32>
    %eq3A_642 = arith.cmpi eq, %select_n3A_627, %eq3A_641 : vector<16xi32>
    %jit3A_643 = arith.constant -3.000000e+38 : f32
    %broadcast_in_dim3A_644 = vector.broadcast %jit3A_643 : f32 to vector<16xf32>
    %select_n3A_645 = arith.select %eq3A_642, %broadcast_in_dim3A_644, %get3A_575 : vector<16xi1>, vector<16xf32>
    %eq3A_646 = arith.constant 3 : i32
    %eq3A_647 = vector.broadcast %eq3A_646 : i32 to vector<16xi32>
    %eq3A_648 = arith.cmpi eq, %select_n3A_627, %eq3A_647 : vector<16xi32>
    %jit3A_649 = arith.constant -3.000000e+38 : f32
    %broadcast_in_dim3A_650 = vector.broadcast %jit3A_649 : f32 to vector<16xf32>
    %select_n3A_651 = arith.select %eq3A_648, %broadcast_in_dim3A_650, %get3A_578 : vector<16xi1>, vector<16xf32>
    %eq3A_652 = arith.constant 4 : i32
    %eq3A_653 = vector.broadcast %eq3A_652 : i32 to vector<16xi32>
    %eq3A_654 = arith.cmpi eq, %select_n3A_627, %eq3A_653 : vector<16xi32>
    %jit3A_655 = arith.constant -3.000000e+38 : f32
    %broadcast_in_dim3A_656 = vector.broadcast %jit3A_655 : f32 to vector<16xf32>
    %select_n3A_657 = arith.select %eq3A_654, %broadcast_in_dim3A_656, %get3A_581 : vector<16xi1>, vector<16xf32>
    %eq3A_658 = arith.constant 5 : i32
    %eq3A_659 = vector.broadcast %eq3A_658 : i32 to vector<16xi32>
    %eq3A_660 = arith.cmpi eq, %select_n3A_627, %eq3A_659 : vector<16xi32>
    %jit3A_661 = arith.constant -3.000000e+38 : f32
    %broadcast_in_dim3A_662 = vector.broadcast %jit3A_661 : f32 to vector<16xf32>
    %select_n3A_663 = arith.select %eq3A_660, %broadcast_in_dim3A_662, %get3A_584 : vector<16xi1>, vector<16xf32>
    %eq3A_664 = arith.constant 6 : i32
    %eq3A_665 = vector.broadcast %eq3A_664 : i32 to vector<16xi32>
    %eq3A_666 = arith.cmpi eq, %select_n3A_627, %eq3A_665 : vector<16xi32>
    %jit3A_667 = arith.constant -3.000000e+38 : f32
    %broadcast_in_dim3A_668 = vector.broadcast %jit3A_667 : f32 to vector<16xf32>
    %select_n3A_669 = arith.select %eq3A_666, %broadcast_in_dim3A_668, %get3A_587 : vector<16xi1>, vector<16xf32>
    %eq3A_670 = arith.constant 7 : i32
    %eq3A_671 = vector.broadcast %eq3A_670 : i32 to vector<16xi32>
    %eq3A_672 = arith.cmpi eq, %select_n3A_627, %eq3A_671 : vector<16xi32>
    %jit3A_673 = arith.constant -3.000000e+38 : f32
    %broadcast_in_dim3A_674 = vector.broadcast %jit3A_673 : f32 to vector<16xf32>
    %select_n3A_675 = arith.select %eq3A_672, %broadcast_in_dim3A_674, %get3A_590 : vector<16xi1>, vector<16xf32>
    %max3A_676 = arith.maximumf %select_n3A_633, %select_n3A_639 : vector<16xf32>
    %max3A_677 = arith.maximumf %max3A_676, %select_n3A_645 : vector<16xf32>
    %max3A_678 = arith.maximumf %max3A_677, %select_n3A_651 : vector<16xf32>
    %max3A_679 = arith.maximumf %max3A_678, %select_n3A_657 : vector<16xf32>
    %max3A_680 = arith.maximumf %max3A_679, %select_n3A_663 : vector<16xf32>
    %max3A_681 = arith.maximumf %max3A_680, %select_n3A_669 : vector<16xf32>
    %max3A_682 = arith.maximumf %max3A_681, %select_n3A_675 : vector<16xf32>
    %broadcast_in_dim3A_683 = arith.constant 7 : i32
    %broadcast_in_dim3A_684 = vector.broadcast %broadcast_in_dim3A_683 : i32 to vector<16xi32>
    %eq3A_685 = arith.cmpf oeq, %select_n3A_669, %max3A_682 : vector<16xf32>
    %jit3A_686 = arith.constant 6 : i32
    %broadcast_in_dim3A_687 = vector.broadcast %jit3A_686 : i32 to vector<16xi32>
    %select_n3A_688 = arith.select %eq3A_685, %broadcast_in_dim3A_687, %broadcast_in_dim3A_684 : vector<16xi1>, vector<16xi32>
    %eq3A_689 = arith.cmpf oeq, %select_n3A_663, %max3A_682 : vector<16xf32>
    %jit3A_690 = arith.constant 5 : i32
    %broadcast_in_dim3A_691 = vector.broadcast %jit3A_690 : i32 to vector<16xi32>
    %select_n3A_692 = arith.select %eq3A_689, %broadcast_in_dim3A_691, %select_n3A_688 : vector<16xi1>, vector<16xi32>
    %eq3A_693 = arith.cmpf oeq, %select_n3A_657, %max3A_682 : vector<16xf32>
    %jit3A_694 = arith.constant 4 : i32
    %broadcast_in_dim3A_695 = vector.broadcast %jit3A_694 : i32 to vector<16xi32>
    %select_n3A_696 = arith.select %eq3A_693, %broadcast_in_dim3A_695, %select_n3A_692 : vector<16xi1>, vector<16xi32>
    %eq3A_697 = arith.cmpf oeq, %select_n3A_651, %max3A_682 : vector<16xf32>
    %jit3A_698 = arith.constant 3 : i32
    %broadcast_in_dim3A_699 = vector.broadcast %jit3A_698 : i32 to vector<16xi32>
    %select_n3A_700 = arith.select %eq3A_697, %broadcast_in_dim3A_699, %select_n3A_696 : vector<16xi1>, vector<16xi32>
    %eq3A_701 = arith.cmpf oeq, %select_n3A_645, %max3A_682 : vector<16xf32>
    %jit3A_702 = arith.constant 2 : i32
    %broadcast_in_dim3A_703 = vector.broadcast %jit3A_702 : i32 to vector<16xi32>
    %select_n3A_704 = arith.select %eq3A_701, %broadcast_in_dim3A_703, %select_n3A_700 : vector<16xi1>, vector<16xi32>
    %eq3A_705 = arith.cmpf oeq, %select_n3A_639, %max3A_682 : vector<16xf32>
    %jit3A_706 = arith.constant 1 : i32
    %broadcast_in_dim3A_707 = vector.broadcast %jit3A_706 : i32 to vector<16xi32>
    %select_n3A_708 = arith.select %eq3A_705, %broadcast_in_dim3A_707, %select_n3A_704 : vector<16xi1>, vector<16xi32>
    %eq3A_709 = arith.cmpf oeq, %select_n3A_633, %max3A_682 : vector<16xf32>
    %jit3A_710 = arith.constant 0 : i32
    %broadcast_in_dim3A_711 = vector.broadcast %jit3A_710 : i32 to vector<16xi32>
    %select_n3A_712 = arith.select %eq3A_709, %broadcast_in_dim3A_711, %select_n3A_708 : vector<16xi1>, vector<16xi32>
    %sub3A_713 = arith.subf %get3A_569, %max3A_597 : vector<16xf32>
    %exp3A_714 = math.exp %sub3A_713 : vector<16xf32>
    %sub3A_715 = arith.subf %get3A_572, %max3A_597 : vector<16xf32>
    %exp3A_716 = math.exp %sub3A_715 : vector<16xf32>
    %add3A_717 = arith.addf %exp3A_714, %exp3A_716 : vector<16xf32>
    %sub3A_718 = arith.subf %get3A_575, %max3A_597 : vector<16xf32>
    %exp3A_719 = math.exp %sub3A_718 : vector<16xf32>
    %add3A_720 = arith.addf %add3A_717, %exp3A_719 : vector<16xf32>
    %sub3A_721 = arith.subf %get3A_578, %max3A_597 : vector<16xf32>
    %exp3A_722 = math.exp %sub3A_721 : vector<16xf32>
    %add3A_723 = arith.addf %add3A_720, %exp3A_722 : vector<16xf32>
    %sub3A_724 = arith.subf %get3A_581, %max3A_597 : vector<16xf32>
    %exp3A_725 = math.exp %sub3A_724 : vector<16xf32>
    %add3A_726 = arith.addf %add3A_723, %exp3A_725 : vector<16xf32>
    %sub3A_727 = arith.subf %get3A_584, %max3A_597 : vector<16xf32>
    %exp3A_728 = math.exp %sub3A_727 : vector<16xf32>
    %add3A_729 = arith.addf %add3A_726, %exp3A_728 : vector<16xf32>
    %sub3A_730 = arith.subf %get3A_587, %max3A_597 : vector<16xf32>
    %exp3A_731 = math.exp %sub3A_730 : vector<16xf32>
    %add3A_732 = arith.addf %add3A_729, %exp3A_731 : vector<16xf32>
    %sub3A_733 = arith.subf %get3A_590, %max3A_597 : vector<16xf32>
    %exp3A_734 = math.exp %sub3A_733 : vector<16xf32>
    %add3A_735 = arith.addf %add3A_732, %exp3A_734 : vector<16xf32>
    %div3A_736 = arith.constant 1.000000e+00 : f32
    %div3A_737 = vector.broadcast %div3A_736 : f32 to vector<16xf32>
    %div3A_738 = arith.divf %div3A_737, %add3A_735 : vector<16xf32>
    %sub3A_739 = arith.subf %max3A_682, %max3A_597 : vector<16xf32>
    %exp3A_740 = math.exp %sub3A_739 : vector<16xf32>
    %div3A_741 = arith.divf %exp3A_740, %add3A_735 : vector<16xf32>
    %add3A_742 = arith.addf %div3A_738, %div3A_741 : vector<16xf32>
    %add3A_743 = arith.constant 9.99999997E-7 : f32
    %add3A_744 = vector.broadcast %add3A_743 : f32 to vector<16xf32>
    %add3A_745 = arith.addf %add3A_742, %add3A_744 : vector<16xf32>
    %div3A_746 = arith.divf %div3A_738, %add3A_745 : vector<16xf32>
    %div3A_747 = arith.divf %div3A_741, %add3A_745 : vector<16xf32>
    %broadcast_in_dim3A_748 = arith.constant 0.000000e+00 : f32
    %broadcast_in_dim3A_749 = vector.broadcast %broadcast_in_dim3A_748 : f32 to vector<16xf32>
    %eq3A_750 = arith.constant 0 : i32
    %eq3A_751 = vector.broadcast %eq3A_750 : i32 to vector<16xi32>
    %eq3A_752 = arith.cmpi eq, %select_n3A_627, %eq3A_751 : vector<16xi32>
    %eq3A_753 = arith.constant 0 : i32
    %eq3A_754 = vector.broadcast %eq3A_753 : i32 to vector<16xi32>
    %eq3A_755 = arith.cmpi eq, %select_n3A_712, %eq3A_754 : vector<16xi32>
    %select_n3A_756 = arith.select %eq3A_755, %div3A_747, %broadcast_in_dim3A_749 : vector<16xi1>, vector<16xf32>
    %select_n3A_757 = arith.select %eq3A_752, %div3A_746, %select_n3A_756 : vector<16xi1>, vector<16xf32>
    %swap3A_758 = arith.constant 32 : index
    %swap3A_759 = tpu.vector_load %arg5[%swap3A_758] {strides = array<i32>} : memref<1024xf32, #tpu.memory_space<vmem>>, vector<16xf32>,
    %swap3A_760 = vector.shape_cast %swap3A_759 : vector<16xf32> to vector<16xf32>
    %swap3A_761 = vector.shape_cast %select_n3A_757 : vector<16xf32> to vector<16xf32>
    tpu.vector_store %arg5[%swap3A_758], %swap3A_761 {strides = array<i32>} : memref<1024xf32, #tpu.memory_space<vmem>>, vector<16xf32>,
    %eq3A_762 = arith.constant 1 : i32
    %eq3A_763 = vector.broadcast %eq3A_762 : i32 to vector<16xi32>
    %eq3A_764 = arith.cmpi eq, %select_n3A_627, %eq3A_763 : vector<16xi32>
    %eq3A_765 = arith.constant 1 : i32
    %eq3A_766 = vector.broadcast %eq3A_765 : i32 to vector<16xi32>
    %eq3A_767 = arith.cmpi eq, %select_n3A_712, %eq3A_766 : vector<16xi32>
    %select_n3A_768 = arith.select %eq3A_767, %div3A_747, %broadcast_in_dim3A_749 : vector<16xi1>, vector<16xf32>
    %select_n3A_769 = arith.select %eq3A_764, %div3A_746, %select_n3A_768 : vector<16xi1>, vector<16xf32>
    %swap3A_770 = arith.constant 160 : index
    %swap3A_771 = tpu.vector_load %arg5[%swap3A_770] {strides = array<i32>} : memref<1024xf32, #tpu.memory_space<vmem>>, vector<16xf32>,
    %swap3A_772 = vector.shape_cast %swap3A_771 : vector<16xf32> to vector<16xf32>
    %swap3A_773 = vector.shape_cast %select_n3A_769 : vector<16xf32> to vector<16xf32>
    tpu.vector_store %arg5[%swap3A_770], %swap3A_773 {strides = array<i32>} : memref<1024xf32, #tpu.memory_space<vmem>>, vector<16xf32>,
    %eq3A_774 = arith.constant 2 : i32
    %eq3A_775 = vector.broadcast %eq3A_774 : i32 to vector<16xi32>
    %eq3A_776 = arith.cmpi eq, %select_n3A_627, %eq3A_775 : vector<16xi32>
    %eq3A_777 = arith.constant 2 : i32
    %eq3A_778 = vector.broadcast %eq3A_777 : i32 to vector<16xi32>
    %eq3A_779 = arith.cmpi eq, %select_n3A_712, %eq3A_778 : vector<16xi32>
    %select_n3A_780 = arith.select %eq3A_779, %div3A_747, %broadcast_in_dim3A_749 : vector<16xi1>, vector<16xf32>
    %select_n3A_781 = arith.select %eq3A_776, %div3A_746, %select_n3A_780 : vector<16xi1>, vector<16xf32>
    %swap3A_782 = arith.constant 288 : index
    %swap3A_783 = tpu.vector_load %arg5[%swap3A_782] {strides = array<i32>} : memref<1024xf32, #tpu.memory_space<vmem>>, vector<16xf32>,
    %swap3A_784 = vector.shape_cast %swap3A_783 : vector<16xf32> to vector<16xf32>
    %swap3A_785 = vector.shape_cast %select_n3A_781 : vector<16xf32> to vector<16xf32>
    tpu.vector_store %arg5[%swap3A_782], %swap3A_785 {strides = array<i32>} : memref<1024xf32, #tpu.memory_space<vmem>>, vector<16xf32>,
    %eq3A_786 = arith.constant 3 : i32
    %eq3A_787 = vector.broadcast %eq3A_786 : i32 to vector<16xi32>
    %eq3A_788 = arith.cmpi eq, %select_n3A_627, %eq3A_787 : vector<16xi32>
    %eq3A_789 = arith.constant 3 : i32
    %eq3A_790 = vector.broadcast %eq3A_789 : i32 to vector<16xi32>
    %eq3A_791 = arith.cmpi eq, %select_n3A_712, %eq3A_790 : vector<16xi32>
    %select_n3A_792 = arith.select %eq3A_791, %div3A_747, %broadcast_in_dim3A_749 : vector<16xi1>, vector<16xf32>
    %select_n3A_793 = arith.select %eq3A_788, %div3A_746, %select_n3A_792 : vector<16xi1>, vector<16xf32>
    %swap3A_794 = arith.constant 416 : index
    %swap3A_795 = tpu.vector_load %arg5[%swap3A_794] {strides = array<i32>} : memref<1024xf32, #tpu.memory_space<vmem>>, vector<16xf32>,
    %swap3A_796 = vector.shape_cast %swap3A_795 : vector<16xf32> to vector<16xf32>
    %swap3A_797 = vector.shape_cast %select_n3A_793 : vector<16xf32> to vector<16xf32>
    tpu.vector_store %arg5[%swap3A_794], %swap3A_797 {strides = array<i32>} : memref<1024xf32, #tpu.memory_space<vmem>>, vector<16xf32>,
    %eq3A_798 = arith.constant 4 : i32
    %eq3A_799 = vector.broadcast %eq3A_798 : i32 to vector<16xi32>
    %eq3A_800 = arith.cmpi eq, %select_n3A_627, %eq3A_799 : vector<16xi32>
    %eq3A_801 = arith.constant 4 : i32
    %eq3A_802 = vector.broadcast %eq3A_801 : i32 to vector<16xi32>
    %eq3A_803 = arith.cmpi eq, %select_n3A_712, %eq3A_802 : vector<16xi32>
    %select_n3A_804 = arith.select %eq3A_803, %div3A_747, %broadcast_in_dim3A_749 : vector<16xi1>, vector<16xf32>
    %select_n3A_805 = arith.select %eq3A_800, %div3A_746, %select_n3A_804 : vector<16xi1>, vector<16xf32>
    %swap3A_806 = arith.constant 544 : index
    %swap3A_807 = tpu.vector_load %arg5[%swap3A_806] {strides = array<i32>} : memref<1024xf32, #tpu.memory_space<vmem>>, vector<16xf32>,
    %swap3A_808 = vector.shape_cast %swap3A_807 : vector<16xf32> to vector<16xf32>
    %swap3A_809 = vector.shape_cast %select_n3A_805 : vector<16xf32> to vector<16xf32>
    tpu.vector_store %arg5[%swap3A_806], %swap3A_809 {strides = array<i32>} : memref<1024xf32, #tpu.memory_space<vmem>>, vector<16xf32>,
    %eq3A_810 = arith.constant 5 : i32
    %eq3A_811 = vector.broadcast %eq3A_810 : i32 to vector<16xi32>
    %eq3A_812 = arith.cmpi eq, %select_n3A_627, %eq3A_811 : vector<16xi32>
    %eq3A_813 = arith.constant 5 : i32
    %eq3A_814 = vector.broadcast %eq3A_813 : i32 to vector<16xi32>
    %eq3A_815 = arith.cmpi eq, %select_n3A_712, %eq3A_814 : vector<16xi32>
    %select_n3A_816 = arith.select %eq3A_815, %div3A_747, %broadcast_in_dim3A_749 : vector<16xi1>, vector<16xf32>
    %select_n3A_817 = arith.select %eq3A_812, %div3A_746, %select_n3A_816 : vector<16xi1>, vector<16xf32>
    %swap3A_818 = arith.constant 672 : index
    %swap3A_819 = tpu.vector_load %arg5[%swap3A_818] {strides = array<i32>} : memref<1024xf32, #tpu.memory_space<vmem>>, vector<16xf32>,
    %swap3A_820 = vector.shape_cast %swap3A_819 : vector<16xf32> to vector<16xf32>
    %swap3A_821 = vector.shape_cast %select_n3A_817 : vector<16xf32> to vector<16xf32>
    tpu.vector_store %arg5[%swap3A_818], %swap3A_821 {strides = array<i32>} : memref<1024xf32, #tpu.memory_space<vmem>>, vector<16xf32>,
    %eq3A_822 = arith.constant 6 : i32
    %eq3A_823 = vector.broadcast %eq3A_822 : i32 to vector<16xi32>
    %eq3A_824 = arith.cmpi eq, %select_n3A_627, %eq3A_823 : vector<16xi32>
    %eq3A_825 = arith.constant 6 : i32
    %eq3A_826 = vector.broadcast %eq3A_825 : i32 to vector<16xi32>
    %eq3A_827 = arith.cmpi eq, %select_n3A_712, %eq3A_826 : vector<16xi32>
    %select_n3A_828 = arith.select %eq3A_827, %div3A_747, %broadcast_in_dim3A_749 : vector<16xi1>, vector<16xf32>
    %select_n3A_829 = arith.select %eq3A_824, %div3A_746, %select_n3A_828 : vector<16xi1>, vector<16xf32>
    %swap3A_830 = arith.constant 800 : index
    %swap3A_831 = tpu.vector_load %arg5[%swap3A_830] {strides = array<i32>} : memref<1024xf32, #tpu.memory_space<vmem>>, vector<16xf32>,
    %swap3A_832 = vector.shape_cast %swap3A_831 : vector<16xf32> to vector<16xf32>
    %swap3A_833 = vector.shape_cast %select_n3A_829 : vector<16xf32> to vector<16xf32>
    tpu.vector_store %arg5[%swap3A_830], %swap3A_833 {strides = array<i32>} : memref<1024xf32, #tpu.memory_space<vmem>>, vector<16xf32>,
    %eq3A_834 = arith.constant 7 : i32
    %eq3A_835 = vector.broadcast %eq3A_834 : i32 to vector<16xi32>
    %eq3A_836 = arith.cmpi eq, %select_n3A_627, %eq3A_835 : vector<16xi32>
    %eq3A_837 = arith.constant 7 : i32
    %eq3A_838 = vector.broadcast %eq3A_837 : i32 to vector<16xi32>
    %eq3A_839 = arith.cmpi eq, %select_n3A_712, %eq3A_838 : vector<16xi32>
    %select_n3A_840 = arith.select %eq3A_839, %div3A_747, %broadcast_in_dim3A_749 : vector<16xi1>, vector<16xf32>
    %select_n3A_841 = arith.select %eq3A_836, %div3A_746, %select_n3A_840 : vector<16xi1>, vector<16xf32>
    %swap3A_842 = arith.constant 928 : index
    %swap3A_843 = tpu.vector_load %arg5[%swap3A_842] {strides = array<i32>} : memref<1024xf32, #tpu.memory_space<vmem>>, vector<16xf32>,
    %swap3A_844 = vector.shape_cast %swap3A_843 : vector<16xf32> to vector<16xf32>
    %swap3A_845 = vector.shape_cast %select_n3A_841 : vector<16xf32> to vector<16xf32>
    tpu.vector_store %arg5[%swap3A_842], %swap3A_845 {strides = array<i32>} : memref<1024xf32, #tpu.memory_space<vmem>>, vector<16xf32>,
    %get3A_846 = arith.constant 48 : index
    %get3A_847 = tpu.vector_load %arg4[%get3A_846] {strides = array<i32>} : memref<1024xf32, #tpu.memory_space<vmem>>, vector<16xf32>,
    %get3A_848 = vector.shape_cast %get3A_847 : vector<16xf32> to vector<16xf32>
    %get3A_849 = arith.constant 176 : index
    %get3A_850 = tpu.vector_load %arg4[%get3A_849] {strides = array<i32>} : memref<1024xf32, #tpu.memory_space<vmem>>, vector<16xf32>,
    %get3A_851 = vector.shape_cast %get3A_850 : vector<16xf32> to vector<16xf32>
    %get3A_852 = arith.constant 304 : index
    %get3A_853 = tpu.vector_load %arg4[%get3A_852] {strides = array<i32>} : memref<1024xf32, #tpu.memory_space<vmem>>, vector<16xf32>,
    %get3A_854 = vector.shape_cast %get3A_853 : vector<16xf32> to vector<16xf32>
    %get3A_855 = arith.constant 432 : index
    %get3A_856 = tpu.vector_load %arg4[%get3A_855] {strides = array<i32>} : memref<1024xf32, #tpu.memory_space<vmem>>, vector<16xf32>,
    %get3A_857 = vector.shape_cast %get3A_856 : vector<16xf32> to vector<16xf32>
    %get3A_858 = arith.constant 560 : index
    %get3A_859 = tpu.vector_load %arg4[%get3A_858] {strides = array<i32>} : memref<1024xf32, #tpu.memory_space<vmem>>, vector<16xf32>,
    %get3A_860 = vector.shape_cast %get3A_859 : vector<16xf32> to vector<16xf32>
    %get3A_861 = arith.constant 688 : index
    %get3A_862 = tpu.vector_load %arg4[%get3A_861] {strides = array<i32>} : memref<1024xf32, #tpu.memory_space<vmem>>, vector<16xf32>,
    %get3A_863 = vector.shape_cast %get3A_862 : vector<16xf32> to vector<16xf32>
    %get3A_864 = arith.constant 816 : index
    %get3A_865 = tpu.vector_load %arg4[%get3A_864] {strides = array<i32>} : memref<1024xf32, #tpu.memory_space<vmem>>, vector<16xf32>,
    %get3A_866 = vector.shape_cast %get3A_865 : vector<16xf32> to vector<16xf32>
    %get3A_867 = arith.constant 944 : index
    %get3A_868 = tpu.vector_load %arg4[%get3A_867] {strides = array<i32>} : memref<1024xf32, #tpu.memory_space<vmem>>, vector<16xf32>,
    %get3A_869 = vector.shape_cast %get3A_868 : vector<16xf32> to vector<16xf32>
    %max3A_870 = arith.maximumf %get3A_848, %get3A_851 : vector<16xf32>
    %max3A_871 = arith.maximumf %max3A_870, %get3A_854 : vector<16xf32>
    %max3A_872 = arith.maximumf %max3A_871, %get3A_857 : vector<16xf32>
    %max3A_873 = arith.maximumf %max3A_872, %get3A_860 : vector<16xf32>
    %max3A_874 = arith.maximumf %max3A_873, %get3A_863 : vector<16xf32>
    %max3A_875 = arith.maximumf %max3A_874, %get3A_866 : vector<16xf32>
    %max3A_876 = arith.maximumf %max3A_875, %get3A_869 : vector<16xf32>
    %broadcast_in_dim3A_877 = arith.constant 7 : i32
    %broadcast_in_dim3A_878 = vector.broadcast %broadcast_in_dim3A_877 : i32 to vector<16xi32>
    %eq3A_879 = arith.cmpf oeq, %get3A_866, %max3A_876 : vector<16xf32>
    %jit3A_880 = arith.constant 6 : i32
    %broadcast_in_dim3A_881 = vector.broadcast %jit3A_880 : i32 to vector<16xi32>
    %select_n3A_882 = arith.select %eq3A_879, %broadcast_in_dim3A_881, %broadcast_in_dim3A_878 : vector<16xi1>, vector<16xi32>
    %eq3A_883 = arith.cmpf oeq, %get3A_863, %max3A_876 : vector<16xf32>
    %jit3A_884 = arith.constant 5 : i32
    %broadcast_in_dim3A_885 = vector.broadcast %jit3A_884 : i32 to vector<16xi32>
    %select_n3A_886 = arith.select %eq3A_883, %broadcast_in_dim3A_885, %select_n3A_882 : vector<16xi1>, vector<16xi32>
    %eq3A_887 = arith.cmpf oeq, %get3A_860, %max3A_876 : vector<16xf32>
    %jit3A_888 = arith.constant 4 : i32
    %broadcast_in_dim3A_889 = vector.broadcast %jit3A_888 : i32 to vector<16xi32>
    %select_n3A_890 = arith.select %eq3A_887, %broadcast_in_dim3A_889, %select_n3A_886 : vector<16xi1>, vector<16xi32>
    %eq3A_891 = arith.cmpf oeq, %get3A_857, %max3A_876 : vector<16xf32>
    %jit3A_892 = arith.constant 3 : i32
    %broadcast_in_dim3A_893 = vector.broadcast %jit3A_892 : i32 to vector<16xi32>
    %select_n3A_894 = arith.select %eq3A_891, %broadcast_in_dim3A_893, %select_n3A_890 : vector<16xi1>, vector<16xi32>
    %eq3A_895 = arith.cmpf oeq, %get3A_854, %max3A_876 : vector<16xf32>
    %jit3A_896 = arith.constant 2 : i32
    %broadcast_in_dim3A_897 = vector.broadcast %jit3A_896 : i32 to vector<16xi32>
    %select_n3A_898 = arith.select %eq3A_895, %broadcast_in_dim3A_897, %select_n3A_894 : vector<16xi1>, vector<16xi32>
    %eq3A_899 = arith.cmpf oeq, %get3A_851, %max3A_876 : vector<16xf32>
    %jit3A_900 = arith.constant 1 : i32
    %broadcast_in_dim3A_901 = vector.broadcast %jit3A_900 : i32 to vector<16xi32>
    %select_n3A_902 = arith.select %eq3A_899, %broadcast_in_dim3A_901, %select_n3A_898 : vector<16xi1>, vector<16xi32>
    %eq3A_903 = arith.cmpf oeq, %get3A_848, %max3A_876 : vector<16xf32>
    %jit3A_904 = arith.constant 0 : i32
    %broadcast_in_dim3A_905 = vector.broadcast %jit3A_904 : i32 to vector<16xi32>
    %select_n3A_906 = arith.select %eq3A_903, %broadcast_in_dim3A_905, %select_n3A_902 : vector<16xi1>, vector<16xi32>
    %eq3A_907 = arith.constant 0 : i32
    %eq3A_908 = vector.broadcast %eq3A_907 : i32 to vector<16xi32>
    %eq3A_909 = arith.cmpi eq, %select_n3A_906, %eq3A_908 : vector<16xi32>
    %jit3A_910 = arith.constant -3.000000e+38 : f32
    %broadcast_in_dim3A_911 = vector.broadcast %jit3A_910 : f32 to vector<16xf32>
    %select_n3A_912 = arith.select %eq3A_909, %broadcast_in_dim3A_911, %get3A_848 : vector<16xi1>, vector<16xf32>
    %eq3A_913 = arith.constant 1 : i32
    %eq3A_914 = vector.broadcast %eq3A_913 : i32 to vector<16xi32>
    %eq3A_915 = arith.cmpi eq, %select_n3A_906, %eq3A_914 : vector<16xi32>
    %jit3A_916 = arith.constant -3.000000e+38 : f32
    %broadcast_in_dim3A_917 = vector.broadcast %jit3A_916 : f32 to vector<16xf32>
    %select_n3A_918 = arith.select %eq3A_915, %broadcast_in_dim3A_917, %get3A_851 : vector<16xi1>, vector<16xf32>
    %eq3A_919 = arith.constant 2 : i32
    %eq3A_920 = vector.broadcast %eq3A_919 : i32 to vector<16xi32>
    %eq3A_921 = arith.cmpi eq, %select_n3A_906, %eq3A_920 : vector<16xi32>
    %jit3A_922 = arith.constant -3.000000e+38 : f32
    %broadcast_in_dim3A_923 = vector.broadcast %jit3A_922 : f32 to vector<16xf32>
    %select_n3A_924 = arith.select %eq3A_921, %broadcast_in_dim3A_923, %get3A_854 : vector<16xi1>, vector<16xf32>
    %eq3A_925 = arith.constant 3 : i32
    %eq3A_926 = vector.broadcast %eq3A_925 : i32 to vector<16xi32>
    %eq3A_927 = arith.cmpi eq, %select_n3A_906, %eq3A_926 : vector<16xi32>
    %jit3A_928 = arith.constant -3.000000e+38 : f32
    %broadcast_in_dim3A_929 = vector.broadcast %jit3A_928 : f32 to vector<16xf32>
    %select_n3A_930 = arith.select %eq3A_927, %broadcast_in_dim3A_929, %get3A_857 : vector<16xi1>, vector<16xf32>
    %eq3A_931 = arith.constant 4 : i32
    %eq3A_932 = vector.broadcast %eq3A_931 : i32 to vector<16xi32>
    %eq3A_933 = arith.cmpi eq, %select_n3A_906, %eq3A_932 : vector<16xi32>
    %jit3A_934 = arith.constant -3.000000e+38 : f32
    %broadcast_in_dim3A_935 = vector.broadcast %jit3A_934 : f32 to vector<16xf32>
    %select_n3A_936 = arith.select %eq3A_933, %broadcast_in_dim3A_935, %get3A_860 : vector<16xi1>, vector<16xf32>
    %eq3A_937 = arith.constant 5 : i32
    %eq3A_938 = vector.broadcast %eq3A_937 : i32 to vector<16xi32>
    %eq3A_939 = arith.cmpi eq, %select_n3A_906, %eq3A_938 : vector<16xi32>
    %jit3A_940 = arith.constant -3.000000e+38 : f32
    %broadcast_in_dim3A_941 = vector.broadcast %jit3A_940 : f32 to vector<16xf32>
    %select_n3A_942 = arith.select %eq3A_939, %broadcast_in_dim3A_941, %get3A_863 : vector<16xi1>, vector<16xf32>
    %eq3A_943 = arith.constant 6 : i32
    %eq3A_944 = vector.broadcast %eq3A_943 : i32 to vector<16xi32>
    %eq3A_945 = arith.cmpi eq, %select_n3A_906, %eq3A_944 : vector<16xi32>
    %jit3A_946 = arith.constant -3.000000e+38 : f32
    %broadcast_in_dim3A_947 = vector.broadcast %jit3A_946 : f32 to vector<16xf32>
    %select_n3A_948 = arith.select %eq3A_945, %broadcast_in_dim3A_947, %get3A_866 : vector<16xi1>, vector<16xf32>
    %eq3A_949 = arith.constant 7 : i32
    %eq3A_950 = vector.broadcast %eq3A_949 : i32 to vector<16xi32>
    %eq3A_951 = arith.cmpi eq, %select_n3A_906, %eq3A_950 : vector<16xi32>
    %jit3A_952 = arith.constant -3.000000e+38 : f32
    %broadcast_in_dim3A_953 = vector.broadcast %jit3A_952 : f32 to vector<16xf32>
    %select_n3A_954 = arith.select %eq3A_951, %broadcast_in_dim3A_953, %get3A_869 : vector<16xi1>, vector<16xf32>
    %max3A_955 = arith.maximumf %select_n3A_912, %select_n3A_918 : vector<16xf32>
    %max3A_956 = arith.maximumf %max3A_955, %select_n3A_924 : vector<16xf32>
    %max3A_957 = arith.maximumf %max3A_956, %select_n3A_930 : vector<16xf32>
    %max3A_958 = arith.maximumf %max3A_957, %select_n3A_936 : vector<16xf32>
    %max3A_959 = arith.maximumf %max3A_958, %select_n3A_942 : vector<16xf32>
    %max3A_960 = arith.maximumf %max3A_959, %select_n3A_948 : vector<16xf32>
    %max3A_961 = arith.maximumf %max3A_960, %select_n3A_954 : vector<16xf32>
    %broadcast_in_dim3A_962 = arith.constant 7 : i32
    %broadcast_in_dim3A_963 = vector.broadcast %broadcast_in_dim3A_962 : i32 to vector<16xi32>
    %eq3A_964 = arith.cmpf oeq, %select_n3A_948, %max3A_961 : vector<16xf32>
    %jit3A_965 = arith.constant 6 : i32
    %broadcast_in_dim3A_966 = vector.broadcast %jit3A_965 : i32 to vector<16xi32>
    %select_n3A_967 = arith.select %eq3A_964, %broadcast_in_dim3A_966, %broadcast_in_dim3A_963 : vector<16xi1>, vector<16xi32>
    %eq3A_968 = arith.cmpf oeq, %select_n3A_942, %max3A_961 : vector<16xf32>
    %jit3A_969 = arith.constant 5 : i32
    %broadcast_in_dim3A_970 = vector.broadcast %jit3A_969 : i32 to vector<16xi32>
    %select_n3A_971 = arith.select %eq3A_968, %broadcast_in_dim3A_970, %select_n3A_967 : vector<16xi1>, vector<16xi32>
    %eq3A_972 = arith.cmpf oeq, %select_n3A_936, %max3A_961 : vector<16xf32>
    %jit3A_973 = arith.constant 4 : i32
    %broadcast_in_dim3A_974 = vector.broadcast %jit3A_973 : i32 to vector<16xi32>
    %select_n3A_975 = arith.select %eq3A_972, %broadcast_in_dim3A_974, %select_n3A_971 : vector<16xi1>, vector<16xi32>
    %eq3A_976 = arith.cmpf oeq, %select_n3A_930, %max3A_961 : vector<16xf32>
    %jit3A_977 = arith.constant 3 : i32
    %broadcast_in_dim3A_978 = vector.broadcast %jit3A_977 : i32 to vector<16xi32>
    %select_n3A_979 = arith.select %eq3A_976, %broadcast_in_dim3A_978, %select_n3A_975 : vector<16xi1>, vector<16xi32>
    %eq3A_980 = arith.cmpf oeq, %select_n3A_924, %max3A_961 : vector<16xf32>
    %jit3A_981 = arith.constant 2 : i32
    %broadcast_in_dim3A_982 = vector.broadcast %jit3A_981 : i32 to vector<16xi32>
    %select_n3A_983 = arith.select %eq3A_980, %broadcast_in_dim3A_982, %select_n3A_979 : vector<16xi1>, vector<16xi32>
    %eq3A_984 = arith.cmpf oeq, %select_n3A_918, %max3A_961 : vector<16xf32>
    %jit3A_985 = arith.constant 1 : i32
    %broadcast_in_dim3A_986 = vector.broadcast %jit3A_985 : i32 to vector<16xi32>
    %select_n3A_987 = arith.select %eq3A_984, %broadcast_in_dim3A_986, %select_n3A_983 : vector<16xi1>, vector<16xi32>
    %eq3A_988 = arith.cmpf oeq, %select_n3A_912, %max3A_961 : vector<16xf32>
    %jit3A_989 = arith.constant 0 : i32
    %broadcast_in_dim3A_990 = vector.broadcast %jit3A_989 : i32 to vector<16xi32>
    %select_n3A_991 = arith.select %eq3A_988, %broadcast_in_dim3A_990, %select_n3A_987 : vector<16xi1>, vector<16xi32>
    %sub3A_992 = arith.subf %get3A_848, %max3A_876 : vector<16xf32>
    %exp3A_993 = math.exp %sub3A_992 : vector<16xf32>
    %sub3A_994 = arith.subf %get3A_851, %max3A_876 : vector<16xf32>
    %exp3A_995 = math.exp %sub3A_994 : vector<16xf32>
    %add3A_996 = arith.addf %exp3A_993, %exp3A_995 : vector<16xf32>
    %sub3A_997 = arith.subf %get3A_854, %max3A_876 : vector<16xf32>
    %exp3A_998 = math.exp %sub3A_997 : vector<16xf32>
    %add3A_999 = arith.addf %add3A_996, %exp3A_998 : vector<16xf32>
    %sub3A_1000 = arith.subf %get3A_857, %max3A_876 : vector<16xf32>
    %exp3A_1001 = math.exp %sub3A_1000 : vector<16xf32>
    %add3A_1002 = arith.addf %add3A_999, %exp3A_1001 : vector<16xf32>
    %sub3A_1003 = arith.subf %get3A_860, %max3A_876 : vector<16xf32>
    %exp3A_1004 = math.exp %sub3A_1003 : vector<16xf32>
    %add3A_1005 = arith.addf %add3A_1002, %exp3A_1004 : vector<16xf32>
    %sub3A_1006 = arith.subf %get3A_863, %max3A_876 : vector<16xf32>
    %exp3A_1007 = math.exp %sub3A_1006 : vector<16xf32>
    %add3A_1008 = arith.addf %add3A_1005, %exp3A_1007 : vector<16xf32>
    %sub3A_1009 = arith.subf %get3A_866, %max3A_876 : vector<16xf32>
    %exp3A_1010 = math.exp %sub3A_1009 : vector<16xf32>
    %add3A_1011 = arith.addf %add3A_1008, %exp3A_1010 : vector<16xf32>
    %sub3A_1012 = arith.subf %get3A_869, %max3A_876 : vector<16xf32>
    %exp3A_1013 = math.exp %sub3A_1012 : vector<16xf32>
    %add3A_1014 = arith.addf %add3A_1011, %exp3A_1013 : vector<16xf32>
    %div3A_1015 = arith.constant 1.000000e+00 : f32
    %div3A_1016 = vector.broadcast %div3A_1015 : f32 to vector<16xf32>
    %div3A_1017 = arith.divf %div3A_1016, %add3A_1014 : vector<16xf32>
    %sub3A_1018 = arith.subf %max3A_961, %max3A_876 : vector<16xf32>
    %exp3A_1019 = math.exp %sub3A_1018 : vector<16xf32>
    %div3A_1020 = arith.divf %exp3A_1019, %add3A_1014 : vector<16xf32>
    %add3A_1021 = arith.addf %div3A_1017, %div3A_1020 : vector<16xf32>
    %add3A_1022 = arith.constant 9.99999997E-7 : f32
    %add3A_1023 = vector.broadcast %add3A_1022 : f32 to vector<16xf32>
    %add3A_1024 = arith.addf %add3A_1021, %add3A_1023 : vector<16xf32>
    %div3A_1025 = arith.divf %div3A_1017, %add3A_1024 : vector<16xf32>
    %div3A_1026 = arith.divf %div3A_1020, %add3A_1024 : vector<16xf32>
    %broadcast_in_dim3A_1027 = arith.constant 0.000000e+00 : f32
    %broadcast_in_dim3A_1028 = vector.broadcast %broadcast_in_dim3A_1027 : f32 to vector<16xf32>
    %eq3A_1029 = arith.constant 0 : i32
    %eq3A_1030 = vector.broadcast %eq3A_1029 : i32 to vector<16xi32>
    %eq3A_1031 = arith.cmpi eq, %select_n3A_906, %eq3A_1030 : vector<16xi32>
    %eq3A_1032 = arith.constant 0 : i32
    %eq3A_1033 = vector.broadcast %eq3A_1032 : i32 to vector<16xi32>
    %eq3A_1034 = arith.cmpi eq, %select_n3A_991, %eq3A_1033 : vector<16xi32>
    %select_n3A_1035 = arith.select %eq3A_1034, %div3A_1026, %broadcast_in_dim3A_1028 : vector<16xi1>, vector<16xf32>
    %select_n3A_1036 = arith.select %eq3A_1031, %div3A_1025, %select_n3A_1035 : vector<16xi1>, vector<16xf32>
    %swap3A_1037 = arith.constant 48 : index
    %swap3A_1038 = tpu.vector_load %arg5[%swap3A_1037] {strides = array<i32>} : memref<1024xf32, #tpu.memory_space<vmem>>, vector<16xf32>,
    %swap3A_1039 = vector.shape_cast %swap3A_1038 : vector<16xf32> to vector<16xf32>
    %swap3A_1040 = vector.shape_cast %select_n3A_1036 : vector<16xf32> to vector<16xf32>
    tpu.vector_store %arg5[%swap3A_1037], %swap3A_1040 {strides = array<i32>} : memref<1024xf32, #tpu.memory_space<vmem>>, vector<16xf32>,
    %eq3A_1041 = arith.constant 1 : i32
    %eq3A_1042 = vector.broadcast %eq3A_1041 : i32 to vector<16xi32>
    %eq3A_1043 = arith.cmpi eq, %select_n3A_906, %eq3A_1042 : vector<16xi32>
    %eq3A_1044 = arith.constant 1 : i32
    %eq3A_1045 = vector.broadcast %eq3A_1044 : i32 to vector<16xi32>
    %eq3A_1046 = arith.cmpi eq, %select_n3A_991, %eq3A_1045 : vector<16xi32>
    %select_n3A_1047 = arith.select %eq3A_1046, %div3A_1026, %broadcast_in_dim3A_1028 : vector<16xi1>, vector<16xf32>
    %select_n3A_1048 = arith.select %eq3A_1043, %div3A_1025, %select_n3A_1047 : vector<16xi1>, vector<16xf32>
    %swap3A_1049 = arith.constant 176 : index
    %swap3A_1050 = tpu.vector_load %arg5[%swap3A_1049] {strides = array<i32>} : memref<1024xf32, #tpu.memory_space<vmem>>, vector<16xf32>,
    %swap3A_1051 = vector.shape_cast %swap3A_1050 : vector<16xf32> to vector<16xf32>
    %swap3A_1052 = vector.shape_cast %select_n3A_1048 : vector<16xf32> to vector<16xf32>
    tpu.vector_store %arg5[%swap3A_1049], %swap3A_1052 {strides = array<i32>} : memref<1024xf32, #tpu.memory_space<vmem>>, vector<16xf32>,
    %eq3A_1053 = arith.constant 2 : i32
    %eq3A_1054 = vector.broadcast %eq3A_1053 : i32 to vector<16xi32>
    %eq3A_1055 = arith.cmpi eq, %select_n3A_906, %eq3A_1054 : vector<16xi32>
    %eq3A_1056 = arith.constant 2 : i32
    %eq3A_1057 = vector.broadcast %eq3A_1056 : i32 to vector<16xi32>
    %eq3A_1058 = arith.cmpi eq, %select_n3A_991, %eq3A_1057 : vector<16xi32>
    %select_n3A_1059 = arith.select %eq3A_1058, %div3A_1026, %broadcast_in_dim3A_1028 : vector<16xi1>, vector<16xf32>
    %select_n3A_1060 = arith.select %eq3A_1055, %div3A_1025, %select_n3A_1059 : vector<16xi1>, vector<16xf32>
    %swap3A_1061 = arith.constant 304 : index
    %swap3A_1062 = tpu.vector_load %arg5[%swap3A_1061] {strides = array<i32>} : memref<1024xf32, #tpu.memory_space<vmem>>, vector<16xf32>,
    %swap3A_1063 = vector.shape_cast %swap3A_1062 : vector<16xf32> to vector<16xf32>
    %swap3A_1064 = vector.shape_cast %select_n3A_1060 : vector<16xf32> to vector<16xf32>
    tpu.vector_store %arg5[%swap3A_1061], %swap3A_1064 {strides = array<i32>} : memref<1024xf32, #tpu.memory_space<vmem>>, vector<16xf32>,
    %eq3A_1065 = arith.constant 3 : i32
    %eq3A_1066 = vector.broadcast %eq3A_1065 : i32 to vector<16xi32>
    %eq3A_1067 = arith.cmpi eq, %select_n3A_906, %eq3A_1066 : vector<16xi32>
    %eq3A_1068 = arith.constant 3 : i32
    %eq3A_1069 = vector.broadcast %eq3A_1068 : i32 to vector<16xi32>
    %eq3A_1070 = arith.cmpi eq, %select_n3A_991, %eq3A_1069 : vector<16xi32>
    %select_n3A_1071 = arith.select %eq3A_1070, %div3A_1026, %broadcast_in_dim3A_1028 : vector<16xi1>, vector<16xf32>
    %select_n3A_1072 = arith.select %eq3A_1067, %div3A_1025, %select_n3A_1071 : vector<16xi1>, vector<16xf32>
    %swap3A_1073 = arith.constant 432 : index
    %swap3A_1074 = tpu.vector_load %arg5[%swap3A_1073] {strides = array<i32>} : memref<1024xf32, #tpu.memory_space<vmem>>, vector<16xf32>,
    %swap3A_1075 = vector.shape_cast %swap3A_1074 : vector<16xf32> to vector<16xf32>
    %swap3A_1076 = vector.shape_cast %select_n3A_1072 : vector<16xf32> to vector<16xf32>
    tpu.vector_store %arg5[%swap3A_1073], %swap3A_1076 {strides = array<i32>} : memref<1024xf32, #tpu.memory_space<vmem>>, vector<16xf32>,
    %eq3A_1077 = arith.constant 4 : i32
    %eq3A_1078 = vector.broadcast %eq3A_1077 : i32 to vector<16xi32>
    %eq3A_1079 = arith.cmpi eq, %select_n3A_906, %eq3A_1078 : vector<16xi32>
    %eq3A_1080 = arith.constant 4 : i32
    %eq3A_1081 = vector.broadcast %eq3A_1080 : i32 to vector<16xi32>
    %eq3A_1082 = arith.cmpi eq, %select_n3A_991, %eq3A_1081 : vector<16xi32>
    %select_n3A_1083 = arith.select %eq3A_1082, %div3A_1026, %broadcast_in_dim3A_1028 : vector<16xi1>, vector<16xf32>
    %select_n3A_1084 = arith.select %eq3A_1079, %div3A_1025, %select_n3A_1083 : vector<16xi1>, vector<16xf32>
    %swap3A_1085 = arith.constant 560 : index
    %swap3A_1086 = tpu.vector_load %arg5[%swap3A_1085] {strides = array<i32>} : memref<1024xf32, #tpu.memory_space<vmem>>, vector<16xf32>,
    %swap3A_1087 = vector.shape_cast %swap3A_1086 : vector<16xf32> to vector<16xf32>
    %swap3A_1088 = vector.shape_cast %select_n3A_1084 : vector<16xf32> to vector<16xf32>
    tpu.vector_store %arg5[%swap3A_1085], %swap3A_1088 {strides = array<i32>} : memref<1024xf32, #tpu.memory_space<vmem>>, vector<16xf32>,
    %eq3A_1089 = arith.constant 5 : i32
    %eq3A_1090 = vector.broadcast %eq3A_1089 : i32 to vector<16xi32>
    %eq3A_1091 = arith.cmpi eq, %select_n3A_906, %eq3A_1090 : vector<16xi32>
    %eq3A_1092 = arith.constant 5 : i32
    %eq3A_1093 = vector.broadcast %eq3A_1092 : i32 to vector<16xi32>
    %eq3A_1094 = arith.cmpi eq, %select_n3A_991, %eq3A_1093 : vector<16xi32>
    %select_n3A_1095 = arith.select %eq3A_1094, %div3A_1026, %broadcast_in_dim3A_1028 : vector<16xi1>, vector<16xf32>
    %select_n3A_1096 = arith.select %eq3A_1091, %div3A_1025, %select_n3A_1095 : vector<16xi1>, vector<16xf32>
    %swap3A_1097 = arith.constant 688 : index
    %swap3A_1098 = tpu.vector_load %arg5[%swap3A_1097] {strides = array<i32>} : memref<1024xf32, #tpu.memory_space<vmem>>, vector<16xf32>,
    %swap3A_1099 = vector.shape_cast %swap3A_1098 : vector<16xf32> to vector<16xf32>
    %swap3A_1100 = vector.shape_cast %select_n3A_1096 : vector<16xf32> to vector<16xf32>
    tpu.vector_store %arg5[%swap3A_1097], %swap3A_1100 {strides = array<i32>} : memref<1024xf32, #tpu.memory_space<vmem>>, vector<16xf32>,
    %eq3A_1101 = arith.constant 6 : i32
    %eq3A_1102 = vector.broadcast %eq3A_1101 : i32 to vector<16xi32>
    %eq3A_1103 = arith.cmpi eq, %select_n3A_906, %eq3A_1102 : vector<16xi32>
    %eq3A_1104 = arith.constant 6 : i32
    %eq3A_1105 = vector.broadcast %eq3A_1104 : i32 to vector<16xi32>
    %eq3A_1106 = arith.cmpi eq, %select_n3A_991, %eq3A_1105 : vector<16xi32>
    %select_n3A_1107 = arith.select %eq3A_1106, %div3A_1026, %broadcast_in_dim3A_1028 : vector<16xi1>, vector<16xf32>
    %select_n3A_1108 = arith.select %eq3A_1103, %div3A_1025, %select_n3A_1107 : vector<16xi1>, vector<16xf32>
    %swap3A_1109 = arith.constant 816 : index
    %swap3A_1110 = tpu.vector_load %arg5[%swap3A_1109] {strides = array<i32>} : memref<1024xf32, #tpu.memory_space<vmem>>, vector<16xf32>,
    %swap3A_1111 = vector.shape_cast %swap3A_1110 : vector<16xf32> to vector<16xf32>
    %swap3A_1112 = vector.shape_cast %select_n3A_1108 : vector<16xf32> to vector<16xf32>
    tpu.vector_store %arg5[%swap3A_1109], %swap3A_1112 {strides = array<i32>} : memref<1024xf32, #tpu.memory_space<vmem>>, vector<16xf32>,
    %eq3A_1113 = arith.constant 7 : i32
    %eq3A_1114 = vector.broadcast %eq3A_1113 : i32 to vector<16xi32>
    %eq3A_1115 = arith.cmpi eq, %select_n3A_906, %eq3A_1114 : vector<16xi32>
    %eq3A_1116 = arith.constant 7 : i32
    %eq3A_1117 = vector.broadcast %eq3A_1116 : i32 to vector<16xi32>
    %eq3A_1118 = arith.cmpi eq, %select_n3A_991, %eq3A_1117 : vector<16xi32>
    %select_n3A_1119 = arith.select %eq3A_1118, %div3A_1026, %broadcast_in_dim3A_1028 : vector<16xi1>, vector<16xf32>
    %select_n3A_1120 = arith.select %eq3A_1115, %div3A_1025, %select_n3A_1119 : vector<16xi1>, vector<16xf32>
    %swap3A_1121 = arith.constant 944 : index
    %swap3A_1122 = tpu.vector_load %arg5[%swap3A_1121] {strides = array<i32>} : memref<1024xf32, #tpu.memory_space<vmem>>, vector<16xf32>,
    %swap3A_1123 = vector.shape_cast %swap3A_1122 : vector<16xf32> to vector<16xf32>
    %swap3A_1124 = vector.shape_cast %select_n3A_1120 : vector<16xf32> to vector<16xf32>
    tpu.vector_store %arg5[%swap3A_1121], %swap3A_1124 {strides = array<i32>} : memref<1024xf32, #tpu.memory_space<vmem>>, vector<16xf32>,
    %get3A_1125 = arith.constant 64 : index
    %get3A_1126 = tpu.vector_load %arg4[%get3A_1125] {strides = array<i32>} : memref<1024xf32, #tpu.memory_space<vmem>>, vector<16xf32>,
    %get3A_1127 = vector.shape_cast %get3A_1126 : vector<16xf32> to vector<16xf32>
    %get3A_1128 = arith.constant 192 : index
    %get3A_1129 = tpu.vector_load %arg4[%get3A_1128] {strides = array<i32>} : memref<1024xf32, #tpu.memory_space<vmem>>, vector<16xf32>,
    %get3A_1130 = vector.shape_cast %get3A_1129 : vector<16xf32> to vector<16xf32>
    %get3A_1131 = arith.constant 320 : index
    %get3A_1132 = tpu.vector_load %arg4[%get3A_1131] {strides = array<i32>} : memref<1024xf32, #tpu.memory_space<vmem>>, vector<16xf32>,
    %get3A_1133 = vector.shape_cast %get3A_1132 : vector<16xf32> to vector<16xf32>
    %get3A_1134 = arith.constant 448 : index
    %get3A_1135 = tpu.vector_load %arg4[%get3A_1134] {strides = array<i32>} : memref<1024xf32, #tpu.memory_space<vmem>>, vector<16xf32>,
    %get3A_1136 = vector.shape_cast %get3A_1135 : vector<16xf32> to vector<16xf32>
    %get3A_1137 = arith.constant 576 : index
    %get3A_1138 = tpu.vector_load %arg4[%get3A_1137] {strides = array<i32>} : memref<1024xf32, #tpu.memory_space<vmem>>, vector<16xf32>,
    %get3A_1139 = vector.shape_cast %get3A_1138 : vector<16xf32> to vector<16xf32>
    %get3A_1140 = arith.constant 704 : index
    %get3A_1141 = tpu.vector_load %arg4[%get3A_1140] {strides = array<i32>} : memref<1024xf32, #tpu.memory_space<vmem>>, vector<16xf32>,
    %get3A_1142 = vector.shape_cast %get3A_1141 : vector<16xf32> to vector<16xf32>
    %get3A_1143 = arith.constant 832 : index
    %get3A_1144 = tpu.vector_load %arg4[%get3A_1143] {strides = array<i32>} : memref<1024xf32, #tpu.memory_space<vmem>>, vector<16xf32>,
    %get3A_1145 = vector.shape_cast %get3A_1144 : vector<16xf32> to vector<16xf32>
    %get3A_1146 = arith.constant 960 : index
    %get3A_1147 = tpu.vector_load %arg4[%get3A_1146] {strides = array<i32>} : memref<1024xf32, #tpu.memory_space<vmem>>, vector<16xf32>,
    %get3A_1148 = vector.shape_cast %get3A_1147 : vector<16xf32> to vector<16xf32>
    %max3A_1149 = arith.maximumf %get3A_1127, %get3A_1130 : vector<16xf32>
    %max3A_1150 = arith.maximumf %max3A_1149, %get3A_1133 : vector<16xf32>
    %max3A_1151 = arith.maximumf %max3A_1150, %get3A_1136 : vector<16xf32>
    %max3A_1152 = arith.maximumf %max3A_1151, %get3A_1139 : vector<16xf32>
    %max3A_1153 = arith.maximumf %max3A_1152, %get3A_1142 : vector<16xf32>
    %max3A_1154 = arith.maximumf %max3A_1153, %get3A_1145 : vector<16xf32>
    %max3A_1155 = arith.maximumf %max3A_1154, %get3A_1148 : vector<16xf32>
    %broadcast_in_dim3A_1156 = arith.constant 7 : i32
    %broadcast_in_dim3A_1157 = vector.broadcast %broadcast_in_dim3A_1156 : i32 to vector<16xi32>
    %eq3A_1158 = arith.cmpf oeq, %get3A_1145, %max3A_1155 : vector<16xf32>
    %jit3A_1159 = arith.constant 6 : i32
    %broadcast_in_dim3A_1160 = vector.broadcast %jit3A_1159 : i32 to vector<16xi32>
    %select_n3A_1161 = arith.select %eq3A_1158, %broadcast_in_dim3A_1160, %broadcast_in_dim3A_1157 : vector<16xi1>, vector<16xi32>
    %eq3A_1162 = arith.cmpf oeq, %get3A_1142, %max3A_1155 : vector<16xf32>
    %jit3A_1163 = arith.constant 5 : i32
    %broadcast_in_dim3A_1164 = vector.broadcast %jit3A_1163 : i32 to vector<16xi32>
    %select_n3A_1165 = arith.select %eq3A_1162, %broadcast_in_dim3A_1164, %select_n3A_1161 : vector<16xi1>, vector<16xi32>
    %eq3A_1166 = arith.cmpf oeq, %get3A_1139, %max3A_1155 : vector<16xf32>
    %jit3A_1167 = arith.constant 4 : i32
    %broadcast_in_dim3A_1168 = vector.broadcast %jit3A_1167 : i32 to vector<16xi32>
    %select_n3A_1169 = arith.select %eq3A_1166, %broadcast_in_dim3A_1168, %select_n3A_1165 : vector<16xi1>, vector<16xi32>
    %eq3A_1170 = arith.cmpf oeq, %get3A_1136, %max3A_1155 : vector<16xf32>
    %jit3A_1171 = arith.constant 3 : i32
    %broadcast_in_dim3A_1172 = vector.broadcast %jit3A_1171 : i32 to vector<16xi32>
    %select_n3A_1173 = arith.select %eq3A_1170, %broadcast_in_dim3A_1172, %select_n3A_1169 : vector<16xi1>, vector<16xi32>
    %eq3A_1174 = arith.cmpf oeq, %get3A_1133, %max3A_1155 : vector<16xf32>
    %jit3A_1175 = arith.constant 2 : i32
    %broadcast_in_dim3A_1176 = vector.broadcast %jit3A_1175 : i32 to vector<16xi32>
    %select_n3A_1177 = arith.select %eq3A_1174, %broadcast_in_dim3A_1176, %select_n3A_1173 : vector<16xi1>, vector<16xi32>
    %eq3A_1178 = arith.cmpf oeq, %get3A_1130, %max3A_1155 : vector<16xf32>
    %jit3A_1179 = arith.constant 1 : i32
    %broadcast_in_dim3A_1180 = vector.broadcast %jit3A_1179 : i32 to vector<16xi32>
    %select_n3A_1181 = arith.select %eq3A_1178, %broadcast_in_dim3A_1180, %select_n3A_1177 : vector<16xi1>, vector<16xi32>
    %eq3A_1182 = arith.cmpf oeq, %get3A_1127, %max3A_1155 : vector<16xf32>
    %jit3A_1183 = arith.constant 0 : i32
    %broadcast_in_dim3A_1184 = vector.broadcast %jit3A_1183 : i32 to vector<16xi32>
    %select_n3A_1185 = arith.select %eq3A_1182, %broadcast_in_dim3A_1184, %select_n3A_1181 : vector<16xi1>, vector<16xi32>
    %eq3A_1186 = arith.constant 0 : i32
    %eq3A_1187 = vector.broadcast %eq3A_1186 : i32 to vector<16xi32>
    %eq3A_1188 = arith.cmpi eq, %select_n3A_1185, %eq3A_1187 : vector<16xi32>
    %jit3A_1189 = arith.constant -3.000000e+38 : f32
    %broadcast_in_dim3A_1190 = vector.broadcast %jit3A_1189 : f32 to vector<16xf32>
    %select_n3A_1191 = arith.select %eq3A_1188, %broadcast_in_dim3A_1190, %get3A_1127 : vector<16xi1>, vector<16xf32>
    %eq3A_1192 = arith.constant 1 : i32
    %eq3A_1193 = vector.broadcast %eq3A_1192 : i32 to vector<16xi32>
    %eq3A_1194 = arith.cmpi eq, %select_n3A_1185, %eq3A_1193 : vector<16xi32>
    %jit3A_1195 = arith.constant -3.000000e+38 : f32
    %broadcast_in_dim3A_1196 = vector.broadcast %jit3A_1195 : f32 to vector<16xf32>
    %select_n3A_1197 = arith.select %eq3A_1194, %broadcast_in_dim3A_1196, %get3A_1130 : vector<16xi1>, vector<16xf32>
    %eq3A_1198 = arith.constant 2 : i32
    %eq3A_1199 = vector.broadcast %eq3A_1198 : i32 to vector<16xi32>
    %eq3A_1200 = arith.cmpi eq, %select_n3A_1185, %eq3A_1199 : vector<16xi32>
    %jit3A_1201 = arith.constant -3.000000e+38 : f32
    %broadcast_in_dim3A_1202 = vector.broadcast %jit3A_1201 : f32 to vector<16xf32>
    %select_n3A_1203 = arith.select %eq3A_1200, %broadcast_in_dim3A_1202, %get3A_1133 : vector<16xi1>, vector<16xf32>
    %eq3A_1204 = arith.constant 3 : i32
    %eq3A_1205 = vector.broadcast %eq3A_1204 : i32 to vector<16xi32>
    %eq3A_1206 = arith.cmpi eq, %select_n3A_1185, %eq3A_1205 : vector<16xi32>
    %jit3A_1207 = arith.constant -3.000000e+38 : f32
    %broadcast_in_dim3A_1208 = vector.broadcast %jit3A_1207 : f32 to vector<16xf32>
    %select_n3A_1209 = arith.select %eq3A_1206, %broadcast_in_dim3A_1208, %get3A_1136 : vector<16xi1>, vector<16xf32>
    %eq3A_1210 = arith.constant 4 : i32
    %eq3A_1211 = vector.broadcast %eq3A_1210 : i32 to vector<16xi32>
    %eq3A_1212 = arith.cmpi eq, %select_n3A_1185, %eq3A_1211 : vector<16xi32>
    %jit3A_1213 = arith.constant -3.000000e+38 : f32
    %broadcast_in_dim3A_1214 = vector.broadcast %jit3A_1213 : f32 to vector<16xf32>
    %select_n3A_1215 = arith.select %eq3A_1212, %broadcast_in_dim3A_1214, %get3A_1139 : vector<16xi1>, vector<16xf32>
    %eq3A_1216 = arith.constant 5 : i32
    %eq3A_1217 = vector.broadcast %eq3A_1216 : i32 to vector<16xi32>
    %eq3A_1218 = arith.cmpi eq, %select_n3A_1185, %eq3A_1217 : vector<16xi32>
    %jit3A_1219 = arith.constant -3.000000e+38 : f32
    %broadcast_in_dim3A_1220 = vector.broadcast %jit3A_1219 : f32 to vector<16xf32>
    %select_n3A_1221 = arith.select %eq3A_1218, %broadcast_in_dim3A_1220, %get3A_1142 : vector<16xi1>, vector<16xf32>
    %eq3A_1222 = arith.constant 6 : i32
    %eq3A_1223 = vector.broadcast %eq3A_1222 : i32 to vector<16xi32>
    %eq3A_1224 = arith.cmpi eq, %select_n3A_1185, %eq3A_1223 : vector<16xi32>
    %jit3A_1225 = arith.constant -3.000000e+38 : f32
    %broadcast_in_dim3A_1226 = vector.broadcast %jit3A_1225 : f32 to vector<16xf32>
    %select_n3A_1227 = arith.select %eq3A_1224, %broadcast_in_dim3A_1226, %get3A_1145 : vector<16xi1>, vector<16xf32>
    %eq3A_1228 = arith.constant 7 : i32
    %eq3A_1229 = vector.broadcast %eq3A_1228 : i32 to vector<16xi32>
    %eq3A_1230 = arith.cmpi eq, %select_n3A_1185, %eq3A_1229 : vector<16xi32>
    %jit3A_1231 = arith.constant -3.000000e+38 : f32
    %broadcast_in_dim3A_1232 = vector.broadcast %jit3A_1231 : f32 to vector<16xf32>
    %select_n3A_1233 = arith.select %eq3A_1230, %broadcast_in_dim3A_1232, %get3A_1148 : vector<16xi1>, vector<16xf32>
    %max3A_1234 = arith.maximumf %select_n3A_1191, %select_n3A_1197 : vector<16xf32>
    %max3A_1235 = arith.maximumf %max3A_1234, %select_n3A_1203 : vector<16xf32>
    %max3A_1236 = arith.maximumf %max3A_1235, %select_n3A_1209 : vector<16xf32>
    %max3A_1237 = arith.maximumf %max3A_1236, %select_n3A_1215 : vector<16xf32>
    %max3A_1238 = arith.maximumf %max3A_1237, %select_n3A_1221 : vector<16xf32>
    %max3A_1239 = arith.maximumf %max3A_1238, %select_n3A_1227 : vector<16xf32>
    %max3A_1240 = arith.maximumf %max3A_1239, %select_n3A_1233 : vector<16xf32>
    %broadcast_in_dim3A_1241 = arith.constant 7 : i32
    %broadcast_in_dim3A_1242 = vector.broadcast %broadcast_in_dim3A_1241 : i32 to vector<16xi32>
    %eq3A_1243 = arith.cmpf oeq, %select_n3A_1227, %max3A_1240 : vector<16xf32>
    %jit3A_1244 = arith.constant 6 : i32
    %broadcast_in_dim3A_1245 = vector.broadcast %jit3A_1244 : i32 to vector<16xi32>
    %select_n3A_1246 = arith.select %eq3A_1243, %broadcast_in_dim3A_1245, %broadcast_in_dim3A_1242 : vector<16xi1>, vector<16xi32>
    %eq3A_1247 = arith.cmpf oeq, %select_n3A_1221, %max3A_1240 : vector<16xf32>
    %jit3A_1248 = arith.constant 5 : i32
    %broadcast_in_dim3A_1249 = vector.broadcast %jit3A_1248 : i32 to vector<16xi32>
    %select_n3A_1250 = arith.select %eq3A_1247, %broadcast_in_dim3A_1249, %select_n3A_1246 : vector<16xi1>, vector<16xi32>
    %eq3A_1251 = arith.cmpf oeq, %select_n3A_1215, %max3A_1240 : vector<16xf32>
    %jit3A_1252 = arith.constant 4 : i32
    %broadcast_in_dim3A_1253 = vector.broadcast %jit3A_1252 : i32 to vector<16xi32>
    %select_n3A_1254 = arith.select %eq3A_1251, %broadcast_in_dim3A_1253, %select_n3A_1250 : vector<16xi1>, vector<16xi32>
    %eq3A_1255 = arith.cmpf oeq, %select_n3A_1209, %max3A_1240 : vector<16xf32>
    %jit3A_1256 = arith.constant 3 : i32
    %broadcast_in_dim3A_1257 = vector.broadcast %jit3A_1256 : i32 to vector<16xi32>
    %select_n3A_1258 = arith.select %eq3A_1255, %broadcast_in_dim3A_1257, %select_n3A_1254 : vector<16xi1>, vector<16xi32>
    %eq3A_1259 = arith.cmpf oeq, %select_n3A_1203, %max3A_1240 : vector<16xf32>
    %jit3A_1260 = arith.constant 2 : i32
    %broadcast_in_dim3A_1261 = vector.broadcast %jit3A_1260 : i32 to vector<16xi32>
    %select_n3A_1262 = arith.select %eq3A_1259, %broadcast_in_dim3A_1261, %select_n3A_1258 : vector<16xi1>, vector<16xi32>
    %eq3A_1263 = arith.cmpf oeq, %select_n3A_1197, %max3A_1240 : vector<16xf32>
    %jit3A_1264 = arith.constant 1 : i32
    %broadcast_in_dim3A_1265 = vector.broadcast %jit3A_1264 : i32 to vector<16xi32>
    %select_n3A_1266 = arith.select %eq3A_1263, %broadcast_in_dim3A_1265, %select_n3A_1262 : vector<16xi1>, vector<16xi32>
    %eq3A_1267 = arith.cmpf oeq, %select_n3A_1191, %max3A_1240 : vector<16xf32>
    %jit3A_1268 = arith.constant 0 : i32
    %broadcast_in_dim3A_1269 = vector.broadcast %jit3A_1268 : i32 to vector<16xi32>
    %select_n3A_1270 = arith.select %eq3A_1267, %broadcast_in_dim3A_1269, %select_n3A_1266 : vector<16xi1>, vector<16xi32>
    %sub3A_1271 = arith.subf %get3A_1127, %max3A_1155 : vector<16xf32>
    %exp3A_1272 = math.exp %sub3A_1271 : vector<16xf32>
    %sub3A_1273 = arith.subf %get3A_1130, %max3A_1155 : vector<16xf32>
    %exp3A_1274 = math.exp %sub3A_1273 : vector<16xf32>
    %add3A_1275 = arith.addf %exp3A_1272, %exp3A_1274 : vector<16xf32>
    %sub3A_1276 = arith.subf %get3A_1133, %max3A_1155 : vector<16xf32>
    %exp3A_1277 = math.exp %sub3A_1276 : vector<16xf32>
    %add3A_1278 = arith.addf %add3A_1275, %exp3A_1277 : vector<16xf32>
    %sub3A_1279 = arith.subf %get3A_1136, %max3A_1155 : vector<16xf32>
    %exp3A_1280 = math.exp %sub3A_1279 : vector<16xf32>
    %add3A_1281 = arith.addf %add3A_1278, %exp3A_1280 : vector<16xf32>
    %sub3A_1282 = arith.subf %get3A_1139, %max3A_1155 : vector<16xf32>
    %exp3A_1283 = math.exp %sub3A_1282 : vector<16xf32>
    %add3A_1284 = arith.addf %add3A_1281, %exp3A_1283 : vector<16xf32>
    %sub3A_1285 = arith.subf %get3A_1142, %max3A_1155 : vector<16xf32>
    %exp3A_1286 = math.exp %sub3A_1285 : vector<16xf32>
    %add3A_1287 = arith.addf %add3A_1284, %exp3A_1286 : vector<16xf32>
    %sub3A_1288 = arith.subf %get3A_1145, %max3A_1155 : vector<16xf32>
    %exp3A_1289 = math.exp %sub3A_1288 : vector<16xf32>
    %add3A_1290 = arith.addf %add3A_1287, %exp3A_1289 : vector<16xf32>
    %sub3A_1291 = arith.subf %get3A_1148, %max3A_1155 : vector<16xf32>
    %exp3A_1292 = math.exp %sub3A_1291 : vector<16xf32>
    %add3A_1293 = arith.addf %add3A_1290, %exp3A_1292 : vector<16xf32>
    %div3A_1294 = arith.constant 1.000000e+00 : f32
    %div3A_1295 = vector.broadcast %div3A_1294 : f32 to vector<16xf32>
    %div3A_1296 = arith.divf %div3A_1295, %add3A_1293 : vector<16xf32>
    %sub3A_1297 = arith.subf %max3A_1240, %max3A_1155 : vector<16xf32>
    %exp3A_1298 = math.exp %sub3A_1297 : vector<16xf32>
    %div3A_1299 = arith.divf %exp3A_1298, %add3A_1293 : vector<16xf32>
    %add3A_1300 = arith.addf %div3A_1296, %div3A_1299 : vector<16xf32>
    %add3A_1301 = arith.constant 9.99999997E-7 : f32
    %add3A_1302 = vector.broadcast %add3A_1301 : f32 to vector<16xf32>
    %add3A_1303 = arith.addf %add3A_1300, %add3A_1302 : vector<16xf32>
    %div3A_1304 = arith.divf %div3A_1296, %add3A_1303 : vector<16xf32>
    %div3A_1305 = arith.divf %div3A_1299, %add3A_1303 : vector<16xf32>
    %broadcast_in_dim3A_1306 = arith.constant 0.000000e+00 : f32
    %broadcast_in_dim3A_1307 = vector.broadcast %broadcast_in_dim3A_1306 : f32 to vector<16xf32>
    %eq3A_1308 = arith.constant 0 : i32
    %eq3A_1309 = vector.broadcast %eq3A_1308 : i32 to vector<16xi32>
    %eq3A_1310 = arith.cmpi eq, %select_n3A_1185, %eq3A_1309 : vector<16xi32>
    %eq3A_1311 = arith.constant 0 : i32
    %eq3A_1312 = vector.broadcast %eq3A_1311 : i32 to vector<16xi32>
    %eq3A_1313 = arith.cmpi eq, %select_n3A_1270, %eq3A_1312 : vector<16xi32>
    %select_n3A_1314 = arith.select %eq3A_1313, %div3A_1305, %broadcast_in_dim3A_1307 : vector<16xi1>, vector<16xf32>
    %select_n3A_1315 = arith.select %eq3A_1310, %div3A_1304, %select_n3A_1314 : vector<16xi1>, vector<16xf32>
    %swap3A_1316 = arith.constant 64 : index
    %swap3A_1317 = tpu.vector_load %arg5[%swap3A_1316] {strides = array<i32>} : memref<1024xf32, #tpu.memory_space<vmem>>, vector<16xf32>,
    %swap3A_1318 = vector.shape_cast %swap3A_1317 : vector<16xf32> to vector<16xf32>
    %swap3A_1319 = vector.shape_cast %select_n3A_1315 : vector<16xf32> to vector<16xf32>
    tpu.vector_store %arg5[%swap3A_1316], %swap3A_1319 {strides = array<i32>} : memref<1024xf32, #tpu.memory_space<vmem>>, vector<16xf32>,
    %eq3A_1320 = arith.constant 1 : i32
    %eq3A_1321 = vector.broadcast %eq3A_1320 : i32 to vector<16xi32>
    %eq3A_1322 = arith.cmpi eq, %select_n3A_1185, %eq3A_1321 : vector<16xi32>
    %eq3A_1323 = arith.constant 1 : i32
    %eq3A_1324 = vector.broadcast %eq3A_1323 : i32 to vector<16xi32>
    %eq3A_1325 = arith.cmpi eq, %select_n3A_1270, %eq3A_1324 : vector<16xi32>
    %select_n3A_1326 = arith.select %eq3A_1325, %div3A_1305, %broadcast_in_dim3A_1307 : vector<16xi1>, vector<16xf32>
    %select_n3A_1327 = arith.select %eq3A_1322, %div3A_1304, %select_n3A_1326 : vector<16xi1>, vector<16xf32>
    %swap3A_1328 = arith.constant 192 : index
    %swap3A_1329 = tpu.vector_load %arg5[%swap3A_1328] {strides = array<i32>} : memref<1024xf32, #tpu.memory_space<vmem>>, vector<16xf32>,
    %swap3A_1330 = vector.shape_cast %swap3A_1329 : vector<16xf32> to vector<16xf32>
    %swap3A_1331 = vector.shape_cast %select_n3A_1327 : vector<16xf32> to vector<16xf32>
    tpu.vector_store %arg5[%swap3A_1328], %swap3A_1331 {strides = array<i32>} : memref<1024xf32, #tpu.memory_space<vmem>>, vector<16xf32>,
    %eq3A_1332 = arith.constant 2 : i32
    %eq3A_1333 = vector.broadcast %eq3A_1332 : i32 to vector<16xi32>
    %eq3A_1334 = arith.cmpi eq, %select_n3A_1185, %eq3A_1333 : vector<16xi32>
    %eq3A_1335 = arith.constant 2 : i32
    %eq3A_1336 = vector.broadcast %eq3A_1335 : i32 to vector<16xi32>
    %eq3A_1337 = arith.cmpi eq, %select_n3A_1270, %eq3A_1336 : vector<16xi32>
    %select_n3A_1338 = arith.select %eq3A_1337, %div3A_1305, %broadcast_in_dim3A_1307 : vector<16xi1>, vector<16xf32>
    %select_n3A_1339 = arith.select %eq3A_1334, %div3A_1304, %select_n3A_1338 : vector<16xi1>, vector<16xf32>
    %swap3A_1340 = arith.constant 320 : index
    %swap3A_1341 = tpu.vector_load %arg5[%swap3A_1340] {strides = array<i32>} : memref<1024xf32, #tpu.memory_space<vmem>>, vector<16xf32>,
    %swap3A_1342 = vector.shape_cast %swap3A_1341 : vector<16xf32> to vector<16xf32>
    %swap3A_1343 = vector.shape_cast %select_n3A_1339 : vector<16xf32> to vector<16xf32>
    tpu.vector_store %arg5[%swap3A_1340], %swap3A_1343 {strides = array<i32>} : memref<1024xf32, #tpu.memory_space<vmem>>, vector<16xf32>,
    %eq3A_1344 = arith.constant 3 : i32
    %eq3A_1345 = vector.broadcast %eq3A_1344 : i32 to vector<16xi32>
    %eq3A_1346 = arith.cmpi eq, %select_n3A_1185, %eq3A_1345 : vector<16xi32>
    %eq3A_1347 = arith.constant 3 : i32
    %eq3A_1348 = vector.broadcast %eq3A_1347 : i32 to vector<16xi32>
    %eq3A_1349 = arith.cmpi eq, %select_n3A_1270, %eq3A_1348 : vector<16xi32>
    %select_n3A_1350 = arith.select %eq3A_1349, %div3A_1305, %broadcast_in_dim3A_1307 : vector<16xi1>, vector<16xf32>
    %select_n3A_1351 = arith.select %eq3A_1346, %div3A_1304, %select_n3A_1350 : vector<16xi1>, vector<16xf32>
    %swap3A_1352 = arith.constant 448 : index
    %swap3A_1353 = tpu.vector_load %arg5[%swap3A_1352] {strides = array<i32>} : memref<1024xf32, #tpu.memory_space<vmem>>, vector<16xf32>,
    %swap3A_1354 = vector.shape_cast %swap3A_1353 : vector<16xf32> to vector<16xf32>
    %swap3A_1355 = vector.shape_cast %select_n3A_1351 : vector<16xf32> to vector<16xf32>
    tpu.vector_store %arg5[%swap3A_1352], %swap3A_1355 {strides = array<i32>} : memref<1024xf32, #tpu.memory_space<vmem>>, vector<16xf32>,
    %eq3A_1356 = arith.constant 4 : i32
    %eq3A_1357 = vector.broadcast %eq3A_1356 : i32 to vector<16xi32>
    %eq3A_1358 = arith.cmpi eq, %select_n3A_1185, %eq3A_1357 : vector<16xi32>
    %eq3A_1359 = arith.constant 4 : i32
    %eq3A_1360 = vector.broadcast %eq3A_1359 : i32 to vector<16xi32>
    %eq3A_1361 = arith.cmpi eq, %select_n3A_1270, %eq3A_1360 : vector<16xi32>
    %select_n3A_1362 = arith.select %eq3A_1361, %div3A_1305, %broadcast_in_dim3A_1307 : vector<16xi1>, vector<16xf32>
    %select_n3A_1363 = arith.select %eq3A_1358, %div3A_1304, %select_n3A_1362 : vector<16xi1>, vector<16xf32>
    %swap3A_1364 = arith.constant 576 : index
    %swap3A_1365 = tpu.vector_load %arg5[%swap3A_1364] {strides = array<i32>} : memref<1024xf32, #tpu.memory_space<vmem>>, vector<16xf32>,
    %swap3A_1366 = vector.shape_cast %swap3A_1365 : vector<16xf32> to vector<16xf32>
    %swap3A_1367 = vector.shape_cast %select_n3A_1363 : vector<16xf32> to vector<16xf32>
    tpu.vector_store %arg5[%swap3A_1364], %swap3A_1367 {strides = array<i32>} : memref<1024xf32, #tpu.memory_space<vmem>>, vector<16xf32>,
    %eq3A_1368 = arith.constant 5 : i32
    %eq3A_1369 = vector.broadcast %eq3A_1368 : i32 to vector<16xi32>
    %eq3A_1370 = arith.cmpi eq, %select_n3A_1185, %eq3A_1369 : vector<16xi32>
    %eq3A_1371 = arith.constant 5 : i32
    %eq3A_1372 = vector.broadcast %eq3A_1371 : i32 to vector<16xi32>
    %eq3A_1373 = arith.cmpi eq, %select_n3A_1270, %eq3A_1372 : vector<16xi32>
    %select_n3A_1374 = arith.select %eq3A_1373, %div3A_1305, %broadcast_in_dim3A_1307 : vector<16xi1>, vector<16xf32>
    %select_n3A_1375 = arith.select %eq3A_1370, %div3A_1304, %select_n3A_1374 : vector<16xi1>, vector<16xf32>
    %swap3A_1376 = arith.constant 704 : index
    %swap3A_1377 = tpu.vector_load %arg5[%swap3A_1376] {strides = array<i32>} : memref<1024xf32, #tpu.memory_space<vmem>>, vector<16xf32>,
    %swap3A_1378 = vector.shape_cast %swap3A_1377 : vector<16xf32> to vector<16xf32>
    %swap3A_1379 = vector.shape_cast %select_n3A_1375 : vector<16xf32> to vector<16xf32>
    tpu.vector_store %arg5[%swap3A_1376], %swap3A_1379 {strides = array<i32>} : memref<1024xf32, #tpu.memory_space<vmem>>, vector<16xf32>,
    %eq3A_1380 = arith.constant 6 : i32
    %eq3A_1381 = vector.broadcast %eq3A_1380 : i32 to vector<16xi32>
    %eq3A_1382 = arith.cmpi eq, %select_n3A_1185, %eq3A_1381 : vector<16xi32>
    %eq3A_1383 = arith.constant 6 : i32
    %eq3A_1384 = vector.broadcast %eq3A_1383 : i32 to vector<16xi32>
    %eq3A_1385 = arith.cmpi eq, %select_n3A_1270, %eq3A_1384 : vector<16xi32>
    %select_n3A_1386 = arith.select %eq3A_1385, %div3A_1305, %broadcast_in_dim3A_1307 : vector<16xi1>, vector<16xf32>
    %select_n3A_1387 = arith.select %eq3A_1382, %div3A_1304, %select_n3A_1386 : vector<16xi1>, vector<16xf32>
    %swap3A_1388 = arith.constant 832 : index
    %swap3A_1389 = tpu.vector_load %arg5[%swap3A_1388] {strides = array<i32>} : memref<1024xf32, #tpu.memory_space<vmem>>, vector<16xf32>,
    %swap3A_1390 = vector.shape_cast %swap3A_1389 : vector<16xf32> to vector<16xf32>
    %swap3A_1391 = vector.shape_cast %select_n3A_1387 : vector<16xf32> to vector<16xf32>
    tpu.vector_store %arg5[%swap3A_1388], %swap3A_1391 {strides = array<i32>} : memref<1024xf32, #tpu.memory_space<vmem>>, vector<16xf32>,
    %eq3A_1392 = arith.constant 7 : i32
    %eq3A_1393 = vector.broadcast %eq3A_1392 : i32 to vector<16xi32>
    %eq3A_1394 = arith.cmpi eq, %select_n3A_1185, %eq3A_1393 : vector<16xi32>
    %eq3A_1395 = arith.constant 7 : i32
    %eq3A_1396 = vector.broadcast %eq3A_1395 : i32 to vector<16xi32>
    %eq3A_1397 = arith.cmpi eq, %select_n3A_1270, %eq3A_1396 : vector<16xi32>
    %select_n3A_1398 = arith.select %eq3A_1397, %div3A_1305, %broadcast_in_dim3A_1307 : vector<16xi1>, vector<16xf32>
    %select_n3A_1399 = arith.select %eq3A_1394, %div3A_1304, %select_n3A_1398 : vector<16xi1>, vector<16xf32>
    %swap3A_1400 = arith.constant 960 : index
    %swap3A_1401 = tpu.vector_load %arg5[%swap3A_1400] {strides = array<i32>} : memref<1024xf32, #tpu.memory_space<vmem>>, vector<16xf32>,
    %swap3A_1402 = vector.shape_cast %swap3A_1401 : vector<16xf32> to vector<16xf32>
    %swap3A_1403 = vector.shape_cast %select_n3A_1399 : vector<16xf32> to vector<16xf32>
    tpu.vector_store %arg5[%swap3A_1400], %swap3A_1403 {strides = array<i32>} : memref<1024xf32, #tpu.memory_space<vmem>>, vector<16xf32>,
    %get3A_1404 = arith.constant 80 : index
    %get3A_1405 = tpu.vector_load %arg4[%get3A_1404] {strides = array<i32>} : memref<1024xf32, #tpu.memory_space<vmem>>, vector<16xf32>,
    %get3A_1406 = vector.shape_cast %get3A_1405 : vector<16xf32> to vector<16xf32>
    %get3A_1407 = arith.constant 208 : index
    %get3A_1408 = tpu.vector_load %arg4[%get3A_1407] {strides = array<i32>} : memref<1024xf32, #tpu.memory_space<vmem>>, vector<16xf32>,
    %get3A_1409 = vector.shape_cast %get3A_1408 : vector<16xf32> to vector<16xf32>
    %get3A_1410 = arith.constant 336 : index
    %get3A_1411 = tpu.vector_load %arg4[%get3A_1410] {strides = array<i32>} : memref<1024xf32, #tpu.memory_space<vmem>>, vector<16xf32>,
    %get3A_1412 = vector.shape_cast %get3A_1411 : vector<16xf32> to vector<16xf32>
    %get3A_1413 = arith.constant 464 : index
    %get3A_1414 = tpu.vector_load %arg4[%get3A_1413] {strides = array<i32>} : memref<1024xf32, #tpu.memory_space<vmem>>, vector<16xf32>,
    %get3A_1415 = vector.shape_cast %get3A_1414 : vector<16xf32> to vector<16xf32>
    %get3A_1416 = arith.constant 592 : index
    %get3A_1417 = tpu.vector_load %arg4[%get3A_1416] {strides = array<i32>} : memref<1024xf32, #tpu.memory_space<vmem>>, vector<16xf32>,
    %get3A_1418 = vector.shape_cast %get3A_1417 : vector<16xf32> to vector<16xf32>
    %get3A_1419 = arith.constant 720 : index
    %get3A_1420 = tpu.vector_load %arg4[%get3A_1419] {strides = array<i32>} : memref<1024xf32, #tpu.memory_space<vmem>>, vector<16xf32>,
    %get3A_1421 = vector.shape_cast %get3A_1420 : vector<16xf32> to vector<16xf32>
    %get3A_1422 = arith.constant 848 : index
    %get3A_1423 = tpu.vector_load %arg4[%get3A_1422] {strides = array<i32>} : memref<1024xf32, #tpu.memory_space<vmem>>, vector<16xf32>,
    %get3A_1424 = vector.shape_cast %get3A_1423 : vector<16xf32> to vector<16xf32>
    %get3A_1425 = arith.constant 976 : index
    %get3A_1426 = tpu.vector_load %arg4[%get3A_1425] {strides = array<i32>} : memref<1024xf32, #tpu.memory_space<vmem>>, vector<16xf32>,
    %get3A_1427 = vector.shape_cast %get3A_1426 : vector<16xf32> to vector<16xf32>
    %max3A_1428 = arith.maximumf %get3A_1406, %get3A_1409 : vector<16xf32>
    %max3A_1429 = arith.maximumf %max3A_1428, %get3A_1412 : vector<16xf32>
    %max3A_1430 = arith.maximumf %max3A_1429, %get3A_1415 : vector<16xf32>
    %max3A_1431 = arith.maximumf %max3A_1430, %get3A_1418 : vector<16xf32>
    %max3A_1432 = arith.maximumf %max3A_1431, %get3A_1421 : vector<16xf32>
    %max3A_1433 = arith.maximumf %max3A_1432, %get3A_1424 : vector<16xf32>
    %max3A_1434 = arith.maximumf %max3A_1433, %get3A_1427 : vector<16xf32>
    %broadcast_in_dim3A_1435 = arith.constant 7 : i32
    %broadcast_in_dim3A_1436 = vector.broadcast %broadcast_in_dim3A_1435 : i32 to vector<16xi32>
    %eq3A_1437 = arith.cmpf oeq, %get3A_1424, %max3A_1434 : vector<16xf32>
    %jit3A_1438 = arith.constant 6 : i32
    %broadcast_in_dim3A_1439 = vector.broadcast %jit3A_1438 : i32 to vector<16xi32>
    %select_n3A_1440 = arith.select %eq3A_1437, %broadcast_in_dim3A_1439, %broadcast_in_dim3A_1436 : vector<16xi1>, vector<16xi32>
    %eq3A_1441 = arith.cmpf oeq, %get3A_1421, %max3A_1434 : vector<16xf32>
    %jit3A_1442 = arith.constant 5 : i32
    %broadcast_in_dim3A_1443 = vector.broadcast %jit3A_1442 : i32 to vector<16xi32>
    %select_n3A_1444 = arith.select %eq3A_1441, %broadcast_in_dim3A_1443, %select_n3A_1440 : vector<16xi1>, vector<16xi32>
    %eq3A_1445 = arith.cmpf oeq, %get3A_1418, %max3A_1434 : vector<16xf32>
    %jit3A_1446 = arith.constant 4 : i32
    %broadcast_in_dim3A_1447 = vector.broadcast %jit3A_1446 : i32 to vector<16xi32>
    %select_n3A_1448 = arith.select %eq3A_1445, %broadcast_in_dim3A_1447, %select_n3A_1444 : vector<16xi1>, vector<16xi32>
    %eq3A_1449 = arith.cmpf oeq, %get3A_1415, %max3A_1434 : vector<16xf32>
    %jit3A_1450 = arith.constant 3 : i32
    %broadcast_in_dim3A_1451 = vector.broadcast %jit3A_1450 : i32 to vector<16xi32>
    %select_n3A_1452 = arith.select %eq3A_1449, %broadcast_in_dim3A_1451, %select_n3A_1448 : vector<16xi1>, vector<16xi32>
    %eq3A_1453 = arith.cmpf oeq, %get3A_1412, %max3A_1434 : vector<16xf32>
    %jit3A_1454 = arith.constant 2 : i32
    %broadcast_in_dim3A_1455 = vector.broadcast %jit3A_1454 : i32 to vector<16xi32>
    %select_n3A_1456 = arith.select %eq3A_1453, %broadcast_in_dim3A_1455, %select_n3A_1452 : vector<16xi1>, vector<16xi32>
    %eq3A_1457 = arith.cmpf oeq, %get3A_1409, %max3A_1434 : vector<16xf32>
    %jit3A_1458 = arith.constant 1 : i32
    %broadcast_in_dim3A_1459 = vector.broadcast %jit3A_1458 : i32 to vector<16xi32>
    %select_n3A_1460 = arith.select %eq3A_1457, %broadcast_in_dim3A_1459, %select_n3A_1456 : vector<16xi1>, vector<16xi32>
    %eq3A_1461 = arith.cmpf oeq, %get3A_1406, %max3A_1434 : vector<16xf32>
    %jit3A_1462 = arith.constant 0 : i32
    %broadcast_in_dim3A_1463 = vector.broadcast %jit3A_1462 : i32 to vector<16xi32>
    %select_n3A_1464 = arith.select %eq3A_1461, %broadcast_in_dim3A_1463, %select_n3A_1460 : vector<16xi1>, vector<16xi32>
    %eq3A_1465 = arith.constant 0 : i32
    %eq3A_1466 = vector.broadcast %eq3A_1465 : i32 to vector<16xi32>
    %eq3A_1467 = arith.cmpi eq, %select_n3A_1464, %eq3A_1466 : vector<16xi32>
    %jit3A_1468 = arith.constant -3.000000e+38 : f32
    %broadcast_in_dim3A_1469 = vector.broadcast %jit3A_1468 : f32 to vector<16xf32>
    %select_n3A_1470 = arith.select %eq3A_1467, %broadcast_in_dim3A_1469, %get3A_1406 : vector<16xi1>, vector<16xf32>
    %eq3A_1471 = arith.constant 1 : i32
    %eq3A_1472 = vector.broadcast %eq3A_1471 : i32 to vector<16xi32>
    %eq3A_1473 = arith.cmpi eq, %select_n3A_1464, %eq3A_1472 : vector<16xi32>
    %jit3A_1474 = arith.constant -3.000000e+38 : f32
    %broadcast_in_dim3A_1475 = vector.broadcast %jit3A_1474 : f32 to vector<16xf32>
    %select_n3A_1476 = arith.select %eq3A_1473, %broadcast_in_dim3A_1475, %get3A_1409 : vector<16xi1>, vector<16xf32>
    %eq3A_1477 = arith.constant 2 : i32
    %eq3A_1478 = vector.broadcast %eq3A_1477 : i32 to vector<16xi32>
    %eq3A_1479 = arith.cmpi eq, %select_n3A_1464, %eq3A_1478 : vector<16xi32>
    %jit3A_1480 = arith.constant -3.000000e+38 : f32
    %broadcast_in_dim3A_1481 = vector.broadcast %jit3A_1480 : f32 to vector<16xf32>
    %select_n3A_1482 = arith.select %eq3A_1479, %broadcast_in_dim3A_1481, %get3A_1412 : vector<16xi1>, vector<16xf32>
    %eq3A_1483 = arith.constant 3 : i32
    %eq3A_1484 = vector.broadcast %eq3A_1483 : i32 to vector<16xi32>
    %eq3A_1485 = arith.cmpi eq, %select_n3A_1464, %eq3A_1484 : vector<16xi32>
    %jit3A_1486 = arith.constant -3.000000e+38 : f32
    %broadcast_in_dim3A_1487 = vector.broadcast %jit3A_1486 : f32 to vector<16xf32>
    %select_n3A_1488 = arith.select %eq3A_1485, %broadcast_in_dim3A_1487, %get3A_1415 : vector<16xi1>, vector<16xf32>
    %eq3A_1489 = arith.constant 4 : i32
    %eq3A_1490 = vector.broadcast %eq3A_1489 : i32 to vector<16xi32>
    %eq3A_1491 = arith.cmpi eq, %select_n3A_1464, %eq3A_1490 : vector<16xi32>
    %jit3A_1492 = arith.constant -3.000000e+38 : f32
    %broadcast_in_dim3A_1493 = vector.broadcast %jit3A_1492 : f32 to vector<16xf32>
    %select_n3A_1494 = arith.select %eq3A_1491, %broadcast_in_dim3A_1493, %get3A_1418 : vector<16xi1>, vector<16xf32>
    %eq3A_1495 = arith.constant 5 : i32
    %eq3A_1496 = vector.broadcast %eq3A_1495 : i32 to vector<16xi32>
    %eq3A_1497 = arith.cmpi eq, %select_n3A_1464, %eq3A_1496 : vector<16xi32>
    %jit3A_1498 = arith.constant -3.000000e+38 : f32
    %broadcast_in_dim3A_1499 = vector.broadcast %jit3A_1498 : f32 to vector<16xf32>
    %select_n3A_1500 = arith.select %eq3A_1497, %broadcast_in_dim3A_1499, %get3A_1421 : vector<16xi1>, vector<16xf32>
    %eq3A_1501 = arith.constant 6 : i32
    %eq3A_1502 = vector.broadcast %eq3A_1501 : i32 to vector<16xi32>
    %eq3A_1503 = arith.cmpi eq, %select_n3A_1464, %eq3A_1502 : vector<16xi32>
    %jit3A_1504 = arith.constant -3.000000e+38 : f32
    %broadcast_in_dim3A_1505 = vector.broadcast %jit3A_1504 : f32 to vector<16xf32>
    %select_n3A_1506 = arith.select %eq3A_1503, %broadcast_in_dim3A_1505, %get3A_1424 : vector<16xi1>, vector<16xf32>
    %eq3A_1507 = arith.constant 7 : i32
    %eq3A_1508 = vector.broadcast %eq3A_1507 : i32 to vector<16xi32>
    %eq3A_1509 = arith.cmpi eq, %select_n3A_1464, %eq3A_1508 : vector<16xi32>
    %jit3A_1510 = arith.constant -3.000000e+38 : f32
    %broadcast_in_dim3A_1511 = vector.broadcast %jit3A_1510 : f32 to vector<16xf32>
    %select_n3A_1512 = arith.select %eq3A_1509, %broadcast_in_dim3A_1511, %get3A_1427 : vector<16xi1>, vector<16xf32>
    %max3A_1513 = arith.maximumf %select_n3A_1470, %select_n3A_1476 : vector<16xf32>
    %max3A_1514 = arith.maximumf %max3A_1513, %select_n3A_1482 : vector<16xf32>
    %max3A_1515 = arith.maximumf %max3A_1514, %select_n3A_1488 : vector<16xf32>
    %max3A_1516 = arith.maximumf %max3A_1515, %select_n3A_1494 : vector<16xf32>
    %max3A_1517 = arith.maximumf %max3A_1516, %select_n3A_1500 : vector<16xf32>
    %max3A_1518 = arith.maximumf %max3A_1517, %select_n3A_1506 : vector<16xf32>
    %max3A_1519 = arith.maximumf %max3A_1518, %select_n3A_1512 : vector<16xf32>
    %broadcast_in_dim3A_1520 = arith.constant 7 : i32
    %broadcast_in_dim3A_1521 = vector.broadcast %broadcast_in_dim3A_1520 : i32 to vector<16xi32>
    %eq3A_1522 = arith.cmpf oeq, %select_n3A_1506, %max3A_1519 : vector<16xf32>
    %jit3A_1523 = arith.constant 6 : i32
    %broadcast_in_dim3A_1524 = vector.broadcast %jit3A_1523 : i32 to vector<16xi32>
    %select_n3A_1525 = arith.select %eq3A_1522, %broadcast_in_dim3A_1524, %broadcast_in_dim3A_1521 : vector<16xi1>, vector<16xi32>
    %eq3A_1526 = arith.cmpf oeq, %select_n3A_1500, %max3A_1519 : vector<16xf32>
    %jit3A_1527 = arith.constant 5 : i32
    %broadcast_in_dim3A_1528 = vector.broadcast %jit3A_1527 : i32 to vector<16xi32>
    %select_n3A_1529 = arith.select %eq3A_1526, %broadcast_in_dim3A_1528, %select_n3A_1525 : vector<16xi1>, vector<16xi32>
    %eq3A_1530 = arith.cmpf oeq, %select_n3A_1494, %max3A_1519 : vector<16xf32>
    %jit3A_1531 = arith.constant 4 : i32
    %broadcast_in_dim3A_1532 = vector.broadcast %jit3A_1531 : i32 to vector<16xi32>
    %select_n3A_1533 = arith.select %eq3A_1530, %broadcast_in_dim3A_1532, %select_n3A_1529 : vector<16xi1>, vector<16xi32>
    %eq3A_1534 = arith.cmpf oeq, %select_n3A_1488, %max3A_1519 : vector<16xf32>
    %jit3A_1535 = arith.constant 3 : i32
    %broadcast_in_dim3A_1536 = vector.broadcast %jit3A_1535 : i32 to vector<16xi32>
    %select_n3A_1537 = arith.select %eq3A_1534, %broadcast_in_dim3A_1536, %select_n3A_1533 : vector<16xi1>, vector<16xi32>
    %eq3A_1538 = arith.cmpf oeq, %select_n3A_1482, %max3A_1519 : vector<16xf32>
    %jit3A_1539 = arith.constant 2 : i32
    %broadcast_in_dim3A_1540 = vector.broadcast %jit3A_1539 : i32 to vector<16xi32>
    %select_n3A_1541 = arith.select %eq3A_1538, %broadcast_in_dim3A_1540, %select_n3A_1537 : vector<16xi1>, vector<16xi32>
    %eq3A_1542 = arith.cmpf oeq, %select_n3A_1476, %max3A_1519 : vector<16xf32>
    %jit3A_1543 = arith.constant 1 : i32
    %broadcast_in_dim3A_1544 = vector.broadcast %jit3A_1543 : i32 to vector<16xi32>
    %select_n3A_1545 = arith.select %eq3A_1542, %broadcast_in_dim3A_1544, %select_n3A_1541 : vector<16xi1>, vector<16xi32>
    %eq3A_1546 = arith.cmpf oeq, %select_n3A_1470, %max3A_1519 : vector<16xf32>
    %jit3A_1547 = arith.constant 0 : i32
    %broadcast_in_dim3A_1548 = vector.broadcast %jit3A_1547 : i32 to vector<16xi32>
    %select_n3A_1549 = arith.select %eq3A_1546, %broadcast_in_dim3A_1548, %select_n3A_1545 : vector<16xi1>, vector<16xi32>
    %sub3A_1550 = arith.subf %get3A_1406, %max3A_1434 : vector<16xf32>
    %exp3A_1551 = math.exp %sub3A_1550 : vector<16xf32>
    %sub3A_1552 = arith.subf %get3A_1409, %max3A_1434 : vector<16xf32>
    %exp3A_1553 = math.exp %sub3A_1552 : vector<16xf32>
    %add3A_1554 = arith.addf %exp3A_1551, %exp3A_1553 : vector<16xf32>
    %sub3A_1555 = arith.subf %get3A_1412, %max3A_1434 : vector<16xf32>
    %exp3A_1556 = math.exp %sub3A_1555 : vector<16xf32>
    %add3A_1557 = arith.addf %add3A_1554, %exp3A_1556 : vector<16xf32>
    %sub3A_1558 = arith.subf %get3A_1415, %max3A_1434 : vector<16xf32>
    %exp3A_1559 = math.exp %sub3A_1558 : vector<16xf32>
    %add3A_1560 = arith.addf %add3A_1557, %exp3A_1559 : vector<16xf32>
    %sub3A_1561 = arith.subf %get3A_1418, %max3A_1434 : vector<16xf32>
    %exp3A_1562 = math.exp %sub3A_1561 : vector<16xf32>
    %add3A_1563 = arith.addf %add3A_1560, %exp3A_1562 : vector<16xf32>
    %sub3A_1564 = arith.subf %get3A_1421, %max3A_1434 : vector<16xf32>
    %exp3A_1565 = math.exp %sub3A_1564 : vector<16xf32>
    %add3A_1566 = arith.addf %add3A_1563, %exp3A_1565 : vector<16xf32>
    %sub3A_1567 = arith.subf %get3A_1424, %max3A_1434 : vector<16xf32>
    %exp3A_1568 = math.exp %sub3A_1567 : vector<16xf32>
    %add3A_1569 = arith.addf %add3A_1566, %exp3A_1568 : vector<16xf32>
    %sub3A_1570 = arith.subf %get3A_1427, %max3A_1434 : vector<16xf32>
    %exp3A_1571 = math.exp %sub3A_1570 : vector<16xf32>
    %add3A_1572 = arith.addf %add3A_1569, %exp3A_1571 : vector<16xf32>
    %div3A_1573 = arith.constant 1.000000e+00 : f32
    %div3A_1574 = vector.broadcast %div3A_1573 : f32 to vector<16xf32>
    %div3A_1575 = arith.divf %div3A_1574, %add3A_1572 : vector<16xf32>
    %sub3A_1576 = arith.subf %max3A_1519, %max3A_1434 : vector<16xf32>
    %exp3A_1577 = math.exp %sub3A_1576 : vector<16xf32>
    %div3A_1578 = arith.divf %exp3A_1577, %add3A_1572 : vector<16xf32>
    %add3A_1579 = arith.addf %div3A_1575, %div3A_1578 : vector<16xf32>
    %add3A_1580 = arith.constant 9.99999997E-7 : f32
    %add3A_1581 = vector.broadcast %add3A_1580 : f32 to vector<16xf32>
    %add3A_1582 = arith.addf %add3A_1579, %add3A_1581 : vector<16xf32>
    %div3A_1583 = arith.divf %div3A_1575, %add3A_1582 : vector<16xf32>
    %div3A_1584 = arith.divf %div3A_1578, %add3A_1582 : vector<16xf32>
    %broadcast_in_dim3A_1585 = arith.constant 0.000000e+00 : f32
    %broadcast_in_dim3A_1586 = vector.broadcast %broadcast_in_dim3A_1585 : f32 to vector<16xf32>
    %eq3A_1587 = arith.constant 0 : i32
    %eq3A_1588 = vector.broadcast %eq3A_1587 : i32 to vector<16xi32>
    %eq3A_1589 = arith.cmpi eq, %select_n3A_1464, %eq3A_1588 : vector<16xi32>
    %eq3A_1590 = arith.constant 0 : i32
    %eq3A_1591 = vector.broadcast %eq3A_1590 : i32 to vector<16xi32>
    %eq3A_1592 = arith.cmpi eq, %select_n3A_1549, %eq3A_1591 : vector<16xi32>
    %select_n3A_1593 = arith.select %eq3A_1592, %div3A_1584, %broadcast_in_dim3A_1586 : vector<16xi1>, vector<16xf32>
    %select_n3A_1594 = arith.select %eq3A_1589, %div3A_1583, %select_n3A_1593 : vector<16xi1>, vector<16xf32>
    %swap3A_1595 = arith.constant 80 : index
    %swap3A_1596 = tpu.vector_load %arg5[%swap3A_1595] {strides = array<i32>} : memref<1024xf32, #tpu.memory_space<vmem>>, vector<16xf32>,
    %swap3A_1597 = vector.shape_cast %swap3A_1596 : vector<16xf32> to vector<16xf32>
    %swap3A_1598 = vector.shape_cast %select_n3A_1594 : vector<16xf32> to vector<16xf32>
    tpu.vector_store %arg5[%swap3A_1595], %swap3A_1598 {strides = array<i32>} : memref<1024xf32, #tpu.memory_space<vmem>>, vector<16xf32>,
    %eq3A_1599 = arith.constant 1 : i32
    %eq3A_1600 = vector.broadcast %eq3A_1599 : i32 to vector<16xi32>
    %eq3A_1601 = arith.cmpi eq, %select_n3A_1464, %eq3A_1600 : vector<16xi32>
    %eq3A_1602 = arith.constant 1 : i32
    %eq3A_1603 = vector.broadcast %eq3A_1602 : i32 to vector<16xi32>
    %eq3A_1604 = arith.cmpi eq, %select_n3A_1549, %eq3A_1603 : vector<16xi32>
    %select_n3A_1605 = arith.select %eq3A_1604, %div3A_1584, %broadcast_in_dim3A_1586 : vector<16xi1>, vector<16xf32>
    %select_n3A_1606 = arith.select %eq3A_1601, %div3A_1583, %select_n3A_1605 : vector<16xi1>, vector<16xf32>
    %swap3A_1607 = arith.constant 208 : index
    %swap3A_1608 = tpu.vector_load %arg5[%swap3A_1607] {strides = array<i32>} : memref<1024xf32, #tpu.memory_space<vmem>>, vector<16xf32>,
    %swap3A_1609 = vector.shape_cast %swap3A_1608 : vector<16xf32> to vector<16xf32>
    %swap3A_1610 = vector.shape_cast %select_n3A_1606 : vector<16xf32> to vector<16xf32>
    tpu.vector_store %arg5[%swap3A_1607], %swap3A_1610 {strides = array<i32>} : memref<1024xf32, #tpu.memory_space<vmem>>, vector<16xf32>,
    %eq3A_1611 = arith.constant 2 : i32
    %eq3A_1612 = vector.broadcast %eq3A_1611 : i32 to vector<16xi32>
    %eq3A_1613 = arith.cmpi eq, %select_n3A_1464, %eq3A_1612 : vector<16xi32>
    %eq3A_1614 = arith.constant 2 : i32
    %eq3A_1615 = vector.broadcast %eq3A_1614 : i32 to vector<16xi32>
    %eq3A_1616 = arith.cmpi eq, %select_n3A_1549, %eq3A_1615 : vector<16xi32>
    %select_n3A_1617 = arith.select %eq3A_1616, %div3A_1584, %broadcast_in_dim3A_1586 : vector<16xi1>, vector<16xf32>
    %select_n3A_1618 = arith.select %eq3A_1613, %div3A_1583, %select_n3A_1617 : vector<16xi1>, vector<16xf32>
    %swap3A_1619 = arith.constant 336 : index
    %swap3A_1620 = tpu.vector_load %arg5[%swap3A_1619] {strides = array<i32>} : memref<1024xf32, #tpu.memory_space<vmem>>, vector<16xf32>,
    %swap3A_1621 = vector.shape_cast %swap3A_1620 : vector<16xf32> to vector<16xf32>
    %swap3A_1622 = vector.shape_cast %select_n3A_1618 : vector<16xf32> to vector<16xf32>
    tpu.vector_store %arg5[%swap3A_1619], %swap3A_1622 {strides = array<i32>} : memref<1024xf32, #tpu.memory_space<vmem>>, vector<16xf32>,
    %eq3A_1623 = arith.constant 3 : i32
    %eq3A_1624 = vector.broadcast %eq3A_1623 : i32 to vector<16xi32>
    %eq3A_1625 = arith.cmpi eq, %select_n3A_1464, %eq3A_1624 : vector<16xi32>
    %eq3A_1626 = arith.constant 3 : i32
    %eq3A_1627 = vector.broadcast %eq3A_1626 : i32 to vector<16xi32>
    %eq3A_1628 = arith.cmpi eq, %select_n3A_1549, %eq3A_1627 : vector<16xi32>
    %select_n3A_1629 = arith.select %eq3A_1628, %div3A_1584, %broadcast_in_dim3A_1586 : vector<16xi1>, vector<16xf32>
    %select_n3A_1630 = arith.select %eq3A_1625, %div3A_1583, %select_n3A_1629 : vector<16xi1>, vector<16xf32>
    %swap3A_1631 = arith.constant 464 : index
    %swap3A_1632 = tpu.vector_load %arg5[%swap3A_1631] {strides = array<i32>} : memref<1024xf32, #tpu.memory_space<vmem>>, vector<16xf32>,
    %swap3A_1633 = vector.shape_cast %swap3A_1632 : vector<16xf32> to vector<16xf32>
    %swap3A_1634 = vector.shape_cast %select_n3A_1630 : vector<16xf32> to vector<16xf32>
    tpu.vector_store %arg5[%swap3A_1631], %swap3A_1634 {strides = array<i32>} : memref<1024xf32, #tpu.memory_space<vmem>>, vector<16xf32>,
    %eq3A_1635 = arith.constant 4 : i32
    %eq3A_1636 = vector.broadcast %eq3A_1635 : i32 to vector<16xi32>
    %eq3A_1637 = arith.cmpi eq, %select_n3A_1464, %eq3A_1636 : vector<16xi32>
    %eq3A_1638 = arith.constant 4 : i32
    %eq3A_1639 = vector.broadcast %eq3A_1638 : i32 to vector<16xi32>
    %eq3A_1640 = arith.cmpi eq, %select_n3A_1549, %eq3A_1639 : vector<16xi32>
    %select_n3A_1641 = arith.select %eq3A_1640, %div3A_1584, %broadcast_in_dim3A_1586 : vector<16xi1>, vector<16xf32>
    %select_n3A_1642 = arith.select %eq3A_1637, %div3A_1583, %select_n3A_1641 : vector<16xi1>, vector<16xf32>
    %swap3A_1643 = arith.constant 592 : index
    %swap3A_1644 = tpu.vector_load %arg5[%swap3A_1643] {strides = array<i32>} : memref<1024xf32, #tpu.memory_space<vmem>>, vector<16xf32>,
    %swap3A_1645 = vector.shape_cast %swap3A_1644 : vector<16xf32> to vector<16xf32>
    %swap3A_1646 = vector.shape_cast %select_n3A_1642 : vector<16xf32> to vector<16xf32>
    tpu.vector_store %arg5[%swap3A_1643], %swap3A_1646 {strides = array<i32>} : memref<1024xf32, #tpu.memory_space<vmem>>, vector<16xf32>,
    %eq3A_1647 = arith.constant 5 : i32
    %eq3A_1648 = vector.broadcast %eq3A_1647 : i32 to vector<16xi32>
    %eq3A_1649 = arith.cmpi eq, %select_n3A_1464, %eq3A_1648 : vector<16xi32>
    %eq3A_1650 = arith.constant 5 : i32
    %eq3A_1651 = vector.broadcast %eq3A_1650 : i32 to vector<16xi32>
    %eq3A_1652 = arith.cmpi eq, %select_n3A_1549, %eq3A_1651 : vector<16xi32>
    %select_n3A_1653 = arith.select %eq3A_1652, %div3A_1584, %broadcast_in_dim3A_1586 : vector<16xi1>, vector<16xf32>
    %select_n3A_1654 = arith.select %eq3A_1649, %div3A_1583, %select_n3A_1653 : vector<16xi1>, vector<16xf32>
    %swap3A_1655 = arith.constant 720 : index
    %swap3A_1656 = tpu.vector_load %arg5[%swap3A_1655] {strides = array<i32>} : memref<1024xf32, #tpu.memory_space<vmem>>, vector<16xf32>,
    %swap3A_1657 = vector.shape_cast %swap3A_1656 : vector<16xf32> to vector<16xf32>
    %swap3A_1658 = vector.shape_cast %select_n3A_1654 : vector<16xf32> to vector<16xf32>
    tpu.vector_store %arg5[%swap3A_1655], %swap3A_1658 {strides = array<i32>} : memref<1024xf32, #tpu.memory_space<vmem>>, vector<16xf32>,
    %eq3A_1659 = arith.constant 6 : i32
    %eq3A_1660 = vector.broadcast %eq3A_1659 : i32 to vector<16xi32>
    %eq3A_1661 = arith.cmpi eq, %select_n3A_1464, %eq3A_1660 : vector<16xi32>
    %eq3A_1662 = arith.constant 6 : i32
    %eq3A_1663 = vector.broadcast %eq3A_1662 : i32 to vector<16xi32>
    %eq3A_1664 = arith.cmpi eq, %select_n3A_1549, %eq3A_1663 : vector<16xi32>
    %select_n3A_1665 = arith.select %eq3A_1664, %div3A_1584, %broadcast_in_dim3A_1586 : vector<16xi1>, vector<16xf32>
    %select_n3A_1666 = arith.select %eq3A_1661, %div3A_1583, %select_n3A_1665 : vector<16xi1>, vector<16xf32>
    %swap3A_1667 = arith.constant 848 : index
    %swap3A_1668 = tpu.vector_load %arg5[%swap3A_1667] {strides = array<i32>} : memref<1024xf32, #tpu.memory_space<vmem>>, vector<16xf32>,
    %swap3A_1669 = vector.shape_cast %swap3A_1668 : vector<16xf32> to vector<16xf32>
    %swap3A_1670 = vector.shape_cast %select_n3A_1666 : vector<16xf32> to vector<16xf32>
    tpu.vector_store %arg5[%swap3A_1667], %swap3A_1670 {strides = array<i32>} : memref<1024xf32, #tpu.memory_space<vmem>>, vector<16xf32>,
    %eq3A_1671 = arith.constant 7 : i32
    %eq3A_1672 = vector.broadcast %eq3A_1671 : i32 to vector<16xi32>
    %eq3A_1673 = arith.cmpi eq, %select_n3A_1464, %eq3A_1672 : vector<16xi32>
    %eq3A_1674 = arith.constant 7 : i32
    %eq3A_1675 = vector.broadcast %eq3A_1674 : i32 to vector<16xi32>
    %eq3A_1676 = arith.cmpi eq, %select_n3A_1549, %eq3A_1675 : vector<16xi32>
    %select_n3A_1677 = arith.select %eq3A_1676, %div3A_1584, %broadcast_in_dim3A_1586 : vector<16xi1>, vector<16xf32>
    %select_n3A_1678 = arith.select %eq3A_1673, %div3A_1583, %select_n3A_1677 : vector<16xi1>, vector<16xf32>
    %swap3A_1679 = arith.constant 976 : index
    %swap3A_1680 = tpu.vector_load %arg5[%swap3A_1679] {strides = array<i32>} : memref<1024xf32, #tpu.memory_space<vmem>>, vector<16xf32>,
    %swap3A_1681 = vector.shape_cast %swap3A_1680 : vector<16xf32> to vector<16xf32>
    %swap3A_1682 = vector.shape_cast %select_n3A_1678 : vector<16xf32> to vector<16xf32>
    tpu.vector_store %arg5[%swap3A_1679], %swap3A_1682 {strides = array<i32>} : memref<1024xf32, #tpu.memory_space<vmem>>, vector<16xf32>,
    %get3A_1683 = arith.constant 96 : index
    %get3A_1684 = tpu.vector_load %arg4[%get3A_1683] {strides = array<i32>} : memref<1024xf32, #tpu.memory_space<vmem>>, vector<16xf32>,
    %get3A_1685 = vector.shape_cast %get3A_1684 : vector<16xf32> to vector<16xf32>
    %get3A_1686 = arith.constant 224 : index
    %get3A_1687 = tpu.vector_load %arg4[%get3A_1686] {strides = array<i32>} : memref<1024xf32, #tpu.memory_space<vmem>>, vector<16xf32>,
    %get3A_1688 = vector.shape_cast %get3A_1687 : vector<16xf32> to vector<16xf32>
    %get3A_1689 = arith.constant 352 : index
    %get3A_1690 = tpu.vector_load %arg4[%get3A_1689] {strides = array<i32>} : memref<1024xf32, #tpu.memory_space<vmem>>, vector<16xf32>,
    %get3A_1691 = vector.shape_cast %get3A_1690 : vector<16xf32> to vector<16xf32>
    %get3A_1692 = arith.constant 480 : index
    %get3A_1693 = tpu.vector_load %arg4[%get3A_1692] {strides = array<i32>} : memref<1024xf32, #tpu.memory_space<vmem>>, vector<16xf32>,
    %get3A_1694 = vector.shape_cast %get3A_1693 : vector<16xf32> to vector<16xf32>
    %get3A_1695 = arith.constant 608 : index
    %get3A_1696 = tpu.vector_load %arg4[%get3A_1695] {strides = array<i32>} : memref<1024xf32, #tpu.memory_space<vmem>>, vector<16xf32>,
    %get3A_1697 = vector.shape_cast %get3A_1696 : vector<16xf32> to vector<16xf32>
    %get3A_1698 = arith.constant 736 : index
    %get3A_1699 = tpu.vector_load %arg4[%get3A_1698] {strides = array<i32>} : memref<1024xf32, #tpu.memory_space<vmem>>, vector<16xf32>,
    %get3A_1700 = vector.shape_cast %get3A_1699 : vector<16xf32> to vector<16xf32>
    %get3A_1701 = arith.constant 864 : index
    %get3A_1702 = tpu.vector_load %arg4[%get3A_1701] {strides = array<i32>} : memref<1024xf32, #tpu.memory_space<vmem>>, vector<16xf32>,
    %get3A_1703 = vector.shape_cast %get3A_1702 : vector<16xf32> to vector<16xf32>
    %get3A_1704 = arith.constant 992 : index
    %get3A_1705 = tpu.vector_load %arg4[%get3A_1704] {strides = array<i32>} : memref<1024xf32, #tpu.memory_space<vmem>>, vector<16xf32>,
    %get3A_1706 = vector.shape_cast %get3A_1705 : vector<16xf32> to vector<16xf32>
    %max3A_1707 = arith.maximumf %get3A_1685, %get3A_1688 : vector<16xf32>
    %max3A_1708 = arith.maximumf %max3A_1707, %get3A_1691 : vector<16xf32>
    %max3A_1709 = arith.maximumf %max3A_1708, %get3A_1694 : vector<16xf32>
    %max3A_1710 = arith.maximumf %max3A_1709, %get3A_1697 : vector<16xf32>
    %max3A_1711 = arith.maximumf %max3A_1710, %get3A_1700 : vector<16xf32>
    %max3A_1712 = arith.maximumf %max3A_1711, %get3A_1703 : vector<16xf32>
    %max3A_1713 = arith.maximumf %max3A_1712, %get3A_1706 : vector<16xf32>
    %broadcast_in_dim3A_1714 = arith.constant 7 : i32
    %broadcast_in_dim3A_1715 = vector.broadcast %broadcast_in_dim3A_1714 : i32 to vector<16xi32>
    %eq3A_1716 = arith.cmpf oeq, %get3A_1703, %max3A_1713 : vector<16xf32>
    %jit3A_1717 = arith.constant 6 : i32
    %broadcast_in_dim3A_1718 = vector.broadcast %jit3A_1717 : i32 to vector<16xi32>
    %select_n3A_1719 = arith.select %eq3A_1716, %broadcast_in_dim3A_1718, %broadcast_in_dim3A_1715 : vector<16xi1>, vector<16xi32>
    %eq3A_1720 = arith.cmpf oeq, %get3A_1700, %max3A_1713 : vector<16xf32>
    %jit3A_1721 = arith.constant 5 : i32
    %broadcast_in_dim3A_1722 = vector.broadcast %jit3A_1721 : i32 to vector<16xi32>
    %select_n3A_1723 = arith.select %eq3A_1720, %broadcast_in_dim3A_1722, %select_n3A_1719 : vector<16xi1>, vector<16xi32>
    %eq3A_1724 = arith.cmpf oeq, %get3A_1697, %max3A_1713 : vector<16xf32>
    %jit3A_1725 = arith.constant 4 : i32
    %broadcast_in_dim3A_1726 = vector.broadcast %jit3A_1725 : i32 to vector<16xi32>
    %select_n3A_1727 = arith.select %eq3A_1724, %broadcast_in_dim3A_1726, %select_n3A_1723 : vector<16xi1>, vector<16xi32>
    %eq3A_1728 = arith.cmpf oeq, %get3A_1694, %max3A_1713 : vector<16xf32>
    %jit3A_1729 = arith.constant 3 : i32
    %broadcast_in_dim3A_1730 = vector.broadcast %jit3A_1729 : i32 to vector<16xi32>
    %select_n3A_1731 = arith.select %eq3A_1728, %broadcast_in_dim3A_1730, %select_n3A_1727 : vector<16xi1>, vector<16xi32>
    %eq3A_1732 = arith.cmpf oeq, %get3A_1691, %max3A_1713 : vector<16xf32>
    %jit3A_1733 = arith.constant 2 : i32
    %broadcast_in_dim3A_1734 = vector.broadcast %jit3A_1733 : i32 to vector<16xi32>
    %select_n3A_1735 = arith.select %eq3A_1732, %broadcast_in_dim3A_1734, %select_n3A_1731 : vector<16xi1>, vector<16xi32>
    %eq3A_1736 = arith.cmpf oeq, %get3A_1688, %max3A_1713 : vector<16xf32>
    %jit3A_1737 = arith.constant 1 : i32
    %broadcast_in_dim3A_1738 = vector.broadcast %jit3A_1737 : i32 to vector<16xi32>
    %select_n3A_1739 = arith.select %eq3A_1736, %broadcast_in_dim3A_1738, %select_n3A_1735 : vector<16xi1>, vector<16xi32>
    %eq3A_1740 = arith.cmpf oeq, %get3A_1685, %max3A_1713 : vector<16xf32>
    %jit3A_1741 = arith.constant 0 : i32
    %broadcast_in_dim3A_1742 = vector.broadcast %jit3A_1741 : i32 to vector<16xi32>
    %select_n3A_1743 = arith.select %eq3A_1740, %broadcast_in_dim3A_1742, %select_n3A_1739 : vector<16xi1>, vector<16xi32>
    %eq3A_1744 = arith.constant 0 : i32
    %eq3A_1745 = vector.broadcast %eq3A_1744 : i32 to vector<16xi32>
    %eq3A_1746 = arith.cmpi eq, %select_n3A_1743, %eq3A_1745 : vector<16xi32>
    %jit3A_1747 = arith.constant -3.000000e+38 : f32
    %broadcast_in_dim3A_1748 = vector.broadcast %jit3A_1747 : f32 to vector<16xf32>
    %select_n3A_1749 = arith.select %eq3A_1746, %broadcast_in_dim3A_1748, %get3A_1685 : vector<16xi1>, vector<16xf32>
    %eq3A_1750 = arith.constant 1 : i32
    %eq3A_1751 = vector.broadcast %eq3A_1750 : i32 to vector<16xi32>
    %eq3A_1752 = arith.cmpi eq, %select_n3A_1743, %eq3A_1751 : vector<16xi32>
    %jit3A_1753 = arith.constant -3.000000e+38 : f32
    %broadcast_in_dim3A_1754 = vector.broadcast %jit3A_1753 : f32 to vector<16xf32>
    %select_n3A_1755 = arith.select %eq3A_1752, %broadcast_in_dim3A_1754, %get3A_1688 : vector<16xi1>, vector<16xf32>
    %eq3A_1756 = arith.constant 2 : i32
    %eq3A_1757 = vector.broadcast %eq3A_1756 : i32 to vector<16xi32>
    %eq3A_1758 = arith.cmpi eq, %select_n3A_1743, %eq3A_1757 : vector<16xi32>
    %jit3A_1759 = arith.constant -3.000000e+38 : f32
    %broadcast_in_dim3A_1760 = vector.broadcast %jit3A_1759 : f32 to vector<16xf32>
    %select_n3A_1761 = arith.select %eq3A_1758, %broadcast_in_dim3A_1760, %get3A_1691 : vector<16xi1>, vector<16xf32>
    %eq3A_1762 = arith.constant 3 : i32
    %eq3A_1763 = vector.broadcast %eq3A_1762 : i32 to vector<16xi32>
    %eq3A_1764 = arith.cmpi eq, %select_n3A_1743, %eq3A_1763 : vector<16xi32>
    %jit3A_1765 = arith.constant -3.000000e+38 : f32
    %broadcast_in_dim3A_1766 = vector.broadcast %jit3A_1765 : f32 to vector<16xf32>
    %select_n3A_1767 = arith.select %eq3A_1764, %broadcast_in_dim3A_1766, %get3A_1694 : vector<16xi1>, vector<16xf32>
    %eq3A_1768 = arith.constant 4 : i32
    %eq3A_1769 = vector.broadcast %eq3A_1768 : i32 to vector<16xi32>
    %eq3A_1770 = arith.cmpi eq, %select_n3A_1743, %eq3A_1769 : vector<16xi32>
    %jit3A_1771 = arith.constant -3.000000e+38 : f32
    %broadcast_in_dim3A_1772 = vector.broadcast %jit3A_1771 : f32 to vector<16xf32>
    %select_n3A_1773 = arith.select %eq3A_1770, %broadcast_in_dim3A_1772, %get3A_1697 : vector<16xi1>, vector<16xf32>
    %eq3A_1774 = arith.constant 5 : i32
    %eq3A_1775 = vector.broadcast %eq3A_1774 : i32 to vector<16xi32>
    %eq3A_1776 = arith.cmpi eq, %select_n3A_1743, %eq3A_1775 : vector<16xi32>
    %jit3A_1777 = arith.constant -3.000000e+38 : f32
    %broadcast_in_dim3A_1778 = vector.broadcast %jit3A_1777 : f32 to vector<16xf32>
    %select_n3A_1779 = arith.select %eq3A_1776, %broadcast_in_dim3A_1778, %get3A_1700 : vector<16xi1>, vector<16xf32>
    %eq3A_1780 = arith.constant 6 : i32
    %eq3A_1781 = vector.broadcast %eq3A_1780 : i32 to vector<16xi32>
    %eq3A_1782 = arith.cmpi eq, %select_n3A_1743, %eq3A_1781 : vector<16xi32>
    %jit3A_1783 = arith.constant -3.000000e+38 : f32
    %broadcast_in_dim3A_1784 = vector.broadcast %jit3A_1783 : f32 to vector<16xf32>
    %select_n3A_1785 = arith.select %eq3A_1782, %broadcast_in_dim3A_1784, %get3A_1703 : vector<16xi1>, vector<16xf32>
    %eq3A_1786 = arith.constant 7 : i32
    %eq3A_1787 = vector.broadcast %eq3A_1786 : i32 to vector<16xi32>
    %eq3A_1788 = arith.cmpi eq, %select_n3A_1743, %eq3A_1787 : vector<16xi32>
    %jit3A_1789 = arith.constant -3.000000e+38 : f32
    %broadcast_in_dim3A_1790 = vector.broadcast %jit3A_1789 : f32 to vector<16xf32>
    %select_n3A_1791 = arith.select %eq3A_1788, %broadcast_in_dim3A_1790, %get3A_1706 : vector<16xi1>, vector<16xf32>
    %max3A_1792 = arith.maximumf %select_n3A_1749, %select_n3A_1755 : vector<16xf32>
    %max3A_1793 = arith.maximumf %max3A_1792, %select_n3A_1761 : vector<16xf32>
    %max3A_1794 = arith.maximumf %max3A_1793, %select_n3A_1767 : vector<16xf32>
    %max3A_1795 = arith.maximumf %max3A_1794, %select_n3A_1773 : vector<16xf32>
    %max3A_1796 = arith.maximumf %max3A_1795, %select_n3A_1779 : vector<16xf32>
    %max3A_1797 = arith.maximumf %max3A_1796, %select_n3A_1785 : vector<16xf32>
    %max3A_1798 = arith.maximumf %max3A_1797, %select_n3A_1791 : vector<16xf32>
    %broadcast_in_dim3A_1799 = arith.constant 7 : i32
    %broadcast_in_dim3A_1800 = vector.broadcast %broadcast_in_dim3A_1799 : i32 to vector<16xi32>
    %eq3A_1801 = arith.cmpf oeq, %select_n3A_1785, %max3A_1798 : vector<16xf32>
    %jit3A_1802 = arith.constant 6 : i32
    %broadcast_in_dim3A_1803 = vector.broadcast %jit3A_1802 : i32 to vector<16xi32>
    %select_n3A_1804 = arith.select %eq3A_1801, %broadcast_in_dim3A_1803, %broadcast_in_dim3A_1800 : vector<16xi1>, vector<16xi32>
    %eq3A_1805 = arith.cmpf oeq, %select_n3A_1779, %max3A_1798 : vector<16xf32>
    %jit3A_1806 = arith.constant 5 : i32
    %broadcast_in_dim3A_1807 = vector.broadcast %jit3A_1806 : i32 to vector<16xi32>
    %select_n3A_1808 = arith.select %eq3A_1805, %broadcast_in_dim3A_1807, %select_n3A_1804 : vector<16xi1>, vector<16xi32>
    %eq3A_1809 = arith.cmpf oeq, %select_n3A_1773, %max3A_1798 : vector<16xf32>
    %jit3A_1810 = arith.constant 4 : i32
    %broadcast_in_dim3A_1811 = vector.broadcast %jit3A_1810 : i32 to vector<16xi32>
    %select_n3A_1812 = arith.select %eq3A_1809, %broadcast_in_dim3A_1811, %select_n3A_1808 : vector<16xi1>, vector<16xi32>
    %eq3A_1813 = arith.cmpf oeq, %select_n3A_1767, %max3A_1798 : vector<16xf32>
    %jit3A_1814 = arith.constant 3 : i32
    %broadcast_in_dim3A_1815 = vector.broadcast %jit3A_1814 : i32 to vector<16xi32>
    %select_n3A_1816 = arith.select %eq3A_1813, %broadcast_in_dim3A_1815, %select_n3A_1812 : vector<16xi1>, vector<16xi32>
    %eq3A_1817 = arith.cmpf oeq, %select_n3A_1761, %max3A_1798 : vector<16xf32>
    %jit3A_1818 = arith.constant 2 : i32
    %broadcast_in_dim3A_1819 = vector.broadcast %jit3A_1818 : i32 to vector<16xi32>
    %select_n3A_1820 = arith.select %eq3A_1817, %broadcast_in_dim3A_1819, %select_n3A_1816 : vector<16xi1>, vector<16xi32>
    %eq3A_1821 = arith.cmpf oeq, %select_n3A_1755, %max3A_1798 : vector<16xf32>
    %jit3A_1822 = arith.constant 1 : i32
    %broadcast_in_dim3A_1823 = vector.broadcast %jit3A_1822 : i32 to vector<16xi32>
    %select_n3A_1824 = arith.select %eq3A_1821, %broadcast_in_dim3A_1823, %select_n3A_1820 : vector<16xi1>, vector<16xi32>
    %eq3A_1825 = arith.cmpf oeq, %select_n3A_1749, %max3A_1798 : vector<16xf32>
    %jit3A_1826 = arith.constant 0 : i32
    %broadcast_in_dim3A_1827 = vector.broadcast %jit3A_1826 : i32 to vector<16xi32>
    %select_n3A_1828 = arith.select %eq3A_1825, %broadcast_in_dim3A_1827, %select_n3A_1824 : vector<16xi1>, vector<16xi32>
    %sub3A_1829 = arith.subf %get3A_1685, %max3A_1713 : vector<16xf32>
    %exp3A_1830 = math.exp %sub3A_1829 : vector<16xf32>
    %sub3A_1831 = arith.subf %get3A_1688, %max3A_1713 : vector<16xf32>
    %exp3A_1832 = math.exp %sub3A_1831 : vector<16xf32>
    %add3A_1833 = arith.addf %exp3A_1830, %exp3A_1832 : vector<16xf32>
    %sub3A_1834 = arith.subf %get3A_1691, %max3A_1713 : vector<16xf32>
    %exp3A_1835 = math.exp %sub3A_1834 : vector<16xf32>
    %add3A_1836 = arith.addf %add3A_1833, %exp3A_1835 : vector<16xf32>
    %sub3A_1837 = arith.subf %get3A_1694, %max3A_1713 : vector<16xf32>
    %exp3A_1838 = math.exp %sub3A_1837 : vector<16xf32>
    %add3A_1839 = arith.addf %add3A_1836, %exp3A_1838 : vector<16xf32>
    %sub3A_1840 = arith.subf %get3A_1697, %max3A_1713 : vector<16xf32>
    %exp3A_1841 = math.exp %sub3A_1840 : vector<16xf32>
    %add3A_1842 = arith.addf %add3A_1839, %exp3A_1841 : vector<16xf32>
    %sub3A_1843 = arith.subf %get3A_1700, %max3A_1713 : vector<16xf32>
    %exp3A_1844 = math.exp %sub3A_1843 : vector<16xf32>
    %add3A_1845 = arith.addf %add3A_1842, %exp3A_1844 : vector<16xf32>
    %sub3A_1846 = arith.subf %get3A_1703, %max3A_1713 : vector<16xf32>
    %exp3A_1847 = math.exp %sub3A_1846 : vector<16xf32>
    %add3A_1848 = arith.addf %add3A_1845, %exp3A_1847 : vector<16xf32>
    %sub3A_1849 = arith.subf %get3A_1706, %max3A_1713 : vector<16xf32>
    %exp3A_1850 = math.exp %sub3A_1849 : vector<16xf32>
    %add3A_1851 = arith.addf %add3A_1848, %exp3A_1850 : vector<16xf32>
    %div3A_1852 = arith.constant 1.000000e+00 : f32
    %div3A_1853 = vector.broadcast %div3A_1852 : f32 to vector<16xf32>
    %div3A_1854 = arith.divf %div3A_1853, %add3A_1851 : vector<16xf32>
    %sub3A_1855 = arith.subf %max3A_1798, %max3A_1713 : vector<16xf32>
    %exp3A_1856 = math.exp %sub3A_1855 : vector<16xf32>
    %div3A_1857 = arith.divf %exp3A_1856, %add3A_1851 : vector<16xf32>
    %add3A_1858 = arith.addf %div3A_1854, %div3A_1857 : vector<16xf32>
    %add3A_1859 = arith.constant 9.99999997E-7 : f32
    %add3A_1860 = vector.broadcast %add3A_1859 : f32 to vector<16xf32>
    %add3A_1861 = arith.addf %add3A_1858, %add3A_1860 : vector<16xf32>
    %div3A_1862 = arith.divf %div3A_1854, %add3A_1861 : vector<16xf32>
    %div3A_1863 = arith.divf %div3A_1857, %add3A_1861 : vector<16xf32>
    %broadcast_in_dim3A_1864 = arith.constant 0.000000e+00 : f32
    %broadcast_in_dim3A_1865 = vector.broadcast %broadcast_in_dim3A_1864 : f32 to vector<16xf32>
    %eq3A_1866 = arith.constant 0 : i32
    %eq3A_1867 = vector.broadcast %eq3A_1866 : i32 to vector<16xi32>
    %eq3A_1868 = arith.cmpi eq, %select_n3A_1743, %eq3A_1867 : vector<16xi32>
    %eq3A_1869 = arith.constant 0 : i32
    %eq3A_1870 = vector.broadcast %eq3A_1869 : i32 to vector<16xi32>
    %eq3A_1871 = arith.cmpi eq, %select_n3A_1828, %eq3A_1870 : vector<16xi32>
    %select_n3A_1872 = arith.select %eq3A_1871, %div3A_1863, %broadcast_in_dim3A_1865 : vector<16xi1>, vector<16xf32>
    %select_n3A_1873 = arith.select %eq3A_1868, %div3A_1862, %select_n3A_1872 : vector<16xi1>, vector<16xf32>
    %swap3A_1874 = arith.constant 96 : index
    %swap3A_1875 = tpu.vector_load %arg5[%swap3A_1874] {strides = array<i32>} : memref<1024xf32, #tpu.memory_space<vmem>>, vector<16xf32>,
    %swap3A_1876 = vector.shape_cast %swap3A_1875 : vector<16xf32> to vector<16xf32>
    %swap3A_1877 = vector.shape_cast %select_n3A_1873 : vector<16xf32> to vector<16xf32>
    tpu.vector_store %arg5[%swap3A_1874], %swap3A_1877 {strides = array<i32>} : memref<1024xf32, #tpu.memory_space<vmem>>, vector<16xf32>,
    %eq3A_1878 = arith.constant 1 : i32
    %eq3A_1879 = vector.broadcast %eq3A_1878 : i32 to vector<16xi32>
    %eq3A_1880 = arith.cmpi eq, %select_n3A_1743, %eq3A_1879 : vector<16xi32>
    %eq3A_1881 = arith.constant 1 : i32
    %eq3A_1882 = vector.broadcast %eq3A_1881 : i32 to vector<16xi32>
    %eq3A_1883 = arith.cmpi eq, %select_n3A_1828, %eq3A_1882 : vector<16xi32>
    %select_n3A_1884 = arith.select %eq3A_1883, %div3A_1863, %broadcast_in_dim3A_1865 : vector<16xi1>, vector<16xf32>
    %select_n3A_1885 = arith.select %eq3A_1880, %div3A_1862, %select_n3A_1884 : vector<16xi1>, vector<16xf32>
    %swap3A_1886 = arith.constant 224 : index
    %swap3A_1887 = tpu.vector_load %arg5[%swap3A_1886] {strides = array<i32>} : memref<1024xf32, #tpu.memory_space<vmem>>, vector<16xf32>,
    %swap3A_1888 = vector.shape_cast %swap3A_1887 : vector<16xf32> to vector<16xf32>
    %swap3A_1889 = vector.shape_cast %select_n3A_1885 : vector<16xf32> to vector<16xf32>
    tpu.vector_store %arg5[%swap3A_1886], %swap3A_1889 {strides = array<i32>} : memref<1024xf32, #tpu.memory_space<vmem>>, vector<16xf32>,
    %eq3A_1890 = arith.constant 2 : i32
    %eq3A_1891 = vector.broadcast %eq3A_1890 : i32 to vector<16xi32>
    %eq3A_1892 = arith.cmpi eq, %select_n3A_1743, %eq3A_1891 : vector<16xi32>
    %eq3A_1893 = arith.constant 2 : i32
    %eq3A_1894 = vector.broadcast %eq3A_1893 : i32 to vector<16xi32>
    %eq3A_1895 = arith.cmpi eq, %select_n3A_1828, %eq3A_1894 : vector<16xi32>
    %select_n3A_1896 = arith.select %eq3A_1895, %div3A_1863, %broadcast_in_dim3A_1865 : vector<16xi1>, vector<16xf32>
    %select_n3A_1897 = arith.select %eq3A_1892, %div3A_1862, %select_n3A_1896 : vector<16xi1>, vector<16xf32>
    %swap3A_1898 = arith.constant 352 : index
    %swap3A_1899 = tpu.vector_load %arg5[%swap3A_1898] {strides = array<i32>} : memref<1024xf32, #tpu.memory_space<vmem>>, vector<16xf32>,
    %swap3A_1900 = vector.shape_cast %swap3A_1899 : vector<16xf32> to vector<16xf32>
    %swap3A_1901 = vector.shape_cast %select_n3A_1897 : vector<16xf32> to vector<16xf32>
    tpu.vector_store %arg5[%swap3A_1898], %swap3A_1901 {strides = array<i32>} : memref<1024xf32, #tpu.memory_space<vmem>>, vector<16xf32>,
    %eq3A_1902 = arith.constant 3 : i32
    %eq3A_1903 = vector.broadcast %eq3A_1902 : i32 to vector<16xi32>
    %eq3A_1904 = arith.cmpi eq, %select_n3A_1743, %eq3A_1903 : vector<16xi32>
    %eq3A_1905 = arith.constant 3 : i32
    %eq3A_1906 = vector.broadcast %eq3A_1905 : i32 to vector<16xi32>
    %eq3A_1907 = arith.cmpi eq, %select_n3A_1828, %eq3A_1906 : vector<16xi32>
    %select_n3A_1908 = arith.select %eq3A_1907, %div3A_1863, %broadcast_in_dim3A_1865 : vector<16xi1>, vector<16xf32>
    %select_n3A_1909 = arith.select %eq3A_1904, %div3A_1862, %select_n3A_1908 : vector<16xi1>, vector<16xf32>
    %swap3A_1910 = arith.constant 480 : index
    %swap3A_1911 = tpu.vector_load %arg5[%swap3A_1910] {strides = array<i32>} : memref<1024xf32, #tpu.memory_space<vmem>>, vector<16xf32>,
    %swap3A_1912 = vector.shape_cast %swap3A_1911 : vector<16xf32> to vector<16xf32>
    %swap3A_1913 = vector.shape_cast %select_n3A_1909 : vector<16xf32> to vector<16xf32>
    tpu.vector_store %arg5[%swap3A_1910], %swap3A_1913 {strides = array<i32>} : memref<1024xf32, #tpu.memory_space<vmem>>, vector<16xf32>,
    %eq3A_1914 = arith.constant 4 : i32
    %eq3A_1915 = vector.broadcast %eq3A_1914 : i32 to vector<16xi32>
    %eq3A_1916 = arith.cmpi eq, %select_n3A_1743, %eq3A_1915 : vector<16xi32>
    %eq3A_1917 = arith.constant 4 : i32
    %eq3A_1918 = vector.broadcast %eq3A_1917 : i32 to vector<16xi32>
    %eq3A_1919 = arith.cmpi eq, %select_n3A_1828, %eq3A_1918 : vector<16xi32>
    %select_n3A_1920 = arith.select %eq3A_1919, %div3A_1863, %broadcast_in_dim3A_1865 : vector<16xi1>, vector<16xf32>
    %select_n3A_1921 = arith.select %eq3A_1916, %div3A_1862, %select_n3A_1920 : vector<16xi1>, vector<16xf32>
    %swap3A_1922 = arith.constant 608 : index
    %swap3A_1923 = tpu.vector_load %arg5[%swap3A_1922] {strides = array<i32>} : memref<1024xf32, #tpu.memory_space<vmem>>, vector<16xf32>,
    %swap3A_1924 = vector.shape_cast %swap3A_1923 : vector<16xf32> to vector<16xf32>
    %swap3A_1925 = vector.shape_cast %select_n3A_1921 : vector<16xf32> to vector<16xf32>
    tpu.vector_store %arg5[%swap3A_1922], %swap3A_1925 {strides = array<i32>} : memref<1024xf32, #tpu.memory_space<vmem>>, vector<16xf32>,
    %eq3A_1926 = arith.constant 5 : i32
    %eq3A_1927 = vector.broadcast %eq3A_1926 : i32 to vector<16xi32>
    %eq3A_1928 = arith.cmpi eq, %select_n3A_1743, %eq3A_1927 : vector<16xi32>
    %eq3A_1929 = arith.constant 5 : i32
    %eq3A_1930 = vector.broadcast %eq3A_1929 : i32 to vector<16xi32>
    %eq3A_1931 = arith.cmpi eq, %select_n3A_1828, %eq3A_1930 : vector<16xi32>
    %select_n3A_1932 = arith.select %eq3A_1931, %div3A_1863, %broadcast_in_dim3A_1865 : vector<16xi1>, vector<16xf32>
    %select_n3A_1933 = arith.select %eq3A_1928, %div3A_1862, %select_n3A_1932 : vector<16xi1>, vector<16xf32>
    %swap3A_1934 = arith.constant 736 : index
    %swap3A_1935 = tpu.vector_load %arg5[%swap3A_1934] {strides = array<i32>} : memref<1024xf32, #tpu.memory_space<vmem>>, vector<16xf32>,
    %swap3A_1936 = vector.shape_cast %swap3A_1935 : vector<16xf32> to vector<16xf32>
    %swap3A_1937 = vector.shape_cast %select_n3A_1933 : vector<16xf32> to vector<16xf32>
    tpu.vector_store %arg5[%swap3A_1934], %swap3A_1937 {strides = array<i32>} : memref<1024xf32, #tpu.memory_space<vmem>>, vector<16xf32>,
    %eq3A_1938 = arith.constant 6 : i32
    %eq3A_1939 = vector.broadcast %eq3A_1938 : i32 to vector<16xi32>
    %eq3A_1940 = arith.cmpi eq, %select_n3A_1743, %eq3A_1939 : vector<16xi32>
    %eq3A_1941 = arith.constant 6 : i32
    %eq3A_1942 = vector.broadcast %eq3A_1941 : i32 to vector<16xi32>
    %eq3A_1943 = arith.cmpi eq, %select_n3A_1828, %eq3A_1942 : vector<16xi32>
    %select_n3A_1944 = arith.select %eq3A_1943, %div3A_1863, %broadcast_in_dim3A_1865 : vector<16xi1>, vector<16xf32>
    %select_n3A_1945 = arith.select %eq3A_1940, %div3A_1862, %select_n3A_1944 : vector<16xi1>, vector<16xf32>
    %swap3A_1946 = arith.constant 864 : index
    %swap3A_1947 = tpu.vector_load %arg5[%swap3A_1946] {strides = array<i32>} : memref<1024xf32, #tpu.memory_space<vmem>>, vector<16xf32>,
    %swap3A_1948 = vector.shape_cast %swap3A_1947 : vector<16xf32> to vector<16xf32>
    %swap3A_1949 = vector.shape_cast %select_n3A_1945 : vector<16xf32> to vector<16xf32>
    tpu.vector_store %arg5[%swap3A_1946], %swap3A_1949 {strides = array<i32>} : memref<1024xf32, #tpu.memory_space<vmem>>, vector<16xf32>,
    %eq3A_1950 = arith.constant 7 : i32
    %eq3A_1951 = vector.broadcast %eq3A_1950 : i32 to vector<16xi32>
    %eq3A_1952 = arith.cmpi eq, %select_n3A_1743, %eq3A_1951 : vector<16xi32>
    %eq3A_1953 = arith.constant 7 : i32
    %eq3A_1954 = vector.broadcast %eq3A_1953 : i32 to vector<16xi32>
    %eq3A_1955 = arith.cmpi eq, %select_n3A_1828, %eq3A_1954 : vector<16xi32>
    %select_n3A_1956 = arith.select %eq3A_1955, %div3A_1863, %broadcast_in_dim3A_1865 : vector<16xi1>, vector<16xf32>
    %select_n3A_1957 = arith.select %eq3A_1952, %div3A_1862, %select_n3A_1956 : vector<16xi1>, vector<16xf32>
    %swap3A_1958 = arith.constant 992 : index
    %swap3A_1959 = tpu.vector_load %arg5[%swap3A_1958] {strides = array<i32>} : memref<1024xf32, #tpu.memory_space<vmem>>, vector<16xf32>,
    %swap3A_1960 = vector.shape_cast %swap3A_1959 : vector<16xf32> to vector<16xf32>
    %swap3A_1961 = vector.shape_cast %select_n3A_1957 : vector<16xf32> to vector<16xf32>
    tpu.vector_store %arg5[%swap3A_1958], %swap3A_1961 {strides = array<i32>} : memref<1024xf32, #tpu.memory_space<vmem>>, vector<16xf32>,
    %get3A_1962 = arith.constant 112 : index
    %get3A_1963 = tpu.vector_load %arg4[%get3A_1962] {strides = array<i32>} : memref<1024xf32, #tpu.memory_space<vmem>>, vector<16xf32>,
    %get3A_1964 = vector.shape_cast %get3A_1963 : vector<16xf32> to vector<16xf32>
    %get3A_1965 = arith.constant 240 : index
    %get3A_1966 = tpu.vector_load %arg4[%get3A_1965] {strides = array<i32>} : memref<1024xf32, #tpu.memory_space<vmem>>, vector<16xf32>,
    %get3A_1967 = vector.shape_cast %get3A_1966 : vector<16xf32> to vector<16xf32>
    %get3A_1968 = arith.constant 368 : index
    %get3A_1969 = tpu.vector_load %arg4[%get3A_1968] {strides = array<i32>} : memref<1024xf32, #tpu.memory_space<vmem>>, vector<16xf32>,
    %get3A_1970 = vector.shape_cast %get3A_1969 : vector<16xf32> to vector<16xf32>
    %get3A_1971 = arith.constant 496 : index
    %get3A_1972 = tpu.vector_load %arg4[%get3A_1971] {strides = array<i32>} : memref<1024xf32, #tpu.memory_space<vmem>>, vector<16xf32>,
    %get3A_1973 = vector.shape_cast %get3A_1972 : vector<16xf32> to vector<16xf32>
    %get3A_1974 = arith.constant 624 : index
    %get3A_1975 = tpu.vector_load %arg4[%get3A_1974] {strides = array<i32>} : memref<1024xf32, #tpu.memory_space<vmem>>, vector<16xf32>,
    %get3A_1976 = vector.shape_cast %get3A_1975 : vector<16xf32> to vector<16xf32>
    %get3A_1977 = arith.constant 752 : index
    %get3A_1978 = tpu.vector_load %arg4[%get3A_1977] {strides = array<i32>} : memref<1024xf32, #tpu.memory_space<vmem>>, vector<16xf32>,
    %get3A_1979 = vector.shape_cast %get3A_1978 : vector<16xf32> to vector<16xf32>
    %get3A_1980 = arith.constant 880 : index
    %get3A_1981 = tpu.vector_load %arg4[%get3A_1980] {strides = array<i32>} : memref<1024xf32, #tpu.memory_space<vmem>>, vector<16xf32>,
    %get3A_1982 = vector.shape_cast %get3A_1981 : vector<16xf32> to vector<16xf32>
    %get3A_1983 = arith.constant 1008 : index
    %get3A_1984 = tpu.vector_load %arg4[%get3A_1983] {strides = array<i32>} : memref<1024xf32, #tpu.memory_space<vmem>>, vector<16xf32>,
    %get3A_1985 = vector.shape_cast %get3A_1984 : vector<16xf32> to vector<16xf32>
    %max3A_1986 = arith.maximumf %get3A_1964, %get3A_1967 : vector<16xf32>
    %max3A_1987 = arith.maximumf %max3A_1986, %get3A_1970 : vector<16xf32>
    %max3A_1988 = arith.maximumf %max3A_1987, %get3A_1973 : vector<16xf32>
    %max3A_1989 = arith.maximumf %max3A_1988, %get3A_1976 : vector<16xf32>
    %max3A_1990 = arith.maximumf %max3A_1989, %get3A_1979 : vector<16xf32>
    %max3A_1991 = arith.maximumf %max3A_1990, %get3A_1982 : vector<16xf32>
    %max3A_1992 = arith.maximumf %max3A_1991, %get3A_1985 : vector<16xf32>
    %broadcast_in_dim3A_1993 = arith.constant 7 : i32
    %broadcast_in_dim3A_1994 = vector.broadcast %broadcast_in_dim3A_1993 : i32 to vector<16xi32>
    %eq3A_1995 = arith.cmpf oeq, %get3A_1982, %max3A_1992 : vector<16xf32>
    %jit3A_1996 = arith.constant 6 : i32
    %broadcast_in_dim3A_1997 = vector.broadcast %jit3A_1996 : i32 to vector<16xi32>
    %select_n3A_1998 = arith.select %eq3A_1995, %broadcast_in_dim3A_1997, %broadcast_in_dim3A_1994 : vector<16xi1>, vector<16xi32>
    %eq3A_1999 = arith.cmpf oeq, %get3A_1979, %max3A_1992 : vector<16xf32>
    %jit3A_2000 = arith.constant 5 : i32
    %broadcast_in_dim3A_2001 = vector.broadcast %jit3A_2000 : i32 to vector<16xi32>
    %select_n3A_2002 = arith.select %eq3A_1999, %broadcast_in_dim3A_2001, %select_n3A_1998 : vector<16xi1>, vector<16xi32>
    %eq3A_2003 = arith.cmpf oeq, %get3A_1976, %max3A_1992 : vector<16xf32>
    %jit3A_2004 = arith.constant 4 : i32
    %broadcast_in_dim3A_2005 = vector.broadcast %jit3A_2004 : i32 to vector<16xi32>
    %select_n3A_2006 = arith.select %eq3A_2003, %broadcast_in_dim3A_2005, %select_n3A_2002 : vector<16xi1>, vector<16xi32>
    %eq3A_2007 = arith.cmpf oeq, %get3A_1973, %max3A_1992 : vector<16xf32>
    %jit3A_2008 = arith.constant 3 : i32
    %broadcast_in_dim3A_2009 = vector.broadcast %jit3A_2008 : i32 to vector<16xi32>
    %select_n3A_2010 = arith.select %eq3A_2007, %broadcast_in_dim3A_2009, %select_n3A_2006 : vector<16xi1>, vector<16xi32>
    %eq3A_2011 = arith.cmpf oeq, %get3A_1970, %max3A_1992 : vector<16xf32>
    %jit3A_2012 = arith.constant 2 : i32
    %broadcast_in_dim3A_2013 = vector.broadcast %jit3A_2012 : i32 to vector<16xi32>
    %select_n3A_2014 = arith.select %eq3A_2011, %broadcast_in_dim3A_2013, %select_n3A_2010 : vector<16xi1>, vector<16xi32>
    %eq3A_2015 = arith.cmpf oeq, %get3A_1967, %max3A_1992 : vector<16xf32>
    %jit3A_2016 = arith.constant 1 : i32
    %broadcast_in_dim3A_2017 = vector.broadcast %jit3A_2016 : i32 to vector<16xi32>
    %select_n3A_2018 = arith.select %eq3A_2015, %broadcast_in_dim3A_2017, %select_n3A_2014 : vector<16xi1>, vector<16xi32>
    %eq3A_2019 = arith.cmpf oeq, %get3A_1964, %max3A_1992 : vector<16xf32>
    %jit3A_2020 = arith.constant 0 : i32
    %broadcast_in_dim3A_2021 = vector.broadcast %jit3A_2020 : i32 to vector<16xi32>
    %select_n3A_2022 = arith.select %eq3A_2019, %broadcast_in_dim3A_2021, %select_n3A_2018 : vector<16xi1>, vector<16xi32>
    %eq3A_2023 = arith.constant 0 : i32
    %eq3A_2024 = vector.broadcast %eq3A_2023 : i32 to vector<16xi32>
    %eq3A_2025 = arith.cmpi eq, %select_n3A_2022, %eq3A_2024 : vector<16xi32>
    %jit3A_2026 = arith.constant -3.000000e+38 : f32
    %broadcast_in_dim3A_2027 = vector.broadcast %jit3A_2026 : f32 to vector<16xf32>
    %select_n3A_2028 = arith.select %eq3A_2025, %broadcast_in_dim3A_2027, %get3A_1964 : vector<16xi1>, vector<16xf32>
    %eq3A_2029 = arith.constant 1 : i32
    %eq3A_2030 = vector.broadcast %eq3A_2029 : i32 to vector<16xi32>
    %eq3A_2031 = arith.cmpi eq, %select_n3A_2022, %eq3A_2030 : vector<16xi32>
    %jit3A_2032 = arith.constant -3.000000e+38 : f32
    %broadcast_in_dim3A_2033 = vector.broadcast %jit3A_2032 : f32 to vector<16xf32>
    %select_n3A_2034 = arith.select %eq3A_2031, %broadcast_in_dim3A_2033, %get3A_1967 : vector<16xi1>, vector<16xf32>
    %eq3A_2035 = arith.constant 2 : i32
    %eq3A_2036 = vector.broadcast %eq3A_2035 : i32 to vector<16xi32>
    %eq3A_2037 = arith.cmpi eq, %select_n3A_2022, %eq3A_2036 : vector<16xi32>
    %jit3A_2038 = arith.constant -3.000000e+38 : f32
    %broadcast_in_dim3A_2039 = vector.broadcast %jit3A_2038 : f32 to vector<16xf32>
    %select_n3A_2040 = arith.select %eq3A_2037, %broadcast_in_dim3A_2039, %get3A_1970 : vector<16xi1>, vector<16xf32>
    %eq3A_2041 = arith.constant 3 : i32
    %eq3A_2042 = vector.broadcast %eq3A_2041 : i32 to vector<16xi32>
    %eq3A_2043 = arith.cmpi eq, %select_n3A_2022, %eq3A_2042 : vector<16xi32>
    %jit3A_2044 = arith.constant -3.000000e+38 : f32
    %broadcast_in_dim3A_2045 = vector.broadcast %jit3A_2044 : f32 to vector<16xf32>
    %select_n3A_2046 = arith.select %eq3A_2043, %broadcast_in_dim3A_2045, %get3A_1973 : vector<16xi1>, vector<16xf32>
    %eq3A_2047 = arith.constant 4 : i32
    %eq3A_2048 = vector.broadcast %eq3A_2047 : i32 to vector<16xi32>
    %eq3A_2049 = arith.cmpi eq, %select_n3A_2022, %eq3A_2048 : vector<16xi32>
    %jit3A_2050 = arith.constant -3.000000e+38 : f32
    %broadcast_in_dim3A_2051 = vector.broadcast %jit3A_2050 : f32 to vector<16xf32>
    %select_n3A_2052 = arith.select %eq3A_2049, %broadcast_in_dim3A_2051, %get3A_1976 : vector<16xi1>, vector<16xf32>
    %eq3A_2053 = arith.constant 5 : i32
    %eq3A_2054 = vector.broadcast %eq3A_2053 : i32 to vector<16xi32>
    %eq3A_2055 = arith.cmpi eq, %select_n3A_2022, %eq3A_2054 : vector<16xi32>
    %jit3A_2056 = arith.constant -3.000000e+38 : f32
    %broadcast_in_dim3A_2057 = vector.broadcast %jit3A_2056 : f32 to vector<16xf32>
    %select_n3A_2058 = arith.select %eq3A_2055, %broadcast_in_dim3A_2057, %get3A_1979 : vector<16xi1>, vector<16xf32>
    %eq3A_2059 = arith.constant 6 : i32
    %eq3A_2060 = vector.broadcast %eq3A_2059 : i32 to vector<16xi32>
    %eq3A_2061 = arith.cmpi eq, %select_n3A_2022, %eq3A_2060 : vector<16xi32>
    %jit3A_2062 = arith.constant -3.000000e+38 : f32
    %broadcast_in_dim3A_2063 = vector.broadcast %jit3A_2062 : f32 to vector<16xf32>
    %select_n3A_2064 = arith.select %eq3A_2061, %broadcast_in_dim3A_2063, %get3A_1982 : vector<16xi1>, vector<16xf32>
    %eq3A_2065 = arith.constant 7 : i32
    %eq3A_2066 = vector.broadcast %eq3A_2065 : i32 to vector<16xi32>
    %eq3A_2067 = arith.cmpi eq, %select_n3A_2022, %eq3A_2066 : vector<16xi32>
    %jit3A_2068 = arith.constant -3.000000e+38 : f32
    %broadcast_in_dim3A_2069 = vector.broadcast %jit3A_2068 : f32 to vector<16xf32>
    %select_n3A_2070 = arith.select %eq3A_2067, %broadcast_in_dim3A_2069, %get3A_1985 : vector<16xi1>, vector<16xf32>
    %max3A_2071 = arith.maximumf %select_n3A_2028, %select_n3A_2034 : vector<16xf32>
    %max3A_2072 = arith.maximumf %max3A_2071, %select_n3A_2040 : vector<16xf32>
    %max3A_2073 = arith.maximumf %max3A_2072, %select_n3A_2046 : vector<16xf32>
    %max3A_2074 = arith.maximumf %max3A_2073, %select_n3A_2052 : vector<16xf32>
    %max3A_2075 = arith.maximumf %max3A_2074, %select_n3A_2058 : vector<16xf32>
    %max3A_2076 = arith.maximumf %max3A_2075, %select_n3A_2064 : vector<16xf32>
    %max3A_2077 = arith.maximumf %max3A_2076, %select_n3A_2070 : vector<16xf32>
    %broadcast_in_dim3A_2078 = arith.constant 7 : i32
    %broadcast_in_dim3A_2079 = vector.broadcast %broadcast_in_dim3A_2078 : i32 to vector<16xi32>
    %eq3A_2080 = arith.cmpf oeq, %select_n3A_2064, %max3A_2077 : vector<16xf32>
    %jit3A_2081 = arith.constant 6 : i32
    %broadcast_in_dim3A_2082 = vector.broadcast %jit3A_2081 : i32 to vector<16xi32>
    %select_n3A_2083 = arith.select %eq3A_2080, %broadcast_in_dim3A_2082, %broadcast_in_dim3A_2079 : vector<16xi1>, vector<16xi32>
    %eq3A_2084 = arith.cmpf oeq, %select_n3A_2058, %max3A_2077 : vector<16xf32>
    %jit3A_2085 = arith.constant 5 : i32
    %broadcast_in_dim3A_2086 = vector.broadcast %jit3A_2085 : i32 to vector<16xi32>
    %select_n3A_2087 = arith.select %eq3A_2084, %broadcast_in_dim3A_2086, %select_n3A_2083 : vector<16xi1>, vector<16xi32>
    %eq3A_2088 = arith.cmpf oeq, %select_n3A_2052, %max3A_2077 : vector<16xf32>
    %jit3A_2089 = arith.constant 4 : i32
    %broadcast_in_dim3A_2090 = vector.broadcast %jit3A_2089 : i32 to vector<16xi32>
    %select_n3A_2091 = arith.select %eq3A_2088, %broadcast_in_dim3A_2090, %select_n3A_2087 : vector<16xi1>, vector<16xi32>
    %eq3A_2092 = arith.cmpf oeq, %select_n3A_2046, %max3A_2077 : vector<16xf32>
    %jit3A_2093 = arith.constant 3 : i32
    %broadcast_in_dim3A_2094 = vector.broadcast %jit3A_2093 : i32 to vector<16xi32>
    %select_n3A_2095 = arith.select %eq3A_2092, %broadcast_in_dim3A_2094, %select_n3A_2091 : vector<16xi1>, vector<16xi32>
    %eq3A_2096 = arith.cmpf oeq, %select_n3A_2040, %max3A_2077 : vector<16xf32>
    %jit3A_2097 = arith.constant 2 : i32
    %broadcast_in_dim3A_2098 = vector.broadcast %jit3A_2097 : i32 to vector<16xi32>
    %select_n3A_2099 = arith.select %eq3A_2096, %broadcast_in_dim3A_2098, %select_n3A_2095 : vector<16xi1>, vector<16xi32>
    %eq3A_2100 = arith.cmpf oeq, %select_n3A_2034, %max3A_2077 : vector<16xf32>
    %jit3A_2101 = arith.constant 1 : i32
    %broadcast_in_dim3A_2102 = vector.broadcast %jit3A_2101 : i32 to vector<16xi32>
    %select_n3A_2103 = arith.select %eq3A_2100, %broadcast_in_dim3A_2102, %select_n3A_2099 : vector<16xi1>, vector<16xi32>
    %eq3A_2104 = arith.cmpf oeq, %select_n3A_2028, %max3A_2077 : vector<16xf32>
    %jit3A_2105 = arith.constant 0 : i32
    %broadcast_in_dim3A_2106 = vector.broadcast %jit3A_2105 : i32 to vector<16xi32>
    %select_n3A_2107 = arith.select %eq3A_2104, %broadcast_in_dim3A_2106, %select_n3A_2103 : vector<16xi1>, vector<16xi32>
    %sub3A_2108 = arith.subf %get3A_1964, %max3A_1992 : vector<16xf32>
    %exp3A_2109 = math.exp %sub3A_2108 : vector<16xf32>
    %sub3A_2110 = arith.subf %get3A_1967, %max3A_1992 : vector<16xf32>
    %exp3A_2111 = math.exp %sub3A_2110 : vector<16xf32>
    %add3A_2112 = arith.addf %exp3A_2109, %exp3A_2111 : vector<16xf32>
    %sub3A_2113 = arith.subf %get3A_1970, %max3A_1992 : vector<16xf32>
    %exp3A_2114 = math.exp %sub3A_2113 : vector<16xf32>
    %add3A_2115 = arith.addf %add3A_2112, %exp3A_2114 : vector<16xf32>
    %sub3A_2116 = arith.subf %get3A_1973, %max3A_1992 : vector<16xf32>
    %exp3A_2117 = math.exp %sub3A_2116 : vector<16xf32>
    %add3A_2118 = arith.addf %add3A_2115, %exp3A_2117 : vector<16xf32>
    %sub3A_2119 = arith.subf %get3A_1976, %max3A_1992 : vector<16xf32>
    %exp3A_2120 = math.exp %sub3A_2119 : vector<16xf32>
    %add3A_2121 = arith.addf %add3A_2118, %exp3A_2120 : vector<16xf32>
    %sub3A_2122 = arith.subf %get3A_1979, %max3A_1992 : vector<16xf32>
    %exp3A_2123 = math.exp %sub3A_2122 : vector<16xf32>
    %add3A_2124 = arith.addf %add3A_2121, %exp3A_2123 : vector<16xf32>
    %sub3A_2125 = arith.subf %get3A_1982, %max3A_1992 : vector<16xf32>
    %exp3A_2126 = math.exp %sub3A_2125 : vector<16xf32>
    %add3A_2127 = arith.addf %add3A_2124, %exp3A_2126 : vector<16xf32>
    %sub3A_2128 = arith.subf %get3A_1985, %max3A_1992 : vector<16xf32>
    %exp3A_2129 = math.exp %sub3A_2128 : vector<16xf32>
    %add3A_2130 = arith.addf %add3A_2127, %exp3A_2129 : vector<16xf32>
    %div3A_2131 = arith.constant 1.000000e+00 : f32
    %div3A_2132 = vector.broadcast %div3A_2131 : f32 to vector<16xf32>
    %div3A_2133 = arith.divf %div3A_2132, %add3A_2130 : vector<16xf32>
    %sub3A_2134 = arith.subf %max3A_2077, %max3A_1992 : vector<16xf32>
    %exp3A_2135 = math.exp %sub3A_2134 : vector<16xf32>
    %div3A_2136 = arith.divf %exp3A_2135, %add3A_2130 : vector<16xf32>
    %add3A_2137 = arith.addf %div3A_2133, %div3A_2136 : vector<16xf32>
    %add3A_2138 = arith.constant 9.99999997E-7 : f32
    %add3A_2139 = vector.broadcast %add3A_2138 : f32 to vector<16xf32>
    %add3A_2140 = arith.addf %add3A_2137, %add3A_2139 : vector<16xf32>
    %div3A_2141 = arith.divf %div3A_2133, %add3A_2140 : vector<16xf32>
    %div3A_2142 = arith.divf %div3A_2136, %add3A_2140 : vector<16xf32>
    %broadcast_in_dim3A_2143 = arith.constant 0.000000e+00 : f32
    %broadcast_in_dim3A_2144 = vector.broadcast %broadcast_in_dim3A_2143 : f32 to vector<16xf32>
    %eq3A_2145 = arith.constant 0 : i32
    %eq3A_2146 = vector.broadcast %eq3A_2145 : i32 to vector<16xi32>
    %eq3A_2147 = arith.cmpi eq, %select_n3A_2022, %eq3A_2146 : vector<16xi32>
    %eq3A_2148 = arith.constant 0 : i32
    %eq3A_2149 = vector.broadcast %eq3A_2148 : i32 to vector<16xi32>
    %eq3A_2150 = arith.cmpi eq, %select_n3A_2107, %eq3A_2149 : vector<16xi32>
    %select_n3A_2151 = arith.select %eq3A_2150, %div3A_2142, %broadcast_in_dim3A_2144 : vector<16xi1>, vector<16xf32>
    %select_n3A_2152 = arith.select %eq3A_2147, %div3A_2141, %select_n3A_2151 : vector<16xi1>, vector<16xf32>
    %swap3A_2153 = arith.constant 112 : index
    %swap3A_2154 = tpu.vector_load %arg5[%swap3A_2153] {strides = array<i32>} : memref<1024xf32, #tpu.memory_space<vmem>>, vector<16xf32>,
    %swap3A_2155 = vector.shape_cast %swap3A_2154 : vector<16xf32> to vector<16xf32>
    %swap3A_2156 = vector.shape_cast %select_n3A_2152 : vector<16xf32> to vector<16xf32>
    tpu.vector_store %arg5[%swap3A_2153], %swap3A_2156 {strides = array<i32>} : memref<1024xf32, #tpu.memory_space<vmem>>, vector<16xf32>,
    %eq3A_2157 = arith.constant 1 : i32
    %eq3A_2158 = vector.broadcast %eq3A_2157 : i32 to vector<16xi32>
    %eq3A_2159 = arith.cmpi eq, %select_n3A_2022, %eq3A_2158 : vector<16xi32>
    %eq3A_2160 = arith.constant 1 : i32
    %eq3A_2161 = vector.broadcast %eq3A_2160 : i32 to vector<16xi32>
    %eq3A_2162 = arith.cmpi eq, %select_n3A_2107, %eq3A_2161 : vector<16xi32>
    %select_n3A_2163 = arith.select %eq3A_2162, %div3A_2142, %broadcast_in_dim3A_2144 : vector<16xi1>, vector<16xf32>
    %select_n3A_2164 = arith.select %eq3A_2159, %div3A_2141, %select_n3A_2163 : vector<16xi1>, vector<16xf32>
    %swap3A_2165 = arith.constant 240 : index
    %swap3A_2166 = tpu.vector_load %arg5[%swap3A_2165] {strides = array<i32>} : memref<1024xf32, #tpu.memory_space<vmem>>, vector<16xf32>,
    %swap3A_2167 = vector.shape_cast %swap3A_2166 : vector<16xf32> to vector<16xf32>
    %swap3A_2168 = vector.shape_cast %select_n3A_2164 : vector<16xf32> to vector<16xf32>
    tpu.vector_store %arg5[%swap3A_2165], %swap3A_2168 {strides = array<i32>} : memref<1024xf32, #tpu.memory_space<vmem>>, vector<16xf32>,
    %eq3A_2169 = arith.constant 2 : i32
    %eq3A_2170 = vector.broadcast %eq3A_2169 : i32 to vector<16xi32>
    %eq3A_2171 = arith.cmpi eq, %select_n3A_2022, %eq3A_2170 : vector<16xi32>
    %eq3A_2172 = arith.constant 2 : i32
    %eq3A_2173 = vector.broadcast %eq3A_2172 : i32 to vector<16xi32>
    %eq3A_2174 = arith.cmpi eq, %select_n3A_2107, %eq3A_2173 : vector<16xi32>
    %select_n3A_2175 = arith.select %eq3A_2174, %div3A_2142, %broadcast_in_dim3A_2144 : vector<16xi1>, vector<16xf32>
    %select_n3A_2176 = arith.select %eq3A_2171, %div3A_2141, %select_n3A_2175 : vector<16xi1>, vector<16xf32>
    %swap3A_2177 = arith.constant 368 : index
    %swap3A_2178 = tpu.vector_load %arg5[%swap3A_2177] {strides = array<i32>} : memref<1024xf32, #tpu.memory_space<vmem>>, vector<16xf32>,
    %swap3A_2179 = vector.shape_cast %swap3A_2178 : vector<16xf32> to vector<16xf32>
    %swap3A_2180 = vector.shape_cast %select_n3A_2176 : vector<16xf32> to vector<16xf32>
    tpu.vector_store %arg5[%swap3A_2177], %swap3A_2180 {strides = array<i32>} : memref<1024xf32, #tpu.memory_space<vmem>>, vector<16xf32>,
    %eq3A_2181 = arith.constant 3 : i32
    %eq3A_2182 = vector.broadcast %eq3A_2181 : i32 to vector<16xi32>
    %eq3A_2183 = arith.cmpi eq, %select_n3A_2022, %eq3A_2182 : vector<16xi32>
    %eq3A_2184 = arith.constant 3 : i32
    %eq3A_2185 = vector.broadcast %eq3A_2184 : i32 to vector<16xi32>
    %eq3A_2186 = arith.cmpi eq, %select_n3A_2107, %eq3A_2185 : vector<16xi32>
    %select_n3A_2187 = arith.select %eq3A_2186, %div3A_2142, %broadcast_in_dim3A_2144 : vector<16xi1>, vector<16xf32>
    %select_n3A_2188 = arith.select %eq3A_2183, %div3A_2141, %select_n3A_2187 : vector<16xi1>, vector<16xf32>
    %swap3A_2189 = arith.constant 496 : index
    %swap3A_2190 = tpu.vector_load %arg5[%swap3A_2189] {strides = array<i32>} : memref<1024xf32, #tpu.memory_space<vmem>>, vector<16xf32>,
    %swap3A_2191 = vector.shape_cast %swap3A_2190 : vector<16xf32> to vector<16xf32>
    %swap3A_2192 = vector.shape_cast %select_n3A_2188 : vector<16xf32> to vector<16xf32>
    tpu.vector_store %arg5[%swap3A_2189], %swap3A_2192 {strides = array<i32>} : memref<1024xf32, #tpu.memory_space<vmem>>, vector<16xf32>,
    %eq3A_2193 = arith.constant 4 : i32
    %eq3A_2194 = vector.broadcast %eq3A_2193 : i32 to vector<16xi32>
    %eq3A_2195 = arith.cmpi eq, %select_n3A_2022, %eq3A_2194 : vector<16xi32>
    %eq3A_2196 = arith.constant 4 : i32
    %eq3A_2197 = vector.broadcast %eq3A_2196 : i32 to vector<16xi32>
    %eq3A_2198 = arith.cmpi eq, %select_n3A_2107, %eq3A_2197 : vector<16xi32>
    %select_n3A_2199 = arith.select %eq3A_2198, %div3A_2142, %broadcast_in_dim3A_2144 : vector<16xi1>, vector<16xf32>
    %select_n3A_2200 = arith.select %eq3A_2195, %div3A_2141, %select_n3A_2199 : vector<16xi1>, vector<16xf32>
    %swap3A_2201 = arith.constant 624 : index
    %swap3A_2202 = tpu.vector_load %arg5[%swap3A_2201] {strides = array<i32>} : memref<1024xf32, #tpu.memory_space<vmem>>, vector<16xf32>,
    %swap3A_2203 = vector.shape_cast %swap3A_2202 : vector<16xf32> to vector<16xf32>
    %swap3A_2204 = vector.shape_cast %select_n3A_2200 : vector<16xf32> to vector<16xf32>
    tpu.vector_store %arg5[%swap3A_2201], %swap3A_2204 {strides = array<i32>} : memref<1024xf32, #tpu.memory_space<vmem>>, vector<16xf32>,
    %eq3A_2205 = arith.constant 5 : i32
    %eq3A_2206 = vector.broadcast %eq3A_2205 : i32 to vector<16xi32>
    %eq3A_2207 = arith.cmpi eq, %select_n3A_2022, %eq3A_2206 : vector<16xi32>
    %eq3A_2208 = arith.constant 5 : i32
    %eq3A_2209 = vector.broadcast %eq3A_2208 : i32 to vector<16xi32>
    %eq3A_2210 = arith.cmpi eq, %select_n3A_2107, %eq3A_2209 : vector<16xi32>
    %select_n3A_2211 = arith.select %eq3A_2210, %div3A_2142, %broadcast_in_dim3A_2144 : vector<16xi1>, vector<16xf32>
    %select_n3A_2212 = arith.select %eq3A_2207, %div3A_2141, %select_n3A_2211 : vector<16xi1>, vector<16xf32>
    %swap3A_2213 = arith.constant 752 : index
    %swap3A_2214 = tpu.vector_load %arg5[%swap3A_2213] {strides = array<i32>} : memref<1024xf32, #tpu.memory_space<vmem>>, vector<16xf32>,
    %swap3A_2215 = vector.shape_cast %swap3A_2214 : vector<16xf32> to vector<16xf32>
    %swap3A_2216 = vector.shape_cast %select_n3A_2212 : vector<16xf32> to vector<16xf32>
    tpu.vector_store %arg5[%swap3A_2213], %swap3A_2216 {strides = array<i32>} : memref<1024xf32, #tpu.memory_space<vmem>>, vector<16xf32>,
    %eq3A_2217 = arith.constant 6 : i32
    %eq3A_2218 = vector.broadcast %eq3A_2217 : i32 to vector<16xi32>
    %eq3A_2219 = arith.cmpi eq, %select_n3A_2022, %eq3A_2218 : vector<16xi32>
    %eq3A_2220 = arith.constant 6 : i32
    %eq3A_2221 = vector.broadcast %eq3A_2220 : i32 to vector<16xi32>
    %eq3A_2222 = arith.cmpi eq, %select_n3A_2107, %eq3A_2221 : vector<16xi32>
    %select_n3A_2223 = arith.select %eq3A_2222, %div3A_2142, %broadcast_in_dim3A_2144 : vector<16xi1>, vector<16xf32>
    %select_n3A_2224 = arith.select %eq3A_2219, %div3A_2141, %select_n3A_2223 : vector<16xi1>, vector<16xf32>
    %swap3A_2225 = arith.constant 880 : index
    %swap3A_2226 = tpu.vector_load %arg5[%swap3A_2225] {strides = array<i32>} : memref<1024xf32, #tpu.memory_space<vmem>>, vector<16xf32>,
    %swap3A_2227 = vector.shape_cast %swap3A_2226 : vector<16xf32> to vector<16xf32>
    %swap3A_2228 = vector.shape_cast %select_n3A_2224 : vector<16xf32> to vector<16xf32>
    tpu.vector_store %arg5[%swap3A_2225], %swap3A_2228 {strides = array<i32>} : memref<1024xf32, #tpu.memory_space<vmem>>, vector<16xf32>,
    %eq3A_2229 = arith.constant 7 : i32
    %eq3A_2230 = vector.broadcast %eq3A_2229 : i32 to vector<16xi32>
    %eq3A_2231 = arith.cmpi eq, %select_n3A_2022, %eq3A_2230 : vector<16xi32>
    %eq3A_2232 = arith.constant 7 : i32
    %eq3A_2233 = vector.broadcast %eq3A_2232 : i32 to vector<16xi32>
    %eq3A_2234 = arith.cmpi eq, %select_n3A_2107, %eq3A_2233 : vector<16xi32>
    %select_n3A_2235 = arith.select %eq3A_2234, %div3A_2142, %broadcast_in_dim3A_2144 : vector<16xi1>, vector<16xf32>
    %select_n3A_2236 = arith.select %eq3A_2231, %div3A_2141, %select_n3A_2235 : vector<16xi1>, vector<16xf32>
    %swap3A_2237 = arith.constant 1008 : index
    %swap3A_2238 = tpu.vector_load %arg5[%swap3A_2237] {strides = array<i32>} : memref<1024xf32, #tpu.memory_space<vmem>>, vector<16xf32>,
    %swap3A_2239 = vector.shape_cast %swap3A_2238 : vector<16xf32> to vector<16xf32>
    %swap3A_2240 = vector.shape_cast %select_n3A_2236 : vector<16xf32> to vector<16xf32>
    tpu.vector_store %arg5[%swap3A_2237], %swap3A_2240 {strides = array<i32>} : memref<1024xf32, #tpu.memory_space<vmem>>, vector<16xf32>,
    %add3A_2241 = arith.constant 0 : i32
    %add3A_2242 = arith.addi %add3A_2241, %mul3A_2 : i32
    "tpu.region"() ({
      %run_scoped3A = tpu.sem_alloc : memref<!tpu.dma_semaphore, #tpu.memory_space<semaphore_mem>>
      %dma_start3A = arith.constant 0 : i32
      %dma_start3A_2257 = tpu.memref_slice %arg5[%dma_start3A] : memref<1024xf32, #tpu.memory_space<vmem>> -> memref<128xf32, #tpu.memory_space<vmem>>
      %dma_start3A_2258 = tpu.memref_slice %arg3[%add3A_2242] : memref<32768xf32, #tpu.memory_space<hbm>> -> memref<128xf32, #tpu.memory_space<hbm>>
      %dma_start3A_2259 = tpu.memref_slice %arg3[%add3A_2242] : memref<32768xf32, #tpu.memory_space<hbm>> -> memref<128xf32, #tpu.memory_space<hbm>>
      %dma_start3A_2260 = arith.constant 0 : i32
      %dma_start3A_2261 = tpu.memref_slice %arg5[%dma_start3A_2260] : memref<1024xf32, #tpu.memory_space<vmem>> -> memref<128xf32, #tpu.memory_space<vmem>>
      tpu.enqueue_dma source(%dma_start3A_2261 : memref<128xf32, #tpu.memory_space<vmem>>) target(%dma_start3A_2259 : memref<128xf32, #tpu.memory_space<hbm>>) target_semaphore(%run_scoped3A : memref<!tpu.dma_semaphore, #tpu.memory_space<semaphore_mem>>)
      %dma_wait3A = arith.constant 0 : i32
      %dma_wait3A_2262 = tpu.memref_slice %arg5[%dma_wait3A] : memref<1024xf32, #tpu.memory_space<vmem>> -> memref<128xf32, #tpu.memory_space<vmem>>
      %dma_wait3A_2263 = tpu.memref_slice %arg3[%add3A_2242] : memref<32768xf32, #tpu.memory_space<hbm>> -> memref<128xf32, #tpu.memory_space<hbm>>
      %dma_wait3A_2264 = tpu.memref_slice %arg3[%add3A_2242] : memref<32768xf32, #tpu.memory_space<hbm>> -> memref<128xf32, #tpu.memory_space<hbm>>
      %dma_wait3A_2265 = arith.constant 0 : i32
      %dma_wait3A_2266 = tpu.memref_slice %arg5[%dma_wait3A_2265] : memref<1024xf32, #tpu.memory_space<vmem>> -> memref<128xf32, #tpu.memory_space<vmem>>
      tpu.wait_dma2 semaphore(%run_scoped3A : memref<!tpu.dma_semaphore, #tpu.memory_space<semaphore_mem>>) src(%dma_wait3A_2266 : memref<128xf32, #tpu.memory_space<vmem>>) dst(%dma_wait3A_2264 : memref<128xf32, #tpu.memory_space<hbm>>)
      tpu.yield
    }) : () -> ()
    %add3A_2243 = arith.constant 4096 : i32
    %add3A_2244 = arith.addi %add3A_2243, %mul3A_2 : i32
    "tpu.region"() ({
      %run_scoped3A = tpu.sem_alloc : memref<!tpu.dma_semaphore, #tpu.memory_space<semaphore_mem>>
      %dma_start3A = arith.constant 128 : i32
      %dma_start3A_2257 = tpu.memref_slice %arg5[%dma_start3A] : memref<1024xf32, #tpu.memory_space<vmem>> -> memref<128xf32, #tpu.memory_space<vmem>>
      %dma_start3A_2258 = tpu.memref_slice %arg3[%add3A_2244] : memref<32768xf32, #tpu.memory_space<hbm>> -> memref<128xf32, #tpu.memory_space<hbm>>
      %dma_start3A_2259 = tpu.memref_slice %arg3[%add3A_2244] : memref<32768xf32, #tpu.memory_space<hbm>> -> memref<128xf32, #tpu.memory_space<hbm>>
      %dma_start3A_2260 = arith.constant 128 : i32
      %dma_start3A_2261 = tpu.memref_slice %arg5[%dma_start3A_2260] : memref<1024xf32, #tpu.memory_space<vmem>> -> memref<128xf32, #tpu.memory_space<vmem>>
      tpu.enqueue_dma source(%dma_start3A_2261 : memref<128xf32, #tpu.memory_space<vmem>>) target(%dma_start3A_2259 : memref<128xf32, #tpu.memory_space<hbm>>) target_semaphore(%run_scoped3A : memref<!tpu.dma_semaphore, #tpu.memory_space<semaphore_mem>>)
      %dma_wait3A = arith.constant 128 : i32
      %dma_wait3A_2262 = tpu.memref_slice %arg5[%dma_wait3A] : memref<1024xf32, #tpu.memory_space<vmem>> -> memref<128xf32, #tpu.memory_space<vmem>>
      %dma_wait3A_2263 = tpu.memref_slice %arg3[%add3A_2244] : memref<32768xf32, #tpu.memory_space<hbm>> -> memref<128xf32, #tpu.memory_space<hbm>>
      %dma_wait3A_2264 = tpu.memref_slice %arg3[%add3A_2244] : memref<32768xf32, #tpu.memory_space<hbm>> -> memref<128xf32, #tpu.memory_space<hbm>>
      %dma_wait3A_2265 = arith.constant 128 : i32
      %dma_wait3A_2266 = tpu.memref_slice %arg5[%dma_wait3A_2265] : memref<1024xf32, #tpu.memory_space<vmem>> -> memref<128xf32, #tpu.memory_space<vmem>>
      tpu.wait_dma2 semaphore(%run_scoped3A : memref<!tpu.dma_semaphore, #tpu.memory_space<semaphore_mem>>) src(%dma_wait3A_2266 : memref<128xf32, #tpu.memory_space<vmem>>) dst(%dma_wait3A_2264 : memref<128xf32, #tpu.memory_space<hbm>>)
      tpu.yield
    }) : () -> ()
    %add3A_2245 = arith.constant 8192 : i32
    %add3A_2246 = arith.addi %add3A_2245, %mul3A_2 : i32
    "tpu.region"() ({
      %run_scoped3A = tpu.sem_alloc : memref<!tpu.dma_semaphore, #tpu.memory_space<semaphore_mem>>
      %dma_start3A = arith.constant 256 : i32
      %dma_start3A_2257 = tpu.memref_slice %arg5[%dma_start3A] : memref<1024xf32, #tpu.memory_space<vmem>> -> memref<128xf32, #tpu.memory_space<vmem>>
      %dma_start3A_2258 = tpu.memref_slice %arg3[%add3A_2246] : memref<32768xf32, #tpu.memory_space<hbm>> -> memref<128xf32, #tpu.memory_space<hbm>>
      %dma_start3A_2259 = tpu.memref_slice %arg3[%add3A_2246] : memref<32768xf32, #tpu.memory_space<hbm>> -> memref<128xf32, #tpu.memory_space<hbm>>
      %dma_start3A_2260 = arith.constant 256 : i32
      %dma_start3A_2261 = tpu.memref_slice %arg5[%dma_start3A_2260] : memref<1024xf32, #tpu.memory_space<vmem>> -> memref<128xf32, #tpu.memory_space<vmem>>
      tpu.enqueue_dma source(%dma_start3A_2261 : memref<128xf32, #tpu.memory_space<vmem>>) target(%dma_start3A_2259 : memref<128xf32, #tpu.memory_space<hbm>>) target_semaphore(%run_scoped3A : memref<!tpu.dma_semaphore, #tpu.memory_space<semaphore_mem>>)
      %dma_wait3A = arith.constant 256 : i32
      %dma_wait3A_2262 = tpu.memref_slice %arg5[%dma_wait3A] : memref<1024xf32, #tpu.memory_space<vmem>> -> memref<128xf32, #tpu.memory_space<vmem>>
      %dma_wait3A_2263 = tpu.memref_slice %arg3[%add3A_2246] : memref<32768xf32, #tpu.memory_space<hbm>> -> memref<128xf32, #tpu.memory_space<hbm>>
      %dma_wait3A_2264 = tpu.memref_slice %arg3[%add3A_2246] : memref<32768xf32, #tpu.memory_space<hbm>> -> memref<128xf32, #tpu.memory_space<hbm>>
      %dma_wait3A_2265 = arith.constant 256 : i32
      %dma_wait3A_2266 = tpu.memref_slice %arg5[%dma_wait3A_2265] : memref<1024xf32, #tpu.memory_space<vmem>> -> memref<128xf32, #tpu.memory_space<vmem>>
      tpu.wait_dma2 semaphore(%run_scoped3A : memref<!tpu.dma_semaphore, #tpu.memory_space<semaphore_mem>>) src(%dma_wait3A_2266 : memref<128xf32, #tpu.memory_space<vmem>>) dst(%dma_wait3A_2264 : memref<128xf32, #tpu.memory_space<hbm>>)
      tpu.yield
    }) : () -> ()
    %add3A_2247 = arith.constant 12288 : i32
    %add3A_2248 = arith.addi %add3A_2247, %mul3A_2 : i32
    "tpu.region"() ({
      %run_scoped3A = tpu.sem_alloc : memref<!tpu.dma_semaphore, #tpu.memory_space<semaphore_mem>>
      %dma_start3A = arith.constant 384 : i32
      %dma_start3A_2257 = tpu.memref_slice %arg5[%dma_start3A] : memref<1024xf32, #tpu.memory_space<vmem>> -> memref<128xf32, #tpu.memory_space<vmem>>
      %dma_start3A_2258 = tpu.memref_slice %arg3[%add3A_2248] : memref<32768xf32, #tpu.memory_space<hbm>> -> memref<128xf32, #tpu.memory_space<hbm>>
      %dma_start3A_2259 = tpu.memref_slice %arg3[%add3A_2248] : memref<32768xf32, #tpu.memory_space<hbm>> -> memref<128xf32, #tpu.memory_space<hbm>>
      %dma_start3A_2260 = arith.constant 384 : i32
      %dma_start3A_2261 = tpu.memref_slice %arg5[%dma_start3A_2260] : memref<1024xf32, #tpu.memory_space<vmem>> -> memref<128xf32, #tpu.memory_space<vmem>>
      tpu.enqueue_dma source(%dma_start3A_2261 : memref<128xf32, #tpu.memory_space<vmem>>) target(%dma_start3A_2259 : memref<128xf32, #tpu.memory_space<hbm>>) target_semaphore(%run_scoped3A : memref<!tpu.dma_semaphore, #tpu.memory_space<semaphore_mem>>)
      %dma_wait3A = arith.constant 384 : i32
      %dma_wait3A_2262 = tpu.memref_slice %arg5[%dma_wait3A] : memref<1024xf32, #tpu.memory_space<vmem>> -> memref<128xf32, #tpu.memory_space<vmem>>
      %dma_wait3A_2263 = tpu.memref_slice %arg3[%add3A_2248] : memref<32768xf32, #tpu.memory_space<hbm>> -> memref<128xf32, #tpu.memory_space<hbm>>
      %dma_wait3A_2264 = tpu.memref_slice %arg3[%add3A_2248] : memref<32768xf32, #tpu.memory_space<hbm>> -> memref<128xf32, #tpu.memory_space<hbm>>
      %dma_wait3A_2265 = arith.constant 384 : i32
      %dma_wait3A_2266 = tpu.memref_slice %arg5[%dma_wait3A_2265] : memref<1024xf32, #tpu.memory_space<vmem>> -> memref<128xf32, #tpu.memory_space<vmem>>
      tpu.wait_dma2 semaphore(%run_scoped3A : memref<!tpu.dma_semaphore, #tpu.memory_space<semaphore_mem>>) src(%dma_wait3A_2266 : memref<128xf32, #tpu.memory_space<vmem>>) dst(%dma_wait3A_2264 : memref<128xf32, #tpu.memory_space<hbm>>)
      tpu.yield
    }) : () -> ()
    %add3A_2249 = arith.constant 16384 : i32
    %add3A_2250 = arith.addi %add3A_2249, %mul3A_2 : i32
    "tpu.region"() ({
      %run_scoped3A = tpu.sem_alloc : memref<!tpu.dma_semaphore, #tpu.memory_space<semaphore_mem>>
      %dma_start3A = arith.constant 512 : i32
      %dma_start3A_2257 = tpu.memref_slice %arg5[%dma_start3A] : memref<1024xf32, #tpu.memory_space<vmem>> -> memref<128xf32, #tpu.memory_space<vmem>>
      %dma_start3A_2258 = tpu.memref_slice %arg3[%add3A_2250] : memref<32768xf32, #tpu.memory_space<hbm>> -> memref<128xf32, #tpu.memory_space<hbm>>
      %dma_start3A_2259 = tpu.memref_slice %arg3[%add3A_2250] : memref<32768xf32, #tpu.memory_space<hbm>> -> memref<128xf32, #tpu.memory_space<hbm>>
      %dma_start3A_2260 = arith.constant 512 : i32
      %dma_start3A_2261 = tpu.memref_slice %arg5[%dma_start3A_2260] : memref<1024xf32, #tpu.memory_space<vmem>> -> memref<128xf32, #tpu.memory_space<vmem>>
      tpu.enqueue_dma source(%dma_start3A_2261 : memref<128xf32, #tpu.memory_space<vmem>>) target(%dma_start3A_2259 : memref<128xf32, #tpu.memory_space<hbm>>) target_semaphore(%run_scoped3A : memref<!tpu.dma_semaphore, #tpu.memory_space<semaphore_mem>>)
      %dma_wait3A = arith.constant 512 : i32
      %dma_wait3A_2262 = tpu.memref_slice %arg5[%dma_wait3A] : memref<1024xf32, #tpu.memory_space<vmem>> -> memref<128xf32, #tpu.memory_space<vmem>>
      %dma_wait3A_2263 = tpu.memref_slice %arg3[%add3A_2250] : memref<32768xf32, #tpu.memory_space<hbm>> -> memref<128xf32, #tpu.memory_space<hbm>>
      %dma_wait3A_2264 = tpu.memref_slice %arg3[%add3A_2250] : memref<32768xf32, #tpu.memory_space<hbm>> -> memref<128xf32, #tpu.memory_space<hbm>>
      %dma_wait3A_2265 = arith.constant 512 : i32
      %dma_wait3A_2266 = tpu.memref_slice %arg5[%dma_wait3A_2265] : memref<1024xf32, #tpu.memory_space<vmem>> -> memref<128xf32, #tpu.memory_space<vmem>>
      tpu.wait_dma2 semaphore(%run_scoped3A : memref<!tpu.dma_semaphore, #tpu.memory_space<semaphore_mem>>) src(%dma_wait3A_2266 : memref<128xf32, #tpu.memory_space<vmem>>) dst(%dma_wait3A_2264 : memref<128xf32, #tpu.memory_space<hbm>>)
      tpu.yield
    }) : () -> ()
    %add3A_2251 = arith.constant 20480 : i32
    %add3A_2252 = arith.addi %add3A_2251, %mul3A_2 : i32
    "tpu.region"() ({
      %run_scoped3A = tpu.sem_alloc : memref<!tpu.dma_semaphore, #tpu.memory_space<semaphore_mem>>
      %dma_start3A = arith.constant 640 : i32
      %dma_start3A_2257 = tpu.memref_slice %arg5[%dma_start3A] : memref<1024xf32, #tpu.memory_space<vmem>> -> memref<128xf32, #tpu.memory_space<vmem>>
      %dma_start3A_2258 = tpu.memref_slice %arg3[%add3A_2252] : memref<32768xf32, #tpu.memory_space<hbm>> -> memref<128xf32, #tpu.memory_space<hbm>>
      %dma_start3A_2259 = tpu.memref_slice %arg3[%add3A_2252] : memref<32768xf32, #tpu.memory_space<hbm>> -> memref<128xf32, #tpu.memory_space<hbm>>
      %dma_start3A_2260 = arith.constant 640 : i32
      %dma_start3A_2261 = tpu.memref_slice %arg5[%dma_start3A_2260] : memref<1024xf32, #tpu.memory_space<vmem>> -> memref<128xf32, #tpu.memory_space<vmem>>
      tpu.enqueue_dma source(%dma_start3A_2261 : memref<128xf32, #tpu.memory_space<vmem>>) target(%dma_start3A_2259 : memref<128xf32, #tpu.memory_space<hbm>>) target_semaphore(%run_scoped3A : memref<!tpu.dma_semaphore, #tpu.memory_space<semaphore_mem>>)
      %dma_wait3A = arith.constant 640 : i32
      %dma_wait3A_2262 = tpu.memref_slice %arg5[%dma_wait3A] : memref<1024xf32, #tpu.memory_space<vmem>> -> memref<128xf32, #tpu.memory_space<vmem>>
      %dma_wait3A_2263 = tpu.memref_slice %arg3[%add3A_2252] : memref<32768xf32, #tpu.memory_space<hbm>> -> memref<128xf32, #tpu.memory_space<hbm>>
      %dma_wait3A_2264 = tpu.memref_slice %arg3[%add3A_2252] : memref<32768xf32, #tpu.memory_space<hbm>> -> memref<128xf32, #tpu.memory_space<hbm>>
      %dma_wait3A_2265 = arith.constant 640 : i32
      %dma_wait3A_2266 = tpu.memref_slice %arg5[%dma_wait3A_2265] : memref<1024xf32, #tpu.memory_space<vmem>> -> memref<128xf32, #tpu.memory_space<vmem>>
      tpu.wait_dma2 semaphore(%run_scoped3A : memref<!tpu.dma_semaphore, #tpu.memory_space<semaphore_mem>>) src(%dma_wait3A_2266 : memref<128xf32, #tpu.memory_space<vmem>>) dst(%dma_wait3A_2264 : memref<128xf32, #tpu.memory_space<hbm>>)
      tpu.yield
    }) : () -> ()
    %add3A_2253 = arith.constant 24576 : i32
    %add3A_2254 = arith.addi %add3A_2253, %mul3A_2 : i32
    "tpu.region"() ({
      %run_scoped3A = tpu.sem_alloc : memref<!tpu.dma_semaphore, #tpu.memory_space<semaphore_mem>>
      %dma_start3A = arith.constant 768 : i32
      %dma_start3A_2257 = tpu.memref_slice %arg5[%dma_start3A] : memref<1024xf32, #tpu.memory_space<vmem>> -> memref<128xf32, #tpu.memory_space<vmem>>
      %dma_start3A_2258 = tpu.memref_slice %arg3[%add3A_2254] : memref<32768xf32, #tpu.memory_space<hbm>> -> memref<128xf32, #tpu.memory_space<hbm>>
      %dma_start3A_2259 = tpu.memref_slice %arg3[%add3A_2254] : memref<32768xf32, #tpu.memory_space<hbm>> -> memref<128xf32, #tpu.memory_space<hbm>>
      %dma_start3A_2260 = arith.constant 768 : i32
      %dma_start3A_2261 = tpu.memref_slice %arg5[%dma_start3A_2260] : memref<1024xf32, #tpu.memory_space<vmem>> -> memref<128xf32, #tpu.memory_space<vmem>>
      tpu.enqueue_dma source(%dma_start3A_2261 : memref<128xf32, #tpu.memory_space<vmem>>) target(%dma_start3A_2259 : memref<128xf32, #tpu.memory_space<hbm>>) target_semaphore(%run_scoped3A : memref<!tpu.dma_semaphore, #tpu.memory_space<semaphore_mem>>)
      %dma_wait3A = arith.constant 768 : i32
      %dma_wait3A_2262 = tpu.memref_slice %arg5[%dma_wait3A] : memref<1024xf32, #tpu.memory_space<vmem>> -> memref<128xf32, #tpu.memory_space<vmem>>
      %dma_wait3A_2263 = tpu.memref_slice %arg3[%add3A_2254] : memref<32768xf32, #tpu.memory_space<hbm>> -> memref<128xf32, #tpu.memory_space<hbm>>
      %dma_wait3A_2264 = tpu.memref_slice %arg3[%add3A_2254] : memref<32768xf32, #tpu.memory_space<hbm>> -> memref<128xf32, #tpu.memory_space<hbm>>
      %dma_wait3A_2265 = arith.constant 768 : i32
      %dma_wait3A_2266 = tpu.memref_slice %arg5[%dma_wait3A_2265] : memref<1024xf32, #tpu.memory_space<vmem>> -> memref<128xf32, #tpu.memory_space<vmem>>
      tpu.wait_dma2 semaphore(%run_scoped3A : memref<!tpu.dma_semaphore, #tpu.memory_space<semaphore_mem>>) src(%dma_wait3A_2266 : memref<128xf32, #tpu.memory_space<vmem>>) dst(%dma_wait3A_2264 : memref<128xf32, #tpu.memory_space<hbm>>)
      tpu.yield
    }) : () -> ()
    %add3A_2255 = arith.constant 28672 : i32
    %add3A_2256 = arith.addi %add3A_2255, %mul3A_2 : i32
    "tpu.region"() ({
      %run_scoped3A = tpu.sem_alloc : memref<!tpu.dma_semaphore, #tpu.memory_space<semaphore_mem>>
      %dma_start3A = arith.constant 896 : i32
      %dma_start3A_2257 = tpu.memref_slice %arg5[%dma_start3A] : memref<1024xf32, #tpu.memory_space<vmem>> -> memref<128xf32, #tpu.memory_space<vmem>>
      %dma_start3A_2258 = tpu.memref_slice %arg3[%add3A_2256] : memref<32768xf32, #tpu.memory_space<hbm>> -> memref<128xf32, #tpu.memory_space<hbm>>
      %dma_start3A_2259 = tpu.memref_slice %arg3[%add3A_2256] : memref<32768xf32, #tpu.memory_space<hbm>> -> memref<128xf32, #tpu.memory_space<hbm>>
      %dma_start3A_2260 = arith.constant 896 : i32
      %dma_start3A_2261 = tpu.memref_slice %arg5[%dma_start3A_2260] : memref<1024xf32, #tpu.memory_space<vmem>> -> memref<128xf32, #tpu.memory_space<vmem>>
      tpu.enqueue_dma source(%dma_start3A_2261 : memref<128xf32, #tpu.memory_space<vmem>>) target(%dma_start3A_2259 : memref<128xf32, #tpu.memory_space<hbm>>) target_semaphore(%run_scoped3A : memref<!tpu.dma_semaphore, #tpu.memory_space<semaphore_mem>>)
      %dma_wait3A = arith.constant 896 : i32
      %dma_wait3A_2262 = tpu.memref_slice %arg5[%dma_wait3A] : memref<1024xf32, #tpu.memory_space<vmem>> -> memref<128xf32, #tpu.memory_space<vmem>>
      %dma_wait3A_2263 = tpu.memref_slice %arg3[%add3A_2256] : memref<32768xf32, #tpu.memory_space<hbm>> -> memref<128xf32, #tpu.memory_space<hbm>>
      %dma_wait3A_2264 = tpu.memref_slice %arg3[%add3A_2256] : memref<32768xf32, #tpu.memory_space<hbm>> -> memref<128xf32, #tpu.memory_space<hbm>>
      %dma_wait3A_2265 = arith.constant 896 : i32
      %dma_wait3A_2266 = tpu.memref_slice %arg5[%dma_wait3A_2265] : memref<1024xf32, #tpu.memory_space<vmem>> -> memref<128xf32, #tpu.memory_space<vmem>>
      tpu.wait_dma2 semaphore(%run_scoped3A : memref<!tpu.dma_semaphore, #tpu.memory_space<semaphore_mem>>) src(%dma_wait3A_2266 : memref<128xf32, #tpu.memory_space<vmem>>) dst(%dma_wait3A_2264 : memref<128xf32, #tpu.memory_space<hbm>>)
      tpu.yield
    }) : () -> ()
    return
  }
}

module attributes {stable_mosaic.version = 14 : i64} {
  func.func @_combine_body(%arg0: memref<8x4096xf32, #tpu.memory_space<vmem>>, %arg1: memref<4096x8xf32, #tpu.memory_space<vmem>>, %arg2: memref<1x4096xf32, #tpu.memory_space<vmem>>) attributes {dimension_semantics = [], scalar_prefetch = 0 : i64, scratch_operands = 0 : i64, tpu.core_type = #tpu.core_type<tc>} {
    %get3A = arith.constant 0 : index
    %get3A_0 = arith.constant 0 : index
    %get3A_1 = vector.load %arg1[%get3A, %get3A_0] : memref<4096x8xf32, #tpu.memory_space<vmem>>, vector<4096x8xf32>
    %transpose3A = tpu.transpose %get3A_1, [1, 0] : vector<4096x8xf32> -> vector<8x4096xf32>
    %get3A_2 = arith.constant 0 : index
    %get3A_3 = arith.constant 0 : index
    %get3A_4 = vector.load %arg0[%get3A_2, %get3A_3] : memref<8x4096xf32, #tpu.memory_space<vmem>>, vector<8x4096xf32>
    %mul3A = arith.mulf %get3A_4, %transpose3A : vector<8x4096xf32>
    %reduce_sum3A = arith.constant dense<0.000000e+00> : vector<4096xf32>
    %reduce_sum3A_5 = vector.multi_reduction <add>, %mul3A, %reduce_sum3A [0] : vector<8x4096xf32> to vector<4096xf32>
    %broadcast_in_dim3A = vector.shape_cast %reduce_sum3A_5 : vector<4096xf32> to vector<1x4096xf32>
    %swap3A = arith.constant 0 : index
    %swap3A_6 = arith.constant 0 : index
    %swap3A_7 = vector.load %arg2[%swap3A, %swap3A_6] : memref<1x4096xf32, #tpu.memory_space<vmem>>, vector<1x4096xf32>
    tpu.vector_store %arg2[%swap3A, %swap3A_6], %broadcast_in_dim3A {strides = array<i32>} : memref<1x4096xf32, #tpu.memory_space<vmem>>, vector<1x4096xf32>,
    return
  }
}

module attributes {stable_mosaic.version = 14 : i64} {
  func.func @_moe_body(%arg0: i32, %arg1: memref<1200x1024xf32, #tpu.memory_space<vmem>>, %arg2: memref<8x1200xf32, #tpu.memory_space<vmem>>, %arg3: memref<8x1200x256xf32, #tpu.memory_space<vmem>>, %arg4: memref<8x256xf32, #tpu.memory_space<vmem>>, %arg5: memref<8x256xf32, #tpu.memory_space<vmem>>, %arg6: memref<8x256xf32, #tpu.memory_space<vmem>>, %arg7: memref<8x256xf32, #tpu.memory_space<vmem>>, %arg8: memref<1x8xf32, #tpu.memory_space<vmem>>, %arg9: memref<1024x8xf32, #tpu.memory_space<vmem>>, %arg10: memref<1024x8xf32, #tpu.memory_space<vmem>>, %arg11: memref<8x1200x256xbf16, #tpu.memory_space<vmem>>) attributes {dimension_semantics = [#tpu.dimension_semantics<arbitrary>], iteration_bounds = array<i64: 4>, scalar_prefetch = 0 : i64, scratch_operands = 1 : i64, tpu.core_type = #tpu.core_type<tc>, window_params = [{transform_indices = @transform_0, window_bounds = array<i64: 1200, 1024>}, {pipeline_mode = #tpu.pipeline_mode<synchronous>, transform_indices = @transform_1, window_bounds = array<i64: 8, 1200>}, {pipeline_mode = #tpu.pipeline_mode<synchronous>, transform_indices = @transform_2, window_bounds = array<i64: 8, 1200, 256>}, {pipeline_mode = #tpu.pipeline_mode<synchronous>, transform_indices = @transform_3, window_bounds = array<i64: 8, 256>}, {pipeline_mode = #tpu.pipeline_mode<synchronous>, transform_indices = @transform_4, window_bounds = array<i64: 8, 256>}, {pipeline_mode = #tpu.pipeline_mode<synchronous>, transform_indices = @transform_5, window_bounds = array<i64: 8, 256>}, {pipeline_mode = #tpu.pipeline_mode<synchronous>, transform_indices = @transform_6, window_bounds = array<i64: 8, 256>}, {pipeline_mode = #tpu.pipeline_mode<synchronous>, transform_indices = @transform_7, window_bounds = array<i64: 1, 8>}, {transform_indices = @transform_8, window_bounds = array<i64: 1024, 8>}, {transform_indices = @transform_9, window_bounds = array<i64: 1024, 8>}]} {
    %eq3A = arith.constant 0 : i32
    %eq3A_0 = arith.cmpi eq, %arg0, %eq3A : i32
    %convert_element_type3A = arith.extui %eq3A_0 : i1 to i32
    %cond3A = arith.constant 0 : i32
    %cond3A_1 = arith.cmpi ne, %convert_element_type3A, %cond3A : i32
    scf.if %cond3A_1 {
      %get3A_538 = arith.constant 0 : index
      %get3A_539 = arith.constant 0 : index
      %get3A_540 = arith.constant 0 : index
      %get3A_541 = vector.load %arg3[%get3A_538, %get3A_539, %get3A_540] : memref<8x1200x256xf32, #tpu.memory_space<vmem>>, vector<8x1200x256xf32>
      %convert_element_type3A_542 = arith.truncf %get3A_541 : vector<8x1200x256xf32> to vector<8x1200x256xbf16>
      %swap3A_543 = arith.constant 0 : index
      %swap3A_544 = arith.constant 0 : index
      %swap3A_545 = arith.constant 0 : index
      %swap3A_546 = vector.load %arg11[%swap3A_543, %swap3A_544, %swap3A_545] : memref<8x1200x256xbf16, #tpu.memory_space<vmem>>, vector<8x1200x256xbf16>
      tpu.vector_store %arg11[%swap3A_543, %swap3A_544, %swap3A_545], %convert_element_type3A_542 {strides = array<i32>} : memref<8x1200x256xbf16, #tpu.memory_space<vmem>>, vector<8x1200x256xbf16>,
    } else {
    }
    %get3A = arith.constant 0 : index
    %get3A_2 = arith.constant 0 : index
    %get3A_3 = vector.load %arg1[%get3A, %get3A_2] : memref<1200x1024xf32, #tpu.memory_space<vmem>>, vector<1200x1024xf32>
    %convert_element_type3A_4 = arith.truncf %get3A_3 : vector<1200x1024xf32> to vector<1200x1024xbf16>
    %convert_element_type3A_5 = arith.extf %convert_element_type3A_4 : vector<1200x1024xbf16> to vector<1200x1024xf32>
    %sub3A = arith.subf %get3A_3, %convert_element_type3A_5 : vector<1200x1024xf32>
    %convert_element_type3A_6 = arith.truncf %sub3A : vector<1200x1024xf32> to vector<1200x1024xbf16>
    %get3A_7 = arith.constant 0 : index
    %get3A_8 = arith.constant 0 : index
    %get3A_9 = vector.load %arg2[%get3A_7, %get3A_8] : memref<8x1200xf32, #tpu.memory_space<vmem>>, vector<8x1200xf32>
    %convert_element_type3A_10 = arith.truncf %get3A_9 : vector<8x1200xf32> to vector<8x1200xbf16>
    %convert_element_type3A_11 = arith.extf %convert_element_type3A_10 : vector<8x1200xbf16> to vector<8x1200xf32>
    %sub3A_12 = arith.subf %get3A_9, %convert_element_type3A_11 : vector<8x1200xf32>
    %convert_element_type3A_13 = arith.truncf %sub3A_12 : vector<8x1200xf32> to vector<8x1200xbf16>
    %dot_general3A = arith.constant dense<0.000000e+00> : vector<1024x8xf32>
    %dot_general3A_14 = tpu.matmul %convert_element_type3A_4, %convert_element_type3A_10, %dot_general3A {dimension_numbers = #tpu.dot_dimension_numbers<[0], [1], [1], [0], [0, 1, 1, 0], [], []>, transpose_lhs_hint = false} : vector<1200x1024xbf16>, vector<8x1200xbf16>, vector<1024x8xf32> -> vector<1024x8xf32>
    %dot_general3A_15 = arith.constant dense<0.000000e+00> : vector<1024x8xf32>
    %dot_general3A_16 = tpu.matmul %convert_element_type3A_6, %convert_element_type3A_10, %dot_general3A_15 {dimension_numbers = #tpu.dot_dimension_numbers<[0], [1], [1], [0], [0, 1, 1, 0], [], []>, transpose_lhs_hint = false} : vector<1200x1024xbf16>, vector<8x1200xbf16>, vector<1024x8xf32> -> vector<1024x8xf32>
    %add3A = arith.addf %dot_general3A_14, %dot_general3A_16 : vector<1024x8xf32>
    %dot_general3A_17 = arith.constant dense<0.000000e+00> : vector<1024x8xf32>
    %dot_general3A_18 = tpu.matmul %convert_element_type3A_4, %convert_element_type3A_13, %dot_general3A_17 {dimension_numbers = #tpu.dot_dimension_numbers<[0], [1], [1], [0], [0, 1, 1, 0], [], []>, transpose_lhs_hint = false} : vector<1200x1024xbf16>, vector<8x1200xbf16>, vector<1024x8xf32> -> vector<1024x8xf32>
    %add3A_19 = arith.addf %add3A, %dot_general3A_18 : vector<1024x8xf32>
    %swap3A = arith.constant 0 : index
    %swap3A_20 = arith.constant 0 : index
    %swap3A_21 = vector.load %arg9[%swap3A, %swap3A_20] : memref<1024x8xf32, #tpu.memory_space<vmem>>, vector<1024x8xf32>
    tpu.vector_store %arg9[%swap3A, %swap3A_20], %add3A_19 {strides = array<i32>} : memref<1024x8xf32, #tpu.memory_space<vmem>>, vector<1024x8xf32>,
    %get3A_22 = arith.constant 0 : index
    %get3A_23 = arith.constant 0 : index
    %get3A_24 = arith.constant 0 : index
    %get3A_25 = vector.load %arg11[%get3A_22, %get3A_23, %get3A_24] : memref<8x1200x256xbf16, #tpu.memory_space<vmem>>, vector<1x1200x256xbf16>
    %get3A_26 = vector.shape_cast %get3A_25 : vector<1x1200x256xbf16> to vector<1200x256xbf16>
    %dot_general3A_27 = arith.constant dense<0.000000e+00> : vector<1024x256xf32>
    %dot_general3A_28 = tpu.matmul %convert_element_type3A_4, %get3A_26, %dot_general3A_27 {dimension_numbers = #tpu.dot_dimension_numbers<[0], [0], [1], [1], [0, 1, 1, 1], [], []>, transpose_lhs_hint = false} : vector<1200x1024xbf16>, vector<1200x256xbf16>, vector<1024x256xf32> -> vector<1024x256xf32>
    %get3A_29 = arith.constant 0 : index
    %get3A_30 = arith.constant 0 : index
    %get3A_31 = vector.load %arg4[%get3A_29, %get3A_30] : memref<8x256xf32, #tpu.memory_space<vmem>>, vector<1x256xf32>
    %add3A_32 = vector.broadcast %get3A_31 : vector<1x256xf32> to vector<1024x256xf32>
    %add3A_33 = arith.addf %dot_general3A_28, %add3A_32 : vector<1024x256xf32>
    %reduce_sum3A = arith.constant dense<0.000000e+00> : vector<1024xf32>
    %reduce_sum3A_34 = vector.multi_reduction <add>, %add3A_33, %reduce_sum3A [1] : vector<1024x256xf32> to vector<1024xf32>
    %broadcast_in_dim3A = vector.shape_cast %reduce_sum3A_34 : vector<1024xf32> to vector<1024x1xf32>
    %div3A = arith.constant 2.560000e+02 : f32
    %div3A_35 = vector.broadcast %div3A : f32 to vector<1024x1xf32>
    %div3A_36 = arith.divf %broadcast_in_dim3A, %div3A_35 : vector<1024x1xf32>
    %sub3A_37 = vector.broadcast %div3A_36 : vector<1024x1xf32> to vector<1024x256xf32>
    %sub3A_38 = arith.subf %add3A_33, %sub3A_37 : vector<1024x256xf32>
    %mul3A = arith.mulf %sub3A_38, %sub3A_38 : vector<1024x256xf32>
    %reduce_sum3A_39 = arith.constant dense<0.000000e+00> : vector<1024xf32>
    %reduce_sum3A_40 = vector.multi_reduction <add>, %mul3A, %reduce_sum3A_39 [1] : vector<1024x256xf32> to vector<1024xf32>
    %broadcast_in_dim3A_41 = vector.shape_cast %reduce_sum3A_40 : vector<1024xf32> to vector<1024x1xf32>
    %div3A_42 = arith.constant 2.560000e+02 : f32
    %div3A_43 = vector.broadcast %div3A_42 : f32 to vector<1024x1xf32>
    %div3A_44 = arith.divf %broadcast_in_dim3A_41, %div3A_43 : vector<1024x1xf32>
    %add3A_45 = arith.constant 9.99999974E-6 : f32
    %add3A_46 = vector.broadcast %add3A_45 : f32 to vector<1024x1xf32>
    %add3A_47 = arith.addf %div3A_44, %add3A_46 : vector<1024x1xf32>
    %rsqrt3A = math.rsqrt %add3A_47 : vector<1024x1xf32>
    %mul3A_48 = vector.broadcast %rsqrt3A : vector<1024x1xf32> to vector<1024x256xf32>
    %mul3A_49 = arith.mulf %sub3A_38, %mul3A_48 : vector<1024x256xf32>
    %get3A_50 = arith.constant 0 : index
    %get3A_51 = arith.constant 0 : index
    %get3A_52 = vector.load %arg5[%get3A_50, %get3A_51] : memref<8x256xf32, #tpu.memory_space<vmem>>, vector<1x256xf32>
    %mul3A_53 = vector.broadcast %get3A_52 : vector<1x256xf32> to vector<1024x256xf32>
    %mul3A_54 = arith.mulf %mul3A_49, %mul3A_53 : vector<1024x256xf32>
    %get3A_55 = arith.constant 0 : index
    %get3A_56 = arith.constant 0 : index
    %get3A_57 = vector.load %arg6[%get3A_55, %get3A_56] : memref<8x256xf32, #tpu.memory_space<vmem>>, vector<1x256xf32>
    %add3A_58 = vector.broadcast %get3A_57 : vector<1x256xf32> to vector<1024x256xf32>
    %add3A_59 = arith.addf %mul3A_54, %add3A_58 : vector<1024x256xf32>
    %max3A = arith.constant 0.000000e+00 : f32
    %max3A_60 = vector.broadcast %max3A : f32 to vector<1024x256xf32>
    %max3A_61 = arith.maximumf %add3A_59, %max3A_60 : vector<1024x256xf32>
    %get3A_62 = arith.constant 0 : index
    %get3A_63 = arith.constant 0 : index
    %get3A_64 = vector.load %arg7[%get3A_62, %get3A_63] : memref<8x256xf32, #tpu.memory_space<vmem>>, vector<1x256xf32>
    %mul3A_65 = vector.broadcast %get3A_64 : vector<1x256xf32> to vector<1024x256xf32>
    %mul3A_66 = arith.mulf %max3A_61, %mul3A_65 : vector<1024x256xf32>
    %reduce_sum3A_67 = arith.constant dense<0.000000e+00> : vector<1024xf32>
    %reduce_sum3A_68 = vector.multi_reduction <add>, %mul3A_66, %reduce_sum3A_67 [1] : vector<1024x256xf32> to vector<1024xf32>
    %broadcast_in_dim3A_69 = vector.shape_cast %reduce_sum3A_68 : vector<1024xf32> to vector<1024x1xf32>
    %get3A_70 = arith.constant 0 : index
    %get3A_71 = arith.constant 0 : index
    %get3A_72 = vector.load %arg8[%get3A_70, %get3A_71] : memref<1x8xf32, #tpu.memory_space<vmem>>, vector<1x1xf32>
    %add3A_73 = vector.broadcast %get3A_72 : vector<1x1xf32> to vector<1024x1xf32>
    %add3A_74 = arith.addf %broadcast_in_dim3A_69, %add3A_73 : vector<1024x1xf32>
    %logistic3A = arith.negf %add3A_74 : vector<1024x1xf32>
    %logistic3A_75 = math.exp %logistic3A : vector<1024x1xf32>
    %logistic3A_76 = arith.constant 1.000000e+00 : f32
    %logistic3A_77 = vector.broadcast %logistic3A_76 : f32 to vector<1024x1xf32>
    %logistic3A_78 = arith.addf %logistic3A_77, %logistic3A_75 : vector<1024x1xf32>
    %logistic3A_79 = arith.divf %logistic3A_77, %logistic3A_78 : vector<1024x1xf32>
    %get3A_80 = arith.constant 1 : index
    %get3A_81 = arith.constant 0 : index
    %get3A_82 = arith.constant 0 : index
    %get3A_83 = vector.load %arg11[%get3A_80, %get3A_81, %get3A_82] : memref<8x1200x256xbf16, #tpu.memory_space<vmem>>, vector<1x1200x256xbf16>
    %get3A_84 = vector.shape_cast %get3A_83 : vector<1x1200x256xbf16> to vector<1200x256xbf16>
    %dot_general3A_85 = arith.constant dense<0.000000e+00> : vector<1024x256xf32>
    %dot_general3A_86 = tpu.matmul %convert_element_type3A_4, %get3A_84, %dot_general3A_85 {dimension_numbers = #tpu.dot_dimension_numbers<[0], [0], [1], [1], [0, 1, 1, 1], [], []>, transpose_lhs_hint = false} : vector<1200x1024xbf16>, vector<1200x256xbf16>, vector<1024x256xf32> -> vector<1024x256xf32>
    %get3A_87 = arith.constant 1 : index
    %get3A_88 = arith.constant 0 : index
    %get3A_89 = vector.load %arg4[%get3A_87, %get3A_88] : memref<8x256xf32, #tpu.memory_space<vmem>>, vector<1x256xf32>
    %add3A_90 = vector.broadcast %get3A_89 : vector<1x256xf32> to vector<1024x256xf32>
    %add3A_91 = arith.addf %dot_general3A_86, %add3A_90 : vector<1024x256xf32>
    %reduce_sum3A_92 = arith.constant dense<0.000000e+00> : vector<1024xf32>
    %reduce_sum3A_93 = vector.multi_reduction <add>, %add3A_91, %reduce_sum3A_92 [1] : vector<1024x256xf32> to vector<1024xf32>
    %broadcast_in_dim3A_94 = vector.shape_cast %reduce_sum3A_93 : vector<1024xf32> to vector<1024x1xf32>
    %div3A_95 = arith.constant 2.560000e+02 : f32
    %div3A_96 = vector.broadcast %div3A_95 : f32 to vector<1024x1xf32>
    %div3A_97 = arith.divf %broadcast_in_dim3A_94, %div3A_96 : vector<1024x1xf32>
    %sub3A_98 = vector.broadcast %div3A_97 : vector<1024x1xf32> to vector<1024x256xf32>
    %sub3A_99 = arith.subf %add3A_91, %sub3A_98 : vector<1024x256xf32>
    %mul3A_100 = arith.mulf %sub3A_99, %sub3A_99 : vector<1024x256xf32>
    %reduce_sum3A_101 = arith.constant dense<0.000000e+00> : vector<1024xf32>
    %reduce_sum3A_102 = vector.multi_reduction <add>, %mul3A_100, %reduce_sum3A_101 [1] : vector<1024x256xf32> to vector<1024xf32>
    %broadcast_in_dim3A_103 = vector.shape_cast %reduce_sum3A_102 : vector<1024xf32> to vector<1024x1xf32>
    %div3A_104 = arith.constant 2.560000e+02 : f32
    %div3A_105 = vector.broadcast %div3A_104 : f32 to vector<1024x1xf32>
    %div3A_106 = arith.divf %broadcast_in_dim3A_103, %div3A_105 : vector<1024x1xf32>
    %add3A_107 = arith.constant 9.99999974E-6 : f32
    %add3A_108 = vector.broadcast %add3A_107 : f32 to vector<1024x1xf32>
    %add3A_109 = arith.addf %div3A_106, %add3A_108 : vector<1024x1xf32>
    %rsqrt3A_110 = math.rsqrt %add3A_109 : vector<1024x1xf32>
    %mul3A_111 = vector.broadcast %rsqrt3A_110 : vector<1024x1xf32> to vector<1024x256xf32>
    %mul3A_112 = arith.mulf %sub3A_99, %mul3A_111 : vector<1024x256xf32>
    %get3A_113 = arith.constant 1 : index
    %get3A_114 = arith.constant 0 : index
    %get3A_115 = vector.load %arg5[%get3A_113, %get3A_114] : memref<8x256xf32, #tpu.memory_space<vmem>>, vector<1x256xf32>
    %mul3A_116 = vector.broadcast %get3A_115 : vector<1x256xf32> to vector<1024x256xf32>
    %mul3A_117 = arith.mulf %mul3A_112, %mul3A_116 : vector<1024x256xf32>
    %get3A_118 = arith.constant 1 : index
    %get3A_119 = arith.constant 0 : index
    %get3A_120 = vector.load %arg6[%get3A_118, %get3A_119] : memref<8x256xf32, #tpu.memory_space<vmem>>, vector<1x256xf32>
    %add3A_121 = vector.broadcast %get3A_120 : vector<1x256xf32> to vector<1024x256xf32>
    %add3A_122 = arith.addf %mul3A_117, %add3A_121 : vector<1024x256xf32>
    %max3A_123 = arith.constant 0.000000e+00 : f32
    %max3A_124 = vector.broadcast %max3A_123 : f32 to vector<1024x256xf32>
    %max3A_125 = arith.maximumf %add3A_122, %max3A_124 : vector<1024x256xf32>
    %get3A_126 = arith.constant 1 : index
    %get3A_127 = arith.constant 0 : index
    %get3A_128 = vector.load %arg7[%get3A_126, %get3A_127] : memref<8x256xf32, #tpu.memory_space<vmem>>, vector<1x256xf32>
    %mul3A_129 = vector.broadcast %get3A_128 : vector<1x256xf32> to vector<1024x256xf32>
    %mul3A_130 = arith.mulf %max3A_125, %mul3A_129 : vector<1024x256xf32>
    %reduce_sum3A_131 = arith.constant dense<0.000000e+00> : vector<1024xf32>
    %reduce_sum3A_132 = vector.multi_reduction <add>, %mul3A_130, %reduce_sum3A_131 [1] : vector<1024x256xf32> to vector<1024xf32>
    %broadcast_in_dim3A_133 = vector.shape_cast %reduce_sum3A_132 : vector<1024xf32> to vector<1024x1xf32>
    %get3A_134 = arith.constant 0 : index
    %get3A_135 = arith.constant 1 : index
    %get3A_136 = vector.load %arg8[%get3A_134, %get3A_135] : memref<1x8xf32, #tpu.memory_space<vmem>>, vector<1x1xf32>
    %add3A_137 = vector.broadcast %get3A_136 : vector<1x1xf32> to vector<1024x1xf32>
    %add3A_138 = arith.addf %broadcast_in_dim3A_133, %add3A_137 : vector<1024x1xf32>
    %logistic3A_139 = arith.negf %add3A_138 : vector<1024x1xf32>
    %logistic3A_140 = math.exp %logistic3A_139 : vector<1024x1xf32>
    %logistic3A_141 = arith.constant 1.000000e+00 : f32
    %logistic3A_142 = vector.broadcast %logistic3A_141 : f32 to vector<1024x1xf32>
    %logistic3A_143 = arith.addf %logistic3A_142, %logistic3A_140 : vector<1024x1xf32>
    %logistic3A_144 = arith.divf %logistic3A_142, %logistic3A_143 : vector<1024x1xf32>
    %get3A_145 = arith.constant 2 : index
    %get3A_146 = arith.constant 0 : index
    %get3A_147 = arith.constant 0 : index
    %get3A_148 = vector.load %arg11[%get3A_145, %get3A_146, %get3A_147] : memref<8x1200x256xbf16, #tpu.memory_space<vmem>>, vector<1x1200x256xbf16>
    %get3A_149 = vector.shape_cast %get3A_148 : vector<1x1200x256xbf16> to vector<1200x256xbf16>
    %dot_general3A_150 = arith.constant dense<0.000000e+00> : vector<1024x256xf32>
    %dot_general3A_151 = tpu.matmul %convert_element_type3A_4, %get3A_149, %dot_general3A_150 {dimension_numbers = #tpu.dot_dimension_numbers<[0], [0], [1], [1], [0, 1, 1, 1], [], []>, transpose_lhs_hint = false} : vector<1200x1024xbf16>, vector<1200x256xbf16>, vector<1024x256xf32> -> vector<1024x256xf32>
    %get3A_152 = arith.constant 2 : index
    %get3A_153 = arith.constant 0 : index
    %get3A_154 = vector.load %arg4[%get3A_152, %get3A_153] : memref<8x256xf32, #tpu.memory_space<vmem>>, vector<1x256xf32>
    %add3A_155 = vector.broadcast %get3A_154 : vector<1x256xf32> to vector<1024x256xf32>
    %add3A_156 = arith.addf %dot_general3A_151, %add3A_155 : vector<1024x256xf32>
    %reduce_sum3A_157 = arith.constant dense<0.000000e+00> : vector<1024xf32>
    %reduce_sum3A_158 = vector.multi_reduction <add>, %add3A_156, %reduce_sum3A_157 [1] : vector<1024x256xf32> to vector<1024xf32>
    %broadcast_in_dim3A_159 = vector.shape_cast %reduce_sum3A_158 : vector<1024xf32> to vector<1024x1xf32>
    %div3A_160 = arith.constant 2.560000e+02 : f32
    %div3A_161 = vector.broadcast %div3A_160 : f32 to vector<1024x1xf32>
    %div3A_162 = arith.divf %broadcast_in_dim3A_159, %div3A_161 : vector<1024x1xf32>
    %sub3A_163 = vector.broadcast %div3A_162 : vector<1024x1xf32> to vector<1024x256xf32>
    %sub3A_164 = arith.subf %add3A_156, %sub3A_163 : vector<1024x256xf32>
    %mul3A_165 = arith.mulf %sub3A_164, %sub3A_164 : vector<1024x256xf32>
    %reduce_sum3A_166 = arith.constant dense<0.000000e+00> : vector<1024xf32>
    %reduce_sum3A_167 = vector.multi_reduction <add>, %mul3A_165, %reduce_sum3A_166 [1] : vector<1024x256xf32> to vector<1024xf32>
    %broadcast_in_dim3A_168 = vector.shape_cast %reduce_sum3A_167 : vector<1024xf32> to vector<1024x1xf32>
    %div3A_169 = arith.constant 2.560000e+02 : f32
    %div3A_170 = vector.broadcast %div3A_169 : f32 to vector<1024x1xf32>
    %div3A_171 = arith.divf %broadcast_in_dim3A_168, %div3A_170 : vector<1024x1xf32>
    %add3A_172 = arith.constant 9.99999974E-6 : f32
    %add3A_173 = vector.broadcast %add3A_172 : f32 to vector<1024x1xf32>
    %add3A_174 = arith.addf %div3A_171, %add3A_173 : vector<1024x1xf32>
    %rsqrt3A_175 = math.rsqrt %add3A_174 : vector<1024x1xf32>
    %mul3A_176 = vector.broadcast %rsqrt3A_175 : vector<1024x1xf32> to vector<1024x256xf32>
    %mul3A_177 = arith.mulf %sub3A_164, %mul3A_176 : vector<1024x256xf32>
    %get3A_178 = arith.constant 2 : index
    %get3A_179 = arith.constant 0 : index
    %get3A_180 = vector.load %arg5[%get3A_178, %get3A_179] : memref<8x256xf32, #tpu.memory_space<vmem>>, vector<1x256xf32>
    %mul3A_181 = vector.broadcast %get3A_180 : vector<1x256xf32> to vector<1024x256xf32>
    %mul3A_182 = arith.mulf %mul3A_177, %mul3A_181 : vector<1024x256xf32>
    %get3A_183 = arith.constant 2 : index
    %get3A_184 = arith.constant 0 : index
    %get3A_185 = vector.load %arg6[%get3A_183, %get3A_184] : memref<8x256xf32, #tpu.memory_space<vmem>>, vector<1x256xf32>
    %add3A_186 = vector.broadcast %get3A_185 : vector<1x256xf32> to vector<1024x256xf32>
    %add3A_187 = arith.addf %mul3A_182, %add3A_186 : vector<1024x256xf32>
    %max3A_188 = arith.constant 0.000000e+00 : f32
    %max3A_189 = vector.broadcast %max3A_188 : f32 to vector<1024x256xf32>
    %max3A_190 = arith.maximumf %add3A_187, %max3A_189 : vector<1024x256xf32>
    %get3A_191 = arith.constant 2 : index
    %get3A_192 = arith.constant 0 : index
    %get3A_193 = vector.load %arg7[%get3A_191, %get3A_192] : memref<8x256xf32, #tpu.memory_space<vmem>>, vector<1x256xf32>
    %mul3A_194 = vector.broadcast %get3A_193 : vector<1x256xf32> to vector<1024x256xf32>
    %mul3A_195 = arith.mulf %max3A_190, %mul3A_194 : vector<1024x256xf32>
    %reduce_sum3A_196 = arith.constant dense<0.000000e+00> : vector<1024xf32>
    %reduce_sum3A_197 = vector.multi_reduction <add>, %mul3A_195, %reduce_sum3A_196 [1] : vector<1024x256xf32> to vector<1024xf32>
    %broadcast_in_dim3A_198 = vector.shape_cast %reduce_sum3A_197 : vector<1024xf32> to vector<1024x1xf32>
    %get3A_199 = arith.constant 0 : index
    %get3A_200 = arith.constant 2 : index
    %get3A_201 = vector.load %arg8[%get3A_199, %get3A_200] : memref<1x8xf32, #tpu.memory_space<vmem>>, vector<1x1xf32>
    %add3A_202 = vector.broadcast %get3A_201 : vector<1x1xf32> to vector<1024x1xf32>
    %add3A_203 = arith.addf %broadcast_in_dim3A_198, %add3A_202 : vector<1024x1xf32>
    %logistic3A_204 = arith.negf %add3A_203 : vector<1024x1xf32>
    %logistic3A_205 = math.exp %logistic3A_204 : vector<1024x1xf32>
    %logistic3A_206 = arith.constant 1.000000e+00 : f32
    %logistic3A_207 = vector.broadcast %logistic3A_206 : f32 to vector<1024x1xf32>
    %logistic3A_208 = arith.addf %logistic3A_207, %logistic3A_205 : vector<1024x1xf32>
    %logistic3A_209 = arith.divf %logistic3A_207, %logistic3A_208 : vector<1024x1xf32>
    %get3A_210 = arith.constant 3 : index
    %get3A_211 = arith.constant 0 : index
    %get3A_212 = arith.constant 0 : index
    %get3A_213 = vector.load %arg11[%get3A_210, %get3A_211, %get3A_212] : memref<8x1200x256xbf16, #tpu.memory_space<vmem>>, vector<1x1200x256xbf16>
    %get3A_214 = vector.shape_cast %get3A_213 : vector<1x1200x256xbf16> to vector<1200x256xbf16>
    %dot_general3A_215 = arith.constant dense<0.000000e+00> : vector<1024x256xf32>
    %dot_general3A_216 = tpu.matmul %convert_element_type3A_4, %get3A_214, %dot_general3A_215 {dimension_numbers = #tpu.dot_dimension_numbers<[0], [0], [1], [1], [0, 1, 1, 1], [], []>, transpose_lhs_hint = false} : vector<1200x1024xbf16>, vector<1200x256xbf16>, vector<1024x256xf32> -> vector<1024x256xf32>
    %get3A_217 = arith.constant 3 : index
    %get3A_218 = arith.constant 0 : index
    %get3A_219 = vector.load %arg4[%get3A_217, %get3A_218] : memref<8x256xf32, #tpu.memory_space<vmem>>, vector<1x256xf32>
    %add3A_220 = vector.broadcast %get3A_219 : vector<1x256xf32> to vector<1024x256xf32>
    %add3A_221 = arith.addf %dot_general3A_216, %add3A_220 : vector<1024x256xf32>
    %reduce_sum3A_222 = arith.constant dense<0.000000e+00> : vector<1024xf32>
    %reduce_sum3A_223 = vector.multi_reduction <add>, %add3A_221, %reduce_sum3A_222 [1] : vector<1024x256xf32> to vector<1024xf32>
    %broadcast_in_dim3A_224 = vector.shape_cast %reduce_sum3A_223 : vector<1024xf32> to vector<1024x1xf32>
    %div3A_225 = arith.constant 2.560000e+02 : f32
    %div3A_226 = vector.broadcast %div3A_225 : f32 to vector<1024x1xf32>
    %div3A_227 = arith.divf %broadcast_in_dim3A_224, %div3A_226 : vector<1024x1xf32>
    %sub3A_228 = vector.broadcast %div3A_227 : vector<1024x1xf32> to vector<1024x256xf32>
    %sub3A_229 = arith.subf %add3A_221, %sub3A_228 : vector<1024x256xf32>
    %mul3A_230 = arith.mulf %sub3A_229, %sub3A_229 : vector<1024x256xf32>
    %reduce_sum3A_231 = arith.constant dense<0.000000e+00> : vector<1024xf32>
    %reduce_sum3A_232 = vector.multi_reduction <add>, %mul3A_230, %reduce_sum3A_231 [1] : vector<1024x256xf32> to vector<1024xf32>
    %broadcast_in_dim3A_233 = vector.shape_cast %reduce_sum3A_232 : vector<1024xf32> to vector<1024x1xf32>
    %div3A_234 = arith.constant 2.560000e+02 : f32
    %div3A_235 = vector.broadcast %div3A_234 : f32 to vector<1024x1xf32>
    %div3A_236 = arith.divf %broadcast_in_dim3A_233, %div3A_235 : vector<1024x1xf32>
    %add3A_237 = arith.constant 9.99999974E-6 : f32
    %add3A_238 = vector.broadcast %add3A_237 : f32 to vector<1024x1xf32>
    %add3A_239 = arith.addf %div3A_236, %add3A_238 : vector<1024x1xf32>
    %rsqrt3A_240 = math.rsqrt %add3A_239 : vector<1024x1xf32>
    %mul3A_241 = vector.broadcast %rsqrt3A_240 : vector<1024x1xf32> to vector<1024x256xf32>
    %mul3A_242 = arith.mulf %sub3A_229, %mul3A_241 : vector<1024x256xf32>
    %get3A_243 = arith.constant 3 : index
    %get3A_244 = arith.constant 0 : index
    %get3A_245 = vector.load %arg5[%get3A_243, %get3A_244] : memref<8x256xf32, #tpu.memory_space<vmem>>, vector<1x256xf32>
    %mul3A_246 = vector.broadcast %get3A_245 : vector<1x256xf32> to vector<1024x256xf32>
    %mul3A_247 = arith.mulf %mul3A_242, %mul3A_246 : vector<1024x256xf32>
    %get3A_248 = arith.constant 3 : index
    %get3A_249 = arith.constant 0 : index
    %get3A_250 = vector.load %arg6[%get3A_248, %get3A_249] : memref<8x256xf32, #tpu.memory_space<vmem>>, vector<1x256xf32>
    %add3A_251 = vector.broadcast %get3A_250 : vector<1x256xf32> to vector<1024x256xf32>
    %add3A_252 = arith.addf %mul3A_247, %add3A_251 : vector<1024x256xf32>
    %max3A_253 = arith.constant 0.000000e+00 : f32
    %max3A_254 = vector.broadcast %max3A_253 : f32 to vector<1024x256xf32>
    %max3A_255 = arith.maximumf %add3A_252, %max3A_254 : vector<1024x256xf32>
    %get3A_256 = arith.constant 3 : index
    %get3A_257 = arith.constant 0 : index
    %get3A_258 = vector.load %arg7[%get3A_256, %get3A_257] : memref<8x256xf32, #tpu.memory_space<vmem>>, vector<1x256xf32>
    %mul3A_259 = vector.broadcast %get3A_258 : vector<1x256xf32> to vector<1024x256xf32>
    %mul3A_260 = arith.mulf %max3A_255, %mul3A_259 : vector<1024x256xf32>
    %reduce_sum3A_261 = arith.constant dense<0.000000e+00> : vector<1024xf32>
    %reduce_sum3A_262 = vector.multi_reduction <add>, %mul3A_260, %reduce_sum3A_261 [1] : vector<1024x256xf32> to vector<1024xf32>
    %broadcast_in_dim3A_263 = vector.shape_cast %reduce_sum3A_262 : vector<1024xf32> to vector<1024x1xf32>
    %get3A_264 = arith.constant 0 : index
    %get3A_265 = arith.constant 3 : index
    %get3A_266 = vector.load %arg8[%get3A_264, %get3A_265] : memref<1x8xf32, #tpu.memory_space<vmem>>, vector<1x1xf32>
    %add3A_267 = vector.broadcast %get3A_266 : vector<1x1xf32> to vector<1024x1xf32>
    %add3A_268 = arith.addf %broadcast_in_dim3A_263, %add3A_267 : vector<1024x1xf32>
    %logistic3A_269 = arith.negf %add3A_268 : vector<1024x1xf32>
    %logistic3A_270 = math.exp %logistic3A_269 : vector<1024x1xf32>
    %logistic3A_271 = arith.constant 1.000000e+00 : f32
    %logistic3A_272 = vector.broadcast %logistic3A_271 : f32 to vector<1024x1xf32>
    %logistic3A_273 = arith.addf %logistic3A_272, %logistic3A_270 : vector<1024x1xf32>
    %logistic3A_274 = arith.divf %logistic3A_272, %logistic3A_273 : vector<1024x1xf32>
    %get3A_275 = arith.constant 4 : index
    %get3A_276 = arith.constant 0 : index
    %get3A_277 = arith.constant 0 : index
    %get3A_278 = vector.load %arg11[%get3A_275, %get3A_276, %get3A_277] : memref<8x1200x256xbf16, #tpu.memory_space<vmem>>, vector<1x1200x256xbf16>
    %get3A_279 = vector.shape_cast %get3A_278 : vector<1x1200x256xbf16> to vector<1200x256xbf16>
    %dot_general3A_280 = arith.constant dense<0.000000e+00> : vector<1024x256xf32>
    %dot_general3A_281 = tpu.matmul %convert_element_type3A_4, %get3A_279, %dot_general3A_280 {dimension_numbers = #tpu.dot_dimension_numbers<[0], [0], [1], [1], [0, 1, 1, 1], [], []>, transpose_lhs_hint = false} : vector<1200x1024xbf16>, vector<1200x256xbf16>, vector<1024x256xf32> -> vector<1024x256xf32>
    %get3A_282 = arith.constant 4 : index
    %get3A_283 = arith.constant 0 : index
    %get3A_284 = vector.load %arg4[%get3A_282, %get3A_283] : memref<8x256xf32, #tpu.memory_space<vmem>>, vector<1x256xf32>
    %add3A_285 = vector.broadcast %get3A_284 : vector<1x256xf32> to vector<1024x256xf32>
    %add3A_286 = arith.addf %dot_general3A_281, %add3A_285 : vector<1024x256xf32>
    %reduce_sum3A_287 = arith.constant dense<0.000000e+00> : vector<1024xf32>
    %reduce_sum3A_288 = vector.multi_reduction <add>, %add3A_286, %reduce_sum3A_287 [1] : vector<1024x256xf32> to vector<1024xf32>
    %broadcast_in_dim3A_289 = vector.shape_cast %reduce_sum3A_288 : vector<1024xf32> to vector<1024x1xf32>
    %div3A_290 = arith.constant 2.560000e+02 : f32
    %div3A_291 = vector.broadcast %div3A_290 : f32 to vector<1024x1xf32>
    %div3A_292 = arith.divf %broadcast_in_dim3A_289, %div3A_291 : vector<1024x1xf32>
    %sub3A_293 = vector.broadcast %div3A_292 : vector<1024x1xf32> to vector<1024x256xf32>
    %sub3A_294 = arith.subf %add3A_286, %sub3A_293 : vector<1024x256xf32>
    %mul3A_295 = arith.mulf %sub3A_294, %sub3A_294 : vector<1024x256xf32>
    %reduce_sum3A_296 = arith.constant dense<0.000000e+00> : vector<1024xf32>
    %reduce_sum3A_297 = vector.multi_reduction <add>, %mul3A_295, %reduce_sum3A_296 [1] : vector<1024x256xf32> to vector<1024xf32>
    %broadcast_in_dim3A_298 = vector.shape_cast %reduce_sum3A_297 : vector<1024xf32> to vector<1024x1xf32>
    %div3A_299 = arith.constant 2.560000e+02 : f32
    %div3A_300 = vector.broadcast %div3A_299 : f32 to vector<1024x1xf32>
    %div3A_301 = arith.divf %broadcast_in_dim3A_298, %div3A_300 : vector<1024x1xf32>
    %add3A_302 = arith.constant 9.99999974E-6 : f32
    %add3A_303 = vector.broadcast %add3A_302 : f32 to vector<1024x1xf32>
    %add3A_304 = arith.addf %div3A_301, %add3A_303 : vector<1024x1xf32>
    %rsqrt3A_305 = math.rsqrt %add3A_304 : vector<1024x1xf32>
    %mul3A_306 = vector.broadcast %rsqrt3A_305 : vector<1024x1xf32> to vector<1024x256xf32>
    %mul3A_307 = arith.mulf %sub3A_294, %mul3A_306 : vector<1024x256xf32>
    %get3A_308 = arith.constant 4 : index
    %get3A_309 = arith.constant 0 : index
    %get3A_310 = vector.load %arg5[%get3A_308, %get3A_309] : memref<8x256xf32, #tpu.memory_space<vmem>>, vector<1x256xf32>
    %mul3A_311 = vector.broadcast %get3A_310 : vector<1x256xf32> to vector<1024x256xf32>
    %mul3A_312 = arith.mulf %mul3A_307, %mul3A_311 : vector<1024x256xf32>
    %get3A_313 = arith.constant 4 : index
    %get3A_314 = arith.constant 0 : index
    %get3A_315 = vector.load %arg6[%get3A_313, %get3A_314] : memref<8x256xf32, #tpu.memory_space<vmem>>, vector<1x256xf32>
    %add3A_316 = vector.broadcast %get3A_315 : vector<1x256xf32> to vector<1024x256xf32>
    %add3A_317 = arith.addf %mul3A_312, %add3A_316 : vector<1024x256xf32>
    %max3A_318 = arith.constant 0.000000e+00 : f32
    %max3A_319 = vector.broadcast %max3A_318 : f32 to vector<1024x256xf32>
    %max3A_320 = arith.maximumf %add3A_317, %max3A_319 : vector<1024x256xf32>
    %get3A_321 = arith.constant 4 : index
    %get3A_322 = arith.constant 0 : index
    %get3A_323 = vector.load %arg7[%get3A_321, %get3A_322] : memref<8x256xf32, #tpu.memory_space<vmem>>, vector<1x256xf32>
    %mul3A_324 = vector.broadcast %get3A_323 : vector<1x256xf32> to vector<1024x256xf32>
    %mul3A_325 = arith.mulf %max3A_320, %mul3A_324 : vector<1024x256xf32>
    %reduce_sum3A_326 = arith.constant dense<0.000000e+00> : vector<1024xf32>
    %reduce_sum3A_327 = vector.multi_reduction <add>, %mul3A_325, %reduce_sum3A_326 [1] : vector<1024x256xf32> to vector<1024xf32>
    %broadcast_in_dim3A_328 = vector.shape_cast %reduce_sum3A_327 : vector<1024xf32> to vector<1024x1xf32>
    %get3A_329 = arith.constant 0 : index
    %get3A_330 = arith.constant 4 : index
    %get3A_331 = vector.load %arg8[%get3A_329, %get3A_330] : memref<1x8xf32, #tpu.memory_space<vmem>>, vector<1x1xf32>
    %add3A_332 = vector.broadcast %get3A_331 : vector<1x1xf32> to vector<1024x1xf32>
    %add3A_333 = arith.addf %broadcast_in_dim3A_328, %add3A_332 : vector<1024x1xf32>
    %logistic3A_334 = arith.negf %add3A_333 : vector<1024x1xf32>
    %logistic3A_335 = math.exp %logistic3A_334 : vector<1024x1xf32>
    %logistic3A_336 = arith.constant 1.000000e+00 : f32
    %logistic3A_337 = vector.broadcast %logistic3A_336 : f32 to vector<1024x1xf32>
    %logistic3A_338 = arith.addf %logistic3A_337, %logistic3A_335 : vector<1024x1xf32>
    %logistic3A_339 = arith.divf %logistic3A_337, %logistic3A_338 : vector<1024x1xf32>
    %get3A_340 = arith.constant 5 : index
    %get3A_341 = arith.constant 0 : index
    %get3A_342 = arith.constant 0 : index
    %get3A_343 = vector.load %arg11[%get3A_340, %get3A_341, %get3A_342] : memref<8x1200x256xbf16, #tpu.memory_space<vmem>>, vector<1x1200x256xbf16>
    %get3A_344 = vector.shape_cast %get3A_343 : vector<1x1200x256xbf16> to vector<1200x256xbf16>
    %dot_general3A_345 = arith.constant dense<0.000000e+00> : vector<1024x256xf32>
    %dot_general3A_346 = tpu.matmul %convert_element_type3A_4, %get3A_344, %dot_general3A_345 {dimension_numbers = #tpu.dot_dimension_numbers<[0], [0], [1], [1], [0, 1, 1, 1], [], []>, transpose_lhs_hint = false} : vector<1200x1024xbf16>, vector<1200x256xbf16>, vector<1024x256xf32> -> vector<1024x256xf32>
    %get3A_347 = arith.constant 5 : index
    %get3A_348 = arith.constant 0 : index
    %get3A_349 = vector.load %arg4[%get3A_347, %get3A_348] : memref<8x256xf32, #tpu.memory_space<vmem>>, vector<1x256xf32>
    %add3A_350 = vector.broadcast %get3A_349 : vector<1x256xf32> to vector<1024x256xf32>
    %add3A_351 = arith.addf %dot_general3A_346, %add3A_350 : vector<1024x256xf32>
    %reduce_sum3A_352 = arith.constant dense<0.000000e+00> : vector<1024xf32>
    %reduce_sum3A_353 = vector.multi_reduction <add>, %add3A_351, %reduce_sum3A_352 [1] : vector<1024x256xf32> to vector<1024xf32>
    %broadcast_in_dim3A_354 = vector.shape_cast %reduce_sum3A_353 : vector<1024xf32> to vector<1024x1xf32>
    %div3A_355 = arith.constant 2.560000e+02 : f32
    %div3A_356 = vector.broadcast %div3A_355 : f32 to vector<1024x1xf32>
    %div3A_357 = arith.divf %broadcast_in_dim3A_354, %div3A_356 : vector<1024x1xf32>
    %sub3A_358 = vector.broadcast %div3A_357 : vector<1024x1xf32> to vector<1024x256xf32>
    %sub3A_359 = arith.subf %add3A_351, %sub3A_358 : vector<1024x256xf32>
    %mul3A_360 = arith.mulf %sub3A_359, %sub3A_359 : vector<1024x256xf32>
    %reduce_sum3A_361 = arith.constant dense<0.000000e+00> : vector<1024xf32>
    %reduce_sum3A_362 = vector.multi_reduction <add>, %mul3A_360, %reduce_sum3A_361 [1] : vector<1024x256xf32> to vector<1024xf32>
    %broadcast_in_dim3A_363 = vector.shape_cast %reduce_sum3A_362 : vector<1024xf32> to vector<1024x1xf32>
    %div3A_364 = arith.constant 2.560000e+02 : f32
    %div3A_365 = vector.broadcast %div3A_364 : f32 to vector<1024x1xf32>
    %div3A_366 = arith.divf %broadcast_in_dim3A_363, %div3A_365 : vector<1024x1xf32>
    %add3A_367 = arith.constant 9.99999974E-6 : f32
    %add3A_368 = vector.broadcast %add3A_367 : f32 to vector<1024x1xf32>
    %add3A_369 = arith.addf %div3A_366, %add3A_368 : vector<1024x1xf32>
    %rsqrt3A_370 = math.rsqrt %add3A_369 : vector<1024x1xf32>
    %mul3A_371 = vector.broadcast %rsqrt3A_370 : vector<1024x1xf32> to vector<1024x256xf32>
    %mul3A_372 = arith.mulf %sub3A_359, %mul3A_371 : vector<1024x256xf32>
    %get3A_373 = arith.constant 5 : index
    %get3A_374 = arith.constant 0 : index
    %get3A_375 = vector.load %arg5[%get3A_373, %get3A_374] : memref<8x256xf32, #tpu.memory_space<vmem>>, vector<1x256xf32>
    %mul3A_376 = vector.broadcast %get3A_375 : vector<1x256xf32> to vector<1024x256xf32>
    %mul3A_377 = arith.mulf %mul3A_372, %mul3A_376 : vector<1024x256xf32>
    %get3A_378 = arith.constant 5 : index
    %get3A_379 = arith.constant 0 : index
    %get3A_380 = vector.load %arg6[%get3A_378, %get3A_379] : memref<8x256xf32, #tpu.memory_space<vmem>>, vector<1x256xf32>
    %add3A_381 = vector.broadcast %get3A_380 : vector<1x256xf32> to vector<1024x256xf32>
    %add3A_382 = arith.addf %mul3A_377, %add3A_381 : vector<1024x256xf32>
    %max3A_383 = arith.constant 0.000000e+00 : f32
    %max3A_384 = vector.broadcast %max3A_383 : f32 to vector<1024x256xf32>
    %max3A_385 = arith.maximumf %add3A_382, %max3A_384 : vector<1024x256xf32>
    %get3A_386 = arith.constant 5 : index
    %get3A_387 = arith.constant 0 : index
    %get3A_388 = vector.load %arg7[%get3A_386, %get3A_387] : memref<8x256xf32, #tpu.memory_space<vmem>>, vector<1x256xf32>
    %mul3A_389 = vector.broadcast %get3A_388 : vector<1x256xf32> to vector<1024x256xf32>
    %mul3A_390 = arith.mulf %max3A_385, %mul3A_389 : vector<1024x256xf32>
    %reduce_sum3A_391 = arith.constant dense<0.000000e+00> : vector<1024xf32>
    %reduce_sum3A_392 = vector.multi_reduction <add>, %mul3A_390, %reduce_sum3A_391 [1] : vector<1024x256xf32> to vector<1024xf32>
    %broadcast_in_dim3A_393 = vector.shape_cast %reduce_sum3A_392 : vector<1024xf32> to vector<1024x1xf32>
    %get3A_394 = arith.constant 0 : index
    %get3A_395 = arith.constant 5 : index
    %get3A_396 = vector.load %arg8[%get3A_394, %get3A_395] : memref<1x8xf32, #tpu.memory_space<vmem>>, vector<1x1xf32>
    %add3A_397 = vector.broadcast %get3A_396 : vector<1x1xf32> to vector<1024x1xf32>
    %add3A_398 = arith.addf %broadcast_in_dim3A_393, %add3A_397 : vector<1024x1xf32>
    %logistic3A_399 = arith.negf %add3A_398 : vector<1024x1xf32>
    %logistic3A_400 = math.exp %logistic3A_399 : vector<1024x1xf32>
    %logistic3A_401 = arith.constant 1.000000e+00 : f32
    %logistic3A_402 = vector.broadcast %logistic3A_401 : f32 to vector<1024x1xf32>
    %logistic3A_403 = arith.addf %logistic3A_402, %logistic3A_400 : vector<1024x1xf32>
    %logistic3A_404 = arith.divf %logistic3A_402, %logistic3A_403 : vector<1024x1xf32>
    %get3A_405 = arith.constant 6 : index
    %get3A_406 = arith.constant 0 : index
    %get3A_407 = arith.constant 0 : index
    %get3A_408 = vector.load %arg11[%get3A_405, %get3A_406, %get3A_407] : memref<8x1200x256xbf16, #tpu.memory_space<vmem>>, vector<1x1200x256xbf16>
    %get3A_409 = vector.shape_cast %get3A_408 : vector<1x1200x256xbf16> to vector<1200x256xbf16>
    %dot_general3A_410 = arith.constant dense<0.000000e+00> : vector<1024x256xf32>
    %dot_general3A_411 = tpu.matmul %convert_element_type3A_4, %get3A_409, %dot_general3A_410 {dimension_numbers = #tpu.dot_dimension_numbers<[0], [0], [1], [1], [0, 1, 1, 1], [], []>, transpose_lhs_hint = false} : vector<1200x1024xbf16>, vector<1200x256xbf16>, vector<1024x256xf32> -> vector<1024x256xf32>
    %get3A_412 = arith.constant 6 : index
    %get3A_413 = arith.constant 0 : index
    %get3A_414 = vector.load %arg4[%get3A_412, %get3A_413] : memref<8x256xf32, #tpu.memory_space<vmem>>, vector<1x256xf32>
    %add3A_415 = vector.broadcast %get3A_414 : vector<1x256xf32> to vector<1024x256xf32>
    %add3A_416 = arith.addf %dot_general3A_411, %add3A_415 : vector<1024x256xf32>
    %reduce_sum3A_417 = arith.constant dense<0.000000e+00> : vector<1024xf32>
    %reduce_sum3A_418 = vector.multi_reduction <add>, %add3A_416, %reduce_sum3A_417 [1] : vector<1024x256xf32> to vector<1024xf32>
    %broadcast_in_dim3A_419 = vector.shape_cast %reduce_sum3A_418 : vector<1024xf32> to vector<1024x1xf32>
    %div3A_420 = arith.constant 2.560000e+02 : f32
    %div3A_421 = vector.broadcast %div3A_420 : f32 to vector<1024x1xf32>
    %div3A_422 = arith.divf %broadcast_in_dim3A_419, %div3A_421 : vector<1024x1xf32>
    %sub3A_423 = vector.broadcast %div3A_422 : vector<1024x1xf32> to vector<1024x256xf32>
    %sub3A_424 = arith.subf %add3A_416, %sub3A_423 : vector<1024x256xf32>
    %mul3A_425 = arith.mulf %sub3A_424, %sub3A_424 : vector<1024x256xf32>
    %reduce_sum3A_426 = arith.constant dense<0.000000e+00> : vector<1024xf32>
    %reduce_sum3A_427 = vector.multi_reduction <add>, %mul3A_425, %reduce_sum3A_426 [1] : vector<1024x256xf32> to vector<1024xf32>
    %broadcast_in_dim3A_428 = vector.shape_cast %reduce_sum3A_427 : vector<1024xf32> to vector<1024x1xf32>
    %div3A_429 = arith.constant 2.560000e+02 : f32
    %div3A_430 = vector.broadcast %div3A_429 : f32 to vector<1024x1xf32>
    %div3A_431 = arith.divf %broadcast_in_dim3A_428, %div3A_430 : vector<1024x1xf32>
    %add3A_432 = arith.constant 9.99999974E-6 : f32
    %add3A_433 = vector.broadcast %add3A_432 : f32 to vector<1024x1xf32>
    %add3A_434 = arith.addf %div3A_431, %add3A_433 : vector<1024x1xf32>
    %rsqrt3A_435 = math.rsqrt %add3A_434 : vector<1024x1xf32>
    %mul3A_436 = vector.broadcast %rsqrt3A_435 : vector<1024x1xf32> to vector<1024x256xf32>
    %mul3A_437 = arith.mulf %sub3A_424, %mul3A_436 : vector<1024x256xf32>
    %get3A_438 = arith.constant 6 : index
    %get3A_439 = arith.constant 0 : index
    %get3A_440 = vector.load %arg5[%get3A_438, %get3A_439] : memref<8x256xf32, #tpu.memory_space<vmem>>, vector<1x256xf32>
    %mul3A_441 = vector.broadcast %get3A_440 : vector<1x256xf32> to vector<1024x256xf32>
    %mul3A_442 = arith.mulf %mul3A_437, %mul3A_441 : vector<1024x256xf32>
    %get3A_443 = arith.constant 6 : index
    %get3A_444 = arith.constant 0 : index
    %get3A_445 = vector.load %arg6[%get3A_443, %get3A_444] : memref<8x256xf32, #tpu.memory_space<vmem>>, vector<1x256xf32>
    %add3A_446 = vector.broadcast %get3A_445 : vector<1x256xf32> to vector<1024x256xf32>
    %add3A_447 = arith.addf %mul3A_442, %add3A_446 : vector<1024x256xf32>
    %max3A_448 = arith.constant 0.000000e+00 : f32
    %max3A_449 = vector.broadcast %max3A_448 : f32 to vector<1024x256xf32>
    %max3A_450 = arith.maximumf %add3A_447, %max3A_449 : vector<1024x256xf32>
    %get3A_451 = arith.constant 6 : index
    %get3A_452 = arith.constant 0 : index
    %get3A_453 = vector.load %arg7[%get3A_451, %get3A_452] : memref<8x256xf32, #tpu.memory_space<vmem>>, vector<1x256xf32>
    %mul3A_454 = vector.broadcast %get3A_453 : vector<1x256xf32> to vector<1024x256xf32>
    %mul3A_455 = arith.mulf %max3A_450, %mul3A_454 : vector<1024x256xf32>
    %reduce_sum3A_456 = arith.constant dense<0.000000e+00> : vector<1024xf32>
    %reduce_sum3A_457 = vector.multi_reduction <add>, %mul3A_455, %reduce_sum3A_456 [1] : vector<1024x256xf32> to vector<1024xf32>
    %broadcast_in_dim3A_458 = vector.shape_cast %reduce_sum3A_457 : vector<1024xf32> to vector<1024x1xf32>
    %get3A_459 = arith.constant 0 : index
    %get3A_460 = arith.constant 6 : index
    %get3A_461 = vector.load %arg8[%get3A_459, %get3A_460] : memref<1x8xf32, #tpu.memory_space<vmem>>, vector<1x1xf32>
    %add3A_462 = vector.broadcast %get3A_461 : vector<1x1xf32> to vector<1024x1xf32>
    %add3A_463 = arith.addf %broadcast_in_dim3A_458, %add3A_462 : vector<1024x1xf32>
    %logistic3A_464 = arith.negf %add3A_463 : vector<1024x1xf32>
    %logistic3A_465 = math.exp %logistic3A_464 : vector<1024x1xf32>
    %logistic3A_466 = arith.constant 1.000000e+00 : f32
    %logistic3A_467 = vector.broadcast %logistic3A_466 : f32 to vector<1024x1xf32>
    %logistic3A_468 = arith.addf %logistic3A_467, %logistic3A_465 : vector<1024x1xf32>
    %logistic3A_469 = arith.divf %logistic3A_467, %logistic3A_468 : vector<1024x1xf32>
    %get3A_470 = arith.constant 7 : index
    %get3A_471 = arith.constant 0 : index
    %get3A_472 = arith.constant 0 : index
    %get3A_473 = vector.load %arg11[%get3A_470, %get3A_471, %get3A_472] : memref<8x1200x256xbf16, #tpu.memory_space<vmem>>, vector<1x1200x256xbf16>
    %get3A_474 = vector.shape_cast %get3A_473 : vector<1x1200x256xbf16> to vector<1200x256xbf16>
    %dot_general3A_475 = arith.constant dense<0.000000e+00> : vector<1024x256xf32>
    %dot_general3A_476 = tpu.matmul %convert_element_type3A_4, %get3A_474, %dot_general3A_475 {dimension_numbers = #tpu.dot_dimension_numbers<[0], [0], [1], [1], [0, 1, 1, 1], [], []>, transpose_lhs_hint = false} : vector<1200x1024xbf16>, vector<1200x256xbf16>, vector<1024x256xf32> -> vector<1024x256xf32>
    %get3A_477 = arith.constant 7 : index
    %get3A_478 = arith.constant 0 : index
    %get3A_479 = vector.load %arg4[%get3A_477, %get3A_478] : memref<8x256xf32, #tpu.memory_space<vmem>>, vector<1x256xf32>
    %add3A_480 = vector.broadcast %get3A_479 : vector<1x256xf32> to vector<1024x256xf32>
    %add3A_481 = arith.addf %dot_general3A_476, %add3A_480 : vector<1024x256xf32>
    %reduce_sum3A_482 = arith.constant dense<0.000000e+00> : vector<1024xf32>
    %reduce_sum3A_483 = vector.multi_reduction <add>, %add3A_481, %reduce_sum3A_482 [1] : vector<1024x256xf32> to vector<1024xf32>
    %broadcast_in_dim3A_484 = vector.shape_cast %reduce_sum3A_483 : vector<1024xf32> to vector<1024x1xf32>
    %div3A_485 = arith.constant 2.560000e+02 : f32
    %div3A_486 = vector.broadcast %div3A_485 : f32 to vector<1024x1xf32>
    %div3A_487 = arith.divf %broadcast_in_dim3A_484, %div3A_486 : vector<1024x1xf32>
    %sub3A_488 = vector.broadcast %div3A_487 : vector<1024x1xf32> to vector<1024x256xf32>
    %sub3A_489 = arith.subf %add3A_481, %sub3A_488 : vector<1024x256xf32>
    %mul3A_490 = arith.mulf %sub3A_489, %sub3A_489 : vector<1024x256xf32>
    %reduce_sum3A_491 = arith.constant dense<0.000000e+00> : vector<1024xf32>
    %reduce_sum3A_492 = vector.multi_reduction <add>, %mul3A_490, %reduce_sum3A_491 [1] : vector<1024x256xf32> to vector<1024xf32>
    %broadcast_in_dim3A_493 = vector.shape_cast %reduce_sum3A_492 : vector<1024xf32> to vector<1024x1xf32>
    %div3A_494 = arith.constant 2.560000e+02 : f32
    %div3A_495 = vector.broadcast %div3A_494 : f32 to vector<1024x1xf32>
    %div3A_496 = arith.divf %broadcast_in_dim3A_493, %div3A_495 : vector<1024x1xf32>
    %add3A_497 = arith.constant 9.99999974E-6 : f32
    %add3A_498 = vector.broadcast %add3A_497 : f32 to vector<1024x1xf32>
    %add3A_499 = arith.addf %div3A_496, %add3A_498 : vector<1024x1xf32>
    %rsqrt3A_500 = math.rsqrt %add3A_499 : vector<1024x1xf32>
    %mul3A_501 = vector.broadcast %rsqrt3A_500 : vector<1024x1xf32> to vector<1024x256xf32>
    %mul3A_502 = arith.mulf %sub3A_489, %mul3A_501 : vector<1024x256xf32>
    %get3A_503 = arith.constant 7 : index
    %get3A_504 = arith.constant 0 : index
    %get3A_505 = vector.load %arg5[%get3A_503, %get3A_504] : memref<8x256xf32, #tpu.memory_space<vmem>>, vector<1x256xf32>
    %mul3A_506 = vector.broadcast %get3A_505 : vector<1x256xf32> to vector<1024x256xf32>
    %mul3A_507 = arith.mulf %mul3A_502, %mul3A_506 : vector<1024x256xf32>
    %get3A_508 = arith.constant 7 : index
    %get3A_509 = arith.constant 0 : index
    %get3A_510 = vector.load %arg6[%get3A_508, %get3A_509] : memref<8x256xf32, #tpu.memory_space<vmem>>, vector<1x256xf32>
    %add3A_511 = vector.broadcast %get3A_510 : vector<1x256xf32> to vector<1024x256xf32>
    %add3A_512 = arith.addf %mul3A_507, %add3A_511 : vector<1024x256xf32>
    %max3A_513 = arith.constant 0.000000e+00 : f32
    %max3A_514 = vector.broadcast %max3A_513 : f32 to vector<1024x256xf32>
    %max3A_515 = arith.maximumf %add3A_512, %max3A_514 : vector<1024x256xf32>
    %get3A_516 = arith.constant 7 : index
    %get3A_517 = arith.constant 0 : index
    %get3A_518 = vector.load %arg7[%get3A_516, %get3A_517] : memref<8x256xf32, #tpu.memory_space<vmem>>, vector<1x256xf32>
    %mul3A_519 = vector.broadcast %get3A_518 : vector<1x256xf32> to vector<1024x256xf32>
    %mul3A_520 = arith.mulf %max3A_515, %mul3A_519 : vector<1024x256xf32>
    %reduce_sum3A_521 = arith.constant dense<0.000000e+00> : vector<1024xf32>
    %reduce_sum3A_522 = vector.multi_reduction <add>, %mul3A_520, %reduce_sum3A_521 [1] : vector<1024x256xf32> to vector<1024xf32>
    %broadcast_in_dim3A_523 = vector.shape_cast %reduce_sum3A_522 : vector<1024xf32> to vector<1024x1xf32>
    %get3A_524 = arith.constant 0 : index
    %get3A_525 = arith.constant 7 : index
    %get3A_526 = vector.load %arg8[%get3A_524, %get3A_525] : memref<1x8xf32, #tpu.memory_space<vmem>>, vector<1x1xf32>
    %add3A_527 = vector.broadcast %get3A_526 : vector<1x1xf32> to vector<1024x1xf32>
    %add3A_528 = arith.addf %broadcast_in_dim3A_523, %add3A_527 : vector<1024x1xf32>
    %logistic3A_529 = arith.negf %add3A_528 : vector<1024x1xf32>
    %logistic3A_530 = math.exp %logistic3A_529 : vector<1024x1xf32>
    %logistic3A_531 = arith.constant 1.000000e+00 : f32
    %logistic3A_532 = vector.broadcast %logistic3A_531 : f32 to vector<1024x1xf32>
    %logistic3A_533 = arith.addf %logistic3A_532, %logistic3A_530 : vector<1024x1xf32>
    %logistic3A_534 = arith.divf %logistic3A_532, %logistic3A_533 : vector<1024x1xf32>
    %concatenate3A = tpu.concatenate %logistic3A_79, %logistic3A_144, %logistic3A_209, %logistic3A_274, %logistic3A_339, %logistic3A_404, %logistic3A_469, %logistic3A_534 in 1 : vector<1024x1xf32>, vector<1024x1xf32>, vector<1024x1xf32>, vector<1024x1xf32>, vector<1024x1xf32>, vector<1024x1xf32>, vector<1024x1xf32>, vector<1024x1xf32> -> vector<1024x8xf32>
    %swap3A_535 = arith.constant 0 : index
    %swap3A_536 = arith.constant 0 : index
    %swap3A_537 = vector.load %arg10[%swap3A_535, %swap3A_536] : memref<1024x8xf32, #tpu.memory_space<vmem>>, vector<1024x8xf32>
    tpu.vector_store %arg10[%swap3A_535, %swap3A_536], %concatenate3A {strides = array<i32>} : memref<1024x8xf32, #tpu.memory_space<vmem>>, vector<1024x8xf32>,
    return
  }
  func.func @transform_0(%arg0: i32) -> (i32, i32) {
    %c0_i32 = arith.constant 0 : i32
    %c0_i32_0 = arith.constant 0 : i32
    return %c0_i32, %arg0 : i32, i32
  }
  func.func @transform_1(%arg0: i32) -> (i32, i32) {
    %c0_i32 = arith.constant 0 : i32
    %c0_i32_0 = arith.constant 0 : i32
    %c0_i32_1 = arith.constant 0 : i32
    return %c0_i32, %c0_i32_0 : i32, i32
  }
  func.func @transform_2(%arg0: i32) -> (i32, i32, i32) {
    %c0_i32 = arith.constant 0 : i32
    %c0_i32_0 = arith.constant 0 : i32
    %c0_i32_1 = arith.constant 0 : i32
    %c0_i32_2 = arith.constant 0 : i32
    return %c0_i32, %c0_i32_0, %c0_i32_1 : i32, i32, i32
  }
  func.func @transform_3(%arg0: i32) -> (i32, i32) {
    %c0_i32 = arith.constant 0 : i32
    %c0_i32_0 = arith.constant 0 : i32
    %c0_i32_1 = arith.constant 0 : i32
    return %c0_i32, %c0_i32_0 : i32, i32
  }
  func.func @transform_4(%arg0: i32) -> (i32, i32) {
    %c0_i32 = arith.constant 0 : i32
    %c0_i32_0 = arith.constant 0 : i32
    %c0_i32_1 = arith.constant 0 : i32
    return %c0_i32, %c0_i32_0 : i32, i32
  }
  func.func @transform_5(%arg0: i32) -> (i32, i32) {
    %c0_i32 = arith.constant 0 : i32
    %c0_i32_0 = arith.constant 0 : i32
    %c0_i32_1 = arith.constant 0 : i32
    return %c0_i32, %c0_i32_0 : i32, i32
  }
  func.func @transform_6(%arg0: i32) -> (i32, i32) {
    %c0_i32 = arith.constant 0 : i32
    %c0_i32_0 = arith.constant 0 : i32
    %c0_i32_1 = arith.constant 0 : i32
    return %c0_i32, %c0_i32_0 : i32, i32
  }
  func.func @transform_7(%arg0: i32) -> (i32, i32) {
    %c0_i32 = arith.constant 0 : i32
    %c0_i32_0 = arith.constant 0 : i32
    %c0_i32_1 = arith.constant 0 : i32
    return %c0_i32, %c0_i32_0 : i32, i32
  }
  func.func @transform_8(%arg0: i32) -> (i32, i32) {
    %c0_i32 = arith.constant 0 : i32
    %c0_i32_0 = arith.constant 0 : i32
    return %arg0, %c0_i32 : i32, i32
  }
  func.func @transform_9(%arg0: i32) -> (i32, i32) {
    %c0_i32 = arith.constant 0 : i32
    %c0_i32_0 = arith.constant 0 : i32
    return %arg0, %c0_i32 : i32, i32
  }
}

</mosaic_0001>

<sc_bundles>
// kernel: kernel.5.cloned.1.call-start
scs
__scs_entry_jumppad:
0x0: {  	(pc) =	sbr.rel $0x88, $3  }
0x1: {  	(tag) =	ssettag $0x0;
	lr =	simm.s32 $0x1  }
0x2: {  	[smem:$0x3F99] =	sst lr;
	_ =	strace $0xD0000000  }
0x3: {  	_ = 	snop  }
0x4: {  	_ = 	snop  }
0x5: {  	_ = 	snop  }
0x6: {  	_ = 	snop  }
0x7: {  	_ = 	snop  }
__scs_overlays_trampoline_lowered:
0x8: {  	[smem:$0x3FA8] =	sst s0  }
0x9: {  	[smem:$0x3FA9] =	sst s1  }
0xa: {  	[smem:$0x3FAA] =	sst s2  }
0xb: {  	[smem:$0x3FAB] =	sst s3  }
0xc: {  	[smem:$0x3FAC] =	sst s4  }
0xd: {  	[smem:$0x3FAD] =	sst s5  }
0xe: {  	[smem:$0x3FAE] =	sst s6  }
0xf: {  	[smem:$0x3FAF] =	sst s7  }
0x10: {  	[smem:$0x3FB0] =	sst s8  }
0x11: {  	[smem:$0x3FB1] =	sst s9;
	s0 =	simm.s32 @!p0 $0x0  }
0x12: {  	s1 =	sld [smem:$0x3F97];
	s0 =	simm.s32 @p0 $0x1  }
0x13: {  	[smem:$0x3FB2] =	sst s0;
	s0 =	simm.s32 @!p1 $0x0  }
0x14: {  	s2 =	sld [smem:$0x3F96];
	s0 =	simm.s32 @p1 $0x1  }
0x15: {  	[smem:$0x3FB3] =	sst s0;
	s0 =	simm.s32 @!p2 $0x0  }
0x16: {  	s3 =	sld [smem:$0x3FDB];
	s0 =	simm.s32 @p2 $0x1  }
0x17: {  	s4 =	simm.s32 $0x1BF5;
	[smem:$0x3FB5] =	sst s0  }
0x18: {  	s0 =	sld [smem:$0x3F98];
	_ =	swait.ge [sflag:s4], $0x0  }
0x19: {  	s7 =	sld [smem:$0x3F99]  }
0x1a: {  	s8 =	sadd.s32 $0xFFFFE003, lr  }
0x1b: {  	s9 =	sadd.s32 $0xFFFFFEF7, lr;
	s5 =	simm.s32 $0xFFFFFFFF;
	p2 =	slt.u32 s8, $0xFFFFF086  }
0x1c: {  	p1 =	slt.u32 s9, $0xF7A;
	s5 =	simm.s32 @!p2 $0x0  }
0x1d: {  	s5 =	simm.s32 @p1 $0x1;
	p0 =	seq.s32 s7, s2  }
0x1e: {  	s7 =	smul.u32 @!p0 $0xF7A, s2;
	p2 =	seq.s32 @!p0 s5, $0x0  }
0x1f: {  	s9 =	smul.u32 $0xF7A, s1;
	s8 =	simm.s32 @!p0 $0x1BF5;
	p2 =	por !p2, p0  }
0x20: {  	[sflag:s8] =	ssyncset.s32 @!p0 $0xFFFFF086;
	s6 =	sadd.s32 @!p0 s3, s7;
	s7 =	simm.s32 @!p0 $0x108  }
0x21: {  	s3 =	sadd.s32 s3, s9;
	s6 =	sadd.s32 @!p0 $0x88, s6;
	s7 =	simm.s32 @p2 $0x1082  }
0x22: {  	[simem:s7], [sflag:s8] =	dma.local @!p0 [hbm:s6], $0xF7A  }
0x23: {  	s9 =	sor.u32 $0xD0000000, s2;
	s6 =	simm.s32 $0x108;
	_ =	swait.ge @!p0 [sflag:s8], $0x0  }
0x24: {  	s3 =	sadd.s32 $0x88, s3;
	s6 =	simm.s32 @!p1 $0x1082;
	[sflag:s4] =	ssyncset.s32 $0xFFFFF086  }
0x25: {  	[simem:s6], [sflag:s4] =	dma.local [hbm:s3], $0xF7A  }
0x26: {  	[smem:$0x3F99] =	sst s1;
	(tag) =	ssettag s2;
	_ =	strace s9  }
0x27: {  	s1 =	sld [smem:$0x3FA9]  }
0x28: {  	s2 =	sld [smem:$0x3FAA]  }
0x29: {  	s4 =	sld [smem:$0x3FAC]  }
0x2a: {  	p0 =	seq.s32 s5, $0x0;
	s5 =	sld [smem:$0x3FAD]  }
0x2b: {  	s6 =	sld [smem:$0x3FAE]  }
0x2c: {  	s7 =	sld [smem:$0x3FAF]  }
0x2d: {  	s3 =	simm.s32 $0x108;
	s8 =	sld [smem:$0x3FB0]  }
0x2e: {  	s3 =	simm.s32 @!p0 $0x1082;
	s9 =	sld [smem:$0x3FB1]  }
0x2f: {  	lr =	sadd.s32 s0, s3;
	s0 =	sld [smem:$0x3FA8]  }
0x30: {  	s3 =	sld [smem:$0x3FAB]  }
0x31: {  	[smem:$0x3FB4] =	sst s10  }
0x32: {  	s10 =	sld [smem:$0x3FB2];
	_ =	sdelay $0x3  }
0x33: {  	p0 =	seq.s32 s10, $0x1;
	s10 =	sld [smem:$0x3FB4];
	_ =	sdelay $0x3  }
0x34: {  	[smem:$0x3FB4] =	sst s10  }
0x35: {  	s10 =	sld [smem:$0x3FB3];
	_ =	sdelay $0x3  }
0x36: {  	p1 =	seq.s32 s10, $0x1;
	s10 =	sld [smem:$0x3FB4];
	_ =	sdelay $0x3  }
0x37: {  	[smem:$0x3FB4] =	sst s10  }
0x38: {  	s10 =	sld [smem:$0x3FB5]  }
0x39: {  	_ = 	snop;
	(pc) =	sbr.ind lr, $3  }
0x3a: {  	_ = 	snop  }
0x3b: {  	_ = 	snop  }
0x3c: {  	p2 =	seq.s32 s10, $0x1;
	s10 =	sld [smem:$0x3FB4]  }
0x3d: {  	_ =	shalt  }
0x3e: {  	_ =	shalt  }
0x3f: {  	_ =	shalt  }
0x40: {  	_ =	shalt  }
0x41: {  	_ =	shalt  }
0x42: {  	_ =	shalt  }
0x43: {  	_ =	shalt  }
0x44: {  	_ =	shalt  }
0x45: {  	_ =	shalt  }
0x46: {  	_ =	shalt  }
0x47: {  	_ =	shalt  }
0x48: {  	_ =	shalt  }
0x49: {  	_ =	shalt  }
0x4a: {  	_ =	shalt  }
0x4b: {  	_ =	shalt  }
0x4c: {  	_ =	shalt  }
0x4d: {  	_ =	shalt  }
0x4e: {  	_ =	shalt  }
0x4f: {  	_ =	shalt  }
0x50: {  	_ =	shalt  }
0x51: {  	_ =	shalt  }
0x52: {  	_ =	shalt  }
0x53: {  	_ =	shalt  }
0x54: {  	_ =	shalt  }
0x55: {  	_ =	shalt  }
0x56: {  	_ =	shalt  }
0x57: {  	_ =	shalt  }
0x58: {  	_ =	shalt  }
0x59: {  	_ =	shalt  }
0x5a: {  	_ =	shalt  }
0x5b: {  	_ =	shalt  }
0x5c: {  	_ =	shalt  }
0x5d: {  	_ =	shalt  }
0x5e: {  	_ =	shalt  }
0x5f: {  	_ =	shalt  }
0x60: {  	_ =	shalt  }
0x61: {  	_ =	shalt  }
0x62: {  	_ =	shalt  }
0x63: {  	_ =	shalt  }
0x64: {  	_ =	shalt  }
0x65: {  	_ =	shalt  }
0x66: {  	_ =	shalt  }
0x67: {  	_ =	shalt  }
0x68: {  	_ =	shalt  }
0x69: {  	_ =	shalt  }
0x6a: {  	_ =	shalt  }
0x6b: {  	_ =	shalt  }
0x6c: {  	_ =	shalt  }
0x6d: {  	_ =	shalt  }
0x6e: {  	_ =	shalt  }
0x6f: {  	_ =	shalt  }
0x70: {  	_ =	shalt  }
0x71: {  	_ =	shalt  }
0x72: {  	_ =	shalt  }
0x73: {  	_ =	shalt  }
0x74: {  	_ =	shalt  }
0x75: {  	_ =	shalt  }
0x76: {  	_ =	shalt  }
0x77: {  	_ =	shalt  }
0x78: {  	_ =	shalt  }
0x79: {  	_ =	shalt  }
0x7a: {  	_ =	shalt  }
0x7b: {  	_ =	shalt  }
0x7c: {  	_ =	shalt  }
0x7d: {  	_ =	shalt  }
0x7e: {  	_ =	shalt  }
0x7f: {  	_ =	shalt  }
0x80: {  	_ =	shalt  }
0x81: {  	_ =	shalt  }
0x82: {  	_ =	shalt  }
0x83: {  	_ =	shalt  }
0x84: {  	_ =	shalt  }
0x85: {  	_ =	shalt  }
0x86: {  	_ =	shalt  }
0x87: {  	_ =	shalt  }
.Lfunc_end0:
.L_simem_size_0:
called_computation_lowered:
.L_overlay_start_0:
0x88: {  	s2 =	sld [smem:$0x3FD9]  }
0x89: {  	s3 =	sld [smem:$0x3FFE];
	_ =	sdelay $0x1  }
0x8a: {  	s1 =	srdreg.scid  }
0x8b: {  	s0 =	sand.u32 $0x1, s1  }
0x8c: {  	s16 =	sshll.u32 s0, $0xA;
	s2 =	sadd.s32 s3, s2  }
0x8d: {  	s2 =	sadd.s32 s2, s16  }
0x8e: {  	[smem:$0x3FC0] =	sst s2  }
0x8f: {  	_ = 	snop  }
0x90: {  	(tm) =	ssettm $0x1  }
0x91: {  	s17 =	sld [smem:$0x3FFB];
	_ =	sdelay $0x3  }
0x92: {  	_ =	strace s17  }
0x93: {  	s2 =	sld [smem:$0x3FFC];
	_ =	sdelay $0x3  }
0x94: {  	_ =	strace s2  }
0x95: {  	s2 =	sld [smem:$0x3FFD];
	_ =	sdelay $0x3  }
0x96: {  	_ =	strace s2  }
0x97: {  	_ =	strace $0x8FFFFFFF  }
0x98: {  	s18 =	sld [smem:$0x3FDB];
	_ =	sdelay $0x1  }
0x99: {  	s19 =	simm.s32 $_scs_section_size  }
0x9a: {  	s4 =	simm.s32 $_size__tile_overlayer_lowered;
	s5 =	simm.s32 $_tile_overlayer_lowered  }
0x9b: {  	s22 =	simm.s32 $0x1BFF;
	s21 =	sshll.u32 s5, $0x1;
	s2 =	sadd.s32 s19, s18  }
0x9c: {  	s6 =	simm.s32 $0x0;
	s20 =	sshll.u32 s4, $0x1;
	s4 =	sadd.s32 s21, s2  }
0x9d: {  	[timem:s6], [sflag:s22] =	dma.local [hbm:s4], s20  }
0x9e: {  	_ =	swait.ge [sflag:s22], s20  }
0x9f: {  	s3 =	ssub.s32 $0x0, s20;
	[sflag:s22] =	ssyncset.done $0x0  }
0xa0: {  	[sflag:s22] =	ssyncadd.s32 s3;
	_ =	sdelay $0x1  }
0xa1: {  	s23 =	simm.s32 $0x1B8B  }
0xa2: {  	_ =	swait.ge [sflag:s23], $0x1  }
0xa3: {  	[sflag:s23] =	ssyncset.done $0x0  }
0xa4: {  	s25 =	simm.s32 $0x1B8E;
	s24 =	sld [smem:$0x3FFE];
	[sflag:s23] =	ssyncadd.s32 $0xFFFFFFFF  }
0xa5: {  	s26 =	simm.s32 $execute0_lowered;
	[smem:$0x3FD2] =	sst s25  }
0xa6: {  	s4 =	sshll.u32 s26, $0x1;
	_ =	strace $0x80000046;
	[dreg:$0x1] =	wrdreg $0xFFFFFFFF  }
0xa7: {  	s28 =	simm.s32 $_size_execute0_lowered;
	s2 =	sadd.s32 s2, s4;
	[dreg:$0x0] =	wrdreg $0x0  }
0xa8: {  	s4 =	sshll.u32 s28, $0x1;
	[dreg:$0x2] =	wrdreg s2  }
0xa9: {  	[dreg:$0x3] =	wrdreg s4  }
0xaa: {  	[dreg:$0x4] =	wrdreg $0xC0  }
0xab: {  	_ =	task [dreg:s6], $0x5FFFF  }
0xac: {  	[dreg:$0x1] =	wrdreg $0xFFFFFFFF  }
0xad: {  	[dreg:$0x0] =	wrdreg $0x60  }
0xae: {  	[dreg:$0x2] =	wrdreg s24  }
0xaf: {  	[dreg:$0x3] =	wrdreg $0x9  }
0xb0: {  	_ =	task.clear_ibuf [dreg:s6], $0x4FFFF;
	_ =	strace $0x90000046  }
0xb1: {  	s29 =	simm.s32 $0x9;
	_ =	strace $0x80000048  }
0xb2: {  	_ =	swait.ge [sflag:s29], $0x1  }
0xb3: {  	[sflag:s29] =	ssyncadd.s32 $0xFFFFFFFF  }
0xb4: {  	_ =	strace $0x90000048  }
0xb5: {  	_ =	sfence  }
0xb6: {  	s30 =	sld [smem:$0x0];
	_ =	sdelay $0x2  }
0xb7: {  	s31 =	sshll.u32 s1, $0xD;
	s1 =	sshrl.u32 s1, $0x2  }
0xb8: {  	s3 =	sand.u32 $0x4000, s31;
	s1 =	sadd.s32 s1, s30  }
0xb9: {  	s0 =	sor.u32 s3, s0;
	s1 =	sshll.u32 s1, $0x11  }
0xba: {  	s0 =	sor.u32 s1, s0  }
0xbb: {  	s0 =	sadd.s32 $0x8F2B, s0  }
0xbc: {  	[sflag:s0] =	ssyncadd.remote.s32 $0x1  }
0xbd: {  	_ =	sfence.sel $0xFFFF  }
0xbe: {  	[dreg:$0x0] =	wrdreg $0xFFFFFFFF;
	(pc) =	sbr.abs _section_cstart, $3  }
0xbf: {  	[dreg:$0x1] =	wrdreg $0xFFFFFFFF  }
0xc0: {  	_ =	task.clear_ibuf [dreg:s6], $0x2FFFF;
	_ =	strace $0x9FFFFFFF  }
0xc1: {  	(tm) =	ssettm $0x7FFFFFFF  }
tec
execute0_lowered:
.L_overlay_start_1:
0x0: {  	(tag) =	ssettag $0x1  }
0x1: {  	s0 =	rddreg [dreg:$0x0];
	s1 =	simm.s32 $0x0  }
0x2: {  	s3 =	srdreg.scid;
	s2 =	stileid.u32;
	s17 =	simm.s32 $0x80  }
0x3: {  	s18 =	simm.s32 $0x100;
	s19 =	simm.s32 $0x180;
	s20 =	simm.s32 $0x200  }
0x4: {  	s21 =	simm.s32 $0x280;
	s22 =	simm.s32 $0x300;
	s23 =	simm.s32 $0x380  }
0x5: {  	s28 =	simm.s32 $0x580;
	s29 =	simm.s32 $0x600;
	s30 =	simm.s32 $0x680  }
0x6: {  	s31 =	simm.s32 $0x700;
	[smem:$0x7FF] =	sst s1;
	s3 =	sand.u32 $0x1, s3  }
0x7: {  	s6 =	sadd.s32 $0x1200, s0;
	s5 =	sshll.u32 s2, $0x5;
	s4 =	ssub.s32 $0x2, s3  }
0x8: {  	s0 =	sadd.s32 $0x2200, s0;
	s3 =	sshll.u32 s3, $0x4;
	s7 =	sshrl.u32 s4, $0x1  }
0x9: {  	_ =	strace $0x80000047;
	s8 =	sor.u32 s3, s5;
	s15 =	ssub.s32 s4, s7  }
0xa: {  	s3 =	sadd.s32 s6, s8;
	s9 =	sor.u32 $0x200, s8;
	s10 =	sor.u32 $0x400, s8  }
0xb: {  	s11 =	sor.u32 $0x600, s8;
	s12 =	sor.u32 $0x800, s8;
	s13 =	sor.u32 $0xA00, s8  }
0xc: {  	s14 =	sor.u32 $0xC00, s8;
	s16 =	sor.u32 $0xE00, s8;
	s7 =	sadd.s32 s0, s8  }
0xd: {  	[dreg:$0x2] =	wrdreg s3;
	s24 =	sadd.s32 s6, s9;
	s25 =	sadd.s32 s6, s10  }
0xe: {  	s26 =	sadd.s32 s6, s11;
	s3 =	sadd.s32 s6, s12;
	s4 =	sadd.s32 s6, s13  }
0xf: {  	s5 =	sadd.s32 s6, s14;
	s6 =	sadd.s32 s6, s16;
	s8 =	sadd.s32 s0, s9  }
0x10: {  	s9 =	sadd.s32 s0, s10;
	s10 =	sadd.s32 s0, s11;
	s11 =	sadd.s32 s0, s12  }
0x11: {  	s12 =	sadd.s32 s0, s13;
	s13 =	sadd.s32 s0, s14;
	[dreg:$0x3] =	wrdreg s24  }
0x12: {  	s14 =	sadd.s32 s0, s16;
	s15 =	smax.u32 s15, $0x1;
	[dreg:$0x4] =	wrdreg s25  }
0x13: {  	s16 =	simm.s32 $0x1;
	s0 =	simm.s32 $0x780;
	[dreg:$0x5] =	wrdreg s26  }
0x14: {  	v34 =	vimm.s32 $0x7;
	s24 =	simm.s32 $0x400;
	s25 =	simm.s32 $0x480;
	s26 =	simm.s32 $0x500  }
.LBB2_1:
0x15: {  	s2 =	rddreg [dreg:$0x2]  }
0x16: {  	[tilespmem:s1], [sflag:$0x1] =	stream.linear.gather [hbm4b:s2+s1], $0x80, $0x38;
	[tilespmem:$0x800] =	vst v63  }
0x17: {  	_ =	swait.ge [sflag:s16], $0x80  }
0x18: {  	[sflag:s16] =	ssyncset.done $0x0  }
0x19: {  	s2 =	rddreg [dreg:$0x3];
	[sflag:s16] =	ssyncadd.s32 $0xFFFFFF80  }
0x1a: {  	[tilespmem:s17], [sflag:$0x1] =	stream.linear.gather [hbm4b:s2+s1], $0x80, $0x38;
	[tilespmem:$0x800] =	vst v63  }
0x1b: {  	_ =	swait.ge [sflag:s16], $0x80  }
0x1c: {  	[sflag:s16] =	ssyncset.done $0x0  }
0x1d: {  	s2 =	rddreg [dreg:$0x4];
	[sflag:s16] =	ssyncadd.s32 $0xFFFFFF80  }
0x1e: {  	[tilespmem:s18], [sflag:$0x1] =	stream.linear.gather [hbm4b:s2+s1], $0x80, $0x38;
	[tilespmem:$0x800] =	vst v63  }
0x1f: {  	_ =	swait.ge [sflag:s16], $0x80  }
0x20: {  	[sflag:s16] =	ssyncset.done $0x0  }
0x21: {  	s2 =	rddreg [dreg:$0x5];
	[sflag:s16] =	ssyncadd.s32 $0xFFFFFF80  }
0x22: {  	[tilespmem:s19], [sflag:$0x1] =	stream.linear.gather [hbm4b:s2+s1], $0x80, $0x38;
	[tilespmem:$0x800] =	vst v63  }
0x23: {  	_ =	swait.ge [sflag:s16], $0x80  }
0x24: {  	[sflag:s16] =	ssyncset.done $0x0  }
0x25: {  	[sflag:s16] =	ssyncadd.s32 $0xFFFFFF80  }
0x26: {  	[tilespmem:s20], [sflag:$0x1] =	stream.linear.gather [hbm4b:s3+s1], $0x80, $0x38;
	[tilespmem:$0x800] =	vst v63  }
0x27: {  	_ =	swait.ge [sflag:s16], $0x80  }
0x28: {  	[sflag:s16] =	ssyncset.done $0x0  }
0x29: {  	[sflag:s16] =	ssyncadd.s32 $0xFFFFFF80  }
0x2a: {  	[tilespmem:s21], [sflag:$0x1] =	stream.linear.gather [hbm4b:s4+s1], $0x80, $0x38;
	[tilespmem:$0x800] =	vst v63  }
0x2b: {  	_ =	swait.ge [sflag:s16], $0x80  }
0x2c: {  	[sflag:s16] =	ssyncset.done $0x0  }
0x2d: {  	[sflag:s16] =	ssyncadd.s32 $0xFFFFFF80  }
0x2e: {  	[tilespmem:s22], [sflag:$0x1] =	stream.linear.gather [hbm4b:s5+s1], $0x80, $0x38;
	[tilespmem:$0x800] =	vst v63  }
0x2f: {  	_ =	swait.ge [sflag:s16], $0x80  }
0x30: {  	[sflag:s16] =	ssyncset.done $0x0  }
0x31: {  	[sflag:s16] =	ssyncadd.s32 $0xFFFFFF80  }
0x32: {  	[tilespmem:s23], [sflag:$0x1] =	stream.linear.gather [hbm4b:s6+s1], $0x80, $0x38;
	[tilespmem:$0x800] =	vst v63  }
0x33: {  	_ =	swait.ge [sflag:s16], $0x80  }
0x34: {  	[sflag:s16] =	ssyncset.done $0x0  }
0x35: {  	[sflag:s16] =	ssyncadd.s32 $0xFFFFFF80  }
0x36: {  	v0 =	vld [tilespmem:$0x0]  }
0x37: {  	v1 =	vld [tilespmem:$0x80]  }
0x38: {  	v3 =	vld [tilespmem:$0x100]  }
0x39: {  	v4 =	vld [tilespmem:$0x180]  }
0x3a: {  	v5 =	vld [tilespmem:$0x200]  }
0x3b: {  	v7 =	vld [tilespmem:$0x280]  }
0x3c: {  	v8 =	vld [tilespmem:$0x300];
	v2 =	vmax.f32 v0, v1  }
0x3d: {  	v10 =	vld [tilespmem:$0x380];
	v2 =	vmax.f32 v2, v3  }
0x3e: {  	v2 =	vmax.f32 v2, v4  }
0x3f: {  	v2 =	vmax.f32 v2, v5  }
0x40: {  	v2 =	vmax.f32 v2, v7  }
0x41: {  	v2 =	vmax.f32 v2, v8  }
0x42: {  	v11 =	vmax.f32 v2, v10  }
0x43: {  	v2 =	vsub.f32 v0, v11  }
0x44: {  	v23 =	vimm.s32 $0x0;
	v24 =	vimm.s32 $0x0;
	v6 =	vsub.f32 v1, v11  }
0x45: {  	v29 =	vimm.s32 $0x0;
	v32 =	vimm.s32 $0x0;
	v2 =	vmul.f32 $1.442695020e+00, v2  }
0x46: {  	vm0 =	veq.f32 v8, v11;
	v12 =	vsub.f32 v3, v11;
	v6 =	vmul.f32 $1.442695020e+00, v6  }
0x47: {  	vm10 =	veq.f32 v7, v11;
	vm11 =	veq.f32 v5, v11;
	(erf) = vpow2.f32 v2  }
0x48: {  	v63 =	vmul.f32 $1.442695020e+00, v12;
	v12 =	vsub.f32 v4, v11;
	(erf) = vpow2.f32 v6  }
0x49: {  	vm12 =	veq.f32 v4, v11;
	v14 =	vsub.f32 v5, v11;
	vm13 =	veq.f32 v3, v11  }
0x4a: {  	v16 =	vsub.f32 v7, v11;
	v13 =	vmul.f32 $1.442695020e+00, v12;
	(erf) = vpow2.f32 v63  }
0x4b: {  	vm14 =	veq.f32 v1, v11;
	v18 =	vsub.f32 v8, v11;
	v9 =	vsel vm0, $0x6, v34  }
0x4c: {  	v9 =	vsel vm10, $0x5, v9;
	v15 =	vmul.f32 $1.442695020e+00, v14;
	(erf) = vpow2.f32 v13  }
0x4d: {  	v21 =	vsub.f32 v10, v11;
	v17 =	vmul.f32 $1.442695020e+00, v16;
	v9 =	vsel vm11, $0x4, v9  }
0x4e: {  	vm11 =	vne.f32 v0, v11;
	v9 =	vsel vm12, $0x3, v9;
	(erf) = vpow2.f32 v15  }
0x4f: {  	v20 =	vmul.f32 $1.442695020e+00, v18;
	v2 =	vnsel vm11, $0xFF61B1E6, v0;
	v9 =	vsel vm13, $0x2, v9  }
0x50: {  	vm1 =	vmand vm11, vm14;
	v9 =	vsel vm14, $0x1, v9;
	v19 =	vpop (erf);
	(erf) = vpow2.f32 v17  }
0x51: {  	v6 =	vmul.f32 $1.442695020e+00, v21;
	v0 =	vsel vm1, $0xFFFFFFFF, v23;
	v13 =	vnsel vm11, $0x0, v9;
	v22 =	vpop (erf)  }
0x52: {  	vm15 =	veq.s32 v13, $0x2;
	(erf) = vpow2.f32 v20;
	v9 =	vadd.f32 v22, v19  }
0x53: {  	[tilespmem:$0x1FCB0] =	vst v0;
	vm6 =	veq.s32 v13, $0x3;
	vm5 =	veq.s32 v13, $0x4;
	v0 =	vsel vm15, $0xFFFFFFFF, v24;
	v25 =	vpop (erf)  }
0x54: {  	vm7 =	veq.s32 v13, $0x5;
	[tilespmem:$0x1FCC0] =	vst v0;
	(erf) = vpow2.f32 v6;
	v0 =	vadd.f32 v9, v25  }
0x55: {  	vm8 =	veq.s32 v13, $0x6;
	v12 =	vsel vm6, $0xFF61B1E6, v4;
	v6 =	vsel vm1, $0xFF61B1E6, v1;
	v26 =	vpop (erf)  }
0x56: {  	v28 =	vmax.f32 v2, v6;
	v9 =	vsel vm15, $0xFF61B1E6, v3;
	v0 =	vadd.f32 v0, v26  }
0x57: {  	v16 =	vsel vm5, $0xFF61B1E6, v5;
	v1 =	vsel vm7, $0xFFFFFFFF, v29;
	v31 =	vpop (erf);
	v30 =	vmax.f32 v28, v9  }
0x58: {  	v4 =	vsel vm8, $0xFFFFFFFF, v32;
	[tilespmem:$0x1FCE0] =	vst v1;
	v1 =	vmax.f32 v30, v12;
	v0 =	vadd.f32 v0, v31  }
0x59: {  	v24 =	vsel vm7, $0xFF61B1E6, v7;
	v32 =	vsel vm8, $0xFF61B1E6, v8;
	v1 =	vmax.f32 v1, v16;
	v33 =	vpop (erf)  }
0x5a: {  	vm7 =	veq.s32 v13, $0x7;
	v1 =	vmax.f32 v1, v24;
	v0 =	vadd.f32 v0, v33  }
0x5b: {  	v27 =	vimm.s32 $0x0;
	v35 =	vsel vm7, $0xFF61B1E6, v10;
	v1 =	vmax.f32 v1, v32;
	v36 =	vpop (erf)  }
0x5c: {  	v3 =	vsel vm5, $0xFFFFFFFF, v27;
	v17 =	vmax.f32 v1, v35;
	v0 =	vadd.f32 v0, v36  }
0x5d: {  	[tilespmem:$0x1FCD0] =	vst v3;
	v37 =	vpop (erf);
	v3 =	vsub.f32 v17, v11  }
0x5e: {  	v0 =	vadd.f32 v0, v37  }
0x5f: {  	v38 =	vmul.f32 $1.442695020e+00, v3  }
0x60: {  	(erf) = vrcp.f32 v0  }
0x61: {  	v39 =	vld [tilespmem:$0x10];
	(erf) = vpow2.f32 v38  }
0x62: {  	v40 =	vld [tilespmem:$0x90]  }
0x63: {  	v41 =	vld [tilespmem:$0x110]  }
0x64: {  	v44 =	vld [tilespmem:$0x190]  }
0x65: {  	v45 =	vld [tilespmem:$0x210]  }
0x66: {  	v46 =	vld [tilespmem:$0x290]  }
0x67: {  	v47 =	vld [tilespmem:$0x310];
	v42 =	vmax.f32 v39, v40  }
0x68: {  	v43 =	vld [tilespmem:$0x390];
	v1 =	vmax.f32 v42, v41  }
0x69: {  	v1 =	vmax.f32 v1, v44;
	v21 =	vpop (erf)  }
0x6a: {  	v1 =	vmax.f32 v1, v45;
	v51 =	vpop (erf)  }
0x6b: {  	v1 =	vmax.f32 v1, v46;
	v33 =	vmul.f32 v51, v21  }
0x6c: {  	v1 =	vmax.f32 v1, v47  }
0x6d: {  	v14 =	vmax.f32 v1, v43;
	v8 =	vadd.f32 v33, v21  }
0x6e: {  	v53 =	vsub.f32 v39, v14  }
0x6f: {  	v15 =	vsub.f32 v40, v14;
	v52 =	vadd.f32 $9.999999970e-07, v8  }
0x70: {  	v8 =	vmul.f32 $1.442695020e+00, v53  }
0x71: {  	v18 =	vsub.f32 v41, v14;
	v15 =	vmul.f32 $1.442695020e+00, v15;
	(erf) = vrcp.f32 v52  }
0x72: {  	v27 =	vimm.s32 $0x0;
	(erf) = vpow2.f32 v8  }
0x73: {  	v56 =	vsub.f32 v44, v14;
	v55 =	vmul.f32 $1.442695020e+00, v18;
	(erf) = vpow2.f32 v15  }
0x74: {  	vm9 =	veq.f32 v47, v14;
	vm10 =	veq.f32 v46, v14;
	vm12 =	veq.f32 v45, v14  }
0x75: {  	v58 =	vsub.f32 v45, v14;
	v57 =	vmul.f32 $1.442695020e+00, v56;
	(erf) = vpow2.f32 v55  }
0x76: {  	vm13 =	veq.f32 v44, v14;
	vm14 =	veq.f32 v41, v14;
	v60 =	vsub.f32 v46, v14  }
0x77: {  	vm15 =	veq.f32 v40, v14;
	v59 =	vmul.f32 $1.442695020e+00, v58;
	(erf) = vpow2.f32 v57  }
0x78: {  	v62 =	vsub.f32 v47, v14;
	vm1 =	vne.f32 v39, v14;
	v54 =	vsel vm9, $0x6, v34  }
0x79: {  	v1 =	vsel vm10, $0x5, v54;
	v61 =	vmul.f32 $1.442695020e+00, v60;
	(erf) = vpow2.f32 v59  }
0x7a: {  	v23 =	vsub.f32 v43, v14;
	vm0 =	vmand vm1, vm15;
	v1 =	vsel vm12, $0x4, v1;
	v48 =	vpop (erf)  }
0x7b: {  	v22 =	vmul.f32 $1.442695020e+00, v62;
	v1 =	vsel vm13, $0x3, v1;
	v63 =	vpop (erf);
	(erf) = vpow2.f32 v61  }
0x7c: {  	v26 =	vmul.f32 $1.442695020e+00, v23;
	v0 =	vsel vm0, $0xFFFFFFFF, v27;
	v1 =	vsel vm14, $0x2, v1;
	v25 =	vpop (erf)  }
0x7d: {  	v1 =	vsel vm15, $0x1, v1;
	(erf) = vpow2.f32 v22;
	v18 =	vadd.f32 v25, v63  }
0x7e: {  	v3 =	vsel vm0, $0xFF61B1E6, v40;
	v19 =	vnsel vm1, $0x0, v1;
	v1 =	vnsel vm1, $0xFF61B1E6, v39;
	v28 =	vpop (erf)  }
0x7f: {  	[tilespmem:$0x1FD00] =	vst v0;
	vm12 =	veq.s32 v19, $0x2;
	(erf) = vpow2.f32 v26;
	v0 =	vadd.f32 v18, v28  }
0x80: {  	vm10 =	veq.s32 v19, $0x3;
	vm14 =	veq.s32 v19, $0x4;
	v30 =	vmax.f32 v1, v3;
	v29 =	vpop (erf)  }
0x81: {  	[tilespmem:$0x1FCF0] =	vst v4;
	vm15 =	veq.s32 v19, $0x5;
	v4 =	vsel vm12, $0xFF61B1E6, v41;
	v0 =	vadd.f32 v0, v29  }
0x82: {  	vm13 =	veq.s32 v19, $0x6;
	v31 =	vmax.f32 v30, v4;
	v8 =	vsel vm10, $0xFF61B1E6, v44;
	v35 =	vpop (erf)  }
0x83: {  	v5 =	vmax.f32 v31, v8;
	v25 =	vsel vm14, $0xFF61B1E6, v45;
	v0 =	vadd.f32 v0, v35  }
0x84: {  	vm9 =	veq.s32 v19, $0x7;
	v39 =	vsel vm15, $0xFF61B1E6, v46;
	v5 =	vmax.f32 v5, v25;
	v36 =	vpop (erf)  }
0x85: {  	v45 =	vsel vm13, $0xFF61B1E6, v47;
	v5 =	vmax.f32 v5, v39;
	v0 =	vadd.f32 v0, v36  }
0x86: {  	v37 =	vsel vm9, $0xFF61B1E6, v43;
	v5 =	vmax.f32 v5, v45;
	v38 =	vpop (erf)  }
0x87: {  	v40 =	vmax.f32 v5, v37;
	v0 =	vadd.f32 v0, v38  }
0x88: {  	v7 =	vsub.f32 v40, v14;
	v42 =	vpop (erf)  }
0x89: {  	v0 =	vadd.f32 v0, v42  }
0x8a: {  	v43 =	vmul.f32 $1.442695020e+00, v7  }
0x8b: {  	v46 =	vld [tilespmem:$0xA0];
	(erf) = vrcp.f32 v0  }
0x8c: {  	v44 =	vld [tilespmem:$0x20];
	(erf) = vpow2.f32 v43  }
0x8d: {  	v13 =	vld [tilespmem:$0x120]  }
0x8e: {  	v15 =	vld [tilespmem:$0x1A0]  }
0x8f: {  	v19 =	vld [tilespmem:$0x220]  }
0x90: {  	v20 =	vld [tilespmem:$0x2A0]  }
0x91: {  	v22 =	vld [tilespmem:$0x320];
	v47 =	vmax.f32 v44, v46  }
0x92: {  	v26 =	vld [tilespmem:$0x3A0];
	v0 =	vmax.f32 v47, v13  }
0x93: {  	v50 =	vmax.f32 v0, v15  }
0x94: {  	v51 =	vmax.f32 v50, v19;
	v18 =	vpop (erf)  }
0x95: {  	v11 =	vmax.f32 v51, v20;
	v49 =	vpop (erf)  }
0x96: {  	v11 =	vmax.f32 v11, v22;
	v0 =	vmul.f32 v49, v18  }
0x97: {  	v29 =	vmax.f32 v11, v26  }
0x98: {  	v37 =	vimm.s32 $0x0;
	v54 =	vsub.f32 v44, v29;
	v52 =	vadd.f32 v0, v18  }
0x99: {  	v51 =	vimm.s32 $0x0;
	v23 =	vsub.f32 v46, v29;
	v57 =	vsub.f32 v13, v29  }
0x9a: {  	vm4 =	veq.f32 v22, v29;
	vm5 =	veq.f32 v20, v29;
	v53 =	vadd.f32 $9.999999970e-07, v52  }
0x9b: {  	v60 =	vsub.f32 v15, v29;
	vm8 =	veq.f32 v19, v29;
	v55 =	vmul.f32 $1.442695020e+00, v54  }
0x9c: {  	v62 =	vsub.f32 v19, v29;
	v56 =	vmul.f32 $1.442695020e+00, v23;
	(erf) = vrcp.f32 v53  }
0x9d: {  	v63 =	vsub.f32 v20, v29;
	v31 =	vsub.f32 v22, v29;
	(erf) = vpow2.f32 v55  }
0x9e: {  	vm2 =	veq.f32 v46, v29;
	v58 =	vmul.f32 $1.442695020e+00, v57;
	(erf) = vpow2.f32 v56  }
0x9f: {  	vm0 =	vne.f32 v44, v29;
	v27 =	vsel vm4, $0x6, v34;
	vm4 =	veq.f32 v15, v29  }
0xa0: {  	v42 =	vnsel vm0, $0xFF61B1E6, v44;
	v61 =	vmul.f32 $1.442695020e+00, v60;
	(erf) = vpow2.f32 v58  }
0xa1: {  	v44 =	vimm.s32 $0x0;
	v59 =	vsel vm5, $0x5, v27;
	v28 =	vmul.f32 $1.442695020e+00, v62  }
0xa2: {  	vm5 =	veq.f32 v13, v29;
	v14 =	vsel vm8, $0x4, v59;
	(erf) = vpow2.f32 v61  }
0xa3: {  	v30 =	vmul.f32 $1.442695020e+00, v63;
	v11 =	vmul.f32 $1.442695020e+00, v31;
	v14 =	vsel vm4, $0x3, v14  }
0xa4: {  	v14 =	vsel vm5, $0x2, v14;
	v49 =	vimm.s32 $0x0;
	(erf) = vpow2.f32 v28  }
0xa5: {  	v14 =	vsel vm2, $0x1, v14;
	vm2 =	vmand vm0, vm2;
	v28 =	vsub.f32 v26, v29;
	v41 =	vpop (erf)  }
0xa6: {  	v10 =	vsel vm2, $0xFFFFFFFF, v37;
	v7 =	vsel vm2, $0xFF61B1E6, v46;
	(erf) = vpow2.f32 v30;
	v35 =	vpop (erf)  }
0xa7: {  	v46 =	vimm.s32 $0x0;
	[tilespmem:$0x1FD20] =	vst v7;
	v7 =	vmax.f32 v42, v7;
	v28 =	vmul.f32 $1.442695020e+00, v28;
	v36 =	vpop (erf)  }
0xa8: {  	v30 =	vnsel vm0, $0x0, v14;
	(erf) = vpow2.f32 v11;
	v23 =	vadd.f32 v36, v35  }
0xa9: {  	vm8 =	veq.s32 v30, $0x2;
	vm3 =	veq.s32 v30, $0x3;
	vm5 =	veq.s32 v30, $0x4;
	v38 =	vpop (erf)  }
0xaa: {  	vm4 =	veq.s32 v30, $0x6;
	(erf) = vpow2.f32 v28;
	v43 =	vadd.f32 v23, v38  }
0xab: {  	[tilespmem:$0x1FD30] =	vst v10;
	v11 =	vsel vm8, $0xFFFFFFFF, v44;
	v27 =	vsel vm3, $0xFF61B1E6, v15;
	v10 =	vsel vm5, $0xFFFFFFFF, v49;
	v47 =	vpop (erf)  }
0xac: {  	v14 =	vsel vm5, $0xFF61B1E6, v19;
	v23 =	vsel vm8, $0xFF61B1E6, v13;
	v5 =	vadd.f32 v43, v47  }
0xad: {  	[tilespmem:$0x1FD40] =	vst v11;
	v11 =	vsel vm3, $0xFFFFFFFF, v46;
	v46 =	vsel vm4, $0xFF61B1E6, v22;
	v50 =	vpop (erf);
	v7 =	vmax.f32 v7, v23  }
0xae: {  	vm8 =	veq.s32 v30, $0x5;
	v7 =	vmax.f32 v7, v27;
	v5 =	vadd.f32 v5, v50  }
0xaf: {  	[tilespmem:$0x1FD60] =	vst v10;
	v10 =	vsel vm8, $0xFFFFFFFF, v51;
	v63 =	vsel vm8, $0xFF61B1E6, v20;
	v7 =	vmax.f32 v7, v14;
	v53 =	vpop (erf)  }
0xb0: {  	vm8 =	veq.s32 v30, $0x7;
	v7 =	vmax.f32 v7, v63;
	v5 =	vadd.f32 v5, v53  }
0xb1: {  	v54 =	vsel vm8, $0xFF61B1E6, v26;
	v7 =	vmax.f32 v7, v46;
	v55 =	vpop (erf)  }
0xb2: {  	v28 =	vmax.f32 v7, v54;
	v5 =	vadd.f32 v5, v55  }
0xb3: {  	v56 =	vpop (erf);
	v13 =	vsub.f32 v28, v29  }
0xb4: {  	v5 =	vadd.f32 v5, v56  }
0xb5: {  	v57 =	vmul.f32 $1.442695020e+00, v13  }
0xb6: {  	v7 =	vld [tilespmem:$0xB0];
	(erf) = vrcp.f32 v5  }
0xb7: {  	v5 =	vld [tilespmem:$0x30];
	(erf) = vpow2.f32 v57  }
0xb8: {  	v13 =	vld [tilespmem:$0x130]  }
0xb9: {  	v15 =	vld [tilespmem:$0x1B0]  }
0xba: {  	v19 =	vld [tilespmem:$0x230]  }
0xbb: {  	v20 =	vld [tilespmem:$0x2B0]  }
0xbc: {  	v22 =	vld [tilespmem:$0x330];
	v58 =	vmax.f32 v5, v7  }
0xbd: {  	v29 =	vld [tilespmem:$0x3B0];
	v26 =	vmax.f32 v58, v13  }
0xbe: {  	v26 =	vmax.f32 v26, v15  }
0xbf: {  	v26 =	vmax.f32 v26, v19;
	v43 =	vpop (erf)  }
0xc0: {  	v26 =	vmax.f32 v26, v20;
	v59 =	vpop (erf)  }
0xc1: {  	v52 =	vimm.s32 $0x0;
	v26 =	vmax.f32 v26, v22;
	v47 =	vmul.f32 v59, v43  }
0xc2: {  	[tilespmem:$0x1FD70] =	vst v10;
	v10 =	vsel vm4, $0xFFFFFFFF, v52;
	v31 =	vmax.f32 v26, v29  }
0xc3: {  	v53 =	vimm.s32 $0x0;
	v61 =	vsub.f32 v5, v31;
	v30 =	vadd.f32 v47, v43  }
0xc4: {  	[tilespmem:$0x1FD50] =	vst v11;
	v35 =	vsub.f32 v7, v31;
	v11 =	vsub.f32 v13, v31;
	vm5 =	veq.f32 v22, v31  }
0xc5: {  	[tilespmem:$0x1FD10] =	vst v42;
	vm4 =	veq.f32 v20, v31;
	v42 =	vsub.f32 v15, v31;
	v60 =	vadd.f32 $9.999999970e-07, v30  }
0xc6: {  	v49 =	vsub.f32 v19, v31;
	v50 =	vsub.f32 v20, v31;
	v62 =	vmul.f32 $1.442695020e+00, v61  }
0xc7: {  	[tilespmem:$0x1FD80] =	vst v10;
	v58 =	vsub.f32 v22, v31;
	v10 =	vmul.f32 $1.442695020e+00, v35;
	(erf) = vrcp.f32 v60  }
0xc8: {  	vm2 =	veq.f32 v7, v31;
	vm3 =	vne.f32 v5, v31;
	(erf) = vpow2.f32 v62  }
0xc9: {  	v36 =	vsel vm5, $0x6, v34;
	v37 =	vmul.f32 $1.442695020e+00, v11;
	(erf) = vpow2.f32 v10  }
0xca: {  	vm5 =	veq.f32 v19, v31;
	v5 =	vnsel vm3, $0xFF61B1E6, v5;
	v38 =	vsel vm4, $0x5, v36  }
0xcb: {  	v44 =	vmul.f32 $1.442695020e+00, v42;
	vm4 =	veq.f32 v15, v31;
	(erf) = vpow2.f32 v37  }
0xcc: {  	v51 =	vmul.f32 $1.442695020e+00, v49;
	v57 =	vmul.f32 $1.442695020e+00, v50;
	v30 =	vsel vm5, $0x4, v38  }
0xcd: {  	vm5 =	veq.f32 v13, v31;
	v30 =	vsel vm4, $0x3, v30;
	(erf) = vpow2.f32 v44  }
0xce: {  	v26 =	vmul.f32 $1.442695020e+00, v58;
	v36 =	vimm.s32 $0x0;
	v30 =	vsel vm5, $0x2, v30  }
0xcf: {  	v49 =	vimm.s32 $0x0;
	v30 =	vsel vm2, $0x1, v30;
	(erf) = vpow2.f32 v51  }
0xd0: {  	vm2 =	vmand vm3, vm2;
	v62 =	vimm.s32 $0x0;
	v38 =	vnsel vm3, $0x0, v30;
	v55 =	vpop (erf)  }
0xd1: {  	v10 =	vsel vm2, $0xFFFFFFFF, v62;
	v37 =	vsub.f32 v29, v31;
	(erf) = vpow2.f32 v57;
	v59 =	vpop (erf)  }
0xd2: {  	v7 =	vsel vm2, $0xFF61B1E6, v7;
	vm2 =	veq.s32 v38, $0x2;
	vm4 =	veq.s32 v38, $0x3;
	v60 =	vpop (erf)  }
0xd3: {  	v11 =	vmul.f32 $1.442695020e+00, v37;
	(erf) = vpow2.f32 v26;
	v61 =	vadd.f32 v60, v59  }
0xd4: {  	[tilespmem:$0x1FDB0] =	vst v10;
	v42 =	vmax.f32 v5, v7;
	vm5 =	veq.s32 v38, $0x6;
	v13 =	vsel vm2, $0xFF61B1E6, v13;
	v10 =	vpop (erf)  }
0xd5: {  	v15 =	vsel vm4, $0xFF61B1E6, v15;
	(erf) = vpow2.f32 v11;
	v30 =	vadd.f32 v61, v10  }
0xd6: {  	v37 =	vimm.s32 $0x0;
	v26 =	vmax.f32 v42, v13;
	v44 =	vpop (erf);
	v10 =	vsel vm2, $0xFFFFFFFF, v36  }
0xd7: {  	[tilespmem:$0x1FDC0] =	vst v10;
	v10 =	vsel vm4, $0xFFFFFFFF, v37;
	vm4 =	veq.s32 v38, $0x4;
	v30 =	vadd.f32 v30, v44  }
0xd8: {  	[tilespmem:$0x1FDA0] =	vst v5;
	v51 =	vpop (erf);
	v5 =	vsel vm4, $0xFFFFFFFF, v49;
	v19 =	vsel vm4, $0xFF61B1E6, v19;
	vm4 =	veq.s32 v38, $0x5  }
0xd9: {  	v50 =	vmax.f32 v26, v15;
	[tilespmem:$0x1FDE0] =	vst v5;
	v5 =	vsel vm4, $0xFFFFFFFF, v53;
	v52 =	vadd.f32 v30, v51  }
0xda: {  	v26 =	vsel vm4, $0xFF61B1E6, v20;
	v56 =	vmax.f32 v50, v19;
	vm4 =	veq.s32 v38, $0x7;
	v57 =	vpop (erf)  }
0xdb: {  	v30 =	vsel vm5, $0xFF61B1E6, v22;
	v20 =	vmax.f32 v56, v26;
	v22 =	vadd.f32 v52, v57  }
0xdc: {  	v29 =	vsel vm4, $0xFF61B1E6, v29;
	v20 =	vmax.f32 v20, v30;
	v59 =	vpop (erf)  }
0xdd: {  	v20 =	vmax.f32 v20, v29;
	v22 =	vadd.f32 v22, v59  }
0xde: {  	v60 =	vpop (erf);
	v31 =	vsub.f32 v20, v31  }
0xdf: {  	v22 =	vadd.f32 v22, v60  }
0xe0: {  	v61 =	vmul.f32 $1.442695020e+00, v31;
	v31 =	vld [tilespmem:$0xC0]  }
0xe1: {  	(erf) = vrcp.f32 v22;
	v22 =	vld [tilespmem:$0x40]  }
0xe2: {  	v36 =	vld [tilespmem:$0x140];
	(erf) = vpow2.f32 v61  }
0xe3: {  	v38 =	vld [tilespmem:$0x1C0]  }
0xe4: {  	v42 =	vld [tilespmem:$0x240]  }
0xe5: {  	v44 =	vld [tilespmem:$0x2C0]  }
0xe6: {  	v54 =	vimm.s32 $0x0;
	v50 =	vld [tilespmem:$0x340];
	v62 =	vmax.f32 v22, v31  }
0xe7: {  	v58 =	vimm.s32 $0x0;
	v53 =	vld [tilespmem:$0x3C0];
	[tilespmem:$0x1FDF0] =	vst v5;
	v5 =	vsel vm5, $0xFFFFFFFF, v54;
	v29 =	vmax.f32 v62, v36  }
0xe8: {  	[tilespmem:$0x1FE00] =	vst v5;
	v5 =	vsel vm4, $0xFFFFFFFF, v58;
	v29 =	vmax.f32 v29, v38  }
0xe9: {  	v29 =	vmax.f32 v29, v42  }
0xea: {  	v35 =	vpop (erf);
	v29 =	vmax.f32 v29, v44  }
0xeb: {  	[tilespmem:$0x1FE10] =	vst v5;
	v5 =	vpop (erf);
	v29 =	vmax.f32 v29, v50  }
0xec: {  	v37 =	vmul.f32 v5, v35;
	v54 =	vmax.f32 v29, v53  }
0xed: {  	[tilespmem:$0x1FDD0] =	vst v10;
	v10 =	vsub.f32 v22, v54;
	v51 =	vsub.f32 v31, v54  }
0xee: {  	v57 =	vsub.f32 v36, v54;
	vm5 =	veq.f32 v50, v54;
	v49 =	vadd.f32 v37, v35  }
0xef: {  	vm4 =	veq.f32 v44, v54;
	v60 =	vsub.f32 v38, v54;
	v62 =	vsub.f32 v42, v54  }
0xf0: {  	[tilespmem:$0x1FD90] =	vst v7;
	v5 =	vsub.f32 v44, v54;
	vm2 =	vne.f32 v22, v54;
	v7 =	vadd.f32 $9.999999970e-07, v49  }
0xf1: {  	v52 =	vsel vm5, $0x6, v34;
	v11 =	vmul.f32 $1.442695020e+00, v10;
	v56 =	vmul.f32 $1.442695020e+00, v51  }
0xf2: {  	vm5 =	veq.f32 v42, v54;
	v58 =	vmul.f32 $1.442695020e+00, v57;
	(erf) = vrcp.f32 v7  }
0xf3: {  	v59 =	vsel vm4, $0x5, v52;
	v61 =	vmul.f32 $1.442695020e+00, v60;
	(erf) = vpow2.f32 v11  }
0xf4: {  	vm4 =	veq.f32 v38, v54;
	v10 =	vmul.f32 $1.442695020e+00, v5;
	(erf) = vpow2.f32 v56  }
0xf5: {  	v57 =	vsub.f32 v53, v54;
	v51 =	vimm.s32 $0x0;
	v49 =	vsel vm5, $0x4, v59  }
0xf6: {  	vm5 =	veq.f32 v36, v54;
	v59 =	vimm.s32 $0x0;
	(erf) = vpow2.f32 v58  }
0xf7: {  	v49 =	vsel vm4, $0x3, v49;
	vm4 =	veq.f32 v31, v54;
	v7 =	vmul.f32 $1.442695020e+00, v62  }
0xf8: {  	v49 =	vsel vm5, $0x2, v49;
	v62 =	vimm.s32 $0x0;
	(erf) = vpow2.f32 v61  }
0xf9: {  	v11 =	vsub.f32 v50, v54;
	v49 =	vsel vm4, $0x1, v49;
	vm4 =	vmand vm2, vm4  }
0xfa: {  	v5 =	vsel vm4, $0xFFFFFFFF, v62;
	v31 =	vsel vm4, $0xFF61B1E6, v31;
	(erf) = vpow2.f32 v7  }
0xfb: {  	v62 =	vimm.s32 $0x0;
	v29 =	vmul.f32 $1.442695020e+00, v11;
	v58 =	vnsel vm2, $0x0, v49;
	v52 =	vpop (erf)  }
0xfc: {  	v49 =	vimm.s32 $0x0;
	vm5 =	veq.s32 v58, $0x2;
	(erf) = vpow2.f32 v10;
	v56 =	vpop (erf)  }
0xfd: {  	[tilespmem:$0x1FE20] =	vst v5;
	vm4 =	veq.s32 v58, $0x3;
	v5 =	vsel vm5, $0xFFFFFFFF, v49;
	v36 =	vsel vm5, $0xFF61B1E6, v36;
	v60 =	vpop (erf)  }
0xfe: {  	v10 =	vmul.f32 $1.442695020e+00, v57;
	(erf) = vpow2.f32 v29;
	v61 =	vadd.f32 v60, v56  }
0xff: {  	v38 =	vsel vm4, $0xFF61B1E6, v38;
	vm5 =	veq.s32 v58, $0x5;
	[tilespmem:$0x1FE30] =	vst v5;
	v5 =	vsel vm4, $0xFFFFFFFF, v51;
	v7 =	vpop (erf)  }
0x100: {  	vm4 =	veq.s32 v58, $0x4;
	(erf) = vpow2.f32 v10;
	v11 =	vadd.f32 v61, v7  }
0x101: {  	[tilespmem:$0x1FE40] =	vst v5;
	v5 =	vsel vm4, $0xFFFFFFFF, v59;
	v42 =	vsel vm4, $0xFF61B1E6, v42;
	v29 =	vnsel vm2, $0xFF61B1E6, v22;
	v57 =	vpop (erf)  }
0x102: {  	vm4 =	veq.s32 v58, $0x6;
	v56 =	vmax.f32 v29, v31;
	v22 =	vadd.f32 v11, v57  }
0x103: {  	[tilespmem:$0x1FE50] =	vst v5;
	v5 =	vsel vm5, $0xFFFFFFFF, v62;
	v51 =	vsel vm4, $0xFF61B1E6, v50;
	v49 =	vmax.f32 v56, v36;
	v61 =	vpop (erf)  }
0x104: {  	v10 =	vimm.s32 $0x0;
	v60 =	vmax.f32 v49, v38;
	v22 =	vadd.f32 v22, v61  }
0x105: {  	[tilespmem:$0x1FE60] =	vst v5;
	v5 =	vsel vm4, $0xFFFFFFFF, v10;
	v49 =	vsel vm5, $0xFF61B1E6, v44;
	v11 =	vmax.f32 v60, v42;
	v56 =	vpop (erf)  }
0x106: {  	vm4 =	veq.s32 v58, $0x7;
	v44 =	vmax.f32 v11, v49;
	v22 =	vadd.f32 v22, v56  }
0x107: {  	v58 =	vsel vm4, $0xFF61B1E6, v53;
	v44 =	vmax.f32 v44, v51;
	v59 =	vpop (erf)  }
0x108: {  	v44 =	vmax.f32 v44, v58;
	v22 =	vadd.f32 v22, v59  }
0x109: {  	v61 =	vsub.f32 v44, v54;
	v60 =	vpop (erf)  }
0x10a: {  	v22 =	vadd.f32 v22, v60  }
0x10b: {  	v62 =	vmul.f32 $1.442695020e+00, v61  }
0x10c: {  	(erf) = vrcp.f32 v22  }
0x10d: {  	(erf) = vpow2.f32 v62  }
0x10e: {  	v53 =	vld [tilespmem:$0xD0]  }
0x10f: {  	v22 =	vld [tilespmem:$0x50]  }
0x110: {  	v57 =	vimm.s32 $0x0;
	v54 =	vld [tilespmem:$0x150]  }
0x111: {  	[tilespmem:$0x1FEA0] =	vst v5;
	v5 =	vsel vm4, $0xFFFFFFFF, v57;
	v57 =	vld [tilespmem:$0x1D0]  }
0x112: {  	v58 =	vld [tilespmem:$0x250]  }
0x113: {  	v59 =	vld [tilespmem:$0x2D0]  }
0x114: {  	v60 =	vld [tilespmem:$0x350];
	v61 =	vmax.f32 v22, v53  }
0x115: {  	vm4 =	veq.f32 v32, v17;
	v62 =	vld [tilespmem:$0x3D0];
	v61 =	vmax.f32 v61, v54;
	v50 =	vpop (erf)  }
0x116: {  	[tilespmem:$0x1FF20] =	vst v5;
	v5 =	vsel vm4, $0x6, v34;
	v10 =	vmax.f32 v61, v57;
	v7 =	vpop (erf)  }
0x117: {  	vm4 =	veq.f32 v24, v17;
	v56 =	vmax.f32 v10, v58;
	v32 =	vmul.f32 v7, v50  }
0x118: {  	v24 =	vsel vm4, $0x5, v5;
	vm4 =	veq.f32 v16, v17;
	v5 =	vmax.f32 v56, v59  }
0x119: {  	v16 =	vsel vm4, $0x4, v24;
	v24 =	vmax.f32 v5, v60;
	v11 =	vadd.f32 v32, v50  }
0x11a: {  	v61 =	vmax.f32 v24, v62  }
0x11b: {  	vm4 =	veq.f32 v12, v17;
	v7 =	vadd.f32 $9.999999970e-07, v11;
	v11 =	vsub.f32 v22, v61  }
0x11c: {  	vm5 =	vne.f32 v2, v17;
	v12 =	vsel vm4, $0x3, v16;
	v10 =	vld [tilespmem:$0x1FCB0]  }
0x11d: {  	vm4 =	veq.f32 v9, v17;
	v16 =	vmul.f32 v48, v33;
	v33 =	vmul.f32 $1.442695020e+00, v11  }
0x11e: {  	v9 =	vsel vm4, $0x2, v12;
	vm4 =	veq.f32 v6, v17;
	(erf) = vrcp.f32 v7  }
0x11f: {  	v17 =	vsub.f32 v54, v61;
	(erf) = vpow2.f32 v33;
	v33 =	vmul.f32 v48, v21;
	v21 =	vld [tilespmem:$0x1FCC0]  }
0x120: {  	v6 =	vsel vm4, $0x1, v9;
	v12 =	vsel vm5, $0x0, v16;
	v24 =	vsub.f32 v53, v61  }
0x121: {  	v48 =	vmul.f32 $1.442695020e+00, v17;
	v17 =	vsel vm11, v12, v33;
	vm11 =	vnez.u8 v10;
	v10 =	vld [tilespmem:$0x1FCD0]  }
0x122: {  	vm4 =	vmand vm5, vm4;
	v2 =	vnsel vm5, $0x0, v6  }
0x123: {  	v56 =	vmul.f32 $1.442695020e+00, v24;
	v24 =	vnsel vm4, $0x0, v16;
	vm4 =	veq.s32 v2, $0x2  }
0x124: {  	v11 =	vnsel vm4, $0x0, v16;
	v5 =	vsel vm11, v33, v24;
	vm11 =	vnez.u8 v21  }
0x125: {  	[tilespmem:$0x1FE70] =	vst v5;
	v5 =	vsel vm11, v33, v11;
	vm11 =	veq.s32 v2, $0x4  }
0x126: {  	v21 =	vnsel vm11, $0x0, v16;
	vm11 =	vnez.u8 v10  }
0x127: {  	[tilespmem:$0x1FE80] =	vst v5;
	v5 =	vsel vm11, v33, v21;
	v21 =	vld [tilespmem:$0x1FCE0];
	_ =	sdelay $0x1  }
0x128: {  	(erf) = vpow2.f32 v56;
	v56 =	vsub.f32 v57, v61  }
0x129: {  	vm4 =	veq.s32 v2, $0x3;
	(erf) = vpow2.f32 v48  }
0x12a: {  	v24 =	vmul.f32 $1.442695020e+00, v56;
	v56 =	vnsel vm4, $0x0, v16;
	vm4 =	veq.s32 v2, $0x5  }
0x12b: {  	v48 =	vsub.f32 v58, v61;
	v11 =	vnsel vm4, $0x0, v16;
	vm11 =	vnez.u8 v21  }
0x12c: {  	v56 =	vsel vm6, v33, v56;
	[tilespmem:$0x1FEB0] =	vst v5;
	v5 =	vsel vm11, v33, v11;
	v11 =	vld [tilespmem:$0x1FCF0]  }
0x12d: {  	(erf) = vpow2.f32 v24;
	v24 =	vmul.f32 $1.442695020e+00, v48;
	v48 =	vsub.f32 v59, v61  }
0x12e: {  	vm4 =	veq.s32 v2, $0x6  }
0x12f: {  	(erf) = vpow2.f32 v24;
	v6 =	vmul.f32 $1.442695020e+00, v48;
	v24 =	vnsel vm4, $0x0, v16  }
0x130: {  	vm5 =	veq.f32 v39, v40;
	[tilespmem:$0x1FE90] =	vst v56;
	v56 =	vpop (erf);
	vm4 =	veq.f32 v60, v61  }
0x131: {  	v48 =	vpop (erf);
	(erf) = vpow2.f32 v6;
	v21 =	vsel vm4, $0x6, v34;
	vm11 =	vnez.u8 v11  }
0x132: {  	vm4 =	veq.f32 v45, v40;
	[tilespmem:$0x1FEC0] =	vst v5;
	v5 =	vsel vm11, v33, v24;
	v24 =	vpop (erf);
	vm11 =	veq.f32 v59, v61  }
0x133: {  	v6 =	vadd.f32 v24, v48;
	v48 =	vsel vm4, $0x6, v34;
	v9 =	vsel vm11, $0x5, v21  }
0x134: {  	vm11 =	veq.f32 v58, v61;
	v24 =	vsub.f32 v60, v61;
	vm4 =	veq.s32 v2, $0x7  }
0x135: {  	v9 =	vsel vm11, $0x4, v9;
	vm11 =	veq.f32 v57, v61;
	v2 =	vnsel vm4, $0x0, v16  }
0x136: {  	v7 =	vpop (erf);
	v12 =	vsel vm5, $0x5, v48;
	vm4 =	veq.f32 v53, v61;
	vm5 =	veq.f32 v25, v40  }
0x137: {  	v25 =	vimm.s32 $0x0;
	v6 =	vadd.f32 v6, v7;
	v9 =	vsel vm11, $0x3, v9  }
0x138: {  	v45 =	vpop (erf);
	v48 =	vmul.f32 $1.442695020e+00, v24;
	vm11 =	veq.f32 v54, v61;
	v24 =	vimm.s32 $0x0  }
0x139: {  	v2 =	vsel vm7, v33, v2;
	v9 =	vsel vm11, $0x2, v9;
	v6 =	vadd.f32 v6, v45  }
0x13a: {  	v39 =	vpop (erf);
	vm11 =	vne.f32 v22, v61;
	v45 =	vsub.f32 v62, v61;
	v9 =	vsel vm4, $0x1, v9  }
0x13b: {  	(erf) = vpow2.f32 v48;
	v9 =	vnsel vm11, $0x0, v9;
	v6 =	vadd.f32 v6, v39  }
0x13c: {  	v48 =	vmul.f32 $1.442695020e+00, v45;
	v45 =	vsel vm5, $0x4, v12;
	vm5 =	vmand vm11, vm4  }
0x13d: {  	v11 =	vpop (erf);
	vm4 =	veq.s32 v9, $0x2;
	v39 =	vnsel vm11, $0xFF61B1E6, v22;
	v12 =	vimm.s32 $0x0  }
0x13e: {  	[tilespmem:$0x1FED0] =	vst v5;
	v5 =	vsel vm5, $0xFFFFFFFF, v24;
	v6 =	vadd.f32 v6, v11;
	(erf) = vpow2.f32 v48  }
0x13f: {  	[tilespmem:$0x1FF60] =	vst v5;
	v5 =	vsel vm4, $0xFFFFFFFF, v25;
	v48 =	vsel vm5, $0xFF61B1E6, v53;
	v53 =	vsel vm4, $0xFF61B1E6, v54  }
0x140: {  	[tilespmem:$0x1FF50] =	vst v39;
	vm5 =	veq.s32 v9, $0x3;
	v11 =	vimm.s32 $0x0;
	vm4 =	veq.s32 v9, $0x4  }
0x141: {  	[tilespmem:$0x1FF70] =	vst v5;
	v54 =	vmax.f32 v39, v48;
	v5 =	vsel vm5, $0xFFFFFFFF, v11;
	v22 =	vsel vm5, $0xFF61B1E6, v57  }
0x142: {  	[tilespmem:$0x1FF40] =	vst v48;
	v21 =	vsel vm4, $0xFF61B1E6, v58;
	vm5 =	veq.s32 v9, $0x6;
	v39 =	vimm.s32 $0x0  }
0x143: {  	[tilespmem:$0x1FF80] =	vst v5;
	v5 =	vsel vm4, $0xFFFFFFFF, v12;
	v25 =	vmax.f32 v54, v53;
	vm4 =	veq.s32 v9, $0x5  }
0x144: {  	[tilespmem:$0x1FF30] =	vst v53;
	v53 =	vimm.s32 $0x0;
	v16 =	vmax.f32 v25, v22;
	v25 =	vimm.s32 $0x0  }
0x145: {  	[tilespmem:$0x1FF90] =	vst v5;
	v5 =	vsel vm4, $0xFFFFFFFF, v25;
	v25 =	vsel vm4, $0xFF61B1E6, v59;
	v48 =	vmax.f32 v16, v21  }
0x146: {  	vm4 =	veq.f32 v8, v40;
	[tilespmem:$0x1FFA0] =	vst v5;
	v5 =	vsel vm5, $0xFFFFFFFF, v39;
	v39 =	vsel vm5, $0xFF61B1E6, v60  }
0x147: {  	v48 =	vmax.f32 v48, v25;
	vm5 =	veq.s32 v9, $0x7;
	v54 =	vsel vm4, $0x3, v45  }
0x148: {  	v59 =	vpop (erf);
	vm4 =	veq.f32 v4, v40;
	[tilespmem:$0x1FFB0] =	vst v5;
	v5 =	vsel vm5, $0xFFFFFFFF, v53;
	v57 =	vsel vm5, $0xFF61B1E6, v62  }
0x149: {  	v58 =	vmax.f32 v48, v39;
	v6 =	vadd.f32 v6, v59;
	v4 =	vsel vm4, $0x2, v54  }
0x14a: {  	v11 =	vld [tilespmem:$0x1FD00];
	vm4 =	veq.f32 v3, v40;
	vm5 =	vne.f32 v1, v40;
	v10 =	vmax.f32 v58, v57  }
0x14b: {  	v1 =	vmul.f32 v41, v18;
	v3 =	vsel vm4, $0x1, v4;
	v60 =	vsub.f32 v10, v61;
	v61 =	vpop (erf)  }
0x14c: {  	vm4 =	vmand vm5, vm4;
	v9 =	vnsel vm5, $0x0, v3;
	v62 =	vadd.f32 v6, v61  }
0x14d: {  	v3 =	vmul.f32 v55, v43;
	vm6 =	veq.s32 v9, $0x4;
	v6 =	vmul.f32 v41, v0  }
0x14e: {  	[tilespmem:$0x1FFC0] =	vst v5;
	vm7 =	veq.s32 v9, $0x5;
	v5 =	vmul.f32 $1.442695020e+00, v60;
	(erf) = vrcp.f32 v62  }
0x14f: {  	v53 =	vld [tilespmem:$0xE0];
	v7 =	vsel vm5, $0x0, v6;
	v8 =	vnsel vm4, $0x0, v6;
	vm4 =	vnez.u8 v11  }
0x150: {  	v54 =	vld [tilespmem:$0x160];
	vm5 =	veq.s32 v9, $0x3;
	v24 =	vnsel vm6, $0x0, v6;
	(erf) = vpow2.f32 v5  }
0x151: {  	v40 =	vnsel vm7, $0x0, v6;
	vm7 =	veq.f32 v14, v28;
	v18 =	vsel vm1, v7, v1;
	v5 =	vld [tilespmem:$0x60]  }
0x152: {  	v57 =	vld [tilespmem:$0x1E0];
	vm1 =	veq.s32 v9, $0x2;
	v41 =	vsel vm4, v1, v8;
	v16 =	vnsel vm5, $0x0, v6  }
0x153: {  	v58 =	vld [tilespmem:$0x260];
	v33 =	vsel vm14, v1, v24;
	v59 =	vsel vm15, v1, v40;
	vm14 =	veq.s32 v9, $0x7  }
0x154: {  	v4 =	vld [tilespmem:$0x360];
	vm15 =	veq.f32 v63, v28;
	v12 =	vnsel vm1, $0x0, v6;
	v48 =	vsel vm10, v1, v16  }
0x155: {  	v40 =	vld [tilespmem:$0x2E0];
	vm10 =	veq.s32 v9, $0x6;
	v9 =	vnsel vm14, $0x0, v6;
	v45 =	vsel vm12, v1, v12  }
0x156: {  	v63 =	vld [tilespmem:$0x1FD10];
	v60 =	vnsel vm10, $0x0, v6;
	vm12 =	veq.f32 v46, v28;
	v7 =	vmax.f32 v5, v53  }
0x157: {  	[tilespmem:$0x1FEF0] =	vst v33;
	v33 =	vsel vm9, v1, v9;
	vm10 =	veq.f32 v27, v28;
	v12 =	vmax.f32 v7, v54;
	v7 =	vld [tilespmem:$0x3E0]  }
0x158: {  	v6 =	vmul.f32 v55, v47;
	v27 =	vld [tilespmem:$0x1FD20];
	v61 =	vsel vm13, v1, v60;
	v46 =	vmax.f32 v12, v57;
	v11 =	vpop (erf)  }
0x159: {  	v62 =	vsel vm12, $0x6, v34;
	vm12 =	veq.f32 v23, v28;
	v46 =	vmax.f32 v46, v58;
	v16 =	vpop (erf)  }
0x15a: {  	[tilespmem:$0x1FEE0] =	vst v2;
	v2 =	vsel vm15, $0x5, v62;
	v46 =	vmax.f32 v46, v40;
	v12 =	vmul.f32 v16, v11  }
0x15b: {  	v24 =	vsel vm7, $0x4, v2;
	vm13 =	vne.f32 v63, v28;
	v2 =	vmax.f32 v46, v4  }
0x15c: {  	[tilespmem:$0x1FF00] =	vst v59;
	v1 =	vsel vm10, $0x3, v24;
	v2 =	vmax.f32 v2, v7;
	v59 =	vadd.f32 v12, v11  }
0x15d: {  	v1 =	vsel vm12, $0x2, v1;
	vm14 =	veq.f32 v27, v28;
	v60 =	vsub.f32 v5, v2  }
0x15e: {  	[tilespmem:$0x1FF10] =	vst v61;
	v1 =	vsel vm14, $0x1, v1;
	v61 =	vsub.f32 v53, v2;
	v9 =	vadd.f32 $9.999999970e-07, v59  }
0x15f: {  	v8 =	vsel vm13, $0x0, v6;
	v1 =	vnsel vm13, $0x0, v1;
	v62 =	vmul.f32 $1.442695020e+00, v60  }
0x160: {  	v16 =	vsub.f32 v54, v2;
	v14 =	vmul.f32 $1.442695020e+00, v61;
	(erf) = vrcp.f32 v9  }
0x161: {  	v28 =	vld [tilespmem:$0x1FD40];
	v46 =	vsel vm0, v8, v3;
	vm0 =	vmand vm13, vm14;
	(erf) = vpow2.f32 v62  }
0x162: {  	v43 =	vsub.f32 v58, v2;
	v24 =	vmul.f32 $1.442695020e+00, v16;
	(erf) = vpow2.f32 v14  }
0x163: {  	vm15 =	veq.s32 v1, $0x2;
	vm9 =	veq.s32 v1, $0x3;
	vm12 =	veq.s32 v1, $0x4  }
0x164: {  	v23 =	vsub.f32 v57, v2;
	v55 =	vmul.f32 $1.442695020e+00, v43;
	v43 =	vld [tilespmem:$0x1FD50];
	(erf) = vpow2.f32 v24  }
0x165: {  	vm6 =	veq.s32 v1, $0x7;
	v47 =	vnsel vm0, $0x0, v6;
	v63 =	vnsel vm15, $0x0, v6;
	v62 =	vld [tilespmem:$0x1FD30]  }
0x166: {  	vm15 =	veq.s32 v1, $0x5;
	vm13 =	vnez.u8 v28;
	v61 =	vld [tilespmem:$0x1FD60];
	v9 =	vmul.f32 $1.442695020e+00, v23  }
0x167: {  	v8 =	vsub.f32 v4, v2;
	vm5 =	veq.f32 v57, v2;
	v59 =	vsub.f32 v40, v2  }
0x168: {  	vm7 =	veq.f32 v54, v2;
	v16 =	vnsel vm9, $0x0, v6;
	(erf) = vpow2.f32 v9  }
0x169: {  	vm9 =	veq.f32 v4, v2;
	v24 =	vmul.f32 $1.442695020e+00, v59;
	vm14 =	vnez.u8 v43;
	v28 =	vpop (erf)  }
0x16a: {  	v59 =	vsel vm14, v3, v16;
	(erf) = vpow2.f32 v55;
	vm10 =	vnez.u8 v62;
	v55 =	vpop (erf)  }
0x16b: {  	v60 =	vsel vm10, v3, v47;
	v47 =	vnsel vm12, $0x0, v6;
	vm10 =	vnez.u8 v61;
	v43 =	vpop (erf)  }
0x16c: {  	v16 =	vsel vm9, $0x6, v34;
	v61 =	vsel vm10, v3, v47;
	v47 =	vld [tilespmem:$0x1FD70];
	v9 =	vadd.f32 v43, v55  }
0x16d: {  	v62 =	vsel vm13, v3, v63;
	v63 =	vnsel vm15, $0x0, v6;
	vm13 =	veq.f32 v40, v2;
	v0 =	vpop (erf)  }
0x16e: {  	vm15 =	veq.f32 v58, v2;
	v23 =	vsel vm13, $0x5, v16;
	v27 =	vadd.f32 v9, v0;
	v9 =	vld [tilespmem:$0x1FD80]  }
0x16f: {  	vm9 =	veq.f32 v53, v2;
	v16 =	vsel vm15, $0x4, v23;
	(erf) = vpow2.f32 v24  }
0x170: {  	vm12 =	veq.s32 v1, $0x6;
	v1 =	vnsel vm6, $0x0, v6;
	v14 =	vsel vm5, $0x3, v16  }
0x171: {  	v16 =	vsel vm7, $0x2, v14;
	vm7 =	vne.f32 v5, v2;
	vm14 =	vnez.u8 v47;
	v47 =	vpop (erf)  }
0x172: {  	v55 =	vnsel vm12, $0x0, v6;
	v6 =	vsel vm9, $0x1, v16;
	v23 =	vadd.f32 v27, v47  }
0x173: {  	v27 =	vmul.f32 $1.442695020e+00, v8;
	vm4 =	vnez.u8 v9;
	v9 =	vsub.f32 v7, v2  }
0x174: {  	vm12 =	vmand vm7, vm9;
	v16 =	vnsel vm7, $0x0, v6  }
0x175: {  	v14 =	vsel vm12, $0xFF61B1E6, v53;
	(erf) = vpow2.f32 v27;
	v0 =	vmul.f32 $1.442695020e+00, v9  }
0x176: {  	v63 =	vsel vm14, v3, v63;
	vm13 =	veq.s32 v16, $0x2;
	v24 =	vsel vm4, v3, v55;
	v55 =	vpop (erf)  }
0x177: {  	vm14 =	veq.s32 v16, $0x3;
	v55 =	vadd.f32 v23, v55;
	(erf) = vpow2.f32 v0  }
0x178: {  	vm15 =	veq.s32 v16, $0x4;
	vm10 =	veq.s32 v16, $0x5;
	vm5 =	veq.s32 v16, $0x7;
	v9 =	vpop (erf)  }
0x179: {  	v43 =	vsel vm15, $0xFF61B1E6, v58;
	v55 =	vadd.f32 v55, v9;
	v9 =	vnsel vm7, $0xFF61B1E6, v5  }
0x17a: {  	v47 =	vsel vm10, $0xFF61B1E6, v40;
	v23 =	vsel vm13, $0xFF61B1E6, v54;
	v5 =	vmax.f32 v9, v14  }
0x17b: {  	v27 =	vsel vm14, $0xFF61B1E6, v57;
	v54 =	vimm.s32 $0x0;
	v5 =	vmax.f32 v5, v23  }
0x17c: {  	v8 =	vsel vm5, $0xFF61B1E6, v7;
	v57 =	vimm.s32 $0x0;
	v5 =	vmax.f32 v5, v27  }
0x17d: {  	vm4 =	veq.s32 v16, $0x6;
	v6 =	vsel vm10, $0xFFFFFFFF, v54;
	v5 =	vmax.f32 v5, v43  }
0x17e: {  	v53 =	vsel vm4, $0xFF61B1E6, v4;
	[tilespmem:$0x1FFD0] =	vst v6;
	v6 =	vsel vm4, $0xFFFFFFFF, v57;
	v54 =	vpop (erf);
	v58 =	vmax.f32 v5, v47  }
0x17f: {  	[tilespmem:$0x1FFE0] =	vst v6;
	v6 =	vimm.s32 $0x0;
	v57 =	vadd.f32 v55, v54;
	v40 =	vmax.f32 v58, v53  }
0x180: {  	v7 =	vld [tilespmem:$0x1FDB0];
	v0 =	vsel vm5, $0xFFFFFFFF, v6;
	v40 =	vmax.f32 v40, v8;
	v8 =	vpop (erf)  }
0x181: {  	vm6 =	veq.f32 v30, v20;
	[tilespmem:$0x1FFF0] =	vst v0;
	v0 =	vadd.f32 v57, v8;
	v57 =	vld [tilespmem:$0x1FD90]  }
0x182: {  	v16 =	vsel vm8, v3, v1;
	vm8 =	veq.f32 v26, v20;
	v26 =	vld [tilespmem:$0x1FDC0];
	v58 =	vsel vm6, $0x6, v34  }
0x183: {  	vm9 =	veq.f32 v19, v20;
	v4 =	vmul.f32 v52, v37;
	v1 =	vsel vm8, $0x5, v58;
	v58 =	vld [tilespmem:$0x1FDA0]  }
0x184: {  	vm10 =	veq.f32 v15, v20;
	v55 =	vmul.f32 v52, v35;
	v52 =	vld [tilespmem:$0x70];
	v1 =	vsel vm9, $0x4, v1  }
0x185: {  	vm4 =	veq.f32 v13, v20;
	v2 =	vsub.f32 v40, v2;
	v1 =	vsel vm10, $0x3, v1;
	v8 =	vld [tilespmem:$0x170]  }
0x186: {  	v30 =	vsel vm4, $0x2, v1;
	vm5 =	veq.f32 v57, v20;
	v57 =	vld [tilespmem:$0xF0]  }
0x187: {  	v2 =	vmul.f32 $1.442695020e+00, v2;
	(erf) = vrcp.f32 v0;
	v0 =	vsel vm5, $0x1, v30;
	v30 =	vld [tilespmem:$0x1FDD0]  }
0x188: {  	v54 =	vld [tilespmem:$0x1F0];
	vm8 =	vnez.u8 v7;
	vm6 =	vne.f32 v58, v20  }
0x189: {  	(erf) = vpow2.f32 v2;
	v58 =	vld [tilespmem:$0x1FDE0];
	v1 =	vsel vm6, $0x0, v4;
	vm0 =	vmand vm6, vm5  }
0x18a: {  	vm4 =	vnez.u8 v26;
	v19 =	vsel vm3, v1, v55;
	v5 =	vnsel vm0, $0x0, v4  }
0x18b: {  	v0 =	vnsel vm6, $0x0, v0;
	v20 =	vsel vm8, v55, v5;
	v2 =	vmax.f32 v52, v57  }
0x18c: {  	v26 =	vld [tilespmem:$0x1FDF0];
	vm9 =	veq.s32 v0, $0x2;
	vm5 =	vnez.u8 v30;
	v30 =	vmax.f32 v2, v8  }
0x18d: {  	vm1 =	veq.s32 v0, $0x3;
	vm10 =	veq.s32 v0, $0x4;
	v2 =	vmax.f32 v30, v54;
	v30 =	vld [tilespmem:$0x1FE00]  }
0x18e: {  	v6 =	vld [tilespmem:$0x270];
	vm6 =	vnez.u8 v58;
	vm8 =	veq.s32 v0, $0x5;
	v13 =	vnsel vm9, $0x0, v4  }
0x18f: {  	v3 =	vld [tilespmem:$0x2F0];
	v15 =	vnsel vm1, $0x0, v4;
	v37 =	vnsel vm10, $0x0, v4;
	v7 =	vnsel vm8, $0x0, v4  }
0x190: {  	v35 =	vsel vm4, v55, v13;
	v13 =	vsel vm5, v55, v15;
	v15 =	vsel vm6, v55, v37;
	v37 =	vld [tilespmem:$0x370]  }
0x191: {  	v58 =	vld [tilespmem:$0x3F0];
	vm9 =	veq.s32 v0, $0x6;
	vm10 =	vnez.u8 v26;
	vm8 =	veq.f32 v49, v44;
	v5 =	vpop (erf)  }
0x192: {  	v49 =	vld [tilespmem:$0x1FE10];
	v26 =	vsel vm10, v55, v7;
	v7 =	vnsel vm9, $0x0, v4;
	v1 =	vpop (erf);
	vm4 =	vnez.u8 v30  }
0x193: {  	v30 =	vsel vm4, v55, v7;
	v7 =	vmul.f32 v1, v5;
	v1 =	vmax.f32 v2, v6  }
0x194: {  	vm5 =	veq.s32 v0, $0x7;
	vm6 =	veq.f32 v51, v44;
	v1 =	vmax.f32 v1, v3  }
0x195: {  	v0 =	vnsel vm5, $0x0, v4;
	v4 =	vsel vm6, $0x6, v34;
	v1 =	vmax.f32 v1, v37  }
0x196: {  	vm9 =	veq.f32 v42, v44;
	v2 =	vsel vm8, $0x5, v4;
	v51 =	vmax.f32 v1, v58  }
0x197: {  	vm4 =	vnez.u8 v49;
	v1 =	vadd.f32 v7, v5;
	v4 =	vsub.f32 v52, v51  }
0x198: {  	vm10 =	veq.f32 v38, v44;
	vm5 =	veq.f32 v36, v44;
	v49 =	vsel vm4, v55, v0  }
0x199: {  	v1 =	vadd.f32 $9.999999970e-07, v1;
	v55 =	vmul.f32 $1.442695020e+00, v4;
	v4 =	vsub.f32 v57, v51  }
0x19a: {  	vm6 =	veq.f32 v31, v44;
	vm8 =	vne.f32 v29, v44;
	v2 =	vsel vm9, $0x4, v2  }
0x19b: {  	v44 =	vsub.f32 v54, v51;
	(erf) = vrcp.f32 v1;
	v1 =	vmul.f32 $1.442695020e+00, v4  }
0x19c: {  	v42 =	vsel vm10, $0x3, v2;
	v2 =	vmul.f32 v56, v32;
	(erf) = vpow2.f32 v55  }
0x19d: {  	v32 =	vsub.f32 v8, v51;
	(erf) = vpow2.f32 v1;
	v1 =	vmul.f32 $1.442695020e+00, v44;
	v44 =	vld [tilespmem:$0x1FE30]  }
0x19e: {  	v50 =	vmul.f32 v56, v50;
	v0 =	vsel vm5, $0x2, v42  }
0x19f: {  	v0 =	vsel vm6, $0x1, v0;
	v42 =	vsel vm8, $0x0, v2;
	v38 =	vmul.f32 $1.442695020e+00, v32  }
0x1a0: {  	v0 =	vnsel vm8, $0x0, v0;
	v31 =	vsel vm2, v42, v50  }
0x1a1: {  	v42 =	vsub.f32 v6, v51;
	vm10 =	veq.s32 v0, $0x2;
	(erf) = vpow2.f32 v38  }
0x1a2: {  	v56 =	vnsel vm10, $0x0, v2;
	(erf) = vpow2.f32 v1;
	vm5 =	vnez.u8 v44  }
0x1a3: {  	v1 =	vmul.f32 $1.442695020e+00, v42;
	v32 =	vsel vm5, v50, v56;
	v56 =	vsub.f32 v3, v51;
	_ =	sdelay $0x1  }
0x1a4: {  	(erf) = vpow2.f32 v1;
	v1 =	vmul.f32 $1.442695020e+00, v56;
	v56 =	vld [tilespmem:$0x1FE50];
	_ =	sdelay $0x2  }
0x1a5: {  	v55 =	vld [tilespmem:$0x1FE20]  }
0x1a6: {  	v44 =	vld [tilespmem:$0x1FE40]  }
0x1a7: {  	vm10 =	vnez.u8 v56;
	v56 =	vld [tilespmem:$0x1FE90]  }
0x1a8: {  	v38 =	vld [tilespmem:$0x1FE60];
	_ =	sdelay $0x1  }
0x1a9: {  	vm0 =	vmand vm8, vm6;
	vm4 =	veq.s32 v0, $0x3  }
0x1aa: {  	v36 =	vnsel vm0, $0x0, v2;
	vm9 =	vnez.u8 v55;
	v55 =	vnsel vm4, $0x0, v2  }
0x1ab: {  	v29 =	vsel vm9, v50, v36;
	vm9 =	veq.s32 v0, $0x5;
	vm8 =	vnez.u8 v44;
	[tilespmem:$0x580] =	vst v56;
	v56 =	vld [tilespmem:$0x1FEA0]  }
0x1ac: {  	vm4 =	vnez.u8 v38;
	v36 =	vsel vm8, v50, v55;
	v55 =	vnsel vm9, $0x0, v2  }
0x1ad: {  	v38 =	vsel vm4, v50, v55;
	v55 =	vld [tilespmem:$0x1FE70];
	_ =	sdelay $0x2  }
0x1ae: {  	vm9 =	vnez.u8 v56;
	v56 =	vld [tilespmem:$0x1FEC0];
	_ =	sdelay $0x1  }
0x1af: {  	vm6 =	veq.s32 v0, $0x4;
	[tilespmem:$0x480] =	vst v55;
	v55 =	vld [tilespmem:$0x1FE80]  }
0x1b0: {  	[tilespmem:$0x400] =	vst v17;
	v4 =	vnsel vm6, $0x0, v2  }
0x1b1: {  	[tilespmem:$0x620] =	vst v61;
	v61 =	vld [tilespmem:$0x1FF20]  }
0x1b2: {  	v17 =	vpop (erf);
	[tilespmem:$0x680] =	vst v56;
	v56 =	vld [tilespmem:$0x1FED0]  }
0x1b3: {  	vm6 =	veq.f32 v37, v51;
	v42 =	vsel vm10, v50, v4;
	v4 =	vpop (erf)  }
0x1b4: {  	(erf) = vpow2.f32 v1;
	vm8 =	veq.f32 v3, v51;
	v1 =	vpop (erf);
	[tilespmem:$0x500] =	vst v55;
	v55 =	vsel vm6, $0x6, v34  }
0x1b5: {  	v1 =	vadd.f32 v1, v4;
	v4 =	vsel vm8, $0x5, v55;
	v55 =	vld [tilespmem:$0x1FEB0]  }
0x1b6: {  	v11 =	vmul.f32 v28, v11;
	v12 =	vmul.f32 v28, v12;
	vm1 =	vnez.u8 v61  }
0x1b7: {  	vm0 =	veq.f32 v21, v10;
	vm2 =	vne.f32 v52, v51;
	vm5 =	veq.s32 v0, $0x6;
	[tilespmem:$0x700] =	vst v56;
	v56 =	vld [tilespmem:$0x1FEE0]  }
0x1b8: {  	v44 =	vnsel vm5, $0x0, v2;
	vm5 =	veq.f32 v39, v10;
	vm4 =	veq.s32 v0, $0x7  }
0x1b9: {  	v39 =	vnsel vm4, $0x0, v2;
	v2 =	vsel vm5, $0x6, v34;
	vm10 =	veq.f32 v6, v51  }
0x1ba: {  	vm6 =	veq.f32 v54, v51;
	vm8 =	veq.f32 v8, v51;
	v44 =	vsel vm9, v50, v44;
	[tilespmem:$0x600] =	vst v55;
	v55 =	vpop (erf)  }
0x1bb: {  	[tilespmem:$0x510] =	vst v45;
	v45 =	vld [tilespmem:$0x1FEF0];
	v4 =	vsel vm10, $0x4, v4;
	v1 =	vadd.f32 v1, v55;
	v55 =	vsub.f32 v37, v51  }
0x1bc: {  	vm9 =	veq.f32 v57, v51;
	vm10 =	veq.f32 v25, v10;
	v0 =	vsel vm6, $0x3, v4;
	[tilespmem:$0x780] =	vst v56;
	v56 =	vpop (erf)  }
0x1bd: {  	v4 =	vmul.f32 $1.442695020e+00, v55;
	v1 =	vadd.f32 v1, v56;
	v56 =	vsub.f32 v58, v51  }
0x1be: {  	v2 =	vsel vm10, $0x5, v2;
	vm4 =	vmand vm2, vm9;
	v0 =	vsel vm8, $0x2, v0  }
0x1bf: {  	v0 =	vsel vm9, $0x1, v0;
	(erf) = vpow2.f32 v4;
	v56 =	vmul.f32 $1.442695020e+00, v56  }
0x1c0: {  	[tilespmem:$0x610] =	vst v45;
	v25 =	vsel vm4, $0xFF61B1E6, v57;
	v21 =	vsel vm0, $0x4, v2;
	v45 =	vnsel vm2, $0x0, v0;
	v55 =	vpop (erf)  }
0x1c1: {  	[tilespmem:$0x590] =	vst v48;
	v48 =	vld [tilespmem:$0x1FF00];
	vm9 =	veq.s32 v45, $0x2;
	v1 =	vadd.f32 v1, v55;
	v55 =	vpop (erf);
	(erf) = vpow2.f32 v56  }
0x1c2: {  	[tilespmem:$0x410] =	vst v18;
	vm5 =	veq.s32 v45, $0x3;
	vm8 =	veq.s32 v45, $0x4;
	v4 =	vnsel vm2, $0xFF61B1E6, v52  }
0x1c3: {  	[tilespmem:$0x490] =	vst v41;
	vm6 =	veq.s32 v45, $0x5;
	v18 =	vsel vm9, $0xFF61B1E6, v8;
	v56 =	vmax.f32 v4, v25  }
0x1c4: {  	[tilespmem:$0x790] =	vst v33;
	v33 =	vld [tilespmem:$0x1FF40];
	vm10 =	veq.s32 v45, $0x6;
	v0 =	vsel vm5, $0xFF61B1E6, v54;
	v57 =	vmax.f32 v56, v18  }
0x1c5: {  	[tilespmem:$0x720] =	vst v24;
	v24 =	vld [tilespmem:$0x1FF30];
	v41 =	vadd.f32 v1, v55;
	v1 =	vsel vm8, $0xFF61B1E6, v6;
	v6 =	vmax.f32 v57, v0  }
0x1c6: {  	[tilespmem:$0x690] =	vst v48;
	v3 =	vsel vm6, $0xFF61B1E6, v3;
	v8 =	vsel vm10, $0xFF61B1E6, v37;
	v37 =	vld [tilespmem:$0x1FF50];
	v6 =	vmax.f32 v6, v1  }
0x1c7: {  	[tilespmem:$0x5A0] =	vst v59;
	vm0 =	veq.f32 v22, v10;
	vm3 =	veq.s32 v45, $0x7;
	v6 =	vmax.f32 v6, v3  }
0x1c8: {  	[tilespmem:$0x520] =	vst v62;
	v22 =	vsel vm1, v50, v39;
	v45 =	vld [tilespmem:$0x1FF60];
	v58 =	vsel vm3, $0xFF61B1E6, v58;
	v59 =	vpop (erf);
	v6 =	vmax.f32 v6, v8  }
0x1c9: {  	[tilespmem:$0x4A0] =	vst v60;
	vm1 =	veq.f32 v33, v10;
	v60 =	vadd.f32 v41, v59;
	v2 =	vmax.f32 v6, v58  }
0x1ca: {  	[tilespmem:$0x6A0] =	vst v63;
	v21 =	vsel vm0, $0x3, v21;
	vm0 =	veq.f32 v24, v10;
	v63 =	vsub.f32 v2, v51;
	v62 =	vpop (erf)  }
0x1cb: {  	[tilespmem:$0x7A0] =	vst v16;
	v50 =	vld [tilespmem:$0x1FF70];
	v16 =	vsel vm0, $0x2, v21;
	vm0 =	vne.f32 v37, v10;
	v6 =	vadd.f32 v60, v62  }
0x1cc: {  	[tilespmem:$0x420] =	vst v46;
	v39 =	vsel vm1, $0x1, v16;
	v10 =	vsel vm0, $0x0, v12;
	v51 =	vld [tilespmem:$0x1FF80];
	v28 =	vmul.f32 $1.442695020e+00, v63  }
0x1cd: {  	[tilespmem:$0x430] =	vst v19;
	v54 =	vld [tilespmem:$0x1FF90];
	v10 =	vsel vm11, v10, v11;
	vm11 =	vnez.u8 v45;
	(erf) = vrcp.f32 v6  }
0x1ce: {  	[tilespmem:$0x4B0] =	vst v20;
	v55 =	vld [tilespmem:$0x1FF10];
	v6 =	vnsel vm0, $0x0, v39;
	vm0 =	vmand vm0, vm1;
	(erf) = vpow2.f32 v28  }
0x1cf: {  	[tilespmem:$0x530] =	vst v35;
	v57 =	vld [tilespmem:$0x1FFA0];
	v41 =	vnsel vm0, $0x0, v12;
	vm0 =	veq.s32 v6, $0x2;
	vm1 =	veq.s32 v6, $0x3  }
0x1d0: {  	[tilespmem:$0x5B0] =	vst v13;
	v58 =	vld [tilespmem:$0x1FFB0];
	v13 =	vsel vm11, v11, v41;
	v46 =	vnsel vm0, $0x0, v12;
	vm11 =	vnez.u8 v50  }
0x1d1: {  	[tilespmem:$0x630] =	vst v15;
	v48 =	vnsel vm1, $0x0, v12;
	v15 =	vsel vm11, v11, v46;
	vm11 =	vnez.u8 v51  }
0x1d2: {  	[tilespmem:$0x6B0] =	vst v26;
	vm0 =	veq.s32 v6, $0x5;
	v16 =	vsel vm11, v11, v48;
	vm11 =	veq.s32 v6, $0x4  }
0x1d3: {  	[tilespmem:$0x730] =	vst v30;
	vm1 =	veq.s32 v6, $0x6;
	v52 =	vnsel vm11, $0x0, v12;
	vm11 =	vnez.u8 v54  }
0x1d4: {  	[tilespmem:$0x710] =	vst v55;
	v63 =	vld [tilespmem:$0x1FFC0];
	v55 =	vnsel vm0, $0x0, v12;
	v19 =	vsel vm11, v11, v52;
	vm11 =	vnez.u8 v57  }
0x1d5: {  	[tilespmem:$0x7B0] =	vst v49;
	v56 =	vnsel vm1, $0x0, v12;
	v20 =	vsel vm11, v11, v55;
	vm11 =	vnez.u8 v58  }
0x1d6: {  	[tilespmem:$0x440] =	vst v31;
	v7 =	vmul.f32 v17, v7;
	v21 =	vsel vm11, v11, v56;
	vm11 =	veq.f32 v53, v40  }
0x1d7: {  	[tilespmem:$0x4C0] =	vst v29;
	v5 =	vmul.f32 v17, v5;
	v59 =	vsel vm11, $0x6, v34;
	vm11 =	veq.f32 v47, v40  }
0x1d8: {  	[tilespmem:$0x540] =	vst v32;
	vm0 =	veq.s32 v6, $0x7;
	v60 =	vpop (erf);
	v61 =	vsel vm11, $0x5, v59;
	vm11 =	veq.f32 v43, v40  }
0x1d9: {  	[tilespmem:$0x5C0] =	vst v36;
	v6 =	vnsel vm0, $0x0, v12;
	v62 =	vpop (erf);
	v12 =	vsel vm11, $0x4, v61;
	vm11 =	vnez.u8 v63  }
0x1da: {  	[tilespmem:$0x6C0] =	vst v38;
	vm0 =	veq.f32 v27, v40;
	v24 =	vmul.f32 v62, v60;
	v6 =	vsel vm11, v11, v6  }
0x1db: {  	[tilespmem:$0x640] =	vst v42;
	v28 =	vsel vm0, $0x3, v12;
	vm11 =	veq.f32 v23, v40;
	vm0 =	veq.f32 v14, v40  }
0x1dc: {  	[tilespmem:$0x740] =	vst v44;
	v39 =	vld [tilespmem:$0x1FFD0];
	v11 =	vsel vm11, $0x2, v28;
	v29 =	vadd.f32 v24, v60;
	vm11 =	vne.f32 v9, v40  }
0x1dd: {  	[tilespmem:$0x7C0] =	vst v22;
	v30 =	vsel vm0, $0x1, v11;
	v31 =	vsel vm11, $0x0, v7;
	vm0 =	vmand vm11, vm0  }
0x1de: {  	[tilespmem:$0x450] =	vst v10;
	v32 =	vadd.f32 $9.999999970e-07, v29;
	v9 =	vnsel vm11, $0x0, v30;
	v33 =	vnsel vm0, $0x0, v7  }
0x1df: {  	v44 =	vld [tilespmem:$0x1FFF0];
	[tilespmem:$0x4D0] =	vst v13;
	v10 =	vsel vm7, v31, v5;
	vm11 =	veq.s32 v9, $0x2;
	v11 =	vsel vm12, v5, v33  }
0x1e0: {  	v41 =	vld [tilespmem:$0x1FFE0];
	[tilespmem:$0x550] =	vst v15;
	vm12 =	veq.s32 v9, $0x3;
	vm7 =	veq.s32 v9, $0x6;
	(erf) = vrcp.f32 v32  }
0x1e1: {  	[tilespmem:$0x5D0] =	vst v16;
	v35 =	vnsel vm11, $0x0, v7;
	v36 =	vnsel vm12, $0x0, v7;
	vm11 =	vnez.u8 v39  }
0x1e2: {  	[tilespmem:$0x650] =	vst v19;
	v40 =	vnsel vm7, $0x0, v7;
	vm12 =	veq.f32 v8, v2;
	vm7 =	veq.f32 v1, v2  }
0x1e3: {  	[tilespmem:$0x6D0] =	vst v20;
	v12 =	vsel vm13, v5, v35;
	vm13 =	veq.s32 v9, $0x4;
	v13 =	vsel vm14, v5, v36  }
0x1e4: {  	[tilespmem:$0x750] =	vst v21;
	vm14 =	veq.s32 v9, $0x5;
	v42 =	vsel vm12, $0x6, v34;
	vm12 =	vnez.u8 v44  }
0x1e5: {  	[tilespmem:$0x7D0] =	vst v6;
	v37 =	vnsel vm13, $0x0, v7;
	v38 =	vnsel vm14, $0x0, v7;
	vm13 =	vnez.u8 v41  }
0x1e6: {  	[tilespmem:$0x460] =	vst v10;
	vm14 =	veq.f32 v3, v2;
	v14 =	vsel vm15, v5, v37;
	v15 =	vsel vm11, v5, v38  }
0x1e7: {  	[tilespmem:$0x4E0] =	vst v11;
	v6 =	vsel vm13, v5, v40;
	v3 =	vsel vm14, $0x5, v42;
	vm15 =	veq.s32 v9, $0x7  }
0x1e8: {  	[tilespmem:$0x560] =	vst v12;
	vm11 =	veq.f32 v0, v2;
	vm13 =	veq.f32 v18, v2;
	v3 =	vsel vm7, $0x4, v3  }
0x1e9: {  	[tilespmem:$0x5E0] =	vst v13;
	vm14 =	veq.f32 v25, v2;
	v43 =	vnsel vm15, $0x0, v7;
	v45 =	vsel vm11, $0x3, v3;
	v46 =	vpop (erf)  }
0x1ea: {  	[tilespmem:$0x660] =	vst v14;
	vm15 =	vne.f32 v4, v2;
	v1 =	vsel vm13, $0x2, v45;
	v47 =	vmul.f32 v46, v24  }
0x1eb: {  	[tilespmem:$0x6E0] =	vst v15;
	v0 =	vsel vm12, v5, v43;
	v1 =	vsel vm14, $0x1, v1;
	v48 =	vmul.f32 v46, v60  }
0x1ec: {  	[tilespmem:$0x760] =	vst v6;
	vm0 =	vmand vm15, vm14;
	v1 =	vnsel vm15, $0x0, v1;
	v49 =	vsel vm15, $0x0, v47  }
0x1ed: {  	[tilespmem:$0x7E0] =	vst v0;
	vm7 =	veq.s32 v1, $0x2;
	v51 =	vnsel vm0, $0x0, v47;
	v50 =	vsel vm2, v49, v48  }
0x1ee: {  	vm11 =	veq.s32 v1, $0x3;
	v53 =	vnsel vm7, $0x0, v47;
	v52 =	vsel vm4, v48, v51;
	[tilespmem:$0x470] =	vst v50  }
0x1ef: {  	vm12 =	veq.s32 v1, $0x4;
	v55 =	vnsel vm11, $0x0, v47;
	v54 =	vsel vm9, v48, v53;
	[tilespmem:$0x4F0] =	vst v52  }
0x1f0: {  	vm13 =	veq.s32 v1, $0x5;
	v57 =	vnsel vm12, $0x0, v47;
	v56 =	vsel vm5, v48, v55;
	[tilespmem:$0x570] =	vst v54  }
0x1f1: {  	vm14 =	veq.s32 v1, $0x6;
	v59 =	vnsel vm13, $0x0, v47;
	v58 =	vsel vm8, v48, v57;
	[tilespmem:$0x5F0] =	vst v56  }
0x1f2: {  	v61 =	vnsel vm14, $0x0, v47;
	vm15 =	veq.s32 v1, $0x7;
	v60 =	vsel vm6, v48, v59;
	[tilespmem:$0x670] =	vst v58  }
0x1f3: {  	v62 =	vsel vm10, v48, v61;
	v1 =	vnsel vm15, $0x0, v47;
	[tilespmem:$0x6F0] =	vst v60  }
0x1f4: {  	[tilespmem:$0x770] =	vst v62;
	v63 =	vsel vm3, v48, v1  }
0x1f5: {  	[tilespmem:$0x7F0] =	vst v63  }
0x1f6: {  	[hbm4b:s7+s1] =	stream.linear.scatter [tilespmem:s24], [sflag:$0x1], $0x80, $0x38;
	[tilespmem:$0x800] =	vst v63  }
0x1f7: {  	_ =	swait.ge [sflag:s16], $0x80  }
0x1f8: {  	[sflag:s16] =	ssyncset.done $0x0  }
0x1f9: {  	[sflag:s16] =	ssyncadd.s32 $0xFFFFFF80  }
0x1fa: {  	[hbm4b:s8+s1] =	stream.linear.scatter [tilespmem:s25], [sflag:$0x1], $0x80, $0x38;
	[tilespmem:$0x800] =	vst v63  }
0x1fb: {  	_ =	swait.ge [sflag:s16], $0x80  }
0x1fc: {  	[sflag:s16] =	ssyncset.done $0x0  }
0x1fd: {  	[sflag:s16] =	ssyncadd.s32 $0xFFFFFF80  }
0x1fe: {  	[hbm4b:s9+s1] =	stream.linear.scatter [tilespmem:s26], [sflag:$0x1], $0x80, $0x38;
	[tilespmem:$0x800] =	vst v63  }
0x1ff: {  	_ =	swait.ge [sflag:s16], $0x80  }
0x200: {  	[sflag:s16] =	ssyncset.done $0x0  }
0x201: {  	[sflag:s16] =	ssyncadd.s32 $0xFFFFFF80  }
0x202: {  	[hbm4b:s10+s1] =	stream.linear.scatter [tilespmem:s28], [sflag:$0x1], $0x80, $0x38;
	[tilespmem:$0x800] =	vst v63  }
0x203: {  	_ =	swait.ge [sflag:s16], $0x80  }
0x204: {  	[sflag:s16] =	ssyncset.done $0x0  }
0x205: {  	[sflag:s16] =	ssyncadd.s32 $0xFFFFFF80  }
0x206: {  	[hbm4b:s11+s1] =	stream.linear.scatter [tilespmem:s29], [sflag:$0x1], $0x80, $0x38;
	[tilespmem:$0x800] =	vst v63  }
0x207: {  	_ =	swait.ge [sflag:s16], $0x80  }
0x208: {  	[sflag:s16] =	ssyncset.done $0x0  }
0x209: {  	[sflag:s16] =	ssyncadd.s32 $0xFFFFFF80  }
0x20a: {  	[hbm4b:s12+s1] =	stream.linear.scatter [tilespmem:s30], [sflag:$0x1], $0x80, $0x38;
	[tilespmem:$0x800] =	vst v63  }
0x20b: {  	_ =	swait.ge [sflag:s16], $0x80  }
0x20c: {  	[sflag:s16] =	ssyncset.done $0x0  }
0x20d: {  	[sflag:s16] =	ssyncadd.s32 $0xFFFFFF80  }
0x20e: {  	[hbm4b:s13+s1] =	stream.linear.scatter [tilespmem:s31], [sflag:$0x1], $0x80, $0x38;
	[tilespmem:$0x800] =	vst v63  }
0x20f: {  	_ =	swait.ge [sflag:s16], $0x80  }
0x210: {  	p0 =	sne.s32 s15, $0x1;
	[sflag:s16] =	ssyncset.done $0x0  }
.Ltmp0:
0x211: {  	[sflag:s16] =	ssyncadd.s32 $0xFFFFFF80;
	(pc) =	sbr.rel @p0 .LBB2_1-.Ltmp0, $4  }
0x212: {  	[hbm4b:s14+s1] =	stream.linear.scatter [tilespmem:s0], [sflag:$0x1], $0x80, $0x38;
	[tilespmem:$0x800] =	vst v63  }
0x213: {  	_ =	swait.ge [sflag:s16], $0x80  }
0x214: {  	[sflag:s16] =	ssyncset.done $0x0  }
0x215: {  	s15 =	sadd.s32 $0xFFFFFFFF, s15;
	[sflag:s16] =	ssyncadd.s32 $0xFFFFFF80  }
0x216: {  	_ =	sfence.sel $0x180000  }
0x217: {  	[bflag:$0x0] =	sbarrier.arrive $0xFFFF  }
0x218: {  	_ =	strace $0x90000047  }
0x219: {  	s0 =	stileid.u32;
	[bflag:$0x2] =	sbarrier.arrive $0xFFFF  }
0x21a: {  	p0 =	sne.s32 s0, $0x0;
	s0 =	rddreg [dreg:$0x1]  }
0x21b: {  	s0 =	sadd.s32 @!p0 $0x100000, s0  }
0x21c: {  	[sflag:s0] =	ssyncadd.tile.s32 @!p0 $0x1;
	_ =	shalt  }
.Lfunc_end2:
_tile_overlayer_lowered:
.L_overlay_start_2:
0x21d: {  	(tag) =	ssettag $0x2  }
0x21e: {  	s0 =	rddreg [dreg:$0x0];
	s2 =	stileid.u32  }
0x21f: {  	s1 =	rddreg [dreg:$0x1];
	p0 =	sne.s32 s2, $0x0  }
0x220: {  	s3 =	rddreg [dreg:$0x2];
	[bflag:$0x3] =	sbarrier.arrive $0xFFFF;
	s2 =	simm.s32 @!p0 $0x1C01  }
0x221: {  	[timem:s3], [sflag:s2] =	dma.local @!p0 [hbm:s0], s1  }
0x222: {  	s0 =	simm.s32 @!p0 $0x1  }
0x223: {  	_ =	swait.ge @!p0 [sflag:s0], s1  }
0x224: {  	s1 =	ssub.s32 @!p0 $0x0, s1;
	[sflag:s0] =	ssyncset.done @!p0 $0x0  }
0x225: {  	[sflag:s0] =	ssyncadd.s32 @!p0 s1  }
0x226: {  	[bflag:$0x3] =	sbarrier.arrive $0xFFFF  }
0x227: {  	_ =	shalt  }

</sc_bundles>
